<compile_context>
chip_gen: v7x
topology: tpu7x:2x2x1
jax: 0.10.2.dev20260603
libtpu: 0.0.44.dev20260713+nightly
codegen_flags: <defaults>
</compile_context>

<pallas_src>
import jax
import jax.numpy as jnp
from jax import lax
from jax.experimental import pallas as pl
from jax.experimental.pallas import tpu as pltpu
from jax.experimental.pallas import tpu_sc as plsc

N = 10000
E = 320000
D = 128
NC = 2
NS = 16
NW = NC * NS
NPAD = 10240
EB2 = 1250
DEG_CHUNK = 2000

_mesh = plsc.VectorSubcoreMesh(core_axis_name="c", subcore_axis_name="s",
                               num_cores=NC, num_subcores=NS)



def _deg_body(src_hbm, dst_hbm, os0_hbm, os1_hbm, od0_hbm, od1_hbm,
              idxv, hist_s, hist_d, vbuf, res, shared_s, shared_d):
    _Z16F = jnp.zeros((16,), jnp.float32)
    _O16F = jnp.ones((16,), jnp.float32)
    c = lax.axis_index("c")
    s = lax.axis_index("s")

    def _zero(r, _):
        hist_s[pl.ds(r * 16, 16)] = _Z16F
        hist_d[pl.ds(r * 16, 16)] = _Z16F
        return 0
    lax.fori_loop(0, NPAD // 16, _zero, 0)

    half = E // NC
    per_tile = half // NS

    def _accum(hist):
        def _inner(j, _):
            iv = idxv[pl.ds(j * 16, 16)]
            plsc.addupdate_scatter(hist, [iv], _O16F)
            return 0
        lax.fori_loop(0, DEG_CHUNK // 16, _inner, 0)

    def _chunk(k, _):
        base = c * half + s * per_tile + k * DEG_CHUNK
        pltpu.sync_copy(src_hbm.at[pl.ds(base, DEG_CHUNK)], idxv)
        _accum(hist_s)
        pltpu.sync_copy(dst_hbm.at[pl.ds(base, DEG_CHUNK)], idxv)
        _accum(hist_d)
        return 0

    lax.fori_loop(0, per_tile // DEG_CHUNK, _chunk, 0)

    pltpu.sync_copy(hist_s, shared_s.at[pl.ds(s * NPAD, NPAD)])
    pltpu.sync_copy(hist_d, shared_d.at[pl.ds(s * NPAD, NPAD)])
    plsc.subcore_barrier()
    seg = NPAD // NS

    def _reduce_to(shared, out_ref):
        for k in range(NS):
            pltpu.sync_copy(shared.at[pl.ds(k * NPAD + s * seg, seg)],
                            vbuf.at[pl.ds(k * seg, seg)])

        def _red(i, _):
            a = vbuf[pl.ds(i * 16, 16)]
            for k in range(1, NS):
                a = a + vbuf[pl.ds(k * seg + i * 16, 16)]
            res[pl.ds(i * 16, 16)] = a
            return 0
        lax.fori_loop(0, seg // 16, _red, 0)
        pltpu.sync_copy(res, out_ref.at[pl.ds(s * seg, seg)])

    @pl.when(c == 0)
    def _():
        _reduce_to(shared_s, os0_hbm)
        _reduce_to(shared_d, od0_hbm)

    @pl.when(c == 1)
    def _():
        _reduce_to(shared_s, os1_hbm)
        _reduce_to(shared_d, od1_hbm)


_deg_call = pl.kernel(
    _deg_body,
    out_type=(jax.ShapeDtypeStruct((NPAD,), jnp.float32),
              jax.ShapeDtypeStruct((NPAD,), jnp.float32),
              jax.ShapeDtypeStruct((NPAD,), jnp.float32),
              jax.ShapeDtypeStruct((NPAD,), jnp.float32)),
    mesh=_mesh,
    compiler_params=pltpu.CompilerParams(needs_layout_passes=False),
    scratch_types=[
        pltpu.VMEM((DEG_CHUNK,), jnp.int32),
        pltpu.VMEM((NPAD,), jnp.float32),
        pltpu.VMEM((NPAD,), jnp.float32),
        pltpu.VMEM((NPAD,), jnp.float32),
        pltpu.VMEM((NPAD // NS,), jnp.float32),
        pltpu.VMEM_SHARED((NS * NPAD,), jnp.float32),
        pltpu.VMEM_SHARED((NS * NPAD,), jnp.float32),
    ],
)


def _gspa_body(x_hbm, src_hbm, dst_hbm, out_hbm, sidx0, sidx1, didx, rows,
               acc, sem, ssem0, ssem1):
    _Z16F = jnp.zeros((16,), jnp.float32)
    c = lax.axis_index("c")
    s = lax.axis_index("s")
    wid = s * NC + c

    def _zero_rows(r, _):
        for cc in range(8):
            rows[r, pl.ds(cc * 16, 16)] = _Z16F
        return 0
    lax.fori_loop(0, 128, _zero_rows, 0)
    for t in range(NPAD // NS // 128):
        pltpu.sync_copy(rows.at[pl.ds(0, 128)],
                        acc.at[pl.ds(s * (NPAD // NS) + t * 128, 128)])
    plsc.subcore_barrier()

    def _do_batch(j, t2, sidx_t, ssem_t, first):
        row = wid + j * NW

        @pl.when(row < EB2)
        def _():
            if not first:
                pltpu.make_async_copy(src_hbm.at[pl.ds(0, 256)], sidx_t,
                                      ssem_t).wait()
            d = pltpu.async_copy(x_hbm.at[sidx_t], rows, sem)
            pltpu.sync_copy(dst_hbm.at[pl.ds(row * 256, 128)], didx.at[0])
            pltpu.sync_copy(dst_hbm.at[pl.ds(row * 256 + 128, 128)],
                            didx.at[1])
            d.wait()

            @pl.when(row + 2 * NW < EB2)
            def _():
                pltpu.async_copy(
                    src_hbm.at[pl.ds((row + 2 * NW) * 256, 256)],
                    sidx_t, ssem_t)

            pltpu.sync_copy(rows.at[pl.ds(0, 128)], acc.at[didx.at[0]],
                            add=True)
            pltpu.sync_copy(rows.at[pl.ds(128, 128)], acc.at[didx.at[1]],
                            add=True)

    pltpu.sync_copy(src_hbm.at[pl.ds(wid * 256, 256)], sidx0)
    pltpu.async_copy(src_hbm.at[pl.ds((wid + NW) * 256, 256)], sidx1, ssem1)
    _do_batch(0, 0, sidx0, ssem0, True)
    _do_batch(1, 1, sidx1, ssem1, False)

    def _pair(g, _):
        _do_batch(2 * g, 0, sidx0, ssem0, False)
        _do_batch(2 * g + 1, 1, sidx1, ssem1, False)
        return 0

    lax.fori_loop(1, (EB2 + 2 * NW - 1) // (2 * NW), _pair, 0)
    plsc.subcore_barrier()

    sl = pl.ds(s * (NPAD // NS), NPAD // NS)

    @pl.when(c == 0)
    def _():
        pltpu.sync_copy(acc.at[sl], out_hbm.at[0, sl])

    @pl.when(c == 1)
    def _():
        pltpu.sync_copy(acc.at[sl], out_hbm.at[1, sl])


_gspa_call = pl.kernel(
    _gspa_body,
    out_type=jax.ShapeDtypeStruct((2, NPAD, 128), jnp.float32),
    mesh=_mesh,
    scratch_types=[
        pltpu.VMEM((256,), jnp.int32),
        pltpu.VMEM((256,), jnp.int32),
        pltpu.VMEM((2, 128), jnp.int32),
        pltpu.VMEM((256, 128), jnp.float32),
        pltpu.VMEM_SHARED((NPAD, 128), jnp.float32),
        pltpu.SemaphoreType.DMA,
        pltpu.SemaphoreType.DMA,
        pltpu.SemaphoreType.DMA,
    ],
)


def _scale_kernel(feat_ref, d0_ref, d1_ref, o_ref):
    norm = lax.rsqrt(jnp.maximum(d0_ref[...] + d1_ref[...], 1.0))
    o_ref[...] = feat_ref[...] * norm


def _scale(feat, d0, d1):
    bn = 1000
    return pl.pallas_call(
        _scale_kernel,
        out_shape=jax.ShapeDtypeStruct((N, D), jnp.float32),
        grid=(N // bn,),
        in_specs=[
            pl.BlockSpec((bn, D), lambda i: (i, 0)),
            pl.BlockSpec((bn, 1), lambda i: (i, 0)),
            pl.BlockSpec((bn, 1), lambda i: (i, 0)),
        ],
        out_specs=pl.BlockSpec((bn, D), lambda i: (i, 0)),
    )(feat, d0, d1)


def _dense_kernel(p_ref, d0_ref, d1_ref, w_ref, b_ref, wih_ref, bih_ref,
                  bhh_ref, o_ref):
    norm = lax.rsqrt(jnp.maximum(d0_ref[...] + d1_ref[...], 1.0))
    rst = (p_ref[0] + p_ref[1]) * norm
    h = jnp.dot(rst, w_ref[...], preferred_element_type=jnp.float32) + b_ref[...]
    gi = lax.dot_general(h, wih_ref[...], (((1,), (1,)), ((), ())),
                         preferred_element_type=jnp.float32) + bih_ref[...]
    bhh = bhh_ref[...]
    r = jax.nn.sigmoid(gi[:, 0:D] + bhh[:, 0:D])
    z = jax.nn.sigmoid(gi[:, D:2 * D] + bhh[:, D:2 * D])
    n = jnp.tanh(gi[:, 2 * D:3 * D] + r * bhh[:, 2 * D:3 * D])
    o_ref[...] = jnp.maximum((1.0 - z) * n, 0.0)


def _dense(pacc, dd0, dd1, W, b2, w_ih, bih2, bhh2):
    bn = 400
    return pl.pallas_call(
        _dense_kernel,
        out_shape=jax.ShapeDtypeStruct((N, D), jnp.float32),
        grid=(N // bn,),
        in_specs=[
            pl.BlockSpec((2, bn, D), lambda i: (0, i, 0)),
            pl.BlockSpec((bn, 1), lambda i: (i, 0)),
            pl.BlockSpec((bn, 1), lambda i: (i, 0)),
            pl.BlockSpec((D, D), lambda i: (0, 0)),
            pl.BlockSpec((1, D), lambda i: (0, 0)),
            pl.BlockSpec((3 * D, D), lambda i: (0, 0)),
            pl.BlockSpec((1, 3 * D), lambda i: (0, 0)),
            pl.BlockSpec((1, 3 * D), lambda i: (0, 0)),
        ],
        out_specs=pl.BlockSpec((bn, D), lambda i: (i, 0)),
    )(pacc, dd0, dd1, W, b2, w_ih, bih2, bhh2)


def kernel(feat, edge_index, W, b, w_ih, w_hh, b_ih, b_hh):
    src = edge_index[0]
    dst = edge_index[1]
    ds0, ds1, dd0, dd1 = _deg_call(src, dst)
    x = _scale(feat, ds0.reshape(NPAD, 1), ds1.reshape(NPAD, 1))
    pacc = _gspa_call(x, src, dst)
    return _dense(pacc, dd0.reshape(NPAD, 1), dd1.reshape(NPAD, 1), W,
                  b.reshape(1, D), w_ih, b_ih.reshape(1, 3 * D),
                  b_hh.reshape(1, 3 * D))

# --- scband reference (transcript-rebuilt; emitter-appended) ---
"""Pipeline reference for scband-rec-gcnblock-15762529976818 (READ-ONLY COPY).

The authoritative reference and input builder live on the scoring server;
editing this copy changes nothing except your own understanding.
"""

import jax, jax.numpy as jnp
import numpy as np

N = 10000
E = 320000
D_IN = 128
D_OUT = 128


def setup_inputs(seed: int = 0) -> dict:
    key = jax.random.key(seed)
    ks = jax.random.split(key, 8)
    feat = jax.random.normal(ks[0], (N, D_IN), dtype=jnp.float32)
    edge_index = jax.random.randint(ks[1], (2, E), 0, N, dtype=jnp.int32)
    # GraphConv params (DGL layout: weight (in_feats, out_feats), bias (out_feats,))
    W = jax.random.normal(ks[2], (D_IN, D_OUT), dtype=jnp.float32) / np.sqrt(D_IN)
    b = jnp.zeros((D_OUT,), dtype=jnp.float32)
    # GRUCell params (torch layout: weight_ih (3H, in), weight_hh (3H, H), gate order r,z,n)
    s = 1.0 / np.sqrt(D_OUT)
    w_ih = jax.random.uniform(ks[3], (3 * D_OUT, D_OUT), minval=-s, maxval=s, dtype=jnp.float32)
    w_hh = jax.random.uniform(ks[4], (3 * D_OUT, D_OUT), minval=-s, maxval=s, dtype=jnp.float32)
    b_ih = jax.random.uniform(ks[5], (3 * D_OUT,), minval=-s, maxval=s, dtype=jnp.float32)
    b_hh = jax.random.uniform(ks[6], (3 * D_OUT,), minval=-s, maxval=s, dtype=jnp.float32)
    return {"feat": feat, "edge_index": edge_index, "W": W, "b": b,
            "w_ih": w_ih, "w_hh": w_hh, "b_ih": b_ih, "b_hh": b_hh}


def reference(feat, edge_index, W, b, w_ih, w_hh, b_ih, b_hh):
    src = edge_index[0]
    dst = edge_index[1]
    ones = jnp.ones((E,), dtype=jnp.float32)
    # DGL GraphConv norm='both': scale by out-degree^{-1/2} of src, aggregate, scale by in-degree^{-1/2} of dst
    deg_out = jnp.zeros((N,), dtype=jnp.float32).at[src].add(ones)
    deg_in = jnp.zeros((N,), dtype=jnp.float32).at[dst].add(ones)
    norm_src = jax.lax.rsqrt(jnp.clip(deg_out, 1.0, None))
    norm_dst = jax.lax.rsqrt(jnp.clip(deg_in, 1.0, None))
    x = feat * norm_src[:, None]
    msg = jnp.take(x, src, axis=0)
    agg = jnp.zeros((N, D_IN), dtype=jnp.float32).at[dst].add(msg)
    rst = agg * norm_dst[:, None]
    h = rst @ W + b
    # GRUCell with hx defaulting to zeros (torch gate order: r, z, n)
    hx = jnp.zeros((N, D_OUT), dtype=jnp.float32)
    gi = h @ w_ih.T + b_ih
    gh = hx @ w_hh.T + b_hh
    i_r, i_z, i_n = jnp.split(gi, 3, axis=1)
    h_r, h_z, h_n = jnp.split(gh, 3, axis=1)
    r = jax.nn.sigmoid(i_r + h_r)
    z = jax.nn.sigmoid(i_z + h_z)
    n = jnp.tanh(i_n + r * h_n)
    hy = (1.0 - z) * n + z * hx
    return jax.nn.relu(hy)

if __name__ == "__main__":
    import jax
    _d = setup_inputs()
    print(jax.jit(kernel)(*tuple(_d.values())))

</pallas_src>

<mosaic_0001>
#map = affine_map<(d0, d1) -> (0, 0)>
#map1 = affine_map<(d0, d1) -> (0)>
#map2 = affine_map<(d0, d1) -> (0, 0, 0)>
module attributes {stable_mosaic.version = 14 : i64} {
  func.func @_gspa_body(%arg0: i32, %arg1: i32, %arg2: memref<10000x128xf32, #tpu.memory_space<hbm>>, %arg3: memref<320000xi32, #tpu.memory_space<hbm>>, %arg4: memref<320000xi32, #tpu.memory_space<hbm>>, %arg5: memref<2x10240x128xf32, #tpu.memory_space<hbm>>, %arg6: memref<256xi32, #tpu.memory_space<vmem>>, %arg7: memref<256xi32, #tpu.memory_space<vmem>>, %arg8: memref<2x128xi32, #tpu.memory_space<vmem>>, %arg9: memref<256x128xf32, #tpu.memory_space<vmem>>, %arg10: memref<10240x128xf32, #tpu.memory_space<vmem_shared>>, %arg11: memref<!tpu.dma_semaphore, #tpu.memory_space<semaphore_mem>>, %arg12: memref<!tpu.dma_semaphore, #tpu.memory_space<semaphore_mem>>, %arg13: memref<!tpu.dma_semaphore, #tpu.memory_space<semaphore_mem>>) attributes {dimension_semantics = [#tpu.dimension_semantics<core_parallel>, #tpu.dimension_semantics<subcore_parallel>], iteration_bounds = array<i64: 2, 16>, scalar_prefetch = 0 : i64, scratch_operands = 8 : i64, tpu.core_type = #tpu.core_type<sc_vector_subcore>, window_params = [{transform_indices = #map}, {transform_indices = #map1}, {transform_indices = #map1}, {transform_indices = #map2}]} {
    %broadcast_in_dim3A = arith.constant 0.000000e+00 : f32
    %broadcast_in_dim3A_0 = vector.broadcast %broadcast_in_dim3A : f32 to vector<16xf32>
    %mul3A = arith.constant 2 : i32
    %mul3A_1 = arith.muli %arg1, %mul3A : i32
    %add3A = arith.addi %mul3A_1, %arg0 : i32
    %scan3A = arith.constant 0 : i32
    %scan3A_2 = arith.constant 0 : i32
    %scan3A_3 = arith.constant 128 : i32
    %scan3A_4 = arith.addi %scan3A_2, %scan3A_3 : i32
    %scan3A_5 = arith.constant 1 : i32
    %scan3A_6 = scf.for %scan3A_65 = %scan3A_2 to %scan3A_4 step %scan3A_5 iter_args(%scan3A_66 = %scan3A) -> (i32)  : i32 {
      %swap3A = arith.index_cast %scan3A_65 : i32 to index
      %swap3A_67 = arith.constant 0 : index
      %swap3A_68 = tpu.vector_load %arg9[%swap3A, %swap3A_67] {strides = array<i32>} : memref<256x128xf32, #tpu.memory_space<vmem>>, vector<1x16xf32>,
      %swap3A_69 = vector.shape_cast %swap3A_68 : vector<1x16xf32> to vector<16xf32>
      %swap3A_70 = vector.shape_cast %broadcast_in_dim3A_0 : vector<16xf32> to vector<1x16xf32>
      tpu.vector_store %arg9[%swap3A, %swap3A_67], %swap3A_70 {strides = array<i32>} : memref<256x128xf32, #tpu.memory_space<vmem>>, vector<1x16xf32>,
      %swap3A_71 = arith.index_cast %scan3A_65 : i32 to index
      %swap3A_72 = arith.constant 16 : index
      %swap3A_73 = tpu.vector_load %arg9[%swap3A_71, %swap3A_72] {strides = array<i32>} : memref<256x128xf32, #tpu.memory_space<vmem>>, vector<1x16xf32>,
      %swap3A_74 = vector.shape_cast %swap3A_73 : vector<1x16xf32> to vector<16xf32>
      %swap3A_75 = vector.shape_cast %broadcast_in_dim3A_0 : vector<16xf32> to vector<1x16xf32>
      tpu.vector_store %arg9[%swap3A_71, %swap3A_72], %swap3A_75 {strides = array<i32>} : memref<256x128xf32, #tpu.memory_space<vmem>>, vector<1x16xf32>,
      %swap3A_76 = arith.index_cast %scan3A_65 : i32 to index
      %swap3A_77 = arith.constant 32 : index
      %swap3A_78 = tpu.vector_load %arg9[%swap3A_76, %swap3A_77] {strides = array<i32>} : memref<256x128xf32, #tpu.memory_space<vmem>>, vector<1x16xf32>,
      %swap3A_79 = vector.shape_cast %swap3A_78 : vector<1x16xf32> to vector<16xf32>
      %swap3A_80 = vector.shape_cast %broadcast_in_dim3A_0 : vector<16xf32> to vector<1x16xf32>
      tpu.vector_store %arg9[%swap3A_76, %swap3A_77], %swap3A_80 {strides = array<i32>} : memref<256x128xf32, #tpu.memory_space<vmem>>, vector<1x16xf32>,
      %swap3A_81 = arith.index_cast %scan3A_65 : i32 to index
      %swap3A_82 = arith.constant 48 : index
      %swap3A_83 = tpu.vector_load %arg9[%swap3A_81, %swap3A_82] {strides = array<i32>} : memref<256x128xf32, #tpu.memory_space<vmem>>, vector<1x16xf32>,
      %swap3A_84 = vector.shape_cast %swap3A_83 : vector<1x16xf32> to vector<16xf32>
      %swap3A_85 = vector.shape_cast %broadcast_in_dim3A_0 : vector<16xf32> to vector<1x16xf32>
      tpu.vector_store %arg9[%swap3A_81, %swap3A_82], %swap3A_85 {strides = array<i32>} : memref<256x128xf32, #tpu.memory_space<vmem>>, vector<1x16xf32>,
      %swap3A_86 = arith.index_cast %scan3A_65 : i32 to index
      %swap3A_87 = arith.constant 64 : index
      %swap3A_88 = tpu.vector_load %arg9[%swap3A_86, %swap3A_87] {strides = array<i32>} : memref<256x128xf32, #tpu.memory_space<vmem>>, vector<1x16xf32>,
      %swap3A_89 = vector.shape_cast %swap3A_88 : vector<1x16xf32> to vector<16xf32>
      %swap3A_90 = vector.shape_cast %broadcast_in_dim3A_0 : vector<16xf32> to vector<1x16xf32>
      tpu.vector_store %arg9[%swap3A_86, %swap3A_87], %swap3A_90 {strides = array<i32>} : memref<256x128xf32, #tpu.memory_space<vmem>>, vector<1x16xf32>,
      %swap3A_91 = arith.index_cast %scan3A_65 : i32 to index
      %swap3A_92 = arith.constant 80 : index
      %swap3A_93 = tpu.vector_load %arg9[%swap3A_91, %swap3A_92] {strides = array<i32>} : memref<256x128xf32, #tpu.memory_space<vmem>>, vector<1x16xf32>,
      %swap3A_94 = vector.shape_cast %swap3A_93 : vector<1x16xf32> to vector<16xf32>
      %swap3A_95 = vector.shape_cast %broadcast_in_dim3A_0 : vector<16xf32> to vector<1x16xf32>
      tpu.vector_store %arg9[%swap3A_91, %swap3A_92], %swap3A_95 {strides = array<i32>} : memref<256x128xf32, #tpu.memory_space<vmem>>, vector<1x16xf32>,
      %swap3A_96 = arith.index_cast %scan3A_65 : i32 to index
      %swap3A_97 = arith.constant 96 : index
      %swap3A_98 = tpu.vector_load %arg9[%swap3A_96, %swap3A_97] {strides = array<i32>} : memref<256x128xf32, #tpu.memory_space<vmem>>, vector<1x16xf32>,
      %swap3A_99 = vector.shape_cast %swap3A_98 : vector<1x16xf32> to vector<16xf32>
      %swap3A_100 = vector.shape_cast %broadcast_in_dim3A_0 : vector<16xf32> to vector<1x16xf32>
      tpu.vector_store %arg9[%swap3A_96, %swap3A_97], %swap3A_100 {strides = array<i32>} : memref<256x128xf32, #tpu.memory_space<vmem>>, vector<1x16xf32>,
      %swap3A_101 = arith.index_cast %scan3A_65 : i32 to index
      %swap3A_102 = arith.constant 112 : index
      %swap3A_103 = tpu.vector_load %arg9[%swap3A_101, %swap3A_102] {strides = array<i32>} : memref<256x128xf32, #tpu.memory_space<vmem>>, vector<1x16xf32>,
      %swap3A_104 = vector.shape_cast %swap3A_103 : vector<1x16xf32> to vector<16xf32>
      %swap3A_105 = vector.shape_cast %broadcast_in_dim3A_0 : vector<16xf32> to vector<1x16xf32>
      tpu.vector_store %arg9[%swap3A_101, %swap3A_102], %swap3A_105 {strides = array<i32>} : memref<256x128xf32, #tpu.memory_space<vmem>>, vector<1x16xf32>,
      %scan3A_106 = arith.constant 0 : i32
      scf.yield %scan3A_106 : i32
    }
    %scan3A_7 = arith.constant 128 : i32
    %mul3A_8 = arith.constant 640 : i32
    %mul3A_9 = arith.muli %arg1, %mul3A_8 : i32
    %add3A_10 = arith.constant 0 : i32
    %add3A_11 = arith.addi %mul3A_9, %add3A_10 : i32
    "tpu.region"() ({
      %run_scoped3A = tpu.sem_alloc : memref<!tpu.dma_semaphore, #tpu.memory_space<semaphore_mem>>
      %dma_start3A_65 = arith.constant 0 : i32
      %dma_start3A_66 = arith.constant 0 : i32
      %dma_start3A_67 = tpu.memref_slice %arg9[%dma_start3A_65, %dma_start3A_66] : memref<256x128xf32, #tpu.memory_space<vmem>> -> memref<128x128xf32, #tpu.memory_space<vmem>>
      %dma_start3A_68 = arith.constant 0 : i32
      %dma_start3A_69 = tpu.memref_slice %arg10[%add3A_11, %dma_start3A_68] : memref<10240x128xf32, #tpu.memory_space<vmem_shared>> -> memref<128x128xf32, #tpu.memory_space<vmem_shared>>
      %dma_start3A_70 = arith.constant 0 : i32
      %dma_start3A_71 = tpu.memref_slice %arg10[%add3A_11, %dma_start3A_70] : memref<10240x128xf32, #tpu.memory_space<vmem_shared>> -> memref<128x128xf32, #tpu.memory_space<vmem_shared>>
      %dma_start3A_72 = arith.constant 0 : i32
      %dma_start3A_73 = arith.constant 0 : i32
      %dma_start3A_74 = tpu.memref_slice %arg9[%dma_start3A_72, %dma_start3A_73] : memref<256x128xf32, #tpu.memory_space<vmem>> -> memref<128x128xf32, #tpu.memory_space<vmem>>
      tpu.enqueue_dma source(%dma_start3A_74 : memref<128x128xf32, #tpu.memory_space<vmem>>) target(%dma_start3A_71 : memref<128x128xf32, #tpu.memory_space<vmem_shared>>) target_semaphore(%run_scoped3A : memref<!tpu.dma_semaphore, #tpu.memory_space<semaphore_mem>>)
      %dma_wait3A = arith.constant 0 : i32
      %dma_wait3A_75 = arith.constant 0 : i32
      %dma_wait3A_76 = tpu.memref_slice %arg9[%dma_wait3A, %dma_wait3A_75] : memref<256x128xf32, #tpu.memory_space<vmem>> -> memref<128x128xf32, #tpu.memory_space<vmem>>
      %dma_wait3A_77 = arith.constant 0 : i32
      %dma_wait3A_78 = tpu.memref_slice %arg10[%add3A_11, %dma_wait3A_77] : memref<10240x128xf32, #tpu.memory_space<vmem_shared>> -> memref<128x128xf32, #tpu.memory_space<vmem_shared>>
      %dma_wait3A_79 = arith.constant 0 : i32
      %dma_wait3A_80 = tpu.memref_slice %arg10[%add3A_11, %dma_wait3A_79] : memref<10240x128xf32, #tpu.memory_space<vmem_shared>> -> memref<128x128xf32, #tpu.memory_space<vmem_shared>>
      %dma_wait3A_81 = arith.constant 0 : i32
      %dma_wait3A_82 = arith.constant 0 : i32
      %dma_wait3A_83 = tpu.memref_slice %arg9[%dma_wait3A_81, %dma_wait3A_82] : memref<256x128xf32, #tpu.memory_space<vmem>> -> memref<128x128xf32, #tpu.memory_space<vmem>>
      tpu.wait_dma2 semaphore(%run_scoped3A : memref<!tpu.dma_semaphore, #tpu.memory_space<semaphore_mem>>) src(%dma_wait3A_83 : memref<128x128xf32, #tpu.memory_space<vmem>>) dst(%dma_wait3A_80 : memref<128x128xf32, #tpu.memory_space<vmem_shared>>)
      tpu.yield
    }) : () -> ()
    %mul3A_12 = arith.constant 640 : i32
    %mul3A_13 = arith.muli %arg1, %mul3A_12 : i32
    %add3A_14 = arith.constant 128 : i32
    %add3A_15 = arith.addi %mul3A_13, %add3A_14 : i32
    "tpu.region"() ({
      %run_scoped3A = tpu.sem_alloc : memref<!tpu.dma_semaphore, #tpu.memory_space<semaphore_mem>>
      %dma_start3A_65 = arith.constant 0 : i32
      %dma_start3A_66 = arith.constant 0 : i32
      %dma_start3A_67 = tpu.memref_slice %arg9[%dma_start3A_65, %dma_start3A_66] : memref<256x128xf32, #tpu.memory_space<vmem>> -> memref<128x128xf32, #tpu.memory_space<vmem>>
      %dma_start3A_68 = arith.constant 0 : i32
      %dma_start3A_69 = tpu.memref_slice %arg10[%add3A_15, %dma_start3A_68] : memref<10240x128xf32, #tpu.memory_space<vmem_shared>> -> memref<128x128xf32, #tpu.memory_space<vmem_shared>>
      %dma_start3A_70 = arith.constant 0 : i32
      %dma_start3A_71 = tpu.memref_slice %arg10[%add3A_15, %dma_start3A_70] : memref<10240x128xf32, #tpu.memory_space<vmem_shared>> -> memref<128x128xf32, #tpu.memory_space<vmem_shared>>
      %dma_start3A_72 = arith.constant 0 : i32
      %dma_start3A_73 = arith.constant 0 : i32
      %dma_start3A_74 = tpu.memref_slice %arg9[%dma_start3A_72, %dma_start3A_73] : memref<256x128xf32, #tpu.memory_space<vmem>> -> memref<128x128xf32, #tpu.memory_space<vmem>>
      tpu.enqueue_dma source(%dma_start3A_74 : memref<128x128xf32, #tpu.memory_space<vmem>>) target(%dma_start3A_71 : memref<128x128xf32, #tpu.memory_space<vmem_shared>>) target_semaphore(%run_scoped3A : memref<!tpu.dma_semaphore, #tpu.memory_space<semaphore_mem>>)
      %dma_wait3A = arith.constant 0 : i32
      %dma_wait3A_75 = arith.constant 0 : i32
      %dma_wait3A_76 = tpu.memref_slice %arg9[%dma_wait3A, %dma_wait3A_75] : memref<256x128xf32, #tpu.memory_space<vmem>> -> memref<128x128xf32, #tpu.memory_space<vmem>>
      %dma_wait3A_77 = arith.constant 0 : i32
      %dma_wait3A_78 = tpu.memref_slice %arg10[%add3A_15, %dma_wait3A_77] : memref<10240x128xf32, #tpu.memory_space<vmem_shared>> -> memref<128x128xf32, #tpu.memory_space<vmem_shared>>
      %dma_wait3A_79 = arith.constant 0 : i32
      %dma_wait3A_80 = tpu.memref_slice %arg10[%add3A_15, %dma_wait3A_79] : memref<10240x128xf32, #tpu.memory_space<vmem_shared>> -> memref<128x128xf32, #tpu.memory_space<vmem_shared>>
      %dma_wait3A_81 = arith.constant 0 : i32
      %dma_wait3A_82 = arith.constant 0 : i32
      %dma_wait3A_83 = tpu.memref_slice %arg9[%dma_wait3A_81, %dma_wait3A_82] : memref<256x128xf32, #tpu.memory_space<vmem>> -> memref<128x128xf32, #tpu.memory_space<vmem>>
      tpu.wait_dma2 semaphore(%run_scoped3A : memref<!tpu.dma_semaphore, #tpu.memory_space<semaphore_mem>>) src(%dma_wait3A_83 : memref<128x128xf32, #tpu.memory_space<vmem>>) dst(%dma_wait3A_80 : memref<128x128xf32, #tpu.memory_space<vmem_shared>>)
      tpu.yield
    }) : () -> ()
    %mul3A_16 = arith.constant 640 : i32
    %mul3A_17 = arith.muli %arg1, %mul3A_16 : i32
    %add3A_18 = arith.constant 256 : i32
    %add3A_19 = arith.addi %mul3A_17, %add3A_18 : i32
    "tpu.region"() ({
      %run_scoped3A = tpu.sem_alloc : memref<!tpu.dma_semaphore, #tpu.memory_space<semaphore_mem>>
      %dma_start3A_65 = arith.constant 0 : i32
      %dma_start3A_66 = arith.constant 0 : i32
      %dma_start3A_67 = tpu.memref_slice %arg9[%dma_start3A_65, %dma_start3A_66] : memref<256x128xf32, #tpu.memory_space<vmem>> -> memref<128x128xf32, #tpu.memory_space<vmem>>
      %dma_start3A_68 = arith.constant 0 : i32
      %dma_start3A_69 = tpu.memref_slice %arg10[%add3A_19, %dma_start3A_68] : memref<10240x128xf32, #tpu.memory_space<vmem_shared>> -> memref<128x128xf32, #tpu.memory_space<vmem_shared>>
      %dma_start3A_70 = arith.constant 0 : i32
      %dma_start3A_71 = tpu.memref_slice %arg10[%add3A_19, %dma_start3A_70] : memref<10240x128xf32, #tpu.memory_space<vmem_shared>> -> memref<128x128xf32, #tpu.memory_space<vmem_shared>>
      %dma_start3A_72 = arith.constant 0 : i32
      %dma_start3A_73 = arith.constant 0 : i32
      %dma_start3A_74 = tpu.memref_slice %arg9[%dma_start3A_72, %dma_start3A_73] : memref<256x128xf32, #tpu.memory_space<vmem>> -> memref<128x128xf32, #tpu.memory_space<vmem>>
      tpu.enqueue_dma source(%dma_start3A_74 : memref<128x128xf32, #tpu.memory_space<vmem>>) target(%dma_start3A_71 : memref<128x128xf32, #tpu.memory_space<vmem_shared>>) target_semaphore(%run_scoped3A : memref<!tpu.dma_semaphore, #tpu.memory_space<semaphore_mem>>)
      %dma_wait3A = arith.constant 0 : i32
      %dma_wait3A_75 = arith.constant 0 : i32
      %dma_wait3A_76 = tpu.memref_slice %arg9[%dma_wait3A, %dma_wait3A_75] : memref<256x128xf32, #tpu.memory_space<vmem>> -> memref<128x128xf32, #tpu.memory_space<vmem>>
      %dma_wait3A_77 = arith.constant 0 : i32
      %dma_wait3A_78 = tpu.memref_slice %arg10[%add3A_19, %dma_wait3A_77] : memref<10240x128xf32, #tpu.memory_space<vmem_shared>> -> memref<128x128xf32, #tpu.memory_space<vmem_shared>>
      %dma_wait3A_79 = arith.constant 0 : i32
      %dma_wait3A_80 = tpu.memref_slice %arg10[%add3A_19, %dma_wait3A_79] : memref<10240x128xf32, #tpu.memory_space<vmem_shared>> -> memref<128x128xf32, #tpu.memory_space<vmem_shared>>
      %dma_wait3A_81 = arith.constant 0 : i32
      %dma_wait3A_82 = arith.constant 0 : i32
      %dma_wait3A_83 = tpu.memref_slice %arg9[%dma_wait3A_81, %dma_wait3A_82] : memref<256x128xf32, #tpu.memory_space<vmem>> -> memref<128x128xf32, #tpu.memory_space<vmem>>
      tpu.wait_dma2 semaphore(%run_scoped3A : memref<!tpu.dma_semaphore, #tpu.memory_space<semaphore_mem>>) src(%dma_wait3A_83 : memref<128x128xf32, #tpu.memory_space<vmem>>) dst(%dma_wait3A_80 : memref<128x128xf32, #tpu.memory_space<vmem_shared>>)
      tpu.yield
    }) : () -> ()
    %mul3A_20 = arith.constant 640 : i32
    %mul3A_21 = arith.muli %arg1, %mul3A_20 : i32
    %add3A_22 = arith.constant 384 : i32
    %add3A_23 = arith.addi %mul3A_21, %add3A_22 : i32
    "tpu.region"() ({
      %run_scoped3A = tpu.sem_alloc : memref<!tpu.dma_semaphore, #tpu.memory_space<semaphore_mem>>
      %dma_start3A_65 = arith.constant 0 : i32
      %dma_start3A_66 = arith.constant 0 : i32
      %dma_start3A_67 = tpu.memref_slice %arg9[%dma_start3A_65, %dma_start3A_66] : memref<256x128xf32, #tpu.memory_space<vmem>> -> memref<128x128xf32, #tpu.memory_space<vmem>>
      %dma_start3A_68 = arith.constant 0 : i32
      %dma_start3A_69 = tpu.memref_slice %arg10[%add3A_23, %dma_start3A_68] : memref<10240x128xf32, #tpu.memory_space<vmem_shared>> -> memref<128x128xf32, #tpu.memory_space<vmem_shared>>
      %dma_start3A_70 = arith.constant 0 : i32
      %dma_start3A_71 = tpu.memref_slice %arg10[%add3A_23, %dma_start3A_70] : memref<10240x128xf32, #tpu.memory_space<vmem_shared>> -> memref<128x128xf32, #tpu.memory_space<vmem_shared>>
      %dma_start3A_72 = arith.constant 0 : i32
      %dma_start3A_73 = arith.constant 0 : i32
      %dma_start3A_74 = tpu.memref_slice %arg9[%dma_start3A_72, %dma_start3A_73] : memref<256x128xf32, #tpu.memory_space<vmem>> -> memref<128x128xf32, #tpu.memory_space<vmem>>
      tpu.enqueue_dma source(%dma_start3A_74 : memref<128x128xf32, #tpu.memory_space<vmem>>) target(%dma_start3A_71 : memref<128x128xf32, #tpu.memory_space<vmem_shared>>) target_semaphore(%run_scoped3A : memref<!tpu.dma_semaphore, #tpu.memory_space<semaphore_mem>>)
      %dma_wait3A = arith.constant 0 : i32
      %dma_wait3A_75 = arith.constant 0 : i32
      %dma_wait3A_76 = tpu.memref_slice %arg9[%dma_wait3A, %dma_wait3A_75] : memref<256x128xf32, #tpu.memory_space<vmem>> -> memref<128x128xf32, #tpu.memory_space<vmem>>
      %dma_wait3A_77 = arith.constant 0 : i32
      %dma_wait3A_78 = tpu.memref_slice %arg10[%add3A_23, %dma_wait3A_77] : memref<10240x128xf32, #tpu.memory_space<vmem_shared>> -> memref<128x128xf32, #tpu.memory_space<vmem_shared>>
      %dma_wait3A_79 = arith.constant 0 : i32
      %dma_wait3A_80 = tpu.memref_slice %arg10[%add3A_23, %dma_wait3A_79] : memref<10240x128xf32, #tpu.memory_space<vmem_shared>> -> memref<128x128xf32, #tpu.memory_space<vmem_shared>>
      %dma_wait3A_81 = arith.constant 0 : i32
      %dma_wait3A_82 = arith.constant 0 : i32
      %dma_wait3A_83 = tpu.memref_slice %arg9[%dma_wait3A_81, %dma_wait3A_82] : memref<256x128xf32, #tpu.memory_space<vmem>> -> memref<128x128xf32, #tpu.memory_space<vmem>>
      tpu.wait_dma2 semaphore(%run_scoped3A : memref<!tpu.dma_semaphore, #tpu.memory_space<semaphore_mem>>) src(%dma_wait3A_83 : memref<128x128xf32, #tpu.memory_space<vmem>>) dst(%dma_wait3A_80 : memref<128x128xf32, #tpu.memory_space<vmem_shared>>)
      tpu.yield
    }) : () -> ()
    %mul3A_24 = arith.constant 640 : i32
    %mul3A_25 = arith.muli %arg1, %mul3A_24 : i32
    %add3A_26 = arith.constant 512 : i32
    %add3A_27 = arith.addi %mul3A_25, %add3A_26 : i32
    "tpu.region"() ({
      %run_scoped3A = tpu.sem_alloc : memref<!tpu.dma_semaphore, #tpu.memory_space<semaphore_mem>>
      %dma_start3A_65 = arith.constant 0 : i32
      %dma_start3A_66 = arith.constant 0 : i32
      %dma_start3A_67 = tpu.memref_slice %arg9[%dma_start3A_65, %dma_start3A_66] : memref<256x128xf32, #tpu.memory_space<vmem>> -> memref<128x128xf32, #tpu.memory_space<vmem>>
      %dma_start3A_68 = arith.constant 0 : i32
      %dma_start3A_69 = tpu.memref_slice %arg10[%add3A_27, %dma_start3A_68] : memref<10240x128xf32, #tpu.memory_space<vmem_shared>> -> memref<128x128xf32, #tpu.memory_space<vmem_shared>>
      %dma_start3A_70 = arith.constant 0 : i32
      %dma_start3A_71 = tpu.memref_slice %arg10[%add3A_27, %dma_start3A_70] : memref<10240x128xf32, #tpu.memory_space<vmem_shared>> -> memref<128x128xf32, #tpu.memory_space<vmem_shared>>
      %dma_start3A_72 = arith.constant 0 : i32
      %dma_start3A_73 = arith.constant 0 : i32
      %dma_start3A_74 = tpu.memref_slice %arg9[%dma_start3A_72, %dma_start3A_73] : memref<256x128xf32, #tpu.memory_space<vmem>> -> memref<128x128xf32, #tpu.memory_space<vmem>>
      tpu.enqueue_dma source(%dma_start3A_74 : memref<128x128xf32, #tpu.memory_space<vmem>>) target(%dma_start3A_71 : memref<128x128xf32, #tpu.memory_space<vmem_shared>>) target_semaphore(%run_scoped3A : memref<!tpu.dma_semaphore, #tpu.memory_space<semaphore_mem>>)
      %dma_wait3A = arith.constant 0 : i32
      %dma_wait3A_75 = arith.constant 0 : i32
      %dma_wait3A_76 = tpu.memref_slice %arg9[%dma_wait3A, %dma_wait3A_75] : memref<256x128xf32, #tpu.memory_space<vmem>> -> memref<128x128xf32, #tpu.memory_space<vmem>>
      %dma_wait3A_77 = arith.constant 0 : i32
      %dma_wait3A_78 = tpu.memref_slice %arg10[%add3A_27, %dma_wait3A_77] : memref<10240x128xf32, #tpu.memory_space<vmem_shared>> -> memref<128x128xf32, #tpu.memory_space<vmem_shared>>
      %dma_wait3A_79 = arith.constant 0 : i32
      %dma_wait3A_80 = tpu.memref_slice %arg10[%add3A_27, %dma_wait3A_79] : memref<10240x128xf32, #tpu.memory_space<vmem_shared>> -> memref<128x128xf32, #tpu.memory_space<vmem_shared>>
      %dma_wait3A_81 = arith.constant 0 : i32
      %dma_wait3A_82 = arith.constant 0 : i32
      %dma_wait3A_83 = tpu.memref_slice %arg9[%dma_wait3A_81, %dma_wait3A_82] : memref<256x128xf32, #tpu.memory_space<vmem>> -> memref<128x128xf32, #tpu.memory_space<vmem>>
      tpu.wait_dma2 semaphore(%run_scoped3A : memref<!tpu.dma_semaphore, #tpu.memory_space<semaphore_mem>>) src(%dma_wait3A_83 : memref<128x128xf32, #tpu.memory_space<vmem>>) dst(%dma_wait3A_80 : memref<128x128xf32, #tpu.memory_space<vmem_shared>>)
      tpu.yield
    }) : () -> ()
    %barrier3A = arith.constant 0 : index
    tpu.barrier barrier_id(%barrier3A)
    %mul3A_28 = arith.constant 256 : i32
    %mul3A_29 = arith.muli %add3A, %mul3A_28 : i32
    "tpu.region"() ({
      %run_scoped3A = tpu.sem_alloc : memref<!tpu.dma_semaphore, #tpu.memory_space<semaphore_mem>>
      %dma_start3A_65 = tpu.memref_slice %arg3[%mul3A_29] : memref<320000xi32, #tpu.memory_space<hbm>> -> memref<256xi32, #tpu.memory_space<hbm>>
      %dma_start3A_66 = tpu.memref_slice %arg3[%mul3A_29] : memref<320000xi32, #tpu.memory_space<hbm>> -> memref<256xi32, #tpu.memory_space<hbm>>
      tpu.enqueue_dma source(%dma_start3A_66 : memref<256xi32, #tpu.memory_space<hbm>>) target(%arg6 : memref<256xi32, #tpu.memory_space<vmem>>) target_semaphore(%run_scoped3A : memref<!tpu.dma_semaphore, #tpu.memory_space<semaphore_mem>>)
      %dma_wait3A = tpu.memref_slice %arg3[%mul3A_29] : memref<320000xi32, #tpu.memory_space<hbm>> -> memref<256xi32, #tpu.memory_space<hbm>>
      %dma_wait3A_67 = tpu.memref_slice %arg3[%mul3A_29] : memref<320000xi32, #tpu.memory_space<hbm>> -> memref<256xi32, #tpu.memory_space<hbm>>
      tpu.wait_dma2 semaphore(%run_scoped3A : memref<!tpu.dma_semaphore, #tpu.memory_space<semaphore_mem>>) src(%dma_wait3A_67 : memref<256xi32, #tpu.memory_space<hbm>>) dst(%arg6 : memref<256xi32, #tpu.memory_space<vmem>>)
      tpu.yield
    }) : () -> ()
    %add3A_30 = arith.constant 32 : i32
    %add3A_31 = arith.addi %add3A, %add3A_30 : i32
    %mul3A_32 = arith.constant 256 : i32
    %mul3A_33 = arith.muli %add3A_31, %mul3A_32 : i32
    %dma_start3A = tpu.memref_slice %arg3[%mul3A_33] : memref<320000xi32, #tpu.memory_space<hbm>> -> memref<256xi32, #tpu.memory_space<hbm>>
    %dma_start3A_34 = tpu.memref_slice %arg3[%mul3A_33] : memref<320000xi32, #tpu.memory_space<hbm>> -> memref<256xi32, #tpu.memory_space<hbm>>
    tpu.enqueue_dma source(%dma_start3A_34 : memref<256xi32, #tpu.memory_space<hbm>>) target(%arg7 : memref<256xi32, #tpu.memory_space<vmem>>) target_semaphore(%arg13 : memref<!tpu.dma_semaphore, #tpu.memory_space<semaphore_mem>>)
    %add3A_35 = arith.constant 0 : i32
    %add3A_36 = arith.addi %add3A, %add3A_35 : i32
    %lt3A = arith.constant 1250 : i32
    %lt3A_37 = arith.cmpi slt, %add3A_36, %lt3A : i32
    %convert_element_type3A = arith.extui %lt3A_37 : i1 to i32
    %cond3A = arith.constant 0 : i32
    %cond3A_38 = arith.cmpi ne, %convert_element_type3A, %cond3A : i32
    scf.if %cond3A_38 {
      %dma_start3A_65 = arith.constant 0 : i32
      %dma_start3A_66 = arith.constant 0 : i32
      %dma_start3A_67 = tpu.memref_slice %arg2[%dma_start3A_65, %dma_start3A_66] : memref<10000x128xf32, #tpu.memory_space<hbm>> -> memref<10000x128xf32, #tpu.memory_space<hbm>>
      tpu.enqueue_indirect_dma source(%dma_start3A_67 : memref<10000x128xf32, #tpu.memory_space<hbm>>) target(%arg9 : memref<256x128xf32, #tpu.memory_space<vmem>>) offsets(%arg6 : memref<256xi32, #tpu.memory_space<vmem>>) semaphore(%arg11 : memref<!tpu.dma_semaphore, #tpu.memory_space<semaphore_mem>>)
      %mul3A_68 = arith.constant 256 : i32
      %mul3A_69 = arith.muli %add3A_36, %mul3A_68 : i32
      %run_scoped3A = arith.constant 0 : i32
      "tpu.region"() ({
        %run_scoped3A_86 = tpu.sem_alloc : memref<!tpu.dma_semaphore, #tpu.memory_space<semaphore_mem>>
        %dma_start3A_87 = arith.constant 0 : i32
        %dma_start3A_88 = tpu.memref_slice %arg8[%run_scoped3A, %dma_start3A_87] : memref<2x128xi32, #tpu.memory_space<vmem>> -> memref<1x128xi32, #tpu.memory_space<vmem>>
        %dma_start3A_89 = tpu.memref_squeeze %dma_start3A_88 : memref<1x128xi32, #tpu.memory_space<vmem>> -> memref<128xi32, #tpu.memory_space<vmem>>
        %dma_start3A_90 = tpu.memref_slice %arg4[%mul3A_69] : memref<320000xi32, #tpu.memory_space<hbm>> -> memref<128xi32, #tpu.memory_space<hbm>>
        %dma_start3A_91 = arith.constant 0 : i32
        %dma_start3A_92 = tpu.memref_slice %arg8[%run_scoped3A, %dma_start3A_91] : memref<2x128xi32, #tpu.memory_space<vmem>> -> memref<1x128xi32, #tpu.memory_space<vmem>>
        %dma_start3A_93 = tpu.memref_squeeze %dma_start3A_92 : memref<1x128xi32, #tpu.memory_space<vmem>> -> memref<128xi32, #tpu.memory_space<vmem>>
        %dma_start3A_94 = tpu.memref_slice %arg4[%mul3A_69] : memref<320000xi32, #tpu.memory_space<hbm>> -> memref<128xi32, #tpu.memory_space<hbm>>
        tpu.enqueue_dma source(%dma_start3A_94 : memref<128xi32, #tpu.memory_space<hbm>>) target(%dma_start3A_93 : memref<128xi32, #tpu.memory_space<vmem>>) target_semaphore(%run_scoped3A_86 : memref<!tpu.dma_semaphore, #tpu.memory_space<semaphore_mem>>)
        %dma_wait3A_95 = arith.constant 0 : i32
        %dma_wait3A_96 = tpu.memref_slice %arg8[%run_scoped3A, %dma_wait3A_95] : memref<2x128xi32, #tpu.memory_space<vmem>> -> memref<1x128xi32, #tpu.memory_space<vmem>>
        %dma_wait3A_97 = tpu.memref_squeeze %dma_wait3A_96 : memref<1x128xi32, #tpu.memory_space<vmem>> -> memref<128xi32, #tpu.memory_space<vmem>>
        %dma_wait3A_98 = tpu.memref_slice %arg4[%mul3A_69] : memref<320000xi32, #tpu.memory_space<hbm>> -> memref<128xi32, #tpu.memory_space<hbm>>
        %dma_wait3A_99 = arith.constant 0 : i32
        %dma_wait3A_100 = tpu.memref_slice %arg8[%run_scoped3A, %dma_wait3A_99] : memref<2x128xi32, #tpu.memory_space<vmem>> -> memref<1x128xi32, #tpu.memory_space<vmem>>
        %dma_wait3A_101 = tpu.memref_squeeze %dma_wait3A_100 : memref<1x128xi32, #tpu.memory_space<vmem>> -> memref<128xi32, #tpu.memory_space<vmem>>
        %dma_wait3A_102 = tpu.memref_slice %arg4[%mul3A_69] : memref<320000xi32, #tpu.memory_space<hbm>> -> memref<128xi32, #tpu.memory_space<hbm>>
        tpu.wait_dma2 semaphore(%run_scoped3A_86 : memref<!tpu.dma_semaphore, #tpu.memory_space<semaphore_mem>>) src(%dma_wait3A_102 : memref<128xi32, #tpu.memory_space<hbm>>) dst(%dma_wait3A_101 : memref<128xi32, #tpu.memory_space<vmem>>)
        tpu.yield
      }) : () -> ()
      %mul3A_70 = arith.constant 256 : i32
      %mul3A_71 = arith.muli %add3A_36, %mul3A_70 : i32
      %add3A_72 = arith.constant 128 : i32
      %add3A_73 = arith.addi %mul3A_71, %add3A_72 : i32
      %run_scoped3A_74 = arith.constant 1 : i32
      "tpu.region"() ({
        %run_scoped3A_86 = tpu.sem_alloc : memref<!tpu.dma_semaphore, #tpu.memory_space<semaphore_mem>>
        %dma_start3A_87 = arith.constant 0 : i32
        %dma_start3A_88 = tpu.memref_slice %arg8[%run_scoped3A_74, %dma_start3A_87] : memref<2x128xi32, #tpu.memory_space<vmem>> -> memref<1x128xi32, #tpu.memory_space<vmem>>
        %dma_start3A_89 = tpu.memref_squeeze %dma_start3A_88 : memref<1x128xi32, #tpu.memory_space<vmem>> -> memref<128xi32, #tpu.memory_space<vmem>>
        %dma_start3A_90 = tpu.memref_slice %arg4[%add3A_73] : memref<320000xi32, #tpu.memory_space<hbm>> -> memref<128xi32, #tpu.memory_space<hbm>>
        %dma_start3A_91 = arith.constant 0 : i32
        %dma_start3A_92 = tpu.memref_slice %arg8[%run_scoped3A_74, %dma_start3A_91] : memref<2x128xi32, #tpu.memory_space<vmem>> -> memref<1x128xi32, #tpu.memory_space<vmem>>
        %dma_start3A_93 = tpu.memref_squeeze %dma_start3A_92 : memref<1x128xi32, #tpu.memory_space<vmem>> -> memref<128xi32, #tpu.memory_space<vmem>>
        %dma_start3A_94 = tpu.memref_slice %arg4[%add3A_73] : memref<320000xi32, #tpu.memory_space<hbm>> -> memref<128xi32, #tpu.memory_space<hbm>>
        tpu.enqueue_dma source(%dma_start3A_94 : memref<128xi32, #tpu.memory_space<hbm>>) target(%dma_start3A_93 : memref<128xi32, #tpu.memory_space<vmem>>) target_semaphore(%run_scoped3A_86 : memref<!tpu.dma_semaphore, #tpu.memory_space<semaphore_mem>>)
        %dma_wait3A_95 = arith.constant 0 : i32
        %dma_wait3A_96 = tpu.memref_slice %arg8[%run_scoped3A_74, %dma_wait3A_95] : memref<2x128xi32, #tpu.memory_space<vmem>> -> memref<1x128xi32, #tpu.memory_space<vmem>>
        %dma_wait3A_97 = tpu.memref_squeeze %dma_wait3A_96 : memref<1x128xi32, #tpu.memory_space<vmem>> -> memref<128xi32, #tpu.memory_space<vmem>>
        %dma_wait3A_98 = tpu.memref_slice %arg4[%add3A_73] : memref<320000xi32, #tpu.memory_space<hbm>> -> memref<128xi32, #tpu.memory_space<hbm>>
        %dma_wait3A_99 = arith.constant 0 : i32
        %dma_wait3A_100 = tpu.memref_slice %arg8[%run_scoped3A_74, %dma_wait3A_99] : memref<2x128xi32, #tpu.memory_space<vmem>> -> memref<1x128xi32, #tpu.memory_space<vmem>>
        %dma_wait3A_101 = tpu.memref_squeeze %dma_wait3A_100 : memref<1x128xi32, #tpu.memory_space<vmem>> -> memref<128xi32, #tpu.memory_space<vmem>>
        %dma_wait3A_102 = tpu.memref_slice %arg4[%add3A_73] : memref<320000xi32, #tpu.memory_space<hbm>> -> memref<128xi32, #tpu.memory_space<hbm>>
        tpu.wait_dma2 semaphore(%run_scoped3A_86 : memref<!tpu.dma_semaphore, #tpu.memory_space<semaphore_mem>>) src(%dma_wait3A_102 : memref<128xi32, #tpu.memory_space<hbm>>) dst(%dma_wait3A_101 : memref<128xi32, #tpu.memory_space<vmem>>)
        tpu.yield
      }) : () -> ()
      %dma_wait3A = arith.constant 0 : i32
      %dma_wait3A_75 = arith.constant 0 : i32
      %dma_wait3A_76 = tpu.memref_slice %arg2[%dma_wait3A, %dma_wait3A_75] : memref<10000x128xf32, #tpu.memory_space<hbm>> -> memref<10000x128xf32, #tpu.memory_space<hbm>>
      tpu.wait_indirect_dma semaphore(%arg11 : memref<!tpu.dma_semaphore, #tpu.memory_space<semaphore_mem>>) src(%dma_wait3A_76 : memref<10000x128xf32, #tpu.memory_space<hbm>>) dst(%arg9 : memref<256x128xf32, #tpu.memory_space<vmem>>)
      %add3A_77 = arith.constant 64 : i32
      %add3A_78 = arith.addi %add3A_36, %add3A_77 : i32
      %lt3A_79 = arith.constant 1250 : i32
      %lt3A_80 = arith.cmpi slt, %add3A_78, %lt3A_79 : i32
      %convert_element_type3A_81 = arith.extui %lt3A_80 : i1 to i32
      %cond3A_82 = arith.constant 0 : i32
      %cond3A_83 = arith.cmpi ne, %convert_element_type3A_81, %cond3A_82 : i32
      scf.if %cond3A_83 {
        %add3A_86 = arith.constant 64 : i32
        %add3A_87 = arith.addi %add3A_36, %add3A_86 : i32
        %mul3A_88 = arith.constant 256 : i32
        %mul3A_89 = arith.muli %add3A_87, %mul3A_88 : i32
        %dma_start3A_90 = tpu.memref_slice %arg3[%mul3A_89] : memref<320000xi32, #tpu.memory_space<hbm>> -> memref<256xi32, #tpu.memory_space<hbm>>
        %dma_start3A_91 = tpu.memref_slice %arg3[%mul3A_89] : memref<320000xi32, #tpu.memory_space<hbm>> -> memref<256xi32, #tpu.memory_space<hbm>>
        tpu.enqueue_dma source(%dma_start3A_91 : memref<256xi32, #tpu.memory_space<hbm>>) target(%arg6 : memref<256xi32, #tpu.memory_space<vmem>>) target_semaphore(%arg12 : memref<!tpu.dma_semaphore, #tpu.memory_space<semaphore_mem>>)
      } else {
      }
      %run_scoped3A_84 = arith.constant 0 : i32
      "tpu.region"() ({
        %run_scoped3A_86 = tpu.sem_alloc : memref<!tpu.dma_semaphore, #tpu.memory_space<semaphore_mem>>
        %dma_start3A_87 = arith.constant 0 : i32
        %dma_start3A_88 = arith.constant 0 : i32
        %dma_start3A_89 = tpu.memref_slice %arg9[%dma_start3A_87, %dma_start3A_88] : memref<256x128xf32, #tpu.memory_space<vmem>> -> memref<128x128xf32, #tpu.memory_space<vmem>>
        %dma_start3A_90 = arith.constant 0 : i32
        %dma_start3A_91 = tpu.memref_slice %arg8[%run_scoped3A_84, %dma_start3A_90] : memref<2x128xi32, #tpu.memory_space<vmem>> -> memref<1x128xi32, #tpu.memory_space<vmem>>
        %dma_start3A_92 = tpu.memref_squeeze %dma_start3A_91 : memref<1x128xi32, #tpu.memory_space<vmem>> -> memref<128xi32, #tpu.memory_space<vmem>>
        %dma_start3A_93 = arith.constant 0 : i32
        %dma_start3A_94 = arith.constant 0 : i32
        %dma_start3A_95 = tpu.memref_slice %arg10[%dma_start3A_93, %dma_start3A_94] : memref<10240x128xf32, #tpu.memory_space<vmem_shared>> -> memref<10240x128xf32, #tpu.memory_space<vmem_shared>>
        tpu.enqueue_indirect_dma source(%dma_start3A_89 : memref<128x128xf32, #tpu.memory_space<vmem>>) target(%dma_start3A_95 : memref<10240x128xf32, #tpu.memory_space<vmem_shared>>) offsets(%dma_start3A_92 : memref<128xi32, #tpu.memory_space<vmem>>) semaphore(%run_scoped3A_86 : memref<!tpu.dma_semaphore, #tpu.memory_space<semaphore_mem>>) {add = true}
        %dma_wait3A_96 = arith.constant 0 : i32
        %dma_wait3A_97 = arith.constant 0 : i32
        %dma_wait3A_98 = tpu.memref_slice %arg9[%dma_wait3A_96, %dma_wait3A_97] : memref<256x128xf32, #tpu.memory_space<vmem>> -> memref<128x128xf32, #tpu.memory_space<vmem>>
        %dma_wait3A_99 = arith.constant 0 : i32
        %dma_wait3A_100 = tpu.memref_slice %arg8[%run_scoped3A_84, %dma_wait3A_99] : memref<2x128xi32, #tpu.memory_space<vmem>> -> memref<1x128xi32, #tpu.memory_space<vmem>>
        %dma_wait3A_101 = tpu.memref_squeeze %dma_wait3A_100 : memref<1x128xi32, #tpu.memory_space<vmem>> -> memref<128xi32, #tpu.memory_space<vmem>>
        %dma_wait3A_102 = arith.constant 0 : i32
        %dma_wait3A_103 = arith.constant 0 : i32
        %dma_wait3A_104 = tpu.memref_slice %arg10[%dma_wait3A_102, %dma_wait3A_103] : memref<10240x128xf32, #tpu.memory_space<vmem_shared>> -> memref<10240x128xf32, #tpu.memory_space<vmem_shared>>
        tpu.wait_indirect_dma semaphore(%run_scoped3A_86 : memref<!tpu.dma_semaphore, #tpu.memory_space<semaphore_mem>>) src(%dma_wait3A_98 : memref<128x128xf32, #tpu.memory_space<vmem>>) dst(%dma_wait3A_104 : memref<10240x128xf32, #tpu.memory_space<vmem_shared>>)
        tpu.yield
      }) : () -> ()
      %run_scoped3A_85 = arith.constant 1 : i32
      "tpu.region"() ({
        %run_scoped3A_86 = tpu.sem_alloc : memref<!tpu.dma_semaphore, #tpu.memory_space<semaphore_mem>>
        %dma_start3A_87 = arith.constant 128 : i32
        %dma_start3A_88 = arith.constant 0 : i32
        %dma_start3A_89 = tpu.memref_slice %arg9[%dma_start3A_87, %dma_start3A_88] : memref<256x128xf32, #tpu.memory_space<vmem>> -> memref<128x128xf32, #tpu.memory_space<vmem>>
        %dma_start3A_90 = arith.constant 0 : i32
        %dma_start3A_91 = tpu.memref_slice %arg8[%run_scoped3A_85, %dma_start3A_90] : memref<2x128xi32, #tpu.memory_space<vmem>> -> memref<1x128xi32, #tpu.memory_space<vmem>>
        %dma_start3A_92 = tpu.memref_squeeze %dma_start3A_91 : memref<1x128xi32, #tpu.memory_space<vmem>> -> memref<128xi32, #tpu.memory_space<vmem>>
        %dma_start3A_93 = arith.constant 0 : i32
        %dma_start3A_94 = arith.constant 0 : i32
        %dma_start3A_95 = tpu.memref_slice %arg10[%dma_start3A_93, %dma_start3A_94] : memref<10240x128xf32, #tpu.memory_space<vmem_shared>> -> memref<10240x128xf32, #tpu.memory_space<vmem_shared>>
        tpu.enqueue_indirect_dma source(%dma_start3A_89 : memref<128x128xf32, #tpu.memory_space<vmem>>) target(%dma_start3A_95 : memref<10240x128xf32, #tpu.memory_space<vmem_shared>>) offsets(%dma_start3A_92 : memref<128xi32, #tpu.memory_space<vmem>>) semaphore(%run_scoped3A_86 : memref<!tpu.dma_semaphore, #tpu.memory_space<semaphore_mem>>) {add = true}
        %dma_wait3A_96 = arith.constant 128 : i32
        %dma_wait3A_97 = arith.constant 0 : i32
        %dma_wait3A_98 = tpu.memref_slice %arg9[%dma_wait3A_96, %dma_wait3A_97] : memref<256x128xf32, #tpu.memory_space<vmem>> -> memref<128x128xf32, #tpu.memory_space<vmem>>
        %dma_wait3A_99 = arith.constant 0 : i32
        %dma_wait3A_100 = tpu.memref_slice %arg8[%run_scoped3A_85, %dma_wait3A_99] : memref<2x128xi32, #tpu.memory_space<vmem>> -> memref<1x128xi32, #tpu.memory_space<vmem>>
        %dma_wait3A_101 = tpu.memref_squeeze %dma_wait3A_100 : memref<1x128xi32, #tpu.memory_space<vmem>> -> memref<128xi32, #tpu.memory_space<vmem>>
        %dma_wait3A_102 = arith.constant 0 : i32
        %dma_wait3A_103 = arith.constant 0 : i32
        %dma_wait3A_104 = tpu.memref_slice %arg10[%dma_wait3A_102, %dma_wait3A_103] : memref<10240x128xf32, #tpu.memory_space<vmem_shared>> -> memref<10240x128xf32, #tpu.memory_space<vmem_shared>>
        tpu.wait_indirect_dma semaphore(%run_scoped3A_86 : memref<!tpu.dma_semaphore, #tpu.memory_space<semaphore_mem>>) src(%dma_wait3A_98 : memref<128x128xf32, #tpu.memory_space<vmem>>) dst(%dma_wait3A_104 : memref<10240x128xf32, #tpu.memory_space<vmem_shared>>)
        tpu.yield
      }) : () -> ()
    } else {
    }
    %add3A_39 = arith.constant 32 : i32
    %add3A_40 = arith.addi %add3A, %add3A_39 : i32
    %lt3A_41 = arith.constant 1250 : i32
    %lt3A_42 = arith.cmpi slt, %add3A_40, %lt3A_41 : i32
    %convert_element_type3A_43 = arith.extui %lt3A_42 : i1 to i32
    %cond3A_44 = arith.constant 0 : i32
    %cond3A_45 = arith.cmpi ne, %convert_element_type3A_43, %cond3A_44 : i32
    scf.if %cond3A_45 {
      %dma_wait3A = arith.constant 0 : i32
      %dma_wait3A_65 = tpu.memref_slice %arg3[%dma_wait3A] : memref<320000xi32, #tpu.memory_space<hbm>> -> memref<256xi32, #tpu.memory_space<hbm>>
      %dma_wait3A_66 = arith.constant 0 : i32
      %dma_wait3A_67 = tpu.memref_slice %arg3[%dma_wait3A_66] : memref<320000xi32, #tpu.memory_space<hbm>> -> memref<256xi32, #tpu.memory_space<hbm>>
      tpu.wait_dma2 semaphore(%arg13 : memref<!tpu.dma_semaphore, #tpu.memory_space<semaphore_mem>>) src(%dma_wait3A_67 : memref<256xi32, #tpu.memory_space<hbm>>) dst(%arg7 : memref<256xi32, #tpu.memory_space<vmem>>)
      %dma_start3A_68 = arith.constant 0 : i32
      %dma_start3A_69 = arith.constant 0 : i32
      %dma_start3A_70 = tpu.memref_slice %arg2[%dma_start3A_68, %dma_start3A_69] : memref<10000x128xf32, #tpu.memory_space<hbm>> -> memref<10000x128xf32, #tpu.memory_space<hbm>>
      tpu.enqueue_indirect_dma source(%dma_start3A_70 : memref<10000x128xf32, #tpu.memory_space<hbm>>) target(%arg9 : memref<256x128xf32, #tpu.memory_space<vmem>>) offsets(%arg7 : memref<256xi32, #tpu.memory_space<vmem>>) semaphore(%arg11 : memref<!tpu.dma_semaphore, #tpu.memory_space<semaphore_mem>>)
      %mul3A_71 = arith.constant 256 : i32
      %mul3A_72 = arith.muli %add3A_40, %mul3A_71 : i32
      %run_scoped3A = arith.constant 0 : i32
      "tpu.region"() ({
        %run_scoped3A_90 = tpu.sem_alloc : memref<!tpu.dma_semaphore, #tpu.memory_space<semaphore_mem>>
        %dma_start3A_91 = arith.constant 0 : i32
        %dma_start3A_92 = tpu.memref_slice %arg8[%run_scoped3A, %dma_start3A_91] : memref<2x128xi32, #tpu.memory_space<vmem>> -> memref<1x128xi32, #tpu.memory_space<vmem>>
        %dma_start3A_93 = tpu.memref_squeeze %dma_start3A_92 : memref<1x128xi32, #tpu.memory_space<vmem>> -> memref<128xi32, #tpu.memory_space<vmem>>
        %dma_start3A_94 = tpu.memref_slice %arg4[%mul3A_72] : memref<320000xi32, #tpu.memory_space<hbm>> -> memref<128xi32, #tpu.memory_space<hbm>>
        %dma_start3A_95 = arith.constant 0 : i32
        %dma_start3A_96 = tpu.memref_slice %arg8[%run_scoped3A, %dma_start3A_95] : memref<2x128xi32, #tpu.memory_space<vmem>> -> memref<1x128xi32, #tpu.memory_space<vmem>>
        %dma_start3A_97 = tpu.memref_squeeze %dma_start3A_96 : memref<1x128xi32, #tpu.memory_space<vmem>> -> memref<128xi32, #tpu.memory_space<vmem>>
        %dma_start3A_98 = tpu.memref_slice %arg4[%mul3A_72] : memref<320000xi32, #tpu.memory_space<hbm>> -> memref<128xi32, #tpu.memory_space<hbm>>
        tpu.enqueue_dma source(%dma_start3A_98 : memref<128xi32, #tpu.memory_space<hbm>>) target(%dma_start3A_97 : memref<128xi32, #tpu.memory_space<vmem>>) target_semaphore(%run_scoped3A_90 : memref<!tpu.dma_semaphore, #tpu.memory_space<semaphore_mem>>)
        %dma_wait3A_99 = arith.constant 0 : i32
        %dma_wait3A_100 = tpu.memref_slice %arg8[%run_scoped3A, %dma_wait3A_99] : memref<2x128xi32, #tpu.memory_space<vmem>> -> memref<1x128xi32, #tpu.memory_space<vmem>>
        %dma_wait3A_101 = tpu.memref_squeeze %dma_wait3A_100 : memref<1x128xi32, #tpu.memory_space<vmem>> -> memref<128xi32, #tpu.memory_space<vmem>>
        %dma_wait3A_102 = tpu.memref_slice %arg4[%mul3A_72] : memref<320000xi32, #tpu.memory_space<hbm>> -> memref<128xi32, #tpu.memory_space<hbm>>
        %dma_wait3A_103 = arith.constant 0 : i32
        %dma_wait3A_104 = tpu.memref_slice %arg8[%run_scoped3A, %dma_wait3A_103] : memref<2x128xi32, #tpu.memory_space<vmem>> -> memref<1x128xi32, #tpu.memory_space<vmem>>
        %dma_wait3A_105 = tpu.memref_squeeze %dma_wait3A_104 : memref<1x128xi32, #tpu.memory_space<vmem>> -> memref<128xi32, #tpu.memory_space<vmem>>
        %dma_wait3A_106 = tpu.memref_slice %arg4[%mul3A_72] : memref<320000xi32, #tpu.memory_space<hbm>> -> memref<128xi32, #tpu.memory_space<hbm>>
        tpu.wait_dma2 semaphore(%run_scoped3A_90 : memref<!tpu.dma_semaphore, #tpu.memory_space<semaphore_mem>>) src(%dma_wait3A_106 : memref<128xi32, #tpu.memory_space<hbm>>) dst(%dma_wait3A_105 : memref<128xi32, #tpu.memory_space<vmem>>)
        tpu.yield
      }) : () -> ()
      %mul3A_73 = arith.constant 256 : i32
      %mul3A_74 = arith.muli %add3A_40, %mul3A_73 : i32
      %add3A_75 = arith.constant 128 : i32
      %add3A_76 = arith.addi %mul3A_74, %add3A_75 : i32
      %run_scoped3A_77 = arith.constant 1 : i32
      "tpu.region"() ({
        %run_scoped3A_90 = tpu.sem_alloc : memref<!tpu.dma_semaphore, #tpu.memory_space<semaphore_mem>>
        %dma_start3A_91 = arith.constant 0 : i32
        %dma_start3A_92 = tpu.memref_slice %arg8[%run_scoped3A_77, %dma_start3A_91] : memref<2x128xi32, #tpu.memory_space<vmem>> -> memref<1x128xi32, #tpu.memory_space<vmem>>
        %dma_start3A_93 = tpu.memref_squeeze %dma_start3A_92 : memref<1x128xi32, #tpu.memory_space<vmem>> -> memref<128xi32, #tpu.memory_space<vmem>>
        %dma_start3A_94 = tpu.memref_slice %arg4[%add3A_76] : memref<320000xi32, #tpu.memory_space<hbm>> -> memref<128xi32, #tpu.memory_space<hbm>>
        %dma_start3A_95 = arith.constant 0 : i32
        %dma_start3A_96 = tpu.memref_slice %arg8[%run_scoped3A_77, %dma_start3A_95] : memref<2x128xi32, #tpu.memory_space<vmem>> -> memref<1x128xi32, #tpu.memory_space<vmem>>
        %dma_start3A_97 = tpu.memref_squeeze %dma_start3A_96 : memref<1x128xi32, #tpu.memory_space<vmem>> -> memref<128xi32, #tpu.memory_space<vmem>>
        %dma_start3A_98 = tpu.memref_slice %arg4[%add3A_76] : memref<320000xi32, #tpu.memory_space<hbm>> -> memref<128xi32, #tpu.memory_space<hbm>>
        tpu.enqueue_dma source(%dma_start3A_98 : memref<128xi32, #tpu.memory_space<hbm>>) target(%dma_start3A_97 : memref<128xi32, #tpu.memory_space<vmem>>) target_semaphore(%run_scoped3A_90 : memref<!tpu.dma_semaphore, #tpu.memory_space<semaphore_mem>>)
        %dma_wait3A_99 = arith.constant 0 : i32
        %dma_wait3A_100 = tpu.memref_slice %arg8[%run_scoped3A_77, %dma_wait3A_99] : memref<2x128xi32, #tpu.memory_space<vmem>> -> memref<1x128xi32, #tpu.memory_space<vmem>>
        %dma_wait3A_101 = tpu.memref_squeeze %dma_wait3A_100 : memref<1x128xi32, #tpu.memory_space<vmem>> -> memref<128xi32, #tpu.memory_space<vmem>>
        %dma_wait3A_102 = tpu.memref_slice %arg4[%add3A_76] : memref<320000xi32, #tpu.memory_space<hbm>> -> memref<128xi32, #tpu.memory_space<hbm>>
        %dma_wait3A_103 = arith.constant 0 : i32
        %dma_wait3A_104 = tpu.memref_slice %arg8[%run_scoped3A_77, %dma_wait3A_103] : memref<2x128xi32, #tpu.memory_space<vmem>> -> memref<1x128xi32, #tpu.memory_space<vmem>>
        %dma_wait3A_105 = tpu.memref_squeeze %dma_wait3A_104 : memref<1x128xi32, #tpu.memory_space<vmem>> -> memref<128xi32, #tpu.memory_space<vmem>>
        %dma_wait3A_106 = tpu.memref_slice %arg4[%add3A_76] : memref<320000xi32, #tpu.memory_space<hbm>> -> memref<128xi32, #tpu.memory_space<hbm>>
        tpu.wait_dma2 semaphore(%run_scoped3A_90 : memref<!tpu.dma_semaphore, #tpu.memory_space<semaphore_mem>>) src(%dma_wait3A_106 : memref<128xi32, #tpu.memory_space<hbm>>) dst(%dma_wait3A_105 : memref<128xi32, #tpu.memory_space<vmem>>)
        tpu.yield
      }) : () -> ()
      %dma_wait3A_78 = arith.constant 0 : i32
      %dma_wait3A_79 = arith.constant 0 : i32
      %dma_wait3A_80 = tpu.memref_slice %arg2[%dma_wait3A_78, %dma_wait3A_79] : memref<10000x128xf32, #tpu.memory_space<hbm>> -> memref<10000x128xf32, #tpu.memory_space<hbm>>
      tpu.wait_indirect_dma semaphore(%arg11 : memref<!tpu.dma_semaphore, #tpu.memory_space<semaphore_mem>>) src(%dma_wait3A_80 : memref<10000x128xf32, #tpu.memory_space<hbm>>) dst(%arg9 : memref<256x128xf32, #tpu.memory_space<vmem>>)
      %add3A_81 = arith.constant 64 : i32
      %add3A_82 = arith.addi %add3A_40, %add3A_81 : i32
      %lt3A_83 = arith.constant 1250 : i32
      %lt3A_84 = arith.cmpi slt, %add3A_82, %lt3A_83 : i32
      %convert_element_type3A_85 = arith.extui %lt3A_84 : i1 to i32
      %cond3A_86 = arith.constant 0 : i32
      %cond3A_87 = arith.cmpi ne, %convert_element_type3A_85, %cond3A_86 : i32
      scf.if %cond3A_87 {
        %add3A_90 = arith.constant 64 : i32
        %add3A_91 = arith.addi %add3A_40, %add3A_90 : i32
        %mul3A_92 = arith.constant 256 : i32
        %mul3A_93 = arith.muli %add3A_91, %mul3A_92 : i32
        %dma_start3A_94 = tpu.memref_slice %arg3[%mul3A_93] : memref<320000xi32, #tpu.memory_space<hbm>> -> memref<256xi32, #tpu.memory_space<hbm>>
        %dma_start3A_95 = tpu.memref_slice %arg3[%mul3A_93] : memref<320000xi32, #tpu.memory_space<hbm>> -> memref<256xi32, #tpu.memory_space<hbm>>
        tpu.enqueue_dma source(%dma_start3A_95 : memref<256xi32, #tpu.memory_space<hbm>>) target(%arg7 : memref<256xi32, #tpu.memory_space<vmem>>) target_semaphore(%arg13 : memref<!tpu.dma_semaphore, #tpu.memory_space<semaphore_mem>>)
      } else {
      }
      %run_scoped3A_88 = arith.constant 0 : i32
      "tpu.region"() ({
        %run_scoped3A_90 = tpu.sem_alloc : memref<!tpu.dma_semaphore, #tpu.memory_space<semaphore_mem>>
        %dma_start3A_91 = arith.constant 0 : i32
        %dma_start3A_92 = arith.constant 0 : i32
        %dma_start3A_93 = tpu.memref_slice %arg9[%dma_start3A_91, %dma_start3A_92] : memref<256x128xf32, #tpu.memory_space<vmem>> -> memref<128x128xf32, #tpu.memory_space<vmem>>
        %dma_start3A_94 = arith.constant 0 : i32
        %dma_start3A_95 = tpu.memref_slice %arg8[%run_scoped3A_88, %dma_start3A_94] : memref<2x128xi32, #tpu.memory_space<vmem>> -> memref<1x128xi32, #tpu.memory_space<vmem>>
        %dma_start3A_96 = tpu.memref_squeeze %dma_start3A_95 : memref<1x128xi32, #tpu.memory_space<vmem>> -> memref<128xi32, #tpu.memory_space<vmem>>
        %dma_start3A_97 = arith.constant 0 : i32
        %dma_start3A_98 = arith.constant 0 : i32
        %dma_start3A_99 = tpu.memref_slice %arg10[%dma_start3A_97, %dma_start3A_98] : memref<10240x128xf32, #tpu.memory_space<vmem_shared>> -> memref<10240x128xf32, #tpu.memory_space<vmem_shared>>
        tpu.enqueue_indirect_dma source(%dma_start3A_93 : memref<128x128xf32, #tpu.memory_space<vmem>>) target(%dma_start3A_99 : memref<10240x128xf32, #tpu.memory_space<vmem_shared>>) offsets(%dma_start3A_96 : memref<128xi32, #tpu.memory_space<vmem>>) semaphore(%run_scoped3A_90 : memref<!tpu.dma_semaphore, #tpu.memory_space<semaphore_mem>>) {add = true}
        %dma_wait3A_100 = arith.constant 0 : i32
        %dma_wait3A_101 = arith.constant 0 : i32
        %dma_wait3A_102 = tpu.memref_slice %arg9[%dma_wait3A_100, %dma_wait3A_101] : memref<256x128xf32, #tpu.memory_space<vmem>> -> memref<128x128xf32, #tpu.memory_space<vmem>>
        %dma_wait3A_103 = arith.constant 0 : i32
        %dma_wait3A_104 = tpu.memref_slice %arg8[%run_scoped3A_88, %dma_wait3A_103] : memref<2x128xi32, #tpu.memory_space<vmem>> -> memref<1x128xi32, #tpu.memory_space<vmem>>
        %dma_wait3A_105 = tpu.memref_squeeze %dma_wait3A_104 : memref<1x128xi32, #tpu.memory_space<vmem>> -> memref<128xi32, #tpu.memory_space<vmem>>
        %dma_wait3A_106 = arith.constant 0 : i32
        %dma_wait3A_107 = arith.constant 0 : i32
        %dma_wait3A_108 = tpu.memref_slice %arg10[%dma_wait3A_106, %dma_wait3A_107] : memref<10240x128xf32, #tpu.memory_space<vmem_shared>> -> memref<10240x128xf32, #tpu.memory_space<vmem_shared>>
        tpu.wait_indirect_dma semaphore(%run_scoped3A_90 : memref<!tpu.dma_semaphore, #tpu.memory_space<semaphore_mem>>) src(%dma_wait3A_102 : memref<128x128xf32, #tpu.memory_space<vmem>>) dst(%dma_wait3A_108 : memref<10240x128xf32, #tpu.memory_space<vmem_shared>>)
        tpu.yield
      }) : () -> ()
      %run_scoped3A_89 = arith.constant 1 : i32
      "tpu.region"() ({
        %run_scoped3A_90 = tpu.sem_alloc : memref<!tpu.dma_semaphore, #tpu.memory_space<semaphore_mem>>
        %dma_start3A_91 = arith.constant 128 : i32
        %dma_start3A_92 = arith.constant 0 : i32
        %dma_start3A_93 = tpu.memref_slice %arg9[%dma_start3A_91, %dma_start3A_92] : memref<256x128xf32, #tpu.memory_space<vmem>> -> memref<128x128xf32, #tpu.memory_space<vmem>>
        %dma_start3A_94 = arith.constant 0 : i32
        %dma_start3A_95 = tpu.memref_slice %arg8[%run_scoped3A_89, %dma_start3A_94] : memref<2x128xi32, #tpu.memory_space<vmem>> -> memref<1x128xi32, #tpu.memory_space<vmem>>
        %dma_start3A_96 = tpu.memref_squeeze %dma_start3A_95 : memref<1x128xi32, #tpu.memory_space<vmem>> -> memref<128xi32, #tpu.memory_space<vmem>>
        %dma_start3A_97 = arith.constant 0 : i32
        %dma_start3A_98 = arith.constant 0 : i32
        %dma_start3A_99 = tpu.memref_slice %arg10[%dma_start3A_97, %dma_start3A_98] : memref<10240x128xf32, #tpu.memory_space<vmem_shared>> -> memref<10240x128xf32, #tpu.memory_space<vmem_shared>>
        tpu.enqueue_indirect_dma source(%dma_start3A_93 : memref<128x128xf32, #tpu.memory_space<vmem>>) target(%dma_start3A_99 : memref<10240x128xf32, #tpu.memory_space<vmem_shared>>) offsets(%dma_start3A_96 : memref<128xi32, #tpu.memory_space<vmem>>) semaphore(%run_scoped3A_90 : memref<!tpu.dma_semaphore, #tpu.memory_space<semaphore_mem>>) {add = true}
        %dma_wait3A_100 = arith.constant 128 : i32
        %dma_wait3A_101 = arith.constant 0 : i32
        %dma_wait3A_102 = tpu.memref_slice %arg9[%dma_wait3A_100, %dma_wait3A_101] : memref<256x128xf32, #tpu.memory_space<vmem>> -> memref<128x128xf32, #tpu.memory_space<vmem>>
        %dma_wait3A_103 = arith.constant 0 : i32
        %dma_wait3A_104 = tpu.memref_slice %arg8[%run_scoped3A_89, %dma_wait3A_103] : memref<2x128xi32, #tpu.memory_space<vmem>> -> memref<1x128xi32, #tpu.memory_space<vmem>>
        %dma_wait3A_105 = tpu.memref_squeeze %dma_wait3A_104 : memref<1x128xi32, #tpu.memory_space<vmem>> -> memref<128xi32, #tpu.memory_space<vmem>>
        %dma_wait3A_106 = arith.constant 0 : i32
        %dma_wait3A_107 = arith.constant 0 : i32
        %dma_wait3A_108 = tpu.memref_slice %arg10[%dma_wait3A_106, %dma_wait3A_107] : memref<10240x128xf32, #tpu.memory_space<vmem_shared>> -> memref<10240x128xf32, #tpu.memory_space<vmem_shared>>
        tpu.wait_indirect_dma semaphore(%run_scoped3A_90 : memref<!tpu.dma_semaphore, #tpu.memory_space<semaphore_mem>>) src(%dma_wait3A_102 : memref<128x128xf32, #tpu.memory_space<vmem>>) dst(%dma_wait3A_108 : memref<10240x128xf32, #tpu.memory_space<vmem_shared>>)
        tpu.yield
      }) : () -> ()
    } else {
    }
    %scan3A_46 = arith.constant 0 : i32
    %scan3A_47 = arith.constant 1 : i32
    %scan3A_48 = arith.constant 19 : i32
    %scan3A_49 = arith.addi %scan3A_47, %scan3A_48 : i32
    %scan3A_50 = arith.constant 1 : i32
    %scan3A_51 = scf.for %scan3A_65 = %scan3A_47 to %scan3A_49 step %scan3A_50 iter_args(%scan3A_66 = %scan3A_46) -> (i32)  : i32 {
      %mul3A_67 = arith.constant 2 : i32
      %mul3A_68 = arith.muli %mul3A_67, %scan3A_65 : i32
      %mul3A_69 = arith.constant 32 : i32
      %mul3A_70 = arith.muli %mul3A_68, %mul3A_69 : i32
      %add3A_71 = arith.addi %add3A, %mul3A_70 : i32
      %lt3A_72 = arith.constant 1250 : i32
      %lt3A_73 = arith.cmpi slt, %add3A_71, %lt3A_72 : i32
      %convert_element_type3A_74 = arith.extui %lt3A_73 : i1 to i32
      %cond3A_75 = arith.constant 0 : i32
      %cond3A_76 = arith.cmpi ne, %convert_element_type3A_74, %cond3A_75 : i32
      scf.if %cond3A_76 {
        %dma_wait3A = arith.constant 0 : i32
        %dma_wait3A_90 = tpu.memref_slice %arg3[%dma_wait3A] : memref<320000xi32, #tpu.memory_space<hbm>> -> memref<256xi32, #tpu.memory_space<hbm>>
        %dma_wait3A_91 = arith.constant 0 : i32
        %dma_wait3A_92 = tpu.memref_slice %arg3[%dma_wait3A_91] : memref<320000xi32, #tpu.memory_space<hbm>> -> memref<256xi32, #tpu.memory_space<hbm>>
        tpu.wait_dma2 semaphore(%arg12 : memref<!tpu.dma_semaphore, #tpu.memory_space<semaphore_mem>>) src(%dma_wait3A_92 : memref<256xi32, #tpu.memory_space<hbm>>) dst(%arg6 : memref<256xi32, #tpu.memory_space<vmem>>)
        %dma_start3A_93 = arith.constant 0 : i32
        %dma_start3A_94 = arith.constant 0 : i32
        %dma_start3A_95 = tpu.memref_slice %arg2[%dma_start3A_93, %dma_start3A_94] : memref<10000x128xf32, #tpu.memory_space<hbm>> -> memref<10000x128xf32, #tpu.memory_space<hbm>>
        tpu.enqueue_indirect_dma source(%dma_start3A_95 : memref<10000x128xf32, #tpu.memory_space<hbm>>) target(%arg9 : memref<256x128xf32, #tpu.memory_space<vmem>>) offsets(%arg6 : memref<256xi32, #tpu.memory_space<vmem>>) semaphore(%arg11 : memref<!tpu.dma_semaphore, #tpu.memory_space<semaphore_mem>>)
        %mul3A_96 = arith.constant 256 : i32
        %mul3A_97 = arith.muli %add3A_71, %mul3A_96 : i32
        %run_scoped3A = arith.constant 0 : i32
        "tpu.region"() ({
          %run_scoped3A_115 = tpu.sem_alloc : memref<!tpu.dma_semaphore, #tpu.memory_space<semaphore_mem>>
          %dma_start3A_116 = arith.constant 0 : i32
          %dma_start3A_117 = tpu.memref_slice %arg8[%run_scoped3A, %dma_start3A_116] : memref<2x128xi32, #tpu.memory_space<vmem>> -> memref<1x128xi32, #tpu.memory_space<vmem>>
          %dma_start3A_118 = tpu.memref_squeeze %dma_start3A_117 : memref<1x128xi32, #tpu.memory_space<vmem>> -> memref<128xi32, #tpu.memory_space<vmem>>
          %dma_start3A_119 = tpu.memref_slice %arg4[%mul3A_97] : memref<320000xi32, #tpu.memory_space<hbm>> -> memref<128xi32, #tpu.memory_space<hbm>>
          %dma_start3A_120 = arith.constant 0 : i32
          %dma_start3A_121 = tpu.memref_slice %arg8[%run_scoped3A, %dma_start3A_120] : memref<2x128xi32, #tpu.memory_space<vmem>> -> memref<1x128xi32, #tpu.memory_space<vmem>>
          %dma_start3A_122 = tpu.memref_squeeze %dma_start3A_121 : memref<1x128xi32, #tpu.memory_space<vmem>> -> memref<128xi32, #tpu.memory_space<vmem>>
          %dma_start3A_123 = tpu.memref_slice %arg4[%mul3A_97] : memref<320000xi32, #tpu.memory_space<hbm>> -> memref<128xi32, #tpu.memory_space<hbm>>
          tpu.enqueue_dma source(%dma_start3A_123 : memref<128xi32, #tpu.memory_space<hbm>>) target(%dma_start3A_122 : memref<128xi32, #tpu.memory_space<vmem>>) target_semaphore(%run_scoped3A_115 : memref<!tpu.dma_semaphore, #tpu.memory_space<semaphore_mem>>)
          %dma_wait3A_124 = arith.constant 0 : i32
          %dma_wait3A_125 = tpu.memref_slice %arg8[%run_scoped3A, %dma_wait3A_124] : memref<2x128xi32, #tpu.memory_space<vmem>> -> memref<1x128xi32, #tpu.memory_space<vmem>>
          %dma_wait3A_126 = tpu.memref_squeeze %dma_wait3A_125 : memref<1x128xi32, #tpu.memory_space<vmem>> -> memref<128xi32, #tpu.memory_space<vmem>>
          %dma_wait3A_127 = tpu.memref_slice %arg4[%mul3A_97] : memref<320000xi32, #tpu.memory_space<hbm>> -> memref<128xi32, #tpu.memory_space<hbm>>
          %dma_wait3A_128 = arith.constant 0 : i32
          %dma_wait3A_129 = tpu.memref_slice %arg8[%run_scoped3A, %dma_wait3A_128] : memref<2x128xi32, #tpu.memory_space<vmem>> -> memref<1x128xi32, #tpu.memory_space<vmem>>
          %dma_wait3A_130 = tpu.memref_squeeze %dma_wait3A_129 : memref<1x128xi32, #tpu.memory_space<vmem>> -> memref<128xi32, #tpu.memory_space<vmem>>
          %dma_wait3A_131 = tpu.memref_slice %arg4[%mul3A_97] : memref<320000xi32, #tpu.memory_space<hbm>> -> memref<128xi32, #tpu.memory_space<hbm>>
          tpu.wait_dma2 semaphore(%run_scoped3A_115 : memref<!tpu.dma_semaphore, #tpu.memory_space<semaphore_mem>>) src(%dma_wait3A_131 : memref<128xi32, #tpu.memory_space<hbm>>) dst(%dma_wait3A_130 : memref<128xi32, #tpu.memory_space<vmem>>)
          tpu.yield
        }) : () -> ()
        %mul3A_98 = arith.constant 256 : i32
        %mul3A_99 = arith.muli %add3A_71, %mul3A_98 : i32
        %add3A_100 = arith.constant 128 : i32
        %add3A_101 = arith.addi %mul3A_99, %add3A_100 : i32
        %run_scoped3A_102 = arith.constant 1 : i32
        "tpu.region"() ({
          %run_scoped3A_115 = tpu.sem_alloc : memref<!tpu.dma_semaphore, #tpu.memory_space<semaphore_mem>>
          %dma_start3A_116 = arith.constant 0 : i32
          %dma_start3A_117 = tpu.memref_slice %arg8[%run_scoped3A_102, %dma_start3A_116] : memref<2x128xi32, #tpu.memory_space<vmem>> -> memref<1x128xi32, #tpu.memory_space<vmem>>
          %dma_start3A_118 = tpu.memref_squeeze %dma_start3A_117 : memref<1x128xi32, #tpu.memory_space<vmem>> -> memref<128xi32, #tpu.memory_space<vmem>>
          %dma_start3A_119 = tpu.memref_slice %arg4[%add3A_101] : memref<320000xi32, #tpu.memory_space<hbm>> -> memref<128xi32, #tpu.memory_space<hbm>>
          %dma_start3A_120 = arith.constant 0 : i32
          %dma_start3A_121 = tpu.memref_slice %arg8[%run_scoped3A_102, %dma_start3A_120] : memref<2x128xi32, #tpu.memory_space<vmem>> -> memref<1x128xi32, #tpu.memory_space<vmem>>
          %dma_start3A_122 = tpu.memref_squeeze %dma_start3A_121 : memref<1x128xi32, #tpu.memory_space<vmem>> -> memref<128xi32, #tpu.memory_space<vmem>>
          %dma_start3A_123 = tpu.memref_slice %arg4[%add3A_101] : memref<320000xi32, #tpu.memory_space<hbm>> -> memref<128xi32, #tpu.memory_space<hbm>>
          tpu.enqueue_dma source(%dma_start3A_123 : memref<128xi32, #tpu.memory_space<hbm>>) target(%dma_start3A_122 : memref<128xi32, #tpu.memory_space<vmem>>) target_semaphore(%run_scoped3A_115 : memref<!tpu.dma_semaphore, #tpu.memory_space<semaphore_mem>>)
          %dma_wait3A_124 = arith.constant 0 : i32
          %dma_wait3A_125 = tpu.memref_slice %arg8[%run_scoped3A_102, %dma_wait3A_124] : memref<2x128xi32, #tpu.memory_space<vmem>> -> memref<1x128xi32, #tpu.memory_space<vmem>>
          %dma_wait3A_126 = tpu.memref_squeeze %dma_wait3A_125 : memref<1x128xi32, #tpu.memory_space<vmem>> -> memref<128xi32, #tpu.memory_space<vmem>>
          %dma_wait3A_127 = tpu.memref_slice %arg4[%add3A_101] : memref<320000xi32, #tpu.memory_space<hbm>> -> memref<128xi32, #tpu.memory_space<hbm>>
          %dma_wait3A_128 = arith.constant 0 : i32
          %dma_wait3A_129 = tpu.memref_slice %arg8[%run_scoped3A_102, %dma_wait3A_128] : memref<2x128xi32, #tpu.memory_space<vmem>> -> memref<1x128xi32, #tpu.memory_space<vmem>>
          %dma_wait3A_130 = tpu.memref_squeeze %dma_wait3A_129 : memref<1x128xi32, #tpu.memory_space<vmem>> -> memref<128xi32, #tpu.memory_space<vmem>>
          %dma_wait3A_131 = tpu.memref_slice %arg4[%add3A_101] : memref<320000xi32, #tpu.memory_space<hbm>> -> memref<128xi32, #tpu.memory_space<hbm>>
          tpu.wait_dma2 semaphore(%run_scoped3A_115 : memref<!tpu.dma_semaphore, #tpu.memory_space<semaphore_mem>>) src(%dma_wait3A_131 : memref<128xi32, #tpu.memory_space<hbm>>) dst(%dma_wait3A_130 : memref<128xi32, #tpu.memory_space<vmem>>)
          tpu.yield
        }) : () -> ()
        %dma_wait3A_103 = arith.constant 0 : i32
        %dma_wait3A_104 = arith.constant 0 : i32
        %dma_wait3A_105 = tpu.memref_slice %arg2[%dma_wait3A_103, %dma_wait3A_104] : memref<10000x128xf32, #tpu.memory_space<hbm>> -> memref<10000x128xf32, #tpu.memory_space<hbm>>
        tpu.wait_indirect_dma semaphore(%arg11 : memref<!tpu.dma_semaphore, #tpu.memory_space<semaphore_mem>>) src(%dma_wait3A_105 : memref<10000x128xf32, #tpu.memory_space<hbm>>) dst(%arg9 : memref<256x128xf32, #tpu.memory_space<vmem>>)
        %add3A_106 = arith.constant 64 : i32
        %add3A_107 = arith.addi %add3A_71, %add3A_106 : i32
        %lt3A_108 = arith.constant 1250 : i32
        %lt3A_109 = arith.cmpi slt, %add3A_107, %lt3A_108 : i32
        %convert_element_type3A_110 = arith.extui %lt3A_109 : i1 to i32
        %cond3A_111 = arith.constant 0 : i32
        %cond3A_112 = arith.cmpi ne, %convert_element_type3A_110, %cond3A_111 : i32
        scf.if %cond3A_112 {
          %add3A_115 = arith.constant 64 : i32
          %add3A_116 = arith.addi %add3A_71, %add3A_115 : i32
          %mul3A_117 = arith.constant 256 : i32
          %mul3A_118 = arith.muli %add3A_116, %mul3A_117 : i32
          %dma_start3A_119 = tpu.memref_slice %arg3[%mul3A_118] : memref<320000xi32, #tpu.memory_space<hbm>> -> memref<256xi32, #tpu.memory_space<hbm>>
          %dma_start3A_120 = tpu.memref_slice %arg3[%mul3A_118] : memref<320000xi32, #tpu.memory_space<hbm>> -> memref<256xi32, #tpu.memory_space<hbm>>
          tpu.enqueue_dma source(%dma_start3A_120 : memref<256xi32, #tpu.memory_space<hbm>>) target(%arg6 : memref<256xi32, #tpu.memory_space<vmem>>) target_semaphore(%arg12 : memref<!tpu.dma_semaphore, #tpu.memory_space<semaphore_mem>>)
        } else {
        }
        %run_scoped3A_113 = arith.constant 0 : i32
        "tpu.region"() ({
          %run_scoped3A_115 = tpu.sem_alloc : memref<!tpu.dma_semaphore, #tpu.memory_space<semaphore_mem>>
          %dma_start3A_116 = arith.constant 0 : i32
          %dma_start3A_117 = arith.constant 0 : i32
          %dma_start3A_118 = tpu.memref_slice %arg9[%dma_start3A_116, %dma_start3A_117] : memref<256x128xf32, #tpu.memory_space<vmem>> -> memref<128x128xf32, #tpu.memory_space<vmem>>
          %dma_start3A_119 = arith.constant 0 : i32
          %dma_start3A_120 = tpu.memref_slice %arg8[%run_scoped3A_113, %dma_start3A_119] : memref<2x128xi32, #tpu.memory_space<vmem>> -> memref<1x128xi32, #tpu.memory_space<vmem>>
          %dma_start3A_121 = tpu.memref_squeeze %dma_start3A_120 : memref<1x128xi32, #tpu.memory_space<vmem>> -> memref<128xi32, #tpu.memory_space<vmem>>
          %dma_start3A_122 = arith.constant 0 : i32
          %dma_start3A_123 = arith.constant 0 : i32
          %dma_start3A_124 = tpu.memref_slice %arg10[%dma_start3A_122, %dma_start3A_123] : memref<10240x128xf32, #tpu.memory_space<vmem_shared>> -> memref<10240x128xf32, #tpu.memory_space<vmem_shared>>
          tpu.enqueue_indirect_dma source(%dma_start3A_118 : memref<128x128xf32, #tpu.memory_space<vmem>>) target(%dma_start3A_124 : memref<10240x128xf32, #tpu.memory_space<vmem_shared>>) offsets(%dma_start3A_121 : memref<128xi32, #tpu.memory_space<vmem>>) semaphore(%run_scoped3A_115 : memref<!tpu.dma_semaphore, #tpu.memory_space<semaphore_mem>>) {add = true}
          %dma_wait3A_125 = arith.constant 0 : i32
          %dma_wait3A_126 = arith.constant 0 : i32
          %dma_wait3A_127 = tpu.memref_slice %arg9[%dma_wait3A_125, %dma_wait3A_126] : memref<256x128xf32, #tpu.memory_space<vmem>> -> memref<128x128xf32, #tpu.memory_space<vmem>>
          %dma_wait3A_128 = arith.constant 0 : i32
          %dma_wait3A_129 = tpu.memref_slice %arg8[%run_scoped3A_113, %dma_wait3A_128] : memref<2x128xi32, #tpu.memory_space<vmem>> -> memref<1x128xi32, #tpu.memory_space<vmem>>
          %dma_wait3A_130 = tpu.memref_squeeze %dma_wait3A_129 : memref<1x128xi32, #tpu.memory_space<vmem>> -> memref<128xi32, #tpu.memory_space<vmem>>
          %dma_wait3A_131 = arith.constant 0 : i32
          %dma_wait3A_132 = arith.constant 0 : i32
          %dma_wait3A_133 = tpu.memref_slice %arg10[%dma_wait3A_131, %dma_wait3A_132] : memref<10240x128xf32, #tpu.memory_space<vmem_shared>> -> memref<10240x128xf32, #tpu.memory_space<vmem_shared>>
          tpu.wait_indirect_dma semaphore(%run_scoped3A_115 : memref<!tpu.dma_semaphore, #tpu.memory_space<semaphore_mem>>) src(%dma_wait3A_127 : memref<128x128xf32, #tpu.memory_space<vmem>>) dst(%dma_wait3A_133 : memref<10240x128xf32, #tpu.memory_space<vmem_shared>>)
          tpu.yield
        }) : () -> ()
        %run_scoped3A_114 = arith.constant 1 : i32
        "tpu.region"() ({
          %run_scoped3A_115 = tpu.sem_alloc : memref<!tpu.dma_semaphore, #tpu.memory_space<semaphore_mem>>
          %dma_start3A_116 = arith.constant 128 : i32
          %dma_start3A_117 = arith.constant 0 : i32
          %dma_start3A_118 = tpu.memref_slice %arg9[%dma_start3A_116, %dma_start3A_117] : memref<256x128xf32, #tpu.memory_space<vmem>> -> memref<128x128xf32, #tpu.memory_space<vmem>>
          %dma_start3A_119 = arith.constant 0 : i32
          %dma_start3A_120 = tpu.memref_slice %arg8[%run_scoped3A_114, %dma_start3A_119] : memref<2x128xi32, #tpu.memory_space<vmem>> -> memref<1x128xi32, #tpu.memory_space<vmem>>
          %dma_start3A_121 = tpu.memref_squeeze %dma_start3A_120 : memref<1x128xi32, #tpu.memory_space<vmem>> -> memref<128xi32, #tpu.memory_space<vmem>>
          %dma_start3A_122 = arith.constant 0 : i32
          %dma_start3A_123 = arith.constant 0 : i32
          %dma_start3A_124 = tpu.memref_slice %arg10[%dma_start3A_122, %dma_start3A_123] : memref<10240x128xf32, #tpu.memory_space<vmem_shared>> -> memref<10240x128xf32, #tpu.memory_space<vmem_shared>>
          tpu.enqueue_indirect_dma source(%dma_start3A_118 : memref<128x128xf32, #tpu.memory_space<vmem>>) target(%dma_start3A_124 : memref<10240x128xf32, #tpu.memory_space<vmem_shared>>) offsets(%dma_start3A_121 : memref<128xi32, #tpu.memory_space<vmem>>) semaphore(%run_scoped3A_115 : memref<!tpu.dma_semaphore, #tpu.memory_space<semaphore_mem>>) {add = true}
          %dma_wait3A_125 = arith.constant 128 : i32
          %dma_wait3A_126 = arith.constant 0 : i32
          %dma_wait3A_127 = tpu.memref_slice %arg9[%dma_wait3A_125, %dma_wait3A_126] : memref<256x128xf32, #tpu.memory_space<vmem>> -> memref<128x128xf32, #tpu.memory_space<vmem>>
          %dma_wait3A_128 = arith.constant 0 : i32
          %dma_wait3A_129 = tpu.memref_slice %arg8[%run_scoped3A_114, %dma_wait3A_128] : memref<2x128xi32, #tpu.memory_space<vmem>> -> memref<1x128xi32, #tpu.memory_space<vmem>>
          %dma_wait3A_130 = tpu.memref_squeeze %dma_wait3A_129 : memref<1x128xi32, #tpu.memory_space<vmem>> -> memref<128xi32, #tpu.memory_space<vmem>>
          %dma_wait3A_131 = arith.constant 0 : i32
          %dma_wait3A_132 = arith.constant 0 : i32
          %dma_wait3A_133 = tpu.memref_slice %arg10[%dma_wait3A_131, %dma_wait3A_132] : memref<10240x128xf32, #tpu.memory_space<vmem_shared>> -> memref<10240x128xf32, #tpu.memory_space<vmem_shared>>
          tpu.wait_indirect_dma semaphore(%run_scoped3A_115 : memref<!tpu.dma_semaphore, #tpu.memory_space<semaphore_mem>>) src(%dma_wait3A_127 : memref<128x128xf32, #tpu.memory_space<vmem>>) dst(%dma_wait3A_133 : memref<10240x128xf32, #tpu.memory_space<vmem_shared>>)
          tpu.yield
        }) : () -> ()
      } else {
      }
      %mul3A_77 = arith.constant 2 : i32
      %mul3A_78 = arith.muli %mul3A_77, %scan3A_65 : i32
      %add3A_79 = arith.constant 1 : i32
      %add3A_80 = arith.addi %mul3A_78, %add3A_79 : i32
      %mul3A_81 = arith.constant 32 : i32
      %mul3A_82 = arith.muli %add3A_80, %mul3A_81 : i32
      %add3A_83 = arith.addi %add3A, %mul3A_82 : i32
      %lt3A_84 = arith.constant 1250 : i32
      %lt3A_85 = arith.cmpi slt, %add3A_83, %lt3A_84 : i32
      %convert_element_type3A_86 = arith.extui %lt3A_85 : i1 to i32
      %cond3A_87 = arith.constant 0 : i32
      %cond3A_88 = arith.cmpi ne, %convert_element_type3A_86, %cond3A_87 : i32
      scf.if %cond3A_88 {
        %dma_wait3A = arith.constant 0 : i32
        %dma_wait3A_90 = tpu.memref_slice %arg3[%dma_wait3A] : memref<320000xi32, #tpu.memory_space<hbm>> -> memref<256xi32, #tpu.memory_space<hbm>>
        %dma_wait3A_91 = arith.constant 0 : i32
        %dma_wait3A_92 = tpu.memref_slice %arg3[%dma_wait3A_91] : memref<320000xi32, #tpu.memory_space<hbm>> -> memref<256xi32, #tpu.memory_space<hbm>>
        tpu.wait_dma2 semaphore(%arg13 : memref<!tpu.dma_semaphore, #tpu.memory_space<semaphore_mem>>) src(%dma_wait3A_92 : memref<256xi32, #tpu.memory_space<hbm>>) dst(%arg7 : memref<256xi32, #tpu.memory_space<vmem>>)
        %dma_start3A_93 = arith.constant 0 : i32
        %dma_start3A_94 = arith.constant 0 : i32
        %dma_start3A_95 = tpu.memref_slice %arg2[%dma_start3A_93, %dma_start3A_94] : memref<10000x128xf32, #tpu.memory_space<hbm>> -> memref<10000x128xf32, #tpu.memory_space<hbm>>
        tpu.enqueue_indirect_dma source(%dma_start3A_95 : memref<10000x128xf32, #tpu.memory_space<hbm>>) target(%arg9 : memref<256x128xf32, #tpu.memory_space<vmem>>) offsets(%arg7 : memref<256xi32, #tpu.memory_space<vmem>>) semaphore(%arg11 : memref<!tpu.dma_semaphore, #tpu.memory_space<semaphore_mem>>)
        %mul3A_96 = arith.constant 256 : i32
        %mul3A_97 = arith.muli %add3A_83, %mul3A_96 : i32
        %run_scoped3A = arith.constant 0 : i32
        "tpu.region"() ({
          %run_scoped3A_115 = tpu.sem_alloc : memref<!tpu.dma_semaphore, #tpu.memory_space<semaphore_mem>>
          %dma_start3A_116 = arith.constant 0 : i32
          %dma_start3A_117 = tpu.memref_slice %arg8[%run_scoped3A, %dma_start3A_116] : memref<2x128xi32, #tpu.memory_space<vmem>> -> memref<1x128xi32, #tpu.memory_space<vmem>>
          %dma_start3A_118 = tpu.memref_squeeze %dma_start3A_117 : memref<1x128xi32, #tpu.memory_space<vmem>> -> memref<128xi32, #tpu.memory_space<vmem>>
          %dma_start3A_119 = tpu.memref_slice %arg4[%mul3A_97] : memref<320000xi32, #tpu.memory_space<hbm>> -> memref<128xi32, #tpu.memory_space<hbm>>
          %dma_start3A_120 = arith.constant 0 : i32
          %dma_start3A_121 = tpu.memref_slice %arg8[%run_scoped3A, %dma_start3A_120] : memref<2x128xi32, #tpu.memory_space<vmem>> -> memref<1x128xi32, #tpu.memory_space<vmem>>
          %dma_start3A_122 = tpu.memref_squeeze %dma_start3A_121 : memref<1x128xi32, #tpu.memory_space<vmem>> -> memref<128xi32, #tpu.memory_space<vmem>>
          %dma_start3A_123 = tpu.memref_slice %arg4[%mul3A_97] : memref<320000xi32, #tpu.memory_space<hbm>> -> memref<128xi32, #tpu.memory_space<hbm>>
          tpu.enqueue_dma source(%dma_start3A_123 : memref<128xi32, #tpu.memory_space<hbm>>) target(%dma_start3A_122 : memref<128xi32, #tpu.memory_space<vmem>>) target_semaphore(%run_scoped3A_115 : memref<!tpu.dma_semaphore, #tpu.memory_space<semaphore_mem>>)
          %dma_wait3A_124 = arith.constant 0 : i32
          %dma_wait3A_125 = tpu.memref_slice %arg8[%run_scoped3A, %dma_wait3A_124] : memref<2x128xi32, #tpu.memory_space<vmem>> -> memref<1x128xi32, #tpu.memory_space<vmem>>
          %dma_wait3A_126 = tpu.memref_squeeze %dma_wait3A_125 : memref<1x128xi32, #tpu.memory_space<vmem>> -> memref<128xi32, #tpu.memory_space<vmem>>
          %dma_wait3A_127 = tpu.memref_slice %arg4[%mul3A_97] : memref<320000xi32, #tpu.memory_space<hbm>> -> memref<128xi32, #tpu.memory_space<hbm>>
          %dma_wait3A_128 = arith.constant 0 : i32
          %dma_wait3A_129 = tpu.memref_slice %arg8[%run_scoped3A, %dma_wait3A_128] : memref<2x128xi32, #tpu.memory_space<vmem>> -> memref<1x128xi32, #tpu.memory_space<vmem>>
          %dma_wait3A_130 = tpu.memref_squeeze %dma_wait3A_129 : memref<1x128xi32, #tpu.memory_space<vmem>> -> memref<128xi32, #tpu.memory_space<vmem>>
          %dma_wait3A_131 = tpu.memref_slice %arg4[%mul3A_97] : memref<320000xi32, #tpu.memory_space<hbm>> -> memref<128xi32, #tpu.memory_space<hbm>>
          tpu.wait_dma2 semaphore(%run_scoped3A_115 : memref<!tpu.dma_semaphore, #tpu.memory_space<semaphore_mem>>) src(%dma_wait3A_131 : memref<128xi32, #tpu.memory_space<hbm>>) dst(%dma_wait3A_130 : memref<128xi32, #tpu.memory_space<vmem>>)
          tpu.yield
        }) : () -> ()
        %mul3A_98 = arith.constant 256 : i32
        %mul3A_99 = arith.muli %add3A_83, %mul3A_98 : i32
        %add3A_100 = arith.constant 128 : i32
        %add3A_101 = arith.addi %mul3A_99, %add3A_100 : i32
        %run_scoped3A_102 = arith.constant 1 : i32
        "tpu.region"() ({
          %run_scoped3A_115 = tpu.sem_alloc : memref<!tpu.dma_semaphore, #tpu.memory_space<semaphore_mem>>
          %dma_start3A_116 = arith.constant 0 : i32
          %dma_start3A_117 = tpu.memref_slice %arg8[%run_scoped3A_102, %dma_start3A_116] : memref<2x128xi32, #tpu.memory_space<vmem>> -> memref<1x128xi32, #tpu.memory_space<vmem>>
          %dma_start3A_118 = tpu.memref_squeeze %dma_start3A_117 : memref<1x128xi32, #tpu.memory_space<vmem>> -> memref<128xi32, #tpu.memory_space<vmem>>
          %dma_start3A_119 = tpu.memref_slice %arg4[%add3A_101] : memref<320000xi32, #tpu.memory_space<hbm>> -> memref<128xi32, #tpu.memory_space<hbm>>
          %dma_start3A_120 = arith.constant 0 : i32
          %dma_start3A_121 = tpu.memref_slice %arg8[%run_scoped3A_102, %dma_start3A_120] : memref<2x128xi32, #tpu.memory_space<vmem>> -> memref<1x128xi32, #tpu.memory_space<vmem>>
          %dma_start3A_122 = tpu.memref_squeeze %dma_start3A_121 : memref<1x128xi32, #tpu.memory_space<vmem>> -> memref<128xi32, #tpu.memory_space<vmem>>
          %dma_start3A_123 = tpu.memref_slice %arg4[%add3A_101] : memref<320000xi32, #tpu.memory_space<hbm>> -> memref<128xi32, #tpu.memory_space<hbm>>
          tpu.enqueue_dma source(%dma_start3A_123 : memref<128xi32, #tpu.memory_space<hbm>>) target(%dma_start3A_122 : memref<128xi32, #tpu.memory_space<vmem>>) target_semaphore(%run_scoped3A_115 : memref<!tpu.dma_semaphore, #tpu.memory_space<semaphore_mem>>)
          %dma_wait3A_124 = arith.constant 0 : i32
          %dma_wait3A_125 = tpu.memref_slice %arg8[%run_scoped3A_102, %dma_wait3A_124] : memref<2x128xi32, #tpu.memory_space<vmem>> -> memref<1x128xi32, #tpu.memory_space<vmem>>
          %dma_wait3A_126 = tpu.memref_squeeze %dma_wait3A_125 : memref<1x128xi32, #tpu.memory_space<vmem>> -> memref<128xi32, #tpu.memory_space<vmem>>
          %dma_wait3A_127 = tpu.memref_slice %arg4[%add3A_101] : memref<320000xi32, #tpu.memory_space<hbm>> -> memref<128xi32, #tpu.memory_space<hbm>>
          %dma_wait3A_128 = arith.constant 0 : i32
          %dma_wait3A_129 = tpu.memref_slice %arg8[%run_scoped3A_102, %dma_wait3A_128] : memref<2x128xi32, #tpu.memory_space<vmem>> -> memref<1x128xi32, #tpu.memory_space<vmem>>
          %dma_wait3A_130 = tpu.memref_squeeze %dma_wait3A_129 : memref<1x128xi32, #tpu.memory_space<vmem>> -> memref<128xi32, #tpu.memory_space<vmem>>
          %dma_wait3A_131 = tpu.memref_slice %arg4[%add3A_101] : memref<320000xi32, #tpu.memory_space<hbm>> -> memref<128xi32, #tpu.memory_space<hbm>>
          tpu.wait_dma2 semaphore(%run_scoped3A_115 : memref<!tpu.dma_semaphore, #tpu.memory_space<semaphore_mem>>) src(%dma_wait3A_131 : memref<128xi32, #tpu.memory_space<hbm>>) dst(%dma_wait3A_130 : memref<128xi32, #tpu.memory_space<vmem>>)
          tpu.yield
        }) : () -> ()
        %dma_wait3A_103 = arith.constant 0 : i32
        %dma_wait3A_104 = arith.constant 0 : i32
        %dma_wait3A_105 = tpu.memref_slice %arg2[%dma_wait3A_103, %dma_wait3A_104] : memref<10000x128xf32, #tpu.memory_space<hbm>> -> memref<10000x128xf32, #tpu.memory_space<hbm>>
        tpu.wait_indirect_dma semaphore(%arg11 : memref<!tpu.dma_semaphore, #tpu.memory_space<semaphore_mem>>) src(%dma_wait3A_105 : memref<10000x128xf32, #tpu.memory_space<hbm>>) dst(%arg9 : memref<256x128xf32, #tpu.memory_space<vmem>>)
        %add3A_106 = arith.constant 64 : i32
        %add3A_107 = arith.addi %add3A_83, %add3A_106 : i32
        %lt3A_108 = arith.constant 1250 : i32
        %lt3A_109 = arith.cmpi slt, %add3A_107, %lt3A_108 : i32
        %convert_element_type3A_110 = arith.extui %lt3A_109 : i1 to i32
        %cond3A_111 = arith.constant 0 : i32
        %cond3A_112 = arith.cmpi ne, %convert_element_type3A_110, %cond3A_111 : i32
        scf.if %cond3A_112 {
          %add3A_115 = arith.constant 64 : i32
          %add3A_116 = arith.addi %add3A_83, %add3A_115 : i32
          %mul3A_117 = arith.constant 256 : i32
          %mul3A_118 = arith.muli %add3A_116, %mul3A_117 : i32
          %dma_start3A_119 = tpu.memref_slice %arg3[%mul3A_118] : memref<320000xi32, #tpu.memory_space<hbm>> -> memref<256xi32, #tpu.memory_space<hbm>>
          %dma_start3A_120 = tpu.memref_slice %arg3[%mul3A_118] : memref<320000xi32, #tpu.memory_space<hbm>> -> memref<256xi32, #tpu.memory_space<hbm>>
          tpu.enqueue_dma source(%dma_start3A_120 : memref<256xi32, #tpu.memory_space<hbm>>) target(%arg7 : memref<256xi32, #tpu.memory_space<vmem>>) target_semaphore(%arg13 : memref<!tpu.dma_semaphore, #tpu.memory_space<semaphore_mem>>)
        } else {
        }
        %run_scoped3A_113 = arith.constant 0 : i32
        "tpu.region"() ({
          %run_scoped3A_115 = tpu.sem_alloc : memref<!tpu.dma_semaphore, #tpu.memory_space<semaphore_mem>>
          %dma_start3A_116 = arith.constant 0 : i32
          %dma_start3A_117 = arith.constant 0 : i32
          %dma_start3A_118 = tpu.memref_slice %arg9[%dma_start3A_116, %dma_start3A_117] : memref<256x128xf32, #tpu.memory_space<vmem>> -> memref<128x128xf32, #tpu.memory_space<vmem>>
          %dma_start3A_119 = arith.constant 0 : i32
          %dma_start3A_120 = tpu.memref_slice %arg8[%run_scoped3A_113, %dma_start3A_119] : memref<2x128xi32, #tpu.memory_space<vmem>> -> memref<1x128xi32, #tpu.memory_space<vmem>>
          %dma_start3A_121 = tpu.memref_squeeze %dma_start3A_120 : memref<1x128xi32, #tpu.memory_space<vmem>> -> memref<128xi32, #tpu.memory_space<vmem>>
          %dma_start3A_122 = arith.constant 0 : i32
          %dma_start3A_123 = arith.constant 0 : i32
          %dma_start3A_124 = tpu.memref_slice %arg10[%dma_start3A_122, %dma_start3A_123] : memref<10240x128xf32, #tpu.memory_space<vmem_shared>> -> memref<10240x128xf32, #tpu.memory_space<vmem_shared>>
          tpu.enqueue_indirect_dma source(%dma_start3A_118 : memref<128x128xf32, #tpu.memory_space<vmem>>) target(%dma_start3A_124 : memref<10240x128xf32, #tpu.memory_space<vmem_shared>>) offsets(%dma_start3A_121 : memref<128xi32, #tpu.memory_space<vmem>>) semaphore(%run_scoped3A_115 : memref<!tpu.dma_semaphore, #tpu.memory_space<semaphore_mem>>) {add = true}
          %dma_wait3A_125 = arith.constant 0 : i32
          %dma_wait3A_126 = arith.constant 0 : i32
          %dma_wait3A_127 = tpu.memref_slice %arg9[%dma_wait3A_125, %dma_wait3A_126] : memref<256x128xf32, #tpu.memory_space<vmem>> -> memref<128x128xf32, #tpu.memory_space<vmem>>
          %dma_wait3A_128 = arith.constant 0 : i32
          %dma_wait3A_129 = tpu.memref_slice %arg8[%run_scoped3A_113, %dma_wait3A_128] : memref<2x128xi32, #tpu.memory_space<vmem>> -> memref<1x128xi32, #tpu.memory_space<vmem>>
          %dma_wait3A_130 = tpu.memref_squeeze %dma_wait3A_129 : memref<1x128xi32, #tpu.memory_space<vmem>> -> memref<128xi32, #tpu.memory_space<vmem>>
          %dma_wait3A_131 = arith.constant 0 : i32
          %dma_wait3A_132 = arith.constant 0 : i32
          %dma_wait3A_133 = tpu.memref_slice %arg10[%dma_wait3A_131, %dma_wait3A_132] : memref<10240x128xf32, #tpu.memory_space<vmem_shared>> -> memref<10240x128xf32, #tpu.memory_space<vmem_shared>>
          tpu.wait_indirect_dma semaphore(%run_scoped3A_115 : memref<!tpu.dma_semaphore, #tpu.memory_space<semaphore_mem>>) src(%dma_wait3A_127 : memref<128x128xf32, #tpu.memory_space<vmem>>) dst(%dma_wait3A_133 : memref<10240x128xf32, #tpu.memory_space<vmem_shared>>)
          tpu.yield
        }) : () -> ()
        %run_scoped3A_114 = arith.constant 1 : i32
        "tpu.region"() ({
          %run_scoped3A_115 = tpu.sem_alloc : memref<!tpu.dma_semaphore, #tpu.memory_space<semaphore_mem>>
          %dma_start3A_116 = arith.constant 128 : i32
          %dma_start3A_117 = arith.constant 0 : i32
          %dma_start3A_118 = tpu.memref_slice %arg9[%dma_start3A_116, %dma_start3A_117] : memref<256x128xf32, #tpu.memory_space<vmem>> -> memref<128x128xf32, #tpu.memory_space<vmem>>
          %dma_start3A_119 = arith.constant 0 : i32
          %dma_start3A_120 = tpu.memref_slice %arg8[%run_scoped3A_114, %dma_start3A_119] : memref<2x128xi32, #tpu.memory_space<vmem>> -> memref<1x128xi32, #tpu.memory_space<vmem>>
          %dma_start3A_121 = tpu.memref_squeeze %dma_start3A_120 : memref<1x128xi32, #tpu.memory_space<vmem>> -> memref<128xi32, #tpu.memory_space<vmem>>
          %dma_start3A_122 = arith.constant 0 : i32
          %dma_start3A_123 = arith.constant 0 : i32
          %dma_start3A_124 = tpu.memref_slice %arg10[%dma_start3A_122, %dma_start3A_123] : memref<10240x128xf32, #tpu.memory_space<vmem_shared>> -> memref<10240x128xf32, #tpu.memory_space<vmem_shared>>
          tpu.enqueue_indirect_dma source(%dma_start3A_118 : memref<128x128xf32, #tpu.memory_space<vmem>>) target(%dma_start3A_124 : memref<10240x128xf32, #tpu.memory_space<vmem_shared>>) offsets(%dma_start3A_121 : memref<128xi32, #tpu.memory_space<vmem>>) semaphore(%run_scoped3A_115 : memref<!tpu.dma_semaphore, #tpu.memory_space<semaphore_mem>>) {add = true}
          %dma_wait3A_125 = arith.constant 128 : i32
          %dma_wait3A_126 = arith.constant 0 : i32
          %dma_wait3A_127 = tpu.memref_slice %arg9[%dma_wait3A_125, %dma_wait3A_126] : memref<256x128xf32, #tpu.memory_space<vmem>> -> memref<128x128xf32, #tpu.memory_space<vmem>>
          %dma_wait3A_128 = arith.constant 0 : i32
          %dma_wait3A_129 = tpu.memref_slice %arg8[%run_scoped3A_114, %dma_wait3A_128] : memref<2x128xi32, #tpu.memory_space<vmem>> -> memref<1x128xi32, #tpu.memory_space<vmem>>
          %dma_wait3A_130 = tpu.memref_squeeze %dma_wait3A_129 : memref<1x128xi32, #tpu.memory_space<vmem>> -> memref<128xi32, #tpu.memory_space<vmem>>
          %dma_wait3A_131 = arith.constant 0 : i32
          %dma_wait3A_132 = arith.constant 0 : i32
          %dma_wait3A_133 = tpu.memref_slice %arg10[%dma_wait3A_131, %dma_wait3A_132] : memref<10240x128xf32, #tpu.memory_space<vmem_shared>> -> memref<10240x128xf32, #tpu.memory_space<vmem_shared>>
          tpu.wait_indirect_dma semaphore(%run_scoped3A_115 : memref<!tpu.dma_semaphore, #tpu.memory_space<semaphore_mem>>) src(%dma_wait3A_127 : memref<128x128xf32, #tpu.memory_space<vmem>>) dst(%dma_wait3A_133 : memref<10240x128xf32, #tpu.memory_space<vmem_shared>>)
          tpu.yield
        }) : () -> ()
      } else {
      }
      %scan3A_89 = arith.constant 0 : i32
      scf.yield %scan3A_89 : i32
    }
    %scan3A_52 = arith.constant 19 : i32
    %barrier3A_53 = arith.constant 0 : index
    tpu.barrier barrier_id(%barrier3A_53)
    %mul3A_54 = arith.constant 640 : i32
    %mul3A_55 = arith.muli %arg1, %mul3A_54 : i32
    %eq3A = arith.constant 0 : i32
    %eq3A_56 = arith.cmpi eq, %arg0, %eq3A : i32
    %convert_element_type3A_57 = arith.extui %eq3A_56 : i1 to i32
    %cond3A_58 = arith.constant 0 : i32
    %cond3A_59 = arith.cmpi ne, %convert_element_type3A_57, %cond3A_58 : i32
    scf.if %cond3A_59 {
      %run_scoped3A = arith.constant 0 : i32
      "tpu.region"() ({
        %run_scoped3A_65 = tpu.sem_alloc : memref<!tpu.dma_semaphore, #tpu.memory_space<semaphore_mem>>
        %dma_start3A_66 = arith.constant 0 : i32
        %dma_start3A_67 = tpu.memref_slice %arg5[%run_scoped3A, %mul3A_55, %dma_start3A_66] : memref<2x10240x128xf32, #tpu.memory_space<hbm>> -> memref<1x640x128xf32, #tpu.memory_space<hbm>>
        %dma_start3A_68 = tpu.memref_squeeze %dma_start3A_67 : memref<1x640x128xf32, #tpu.memory_space<hbm>> -> memref<640x128xf32, #tpu.memory_space<hbm>>
        %dma_start3A_69 = arith.constant 0 : i32
        %dma_start3A_70 = tpu.memref_slice %arg10[%mul3A_55, %dma_start3A_69] : memref<10240x128xf32, #tpu.memory_space<vmem_shared>> -> memref<640x128xf32, #tpu.memory_space<vmem_shared>>
        tpu.enqueue_dma source(%dma_start3A_70 : memref<640x128xf32, #tpu.memory_space<vmem_shared>>) target(%dma_start3A_68 : memref<640x128xf32, #tpu.memory_space<hbm>>) target_semaphore(%run_scoped3A_65 : memref<!tpu.dma_semaphore, #tpu.memory_space<semaphore_mem>>)
        %dma_wait3A = arith.constant 0 : i32
        %dma_wait3A_71 = tpu.memref_slice %arg5[%run_scoped3A, %mul3A_55, %dma_wait3A] : memref<2x10240x128xf32, #tpu.memory_space<hbm>> -> memref<1x640x128xf32, #tpu.memory_space<hbm>>
        %dma_wait3A_72 = tpu.memref_squeeze %dma_wait3A_71 : memref<1x640x128xf32, #tpu.memory_space<hbm>> -> memref<640x128xf32, #tpu.memory_space<hbm>>
        %dma_wait3A_73 = arith.constant 0 : i32
        %dma_wait3A_74 = tpu.memref_slice %arg10[%mul3A_55, %dma_wait3A_73] : memref<10240x128xf32, #tpu.memory_space<vmem_shared>> -> memref<640x128xf32, #tpu.memory_space<vmem_shared>>
        tpu.wait_dma2 semaphore(%run_scoped3A_65 : memref<!tpu.dma_semaphore, #tpu.memory_space<semaphore_mem>>) src(%dma_wait3A_74 : memref<640x128xf32, #tpu.memory_space<vmem_shared>>) dst(%dma_wait3A_72 : memref<640x128xf32, #tpu.memory_space<hbm>>)
        tpu.yield
      }) : () -> ()
    } else {
    }
    %eq3A_60 = arith.constant 1 : i32
    %eq3A_61 = arith.cmpi eq, %arg0, %eq3A_60 : i32
    %convert_element_type3A_62 = arith.extui %eq3A_61 : i1 to i32
    %cond3A_63 = arith.constant 0 : i32
    %cond3A_64 = arith.cmpi ne, %convert_element_type3A_62, %cond3A_63 : i32
    scf.if %cond3A_64 {
      %run_scoped3A = arith.constant 1 : i32
      "tpu.region"() ({
        %run_scoped3A_65 = tpu.sem_alloc : memref<!tpu.dma_semaphore, #tpu.memory_space<semaphore_mem>>
        %dma_start3A_66 = arith.constant 0 : i32
        %dma_start3A_67 = tpu.memref_slice %arg5[%run_scoped3A, %mul3A_55, %dma_start3A_66] : memref<2x10240x128xf32, #tpu.memory_space<hbm>> -> memref<1x640x128xf32, #tpu.memory_space<hbm>>
        %dma_start3A_68 = tpu.memref_squeeze %dma_start3A_67 : memref<1x640x128xf32, #tpu.memory_space<hbm>> -> memref<640x128xf32, #tpu.memory_space<hbm>>
        %dma_start3A_69 = arith.constant 0 : i32
        %dma_start3A_70 = tpu.memref_slice %arg10[%mul3A_55, %dma_start3A_69] : memref<10240x128xf32, #tpu.memory_space<vmem_shared>> -> memref<640x128xf32, #tpu.memory_space<vmem_shared>>
        tpu.enqueue_dma source(%dma_start3A_70 : memref<640x128xf32, #tpu.memory_space<vmem_shared>>) target(%dma_start3A_68 : memref<640x128xf32, #tpu.memory_space<hbm>>) target_semaphore(%run_scoped3A_65 : memref<!tpu.dma_semaphore, #tpu.memory_space<semaphore_mem>>)
        %dma_wait3A = arith.constant 0 : i32
        %dma_wait3A_71 = tpu.memref_slice %arg5[%run_scoped3A, %mul3A_55, %dma_wait3A] : memref<2x10240x128xf32, #tpu.memory_space<hbm>> -> memref<1x640x128xf32, #tpu.memory_space<hbm>>
        %dma_wait3A_72 = tpu.memref_squeeze %dma_wait3A_71 : memref<1x640x128xf32, #tpu.memory_space<hbm>> -> memref<640x128xf32, #tpu.memory_space<hbm>>
        %dma_wait3A_73 = arith.constant 0 : i32
        %dma_wait3A_74 = tpu.memref_slice %arg10[%mul3A_55, %dma_wait3A_73] : memref<10240x128xf32, #tpu.memory_space<vmem_shared>> -> memref<640x128xf32, #tpu.memory_space<vmem_shared>>
        tpu.wait_dma2 semaphore(%run_scoped3A_65 : memref<!tpu.dma_semaphore, #tpu.memory_space<semaphore_mem>>) src(%dma_wait3A_74 : memref<640x128xf32, #tpu.memory_space<vmem_shared>>) dst(%dma_wait3A_72 : memref<640x128xf32, #tpu.memory_space<hbm>>)
        tpu.yield
      }) : () -> ()
    } else {
    }
    return
  }
}

#map = affine_map<(d0, d1) -> (0)>
module attributes {stable_mosaic.version = 14 : i64} {
  func.func @_deg_body(%arg0: i32, %arg1: i32, %arg2: memref<320000xi32, #tpu.memory_space<hbm>>, %arg3: memref<320000xi32, #tpu.memory_space<hbm>>, %arg4: memref<10240xf32, #tpu.memory_space<hbm>>, %arg5: memref<10240xf32, #tpu.memory_space<hbm>>, %arg6: memref<10240xf32, #tpu.memory_space<hbm>>, %arg7: memref<10240xf32, #tpu.memory_space<hbm>>, %arg8: memref<2000xi32, #tpu.memory_space<vmem>>, %arg9: memref<10240xf32, #tpu.memory_space<vmem>>, %arg10: memref<10240xf32, #tpu.memory_space<vmem>>, %arg11: memref<10240xf32, #tpu.memory_space<vmem>>, %arg12: memref<640xf32, #tpu.memory_space<vmem>>, %arg13: memref<163840xf32, #tpu.memory_space<vmem_shared>>, %arg14: memref<163840xf32, #tpu.memory_space<vmem_shared>>) attributes {dimension_semantics = [#tpu.dimension_semantics<core_parallel>, #tpu.dimension_semantics<subcore_parallel>], iteration_bounds = array<i64: 2, 16>, scalar_prefetch = 0 : i64, scratch_operands = 7 : i64, tpu.core_type = #tpu.core_type<sc_vector_subcore>, window_params = [{transform_indices = #map}, {transform_indices = #map}, {transform_indices = #map}, {transform_indices = #map}, {transform_indices = #map}, {transform_indices = #map}]} {
    %broadcast_in_dim3A = arith.constant 0.000000e+00 : f32
    %broadcast_in_dim3A_0 = vector.broadcast %broadcast_in_dim3A : f32 to vector<16xf32>
    %broadcast_in_dim3A_1 = arith.constant 1.000000e+00 : f32
    %broadcast_in_dim3A_2 = vector.broadcast %broadcast_in_dim3A_1 : f32 to vector<16xf32>
    %scan3A = arith.constant 0 : i32
    %scan3A_3 = arith.constant 0 : i32
    %scan3A_4 = arith.constant 640 : i32
    %scan3A_5 = arith.addi %scan3A_3, %scan3A_4 : i32
    %scan3A_6 = arith.constant 1 : i32
    %scan3A_7 = scf.for %scan3A_26 = %scan3A_3 to %scan3A_5 step %scan3A_6 iter_args(%scan3A_27 = %scan3A) -> (i32)  : i32 {
      %mul3A_28 = arith.constant 16 : i32
      %mul3A_29 = arith.muli %scan3A_26, %mul3A_28 : i32
      %swap3A = arith.index_cast %mul3A_29 : i32 to index
      %swap3A_30 = tpu.vector_load %arg9[%swap3A] {strides = array<i32>} : memref<10240xf32, #tpu.memory_space<vmem>>, vector<16xf32>,
      tpu.vector_store %arg9[%swap3A], %broadcast_in_dim3A_0 {strides = array<i32>} : memref<10240xf32, #tpu.memory_space<vmem>>, vector<16xf32>,
      %mul3A_31 = arith.constant 16 : i32
      %mul3A_32 = arith.muli %scan3A_26, %mul3A_31 : i32
      %swap3A_33 = arith.index_cast %mul3A_32 : i32 to index
      %swap3A_34 = tpu.vector_load %arg10[%swap3A_33] {strides = array<i32>} : memref<10240xf32, #tpu.memory_space<vmem>>, vector<16xf32>,
      tpu.vector_store %arg10[%swap3A_33], %broadcast_in_dim3A_0 {strides = array<i32>} : memref<10240xf32, #tpu.memory_space<vmem>>, vector<16xf32>,
      %scan3A_35 = arith.constant 0 : i32
      scf.yield %scan3A_35 : i32
    }
    %scan3A_8 = arith.constant 640 : i32
    %scan3A_9 = arith.constant 0 : i32
    %scan3A_10 = arith.constant 0 : i32
    %scan3A_11 = arith.constant 5 : i32
    %scan3A_12 = arith.addi %scan3A_10, %scan3A_11 : i32
    %scan3A_13 = arith.constant 1 : i32
    %scan3A_14 = scf.for %scan3A_26 = %scan3A_10 to %scan3A_12 step %scan3A_13 iter_args(%scan3A_27 = %scan3A_9) -> (i32)  : i32 {
      %mul3A_28 = arith.constant 160000 : i32
      %mul3A_29 = arith.muli %arg0, %mul3A_28 : i32
      %mul3A_30 = arith.constant 10000 : i32
      %mul3A_31 = arith.muli %arg1, %mul3A_30 : i32
      %add3A = arith.addi %mul3A_29, %mul3A_31 : i32
      %mul3A_32 = arith.constant 2000 : i32
      %mul3A_33 = arith.muli %scan3A_26, %mul3A_32 : i32
      %add3A_34 = arith.addi %add3A, %mul3A_33 : i32
      "tpu.region"() ({
        %run_scoped3A = tpu.sem_alloc : memref<!tpu.dma_semaphore, #tpu.memory_space<semaphore_mem>>
        %dma_start3A = tpu.memref_slice %arg2[%add3A_34] : memref<320000xi32, #tpu.memory_space<hbm>> -> memref<2000xi32, #tpu.memory_space<hbm>>
        %dma_start3A_50 = tpu.memref_slice %arg2[%add3A_34] : memref<320000xi32, #tpu.memory_space<hbm>> -> memref<2000xi32, #tpu.memory_space<hbm>>
        tpu.enqueue_dma source(%dma_start3A_50 : memref<2000xi32, #tpu.memory_space<hbm>>) target(%arg8 : memref<2000xi32, #tpu.memory_space<vmem>>) target_semaphore(%run_scoped3A : memref<!tpu.dma_semaphore, #tpu.memory_space<semaphore_mem>>)
        %dma_wait3A = tpu.memref_slice %arg2[%add3A_34] : memref<320000xi32, #tpu.memory_space<hbm>> -> memref<2000xi32, #tpu.memory_space<hbm>>
        %dma_wait3A_51 = tpu.memref_slice %arg2[%add3A_34] : memref<320000xi32, #tpu.memory_space<hbm>> -> memref<2000xi32, #tpu.memory_space<hbm>>
        tpu.wait_dma2 semaphore(%run_scoped3A : memref<!tpu.dma_semaphore, #tpu.memory_space<semaphore_mem>>) src(%dma_wait3A_51 : memref<2000xi32, #tpu.memory_space<hbm>>) dst(%arg8 : memref<2000xi32, #tpu.memory_space<vmem>>)
        tpu.yield
      }) : () -> ()
      %scan3A_35 = arith.constant 0 : i32
      %scan3A_36 = arith.constant 0 : i32
      %scan3A_37 = arith.constant 125 : i32
      %scan3A_38 = arith.addi %scan3A_36, %scan3A_37 : i32
      %scan3A_39 = arith.constant 1 : i32
      %scan3A_40 = scf.for %scan3A_50 = %scan3A_36 to %scan3A_38 step %scan3A_39 iter_args(%scan3A_51 = %scan3A_35) -> (i32)  : i32 {
        %mul3A_52 = arith.constant 16 : i32
        %mul3A_53 = arith.muli %scan3A_50, %mul3A_52 : i32
        %get3A = arith.index_cast %mul3A_53 : i32 to index
        %get3A_54 = tpu.vector_load %arg8[%get3A] {strides = array<i32>} : memref<2000xi32, #tpu.memory_space<vmem>>, vector<16xi32>,
        tpu.vector_store_idx %arg9[%get3A_54], %broadcast_in_dim3A_2 {add = true} : memref<10240xf32, #tpu.memory_space<vmem>>[vector<16xi32>], vector<16xf32>,
        %scan3A_55 = arith.constant 0 : i32
        scf.yield %scan3A_55 : i32
      }
      %scan3A_41 = arith.constant 125 : i32
      "tpu.region"() ({
        %run_scoped3A = tpu.sem_alloc : memref<!tpu.dma_semaphore, #tpu.memory_space<semaphore_mem>>
        %dma_start3A = tpu.memref_slice %arg3[%add3A_34] : memref<320000xi32, #tpu.memory_space<hbm>> -> memref<2000xi32, #tpu.memory_space<hbm>>
        %dma_start3A_50 = tpu.memref_slice %arg3[%add3A_34] : memref<320000xi32, #tpu.memory_space<hbm>> -> memref<2000xi32, #tpu.memory_space<hbm>>
        tpu.enqueue_dma source(%dma_start3A_50 : memref<2000xi32, #tpu.memory_space<hbm>>) target(%arg8 : memref<2000xi32, #tpu.memory_space<vmem>>) target_semaphore(%run_scoped3A : memref<!tpu.dma_semaphore, #tpu.memory_space<semaphore_mem>>)
        %dma_wait3A = tpu.memref_slice %arg3[%add3A_34] : memref<320000xi32, #tpu.memory_space<hbm>> -> memref<2000xi32, #tpu.memory_space<hbm>>
        %dma_wait3A_51 = tpu.memref_slice %arg3[%add3A_34] : memref<320000xi32, #tpu.memory_space<hbm>> -> memref<2000xi32, #tpu.memory_space<hbm>>
        tpu.wait_dma2 semaphore(%run_scoped3A : memref<!tpu.dma_semaphore, #tpu.memory_space<semaphore_mem>>) src(%dma_wait3A_51 : memref<2000xi32, #tpu.memory_space<hbm>>) dst(%arg8 : memref<2000xi32, #tpu.memory_space<vmem>>)
        tpu.yield
      }) : () -> ()
      %scan3A_42 = arith.constant 0 : i32
      %scan3A_43 = arith.constant 0 : i32
      %scan3A_44 = arith.constant 125 : i32
      %scan3A_45 = arith.addi %scan3A_43, %scan3A_44 : i32
      %scan3A_46 = arith.constant 1 : i32
      %scan3A_47 = scf.for %scan3A_50 = %scan3A_43 to %scan3A_45 step %scan3A_46 iter_args(%scan3A_51 = %scan3A_42) -> (i32)  : i32 {
        %mul3A_52 = arith.constant 16 : i32
        %mul3A_53 = arith.muli %scan3A_50, %mul3A_52 : i32
        %get3A = arith.index_cast %mul3A_53 : i32 to index
        %get3A_54 = tpu.vector_load %arg8[%get3A] {strides = array<i32>} : memref<2000xi32, #tpu.memory_space<vmem>>, vector<16xi32>,
        tpu.vector_store_idx %arg10[%get3A_54], %broadcast_in_dim3A_2 {add = true} : memref<10240xf32, #tpu.memory_space<vmem>>[vector<16xi32>], vector<16xf32>,
        %scan3A_55 = arith.constant 0 : i32
        scf.yield %scan3A_55 : i32
      }
      %scan3A_48 = arith.constant 125 : i32
      %scan3A_49 = arith.constant 0 : i32
      scf.yield %scan3A_49 : i32
    }
    %scan3A_15 = arith.constant 5 : i32
    %mul3A = arith.constant 10240 : i32
    %mul3A_16 = arith.muli %arg1, %mul3A : i32
    "tpu.region"() ({
      %run_scoped3A = tpu.sem_alloc : memref<!tpu.dma_semaphore, #tpu.memory_space<semaphore_mem>>
      %dma_start3A = tpu.memref_slice %arg13[%mul3A_16] : memref<163840xf32, #tpu.memory_space<vmem_shared>> -> memref<10240xf32, #tpu.memory_space<vmem_shared>>
      %dma_start3A_26 = tpu.memref_slice %arg13[%mul3A_16] : memref<163840xf32, #tpu.memory_space<vmem_shared>> -> memref<10240xf32, #tpu.memory_space<vmem_shared>>
      tpu.enqueue_dma source(%arg9 : memref<10240xf32, #tpu.memory_space<vmem>>) target(%dma_start3A_26 : memref<10240xf32, #tpu.memory_space<vmem_shared>>) target_semaphore(%run_scoped3A : memref<!tpu.dma_semaphore, #tpu.memory_space<semaphore_mem>>)
      %dma_wait3A = tpu.memref_slice %arg13[%mul3A_16] : memref<163840xf32, #tpu.memory_space<vmem_shared>> -> memref<10240xf32, #tpu.memory_space<vmem_shared>>
      %dma_wait3A_27 = tpu.memref_slice %arg13[%mul3A_16] : memref<163840xf32, #tpu.memory_space<vmem_shared>> -> memref<10240xf32, #tpu.memory_space<vmem_shared>>
      tpu.wait_dma2 semaphore(%run_scoped3A : memref<!tpu.dma_semaphore, #tpu.memory_space<semaphore_mem>>) src(%arg9 : memref<10240xf32, #tpu.memory_space<vmem>>) dst(%dma_wait3A_27 : memref<10240xf32, #tpu.memory_space<vmem_shared>>)
      tpu.yield
    }) : () -> ()
    %mul3A_17 = arith.constant 10240 : i32
    %mul3A_18 = arith.muli %arg1, %mul3A_17 : i32
    "tpu.region"() ({
      %run_scoped3A = tpu.sem_alloc : memref<!tpu.dma_semaphore, #tpu.memory_space<semaphore_mem>>
      %dma_start3A = tpu.memref_slice %arg14[%mul3A_18] : memref<163840xf32, #tpu.memory_space<vmem_shared>> -> memref<10240xf32, #tpu.memory_space<vmem_shared>>
      %dma_start3A_26 = tpu.memref_slice %arg14[%mul3A_18] : memref<163840xf32, #tpu.memory_space<vmem_shared>> -> memref<10240xf32, #tpu.memory_space<vmem_shared>>
      tpu.enqueue_dma source(%arg10 : memref<10240xf32, #tpu.memory_space<vmem>>) target(%dma_start3A_26 : memref<10240xf32, #tpu.memory_space<vmem_shared>>) target_semaphore(%run_scoped3A : memref<!tpu.dma_semaphore, #tpu.memory_space<semaphore_mem>>)
      %dma_wait3A = tpu.memref_slice %arg14[%mul3A_18] : memref<163840xf32, #tpu.memory_space<vmem_shared>> -> memref<10240xf32, #tpu.memory_space<vmem_shared>>
      %dma_wait3A_27 = tpu.memref_slice %arg14[%mul3A_18] : memref<163840xf32, #tpu.memory_space<vmem_shared>> -> memref<10240xf32, #tpu.memory_space<vmem_shared>>
      tpu.wait_dma2 semaphore(%run_scoped3A : memref<!tpu.dma_semaphore, #tpu.memory_space<semaphore_mem>>) src(%arg10 : memref<10240xf32, #tpu.memory_space<vmem>>) dst(%dma_wait3A_27 : memref<10240xf32, #tpu.memory_space<vmem_shared>>)
      tpu.yield
    }) : () -> ()
    %barrier3A = arith.constant 0 : index
    tpu.barrier barrier_id(%barrier3A)
    %eq3A = arith.constant 0 : i32
    %eq3A_19 = arith.cmpi eq, %arg0, %eq3A : i32
    %convert_element_type3A = arith.extui %eq3A_19 : i1 to i32
    %cond3A = arith.constant 0 : i32
    %cond3A_20 = arith.cmpi ne, %convert_element_type3A, %cond3A : i32
    scf.if %cond3A_20 {
      %mul3A_26 = arith.constant 640 : i32
      %mul3A_27 = arith.muli %arg1, %mul3A_26 : i32
      %add3A = arith.constant 0 : i32
      %add3A_28 = arith.addi %add3A, %mul3A_27 : i32
      "tpu.region"() ({
        %run_scoped3A = tpu.sem_alloc : memref<!tpu.dma_semaphore, #tpu.memory_space<semaphore_mem>>
        %dma_start3A = arith.constant 0 : i32
        %dma_start3A_171 = tpu.memref_slice %arg11[%dma_start3A] : memref<10240xf32, #tpu.memory_space<vmem>> -> memref<640xf32, #tpu.memory_space<vmem>>
        %dma_start3A_172 = tpu.memref_slice %arg13[%add3A_28] : memref<163840xf32, #tpu.memory_space<vmem_shared>> -> memref<640xf32, #tpu.memory_space<vmem_shared>>
        %dma_start3A_173 = arith.constant 0 : i32
        %dma_start3A_174 = tpu.memref_slice %arg11[%dma_start3A_173] : memref<10240xf32, #tpu.memory_space<vmem>> -> memref<640xf32, #tpu.memory_space<vmem>>
        %dma_start3A_175 = tpu.memref_slice %arg13[%add3A_28] : memref<163840xf32, #tpu.memory_space<vmem_shared>> -> memref<640xf32, #tpu.memory_space<vmem_shared>>
        tpu.enqueue_dma source(%dma_start3A_175 : memref<640xf32, #tpu.memory_space<vmem_shared>>) target(%dma_start3A_174 : memref<640xf32, #tpu.memory_space<vmem>>) target_semaphore(%run_scoped3A : memref<!tpu.dma_semaphore, #tpu.memory_space<semaphore_mem>>)
        %dma_wait3A = arith.constant 0 : i32
        %dma_wait3A_176 = tpu.memref_slice %arg11[%dma_wait3A] : memref<10240xf32, #tpu.memory_space<vmem>> -> memref<640xf32, #tpu.memory_space<vmem>>
        %dma_wait3A_177 = tpu.memref_slice %arg13[%add3A_28] : memref<163840xf32, #tpu.memory_space<vmem_shared>> -> memref<640xf32, #tpu.memory_space<vmem_shared>>
        %dma_wait3A_178 = arith.constant 0 : i32
        %dma_wait3A_179 = tpu.memref_slice %arg11[%dma_wait3A_178] : memref<10240xf32, #tpu.memory_space<vmem>> -> memref<640xf32, #tpu.memory_space<vmem>>
        %dma_wait3A_180 = tpu.memref_slice %arg13[%add3A_28] : memref<163840xf32, #tpu.memory_space<vmem_shared>> -> memref<640xf32, #tpu.memory_space<vmem_shared>>
        tpu.wait_dma2 semaphore(%run_scoped3A : memref<!tpu.dma_semaphore, #tpu.memory_space<semaphore_mem>>) src(%dma_wait3A_180 : memref<640xf32, #tpu.memory_space<vmem_shared>>) dst(%dma_wait3A_179 : memref<640xf32, #tpu.memory_space<vmem>>)
        tpu.yield
      }) : () -> ()
      %mul3A_29 = arith.constant 640 : i32
      %mul3A_30 = arith.muli %arg1, %mul3A_29 : i32
      %add3A_31 = arith.constant 10240 : i32
      %add3A_32 = arith.addi %add3A_31, %mul3A_30 : i32
      "tpu.region"() ({
        %run_scoped3A = tpu.sem_alloc : memref<!tpu.dma_semaphore, #tpu.memory_space<semaphore_mem>>
        %dma_start3A = arith.constant 640 : i32
        %dma_start3A_171 = tpu.memref_slice %arg11[%dma_start3A] : memref<10240xf32, #tpu.memory_space<vmem>> -> memref<640xf32, #tpu.memory_space<vmem>>
        %dma_start3A_172 = tpu.memref_slice %arg13[%add3A_32] : memref<163840xf32, #tpu.memory_space<vmem_shared>> -> memref<640xf32, #tpu.memory_space<vmem_shared>>
        %dma_start3A_173 = arith.constant 640 : i32
        %dma_start3A_174 = tpu.memref_slice %arg11[%dma_start3A_173] : memref<10240xf32, #tpu.memory_space<vmem>> -> memref<640xf32, #tpu.memory_space<vmem>>
        %dma_start3A_175 = tpu.memref_slice %arg13[%add3A_32] : memref<163840xf32, #tpu.memory_space<vmem_shared>> -> memref<640xf32, #tpu.memory_space<vmem_shared>>
        tpu.enqueue_dma source(%dma_start3A_175 : memref<640xf32, #tpu.memory_space<vmem_shared>>) target(%dma_start3A_174 : memref<640xf32, #tpu.memory_space<vmem>>) target_semaphore(%run_scoped3A : memref<!tpu.dma_semaphore, #tpu.memory_space<semaphore_mem>>)
        %dma_wait3A = arith.constant 640 : i32
        %dma_wait3A_176 = tpu.memref_slice %arg11[%dma_wait3A] : memref<10240xf32, #tpu.memory_space<vmem>> -> memref<640xf32, #tpu.memory_space<vmem>>
        %dma_wait3A_177 = tpu.memref_slice %arg13[%add3A_32] : memref<163840xf32, #tpu.memory_space<vmem_shared>> -> memref<640xf32, #tpu.memory_space<vmem_shared>>
        %dma_wait3A_178 = arith.constant 640 : i32
        %dma_wait3A_179 = tpu.memref_slice %arg11[%dma_wait3A_178] : memref<10240xf32, #tpu.memory_space<vmem>> -> memref<640xf32, #tpu.memory_space<vmem>>
        %dma_wait3A_180 = tpu.memref_slice %arg13[%add3A_32] : memref<163840xf32, #tpu.memory_space<vmem_shared>> -> memref<640xf32, #tpu.memory_space<vmem_shared>>
        tpu.wait_dma2 semaphore(%run_scoped3A : memref<!tpu.dma_semaphore, #tpu.memory_space<semaphore_mem>>) src(%dma_wait3A_180 : memref<640xf32, #tpu.memory_space<vmem_shared>>) dst(%dma_wait3A_179 : memref<640xf32, #tpu.memory_space<vmem>>)
        tpu.yield
      }) : () -> ()
      %mul3A_33 = arith.constant 640 : i32
      %mul3A_34 = arith.muli %arg1, %mul3A_33 : i32
      %add3A_35 = arith.constant 20480 : i32
      %add3A_36 = arith.addi %add3A_35, %mul3A_34 : i32
      "tpu.region"() ({
        %run_scoped3A = tpu.sem_alloc : memref<!tpu.dma_semaphore, #tpu.memory_space<semaphore_mem>>
        %dma_start3A = arith.constant 1280 : i32
        %dma_start3A_171 = tpu.memref_slice %arg11[%dma_start3A] : memref<10240xf32, #tpu.memory_space<vmem>> -> memref<640xf32, #tpu.memory_space<vmem>>
        %dma_start3A_172 = tpu.memref_slice %arg13[%add3A_36] : memref<163840xf32, #tpu.memory_space<vmem_shared>> -> memref<640xf32, #tpu.memory_space<vmem_shared>>
        %dma_start3A_173 = arith.constant 1280 : i32
        %dma_start3A_174 = tpu.memref_slice %arg11[%dma_start3A_173] : memref<10240xf32, #tpu.memory_space<vmem>> -> memref<640xf32, #tpu.memory_space<vmem>>
        %dma_start3A_175 = tpu.memref_slice %arg13[%add3A_36] : memref<163840xf32, #tpu.memory_space<vmem_shared>> -> memref<640xf32, #tpu.memory_space<vmem_shared>>
        tpu.enqueue_dma source(%dma_start3A_175 : memref<640xf32, #tpu.memory_space<vmem_shared>>) target(%dma_start3A_174 : memref<640xf32, #tpu.memory_space<vmem>>) target_semaphore(%run_scoped3A : memref<!tpu.dma_semaphore, #tpu.memory_space<semaphore_mem>>)
        %dma_wait3A = arith.constant 1280 : i32
        %dma_wait3A_176 = tpu.memref_slice %arg11[%dma_wait3A] : memref<10240xf32, #tpu.memory_space<vmem>> -> memref<640xf32, #tpu.memory_space<vmem>>
        %dma_wait3A_177 = tpu.memref_slice %arg13[%add3A_36] : memref<163840xf32, #tpu.memory_space<vmem_shared>> -> memref<640xf32, #tpu.memory_space<vmem_shared>>
        %dma_wait3A_178 = arith.constant 1280 : i32
        %dma_wait3A_179 = tpu.memref_slice %arg11[%dma_wait3A_178] : memref<10240xf32, #tpu.memory_space<vmem>> -> memref<640xf32, #tpu.memory_space<vmem>>
        %dma_wait3A_180 = tpu.memref_slice %arg13[%add3A_36] : memref<163840xf32, #tpu.memory_space<vmem_shared>> -> memref<640xf32, #tpu.memory_space<vmem_shared>>
        tpu.wait_dma2 semaphore(%run_scoped3A : memref<!tpu.dma_semaphore, #tpu.memory_space<semaphore_mem>>) src(%dma_wait3A_180 : memref<640xf32, #tpu.memory_space<vmem_shared>>) dst(%dma_wait3A_179 : memref<640xf32, #tpu.memory_space<vmem>>)
        tpu.yield
      }) : () -> ()
      %mul3A_37 = arith.constant 640 : i32
      %mul3A_38 = arith.muli %arg1, %mul3A_37 : i32
      %add3A_39 = arith.constant 30720 : i32
      %add3A_40 = arith.addi %add3A_39, %mul3A_38 : i32
      "tpu.region"() ({
        %run_scoped3A = tpu.sem_alloc : memref<!tpu.dma_semaphore, #tpu.memory_space<semaphore_mem>>
        %dma_start3A = arith.constant 1920 : i32
        %dma_start3A_171 = tpu.memref_slice %arg11[%dma_start3A] : memref<10240xf32, #tpu.memory_space<vmem>> -> memref<640xf32, #tpu.memory_space<vmem>>
        %dma_start3A_172 = tpu.memref_slice %arg13[%add3A_40] : memref<163840xf32, #tpu.memory_space<vmem_shared>> -> memref<640xf32, #tpu.memory_space<vmem_shared>>
        %dma_start3A_173 = arith.constant 1920 : i32
        %dma_start3A_174 = tpu.memref_slice %arg11[%dma_start3A_173] : memref<10240xf32, #tpu.memory_space<vmem>> -> memref<640xf32, #tpu.memory_space<vmem>>
        %dma_start3A_175 = tpu.memref_slice %arg13[%add3A_40] : memref<163840xf32, #tpu.memory_space<vmem_shared>> -> memref<640xf32, #tpu.memory_space<vmem_shared>>
        tpu.enqueue_dma source(%dma_start3A_175 : memref<640xf32, #tpu.memory_space<vmem_shared>>) target(%dma_start3A_174 : memref<640xf32, #tpu.memory_space<vmem>>) target_semaphore(%run_scoped3A : memref<!tpu.dma_semaphore, #tpu.memory_space<semaphore_mem>>)
        %dma_wait3A = arith.constant 1920 : i32
        %dma_wait3A_176 = tpu.memref_slice %arg11[%dma_wait3A] : memref<10240xf32, #tpu.memory_space<vmem>> -> memref<640xf32, #tpu.memory_space<vmem>>
        %dma_wait3A_177 = tpu.memref_slice %arg13[%add3A_40] : memref<163840xf32, #tpu.memory_space<vmem_shared>> -> memref<640xf32, #tpu.memory_space<vmem_shared>>
        %dma_wait3A_178 = arith.constant 1920 : i32
        %dma_wait3A_179 = tpu.memref_slice %arg11[%dma_wait3A_178] : memref<10240xf32, #tpu.memory_space<vmem>> -> memref<640xf32, #tpu.memory_space<vmem>>
        %dma_wait3A_180 = tpu.memref_slice %arg13[%add3A_40] : memref<163840xf32, #tpu.memory_space<vmem_shared>> -> memref<640xf32, #tpu.memory_space<vmem_shared>>
        tpu.wait_dma2 semaphore(%run_scoped3A : memref<!tpu.dma_semaphore, #tpu.memory_space<semaphore_mem>>) src(%dma_wait3A_180 : memref<640xf32, #tpu.memory_space<vmem_shared>>) dst(%dma_wait3A_179 : memref<640xf32, #tpu.memory_space<vmem>>)
        tpu.yield
      }) : () -> ()
      %mul3A_41 = arith.constant 640 : i32
      %mul3A_42 = arith.muli %arg1, %mul3A_41 : i32
      %add3A_43 = arith.constant 40960 : i32
      %add3A_44 = arith.addi %add3A_43, %mul3A_42 : i32
      "tpu.region"() ({
        %run_scoped3A = tpu.sem_alloc : memref<!tpu.dma_semaphore, #tpu.memory_space<semaphore_mem>>
        %dma_start3A = arith.constant 2560 : i32
        %dma_start3A_171 = tpu.memref_slice %arg11[%dma_start3A] : memref<10240xf32, #tpu.memory_space<vmem>> -> memref<640xf32, #tpu.memory_space<vmem>>
        %dma_start3A_172 = tpu.memref_slice %arg13[%add3A_44] : memref<163840xf32, #tpu.memory_space<vmem_shared>> -> memref<640xf32, #tpu.memory_space<vmem_shared>>
        %dma_start3A_173 = arith.constant 2560 : i32
        %dma_start3A_174 = tpu.memref_slice %arg11[%dma_start3A_173] : memref<10240xf32, #tpu.memory_space<vmem>> -> memref<640xf32, #tpu.memory_space<vmem>>
        %dma_start3A_175 = tpu.memref_slice %arg13[%add3A_44] : memref<163840xf32, #tpu.memory_space<vmem_shared>> -> memref<640xf32, #tpu.memory_space<vmem_shared>>
        tpu.enqueue_dma source(%dma_start3A_175 : memref<640xf32, #tpu.memory_space<vmem_shared>>) target(%dma_start3A_174 : memref<640xf32, #tpu.memory_space<vmem>>) target_semaphore(%run_scoped3A : memref<!tpu.dma_semaphore, #tpu.memory_space<semaphore_mem>>)
        %dma_wait3A = arith.constant 2560 : i32
        %dma_wait3A_176 = tpu.memref_slice %arg11[%dma_wait3A] : memref<10240xf32, #tpu.memory_space<vmem>> -> memref<640xf32, #tpu.memory_space<vmem>>
        %dma_wait3A_177 = tpu.memref_slice %arg13[%add3A_44] : memref<163840xf32, #tpu.memory_space<vmem_shared>> -> memref<640xf32, #tpu.memory_space<vmem_shared>>
        %dma_wait3A_178 = arith.constant 2560 : i32
        %dma_wait3A_179 = tpu.memref_slice %arg11[%dma_wait3A_178] : memref<10240xf32, #tpu.memory_space<vmem>> -> memref<640xf32, #tpu.memory_space<vmem>>
        %dma_wait3A_180 = tpu.memref_slice %arg13[%add3A_44] : memref<163840xf32, #tpu.memory_space<vmem_shared>> -> memref<640xf32, #tpu.memory_space<vmem_shared>>
        tpu.wait_dma2 semaphore(%run_scoped3A : memref<!tpu.dma_semaphore, #tpu.memory_space<semaphore_mem>>) src(%dma_wait3A_180 : memref<640xf32, #tpu.memory_space<vmem_shared>>) dst(%dma_wait3A_179 : memref<640xf32, #tpu.memory_space<vmem>>)
        tpu.yield
      }) : () -> ()
      %mul3A_45 = arith.constant 640 : i32
      %mul3A_46 = arith.muli %arg1, %mul3A_45 : i32
      %add3A_47 = arith.constant 51200 : i32
      %add3A_48 = arith.addi %add3A_47, %mul3A_46 : i32
      "tpu.region"() ({
        %run_scoped3A = tpu.sem_alloc : memref<!tpu.dma_semaphore, #tpu.memory_space<semaphore_mem>>
        %dma_start3A = arith.constant 3200 : i32
        %dma_start3A_171 = tpu.memref_slice %arg11[%dma_start3A] : memref<10240xf32, #tpu.memory_space<vmem>> -> memref<640xf32, #tpu.memory_space<vmem>>
        %dma_start3A_172 = tpu.memref_slice %arg13[%add3A_48] : memref<163840xf32, #tpu.memory_space<vmem_shared>> -> memref<640xf32, #tpu.memory_space<vmem_shared>>
        %dma_start3A_173 = arith.constant 3200 : i32
        %dma_start3A_174 = tpu.memref_slice %arg11[%dma_start3A_173] : memref<10240xf32, #tpu.memory_space<vmem>> -> memref<640xf32, #tpu.memory_space<vmem>>
        %dma_start3A_175 = tpu.memref_slice %arg13[%add3A_48] : memref<163840xf32, #tpu.memory_space<vmem_shared>> -> memref<640xf32, #tpu.memory_space<vmem_shared>>
        tpu.enqueue_dma source(%dma_start3A_175 : memref<640xf32, #tpu.memory_space<vmem_shared>>) target(%dma_start3A_174 : memref<640xf32, #tpu.memory_space<vmem>>) target_semaphore(%run_scoped3A : memref<!tpu.dma_semaphore, #tpu.memory_space<semaphore_mem>>)
        %dma_wait3A = arith.constant 3200 : i32
        %dma_wait3A_176 = tpu.memref_slice %arg11[%dma_wait3A] : memref<10240xf32, #tpu.memory_space<vmem>> -> memref<640xf32, #tpu.memory_space<vmem>>
        %dma_wait3A_177 = tpu.memref_slice %arg13[%add3A_48] : memref<163840xf32, #tpu.memory_space<vmem_shared>> -> memref<640xf32, #tpu.memory_space<vmem_shared>>
        %dma_wait3A_178 = arith.constant 3200 : i32
        %dma_wait3A_179 = tpu.memref_slice %arg11[%dma_wait3A_178] : memref<10240xf32, #tpu.memory_space<vmem>> -> memref<640xf32, #tpu.memory_space<vmem>>
        %dma_wait3A_180 = tpu.memref_slice %arg13[%add3A_48] : memref<163840xf32, #tpu.memory_space<vmem_shared>> -> memref<640xf32, #tpu.memory_space<vmem_shared>>
        tpu.wait_dma2 semaphore(%run_scoped3A : memref<!tpu.dma_semaphore, #tpu.memory_space<semaphore_mem>>) src(%dma_wait3A_180 : memref<640xf32, #tpu.memory_space<vmem_shared>>) dst(%dma_wait3A_179 : memref<640xf32, #tpu.memory_space<vmem>>)
        tpu.yield
      }) : () -> ()
      %mul3A_49 = arith.constant 640 : i32
      %mul3A_50 = arith.muli %arg1, %mul3A_49 : i32
      %add3A_51 = arith.constant 61440 : i32
      %add3A_52 = arith.addi %add3A_51, %mul3A_50 : i32
      "tpu.region"() ({
        %run_scoped3A = tpu.sem_alloc : memref<!tpu.dma_semaphore, #tpu.memory_space<semaphore_mem>>
        %dma_start3A = arith.constant 3840 : i32
        %dma_start3A_171 = tpu.memref_slice %arg11[%dma_start3A] : memref<10240xf32, #tpu.memory_space<vmem>> -> memref<640xf32, #tpu.memory_space<vmem>>
        %dma_start3A_172 = tpu.memref_slice %arg13[%add3A_52] : memref<163840xf32, #tpu.memory_space<vmem_shared>> -> memref<640xf32, #tpu.memory_space<vmem_shared>>
        %dma_start3A_173 = arith.constant 3840 : i32
        %dma_start3A_174 = tpu.memref_slice %arg11[%dma_start3A_173] : memref<10240xf32, #tpu.memory_space<vmem>> -> memref<640xf32, #tpu.memory_space<vmem>>
        %dma_start3A_175 = tpu.memref_slice %arg13[%add3A_52] : memref<163840xf32, #tpu.memory_space<vmem_shared>> -> memref<640xf32, #tpu.memory_space<vmem_shared>>
        tpu.enqueue_dma source(%dma_start3A_175 : memref<640xf32, #tpu.memory_space<vmem_shared>>) target(%dma_start3A_174 : memref<640xf32, #tpu.memory_space<vmem>>) target_semaphore(%run_scoped3A : memref<!tpu.dma_semaphore, #tpu.memory_space<semaphore_mem>>)
        %dma_wait3A = arith.constant 3840 : i32
        %dma_wait3A_176 = tpu.memref_slice %arg11[%dma_wait3A] : memref<10240xf32, #tpu.memory_space<vmem>> -> memref<640xf32, #tpu.memory_space<vmem>>
        %dma_wait3A_177 = tpu.memref_slice %arg13[%add3A_52] : memref<163840xf32, #tpu.memory_space<vmem_shared>> -> memref<640xf32, #tpu.memory_space<vmem_shared>>
        %dma_wait3A_178 = arith.constant 3840 : i32
        %dma_wait3A_179 = tpu.memref_slice %arg11[%dma_wait3A_178] : memref<10240xf32, #tpu.memory_space<vmem>> -> memref<640xf32, #tpu.memory_space<vmem>>
        %dma_wait3A_180 = tpu.memref_slice %arg13[%add3A_52] : memref<163840xf32, #tpu.memory_space<vmem_shared>> -> memref<640xf32, #tpu.memory_space<vmem_shared>>
        tpu.wait_dma2 semaphore(%run_scoped3A : memref<!tpu.dma_semaphore, #tpu.memory_space<semaphore_mem>>) src(%dma_wait3A_180 : memref<640xf32, #tpu.memory_space<vmem_shared>>) dst(%dma_wait3A_179 : memref<640xf32, #tpu.memory_space<vmem>>)
        tpu.yield
      }) : () -> ()
      %mul3A_53 = arith.constant 640 : i32
      %mul3A_54 = arith.muli %arg1, %mul3A_53 : i32
      %add3A_55 = arith.constant 71680 : i32
      %add3A_56 = arith.addi %add3A_55, %mul3A_54 : i32
      "tpu.region"() ({
        %run_scoped3A = tpu.sem_alloc : memref<!tpu.dma_semaphore, #tpu.memory_space<semaphore_mem>>
        %dma_start3A = arith.constant 4480 : i32
        %dma_start3A_171 = tpu.memref_slice %arg11[%dma_start3A] : memref<10240xf32, #tpu.memory_space<vmem>> -> memref<640xf32, #tpu.memory_space<vmem>>
        %dma_start3A_172 = tpu.memref_slice %arg13[%add3A_56] : memref<163840xf32, #tpu.memory_space<vmem_shared>> -> memref<640xf32, #tpu.memory_space<vmem_shared>>
        %dma_start3A_173 = arith.constant 4480 : i32
        %dma_start3A_174 = tpu.memref_slice %arg11[%dma_start3A_173] : memref<10240xf32, #tpu.memory_space<vmem>> -> memref<640xf32, #tpu.memory_space<vmem>>
        %dma_start3A_175 = tpu.memref_slice %arg13[%add3A_56] : memref<163840xf32, #tpu.memory_space<vmem_shared>> -> memref<640xf32, #tpu.memory_space<vmem_shared>>
        tpu.enqueue_dma source(%dma_start3A_175 : memref<640xf32, #tpu.memory_space<vmem_shared>>) target(%dma_start3A_174 : memref<640xf32, #tpu.memory_space<vmem>>) target_semaphore(%run_scoped3A : memref<!tpu.dma_semaphore, #tpu.memory_space<semaphore_mem>>)
        %dma_wait3A = arith.constant 4480 : i32
        %dma_wait3A_176 = tpu.memref_slice %arg11[%dma_wait3A] : memref<10240xf32, #tpu.memory_space<vmem>> -> memref<640xf32, #tpu.memory_space<vmem>>
        %dma_wait3A_177 = tpu.memref_slice %arg13[%add3A_56] : memref<163840xf32, #tpu.memory_space<vmem_shared>> -> memref<640xf32, #tpu.memory_space<vmem_shared>>
        %dma_wait3A_178 = arith.constant 4480 : i32
        %dma_wait3A_179 = tpu.memref_slice %arg11[%dma_wait3A_178] : memref<10240xf32, #tpu.memory_space<vmem>> -> memref<640xf32, #tpu.memory_space<vmem>>
        %dma_wait3A_180 = tpu.memref_slice %arg13[%add3A_56] : memref<163840xf32, #tpu.memory_space<vmem_shared>> -> memref<640xf32, #tpu.memory_space<vmem_shared>>
        tpu.wait_dma2 semaphore(%run_scoped3A : memref<!tpu.dma_semaphore, #tpu.memory_space<semaphore_mem>>) src(%dma_wait3A_180 : memref<640xf32, #tpu.memory_space<vmem_shared>>) dst(%dma_wait3A_179 : memref<640xf32, #tpu.memory_space<vmem>>)
        tpu.yield
      }) : () -> ()
      %mul3A_57 = arith.constant 640 : i32
      %mul3A_58 = arith.muli %arg1, %mul3A_57 : i32
      %add3A_59 = arith.constant 81920 : i32
      %add3A_60 = arith.addi %add3A_59, %mul3A_58 : i32
      "tpu.region"() ({
        %run_scoped3A = tpu.sem_alloc : memref<!tpu.dma_semaphore, #tpu.memory_space<semaphore_mem>>
        %dma_start3A = arith.constant 5120 : i32
        %dma_start3A_171 = tpu.memref_slice %arg11[%dma_start3A] : memref<10240xf32, #tpu.memory_space<vmem>> -> memref<640xf32, #tpu.memory_space<vmem>>
        %dma_start3A_172 = tpu.memref_slice %arg13[%add3A_60] : memref<163840xf32, #tpu.memory_space<vmem_shared>> -> memref<640xf32, #tpu.memory_space<vmem_shared>>
        %dma_start3A_173 = arith.constant 5120 : i32
        %dma_start3A_174 = tpu.memref_slice %arg11[%dma_start3A_173] : memref<10240xf32, #tpu.memory_space<vmem>> -> memref<640xf32, #tpu.memory_space<vmem>>
        %dma_start3A_175 = tpu.memref_slice %arg13[%add3A_60] : memref<163840xf32, #tpu.memory_space<vmem_shared>> -> memref<640xf32, #tpu.memory_space<vmem_shared>>
        tpu.enqueue_dma source(%dma_start3A_175 : memref<640xf32, #tpu.memory_space<vmem_shared>>) target(%dma_start3A_174 : memref<640xf32, #tpu.memory_space<vmem>>) target_semaphore(%run_scoped3A : memref<!tpu.dma_semaphore, #tpu.memory_space<semaphore_mem>>)
        %dma_wait3A = arith.constant 5120 : i32
        %dma_wait3A_176 = tpu.memref_slice %arg11[%dma_wait3A] : memref<10240xf32, #tpu.memory_space<vmem>> -> memref<640xf32, #tpu.memory_space<vmem>>
        %dma_wait3A_177 = tpu.memref_slice %arg13[%add3A_60] : memref<163840xf32, #tpu.memory_space<vmem_shared>> -> memref<640xf32, #tpu.memory_space<vmem_shared>>
        %dma_wait3A_178 = arith.constant 5120 : i32
        %dma_wait3A_179 = tpu.memref_slice %arg11[%dma_wait3A_178] : memref<10240xf32, #tpu.memory_space<vmem>> -> memref<640xf32, #tpu.memory_space<vmem>>
        %dma_wait3A_180 = tpu.memref_slice %arg13[%add3A_60] : memref<163840xf32, #tpu.memory_space<vmem_shared>> -> memref<640xf32, #tpu.memory_space<vmem_shared>>
        tpu.wait_dma2 semaphore(%run_scoped3A : memref<!tpu.dma_semaphore, #tpu.memory_space<semaphore_mem>>) src(%dma_wait3A_180 : memref<640xf32, #tpu.memory_space<vmem_shared>>) dst(%dma_wait3A_179 : memref<640xf32, #tpu.memory_space<vmem>>)
        tpu.yield
      }) : () -> ()
      %mul3A_61 = arith.constant 640 : i32
      %mul3A_62 = arith.muli %arg1, %mul3A_61 : i32
      %add3A_63 = arith.constant 92160 : i32
      %add3A_64 = arith.addi %add3A_63, %mul3A_62 : i32
      "tpu.region"() ({
        %run_scoped3A = tpu.sem_alloc : memref<!tpu.dma_semaphore, #tpu.memory_space<semaphore_mem>>
        %dma_start3A = arith.constant 5760 : i32
        %dma_start3A_171 = tpu.memref_slice %arg11[%dma_start3A] : memref<10240xf32, #tpu.memory_space<vmem>> -> memref<640xf32, #tpu.memory_space<vmem>>
        %dma_start3A_172 = tpu.memref_slice %arg13[%add3A_64] : memref<163840xf32, #tpu.memory_space<vmem_shared>> -> memref<640xf32, #tpu.memory_space<vmem_shared>>
        %dma_start3A_173 = arith.constant 5760 : i32
        %dma_start3A_174 = tpu.memref_slice %arg11[%dma_start3A_173] : memref<10240xf32, #tpu.memory_space<vmem>> -> memref<640xf32, #tpu.memory_space<vmem>>
        %dma_start3A_175 = tpu.memref_slice %arg13[%add3A_64] : memref<163840xf32, #tpu.memory_space<vmem_shared>> -> memref<640xf32, #tpu.memory_space<vmem_shared>>
        tpu.enqueue_dma source(%dma_start3A_175 : memref<640xf32, #tpu.memory_space<vmem_shared>>) target(%dma_start3A_174 : memref<640xf32, #tpu.memory_space<vmem>>) target_semaphore(%run_scoped3A : memref<!tpu.dma_semaphore, #tpu.memory_space<semaphore_mem>>)
        %dma_wait3A = arith.constant 5760 : i32
        %dma_wait3A_176 = tpu.memref_slice %arg11[%dma_wait3A] : memref<10240xf32, #tpu.memory_space<vmem>> -> memref<640xf32, #tpu.memory_space<vmem>>
        %dma_wait3A_177 = tpu.memref_slice %arg13[%add3A_64] : memref<163840xf32, #tpu.memory_space<vmem_shared>> -> memref<640xf32, #tpu.memory_space<vmem_shared>>
        %dma_wait3A_178 = arith.constant 5760 : i32
        %dma_wait3A_179 = tpu.memref_slice %arg11[%dma_wait3A_178] : memref<10240xf32, #tpu.memory_space<vmem>> -> memref<640xf32, #tpu.memory_space<vmem>>
        %dma_wait3A_180 = tpu.memref_slice %arg13[%add3A_64] : memref<163840xf32, #tpu.memory_space<vmem_shared>> -> memref<640xf32, #tpu.memory_space<vmem_shared>>
        tpu.wait_dma2 semaphore(%run_scoped3A : memref<!tpu.dma_semaphore, #tpu.memory_space<semaphore_mem>>) src(%dma_wait3A_180 : memref<640xf32, #tpu.memory_space<vmem_shared>>) dst(%dma_wait3A_179 : memref<640xf32, #tpu.memory_space<vmem>>)
        tpu.yield
      }) : () -> ()
      %mul3A_65 = arith.constant 640 : i32
      %mul3A_66 = arith.muli %arg1, %mul3A_65 : i32
      %add3A_67 = arith.constant 102400 : i32
      %add3A_68 = arith.addi %add3A_67, %mul3A_66 : i32
      "tpu.region"() ({
        %run_scoped3A = tpu.sem_alloc : memref<!tpu.dma_semaphore, #tpu.memory_space<semaphore_mem>>
        %dma_start3A = arith.constant 6400 : i32
        %dma_start3A_171 = tpu.memref_slice %arg11[%dma_start3A] : memref<10240xf32, #tpu.memory_space<vmem>> -> memref<640xf32, #tpu.memory_space<vmem>>
        %dma_start3A_172 = tpu.memref_slice %arg13[%add3A_68] : memref<163840xf32, #tpu.memory_space<vmem_shared>> -> memref<640xf32, #tpu.memory_space<vmem_shared>>
        %dma_start3A_173 = arith.constant 6400 : i32
        %dma_start3A_174 = tpu.memref_slice %arg11[%dma_start3A_173] : memref<10240xf32, #tpu.memory_space<vmem>> -> memref<640xf32, #tpu.memory_space<vmem>>
        %dma_start3A_175 = tpu.memref_slice %arg13[%add3A_68] : memref<163840xf32, #tpu.memory_space<vmem_shared>> -> memref<640xf32, #tpu.memory_space<vmem_shared>>
        tpu.enqueue_dma source(%dma_start3A_175 : memref<640xf32, #tpu.memory_space<vmem_shared>>) target(%dma_start3A_174 : memref<640xf32, #tpu.memory_space<vmem>>) target_semaphore(%run_scoped3A : memref<!tpu.dma_semaphore, #tpu.memory_space<semaphore_mem>>)
        %dma_wait3A = arith.constant 6400 : i32
        %dma_wait3A_176 = tpu.memref_slice %arg11[%dma_wait3A] : memref<10240xf32, #tpu.memory_space<vmem>> -> memref<640xf32, #tpu.memory_space<vmem>>
        %dma_wait3A_177 = tpu.memref_slice %arg13[%add3A_68] : memref<163840xf32, #tpu.memory_space<vmem_shared>> -> memref<640xf32, #tpu.memory_space<vmem_shared>>
        %dma_wait3A_178 = arith.constant 6400 : i32
        %dma_wait3A_179 = tpu.memref_slice %arg11[%dma_wait3A_178] : memref<10240xf32, #tpu.memory_space<vmem>> -> memref<640xf32, #tpu.memory_space<vmem>>
        %dma_wait3A_180 = tpu.memref_slice %arg13[%add3A_68] : memref<163840xf32, #tpu.memory_space<vmem_shared>> -> memref<640xf32, #tpu.memory_space<vmem_shared>>
        tpu.wait_dma2 semaphore(%run_scoped3A : memref<!tpu.dma_semaphore, #tpu.memory_space<semaphore_mem>>) src(%dma_wait3A_180 : memref<640xf32, #tpu.memory_space<vmem_shared>>) dst(%dma_wait3A_179 : memref<640xf32, #tpu.memory_space<vmem>>)
        tpu.yield
      }) : () -> ()
      %mul3A_69 = arith.constant 640 : i32
      %mul3A_70 = arith.muli %arg1, %mul3A_69 : i32
      %add3A_71 = arith.constant 112640 : i32
      %add3A_72 = arith.addi %add3A_71, %mul3A_70 : i32
      "tpu.region"() ({
        %run_scoped3A = tpu.sem_alloc : memref<!tpu.dma_semaphore, #tpu.memory_space<semaphore_mem>>
        %dma_start3A = arith.constant 7040 : i32
        %dma_start3A_171 = tpu.memref_slice %arg11[%dma_start3A] : memref<10240xf32, #tpu.memory_space<vmem>> -> memref<640xf32, #tpu.memory_space<vmem>>
        %dma_start3A_172 = tpu.memref_slice %arg13[%add3A_72] : memref<163840xf32, #tpu.memory_space<vmem_shared>> -> memref<640xf32, #tpu.memory_space<vmem_shared>>
        %dma_start3A_173 = arith.constant 7040 : i32
        %dma_start3A_174 = tpu.memref_slice %arg11[%dma_start3A_173] : memref<10240xf32, #tpu.memory_space<vmem>> -> memref<640xf32, #tpu.memory_space<vmem>>
        %dma_start3A_175 = tpu.memref_slice %arg13[%add3A_72] : memref<163840xf32, #tpu.memory_space<vmem_shared>> -> memref<640xf32, #tpu.memory_space<vmem_shared>>
        tpu.enqueue_dma source(%dma_start3A_175 : memref<640xf32, #tpu.memory_space<vmem_shared>>) target(%dma_start3A_174 : memref<640xf32, #tpu.memory_space<vmem>>) target_semaphore(%run_scoped3A : memref<!tpu.dma_semaphore, #tpu.memory_space<semaphore_mem>>)
        %dma_wait3A = arith.constant 7040 : i32
        %dma_wait3A_176 = tpu.memref_slice %arg11[%dma_wait3A] : memref<10240xf32, #tpu.memory_space<vmem>> -> memref<640xf32, #tpu.memory_space<vmem>>
        %dma_wait3A_177 = tpu.memref_slice %arg13[%add3A_72] : memref<163840xf32, #tpu.memory_space<vmem_shared>> -> memref<640xf32, #tpu.memory_space<vmem_shared>>
        %dma_wait3A_178 = arith.constant 7040 : i32
        %dma_wait3A_179 = tpu.memref_slice %arg11[%dma_wait3A_178] : memref<10240xf32, #tpu.memory_space<vmem>> -> memref<640xf32, #tpu.memory_space<vmem>>
        %dma_wait3A_180 = tpu.memref_slice %arg13[%add3A_72] : memref<163840xf32, #tpu.memory_space<vmem_shared>> -> memref<640xf32, #tpu.memory_space<vmem_shared>>
        tpu.wait_dma2 semaphore(%run_scoped3A : memref<!tpu.dma_semaphore, #tpu.memory_space<semaphore_mem>>) src(%dma_wait3A_180 : memref<640xf32, #tpu.memory_space<vmem_shared>>) dst(%dma_wait3A_179 : memref<640xf32, #tpu.memory_space<vmem>>)
        tpu.yield
      }) : () -> ()
      %mul3A_73 = arith.constant 640 : i32
      %mul3A_74 = arith.muli %arg1, %mul3A_73 : i32
      %add3A_75 = arith.constant 122880 : i32
      %add3A_76 = arith.addi %add3A_75, %mul3A_74 : i32
      "tpu.region"() ({
        %run_scoped3A = tpu.sem_alloc : memref<!tpu.dma_semaphore, #tpu.memory_space<semaphore_mem>>
        %dma_start3A = arith.constant 7680 : i32
        %dma_start3A_171 = tpu.memref_slice %arg11[%dma_start3A] : memref<10240xf32, #tpu.memory_space<vmem>> -> memref<640xf32, #tpu.memory_space<vmem>>
        %dma_start3A_172 = tpu.memref_slice %arg13[%add3A_76] : memref<163840xf32, #tpu.memory_space<vmem_shared>> -> memref<640xf32, #tpu.memory_space<vmem_shared>>
        %dma_start3A_173 = arith.constant 7680 : i32
        %dma_start3A_174 = tpu.memref_slice %arg11[%dma_start3A_173] : memref<10240xf32, #tpu.memory_space<vmem>> -> memref<640xf32, #tpu.memory_space<vmem>>
        %dma_start3A_175 = tpu.memref_slice %arg13[%add3A_76] : memref<163840xf32, #tpu.memory_space<vmem_shared>> -> memref<640xf32, #tpu.memory_space<vmem_shared>>
        tpu.enqueue_dma source(%dma_start3A_175 : memref<640xf32, #tpu.memory_space<vmem_shared>>) target(%dma_start3A_174 : memref<640xf32, #tpu.memory_space<vmem>>) target_semaphore(%run_scoped3A : memref<!tpu.dma_semaphore, #tpu.memory_space<semaphore_mem>>)
        %dma_wait3A = arith.constant 7680 : i32
        %dma_wait3A_176 = tpu.memref_slice %arg11[%dma_wait3A] : memref<10240xf32, #tpu.memory_space<vmem>> -> memref<640xf32, #tpu.memory_space<vmem>>
        %dma_wait3A_177 = tpu.memref_slice %arg13[%add3A_76] : memref<163840xf32, #tpu.memory_space<vmem_shared>> -> memref<640xf32, #tpu.memory_space<vmem_shared>>
        %dma_wait3A_178 = arith.constant 7680 : i32
        %dma_wait3A_179 = tpu.memref_slice %arg11[%dma_wait3A_178] : memref<10240xf32, #tpu.memory_space<vmem>> -> memref<640xf32, #tpu.memory_space<vmem>>
        %dma_wait3A_180 = tpu.memref_slice %arg13[%add3A_76] : memref<163840xf32, #tpu.memory_space<vmem_shared>> -> memref<640xf32, #tpu.memory_space<vmem_shared>>
        tpu.wait_dma2 semaphore(%run_scoped3A : memref<!tpu.dma_semaphore, #tpu.memory_space<semaphore_mem>>) src(%dma_wait3A_180 : memref<640xf32, #tpu.memory_space<vmem_shared>>) dst(%dma_wait3A_179 : memref<640xf32, #tpu.memory_space<vmem>>)
        tpu.yield
      }) : () -> ()
      %mul3A_77 = arith.constant 640 : i32
      %mul3A_78 = arith.muli %arg1, %mul3A_77 : i32
      %add3A_79 = arith.constant 133120 : i32
      %add3A_80 = arith.addi %add3A_79, %mul3A_78 : i32
      "tpu.region"() ({
        %run_scoped3A = tpu.sem_alloc : memref<!tpu.dma_semaphore, #tpu.memory_space<semaphore_mem>>
        %dma_start3A = arith.constant 8320 : i32
        %dma_start3A_171 = tpu.memref_slice %arg11[%dma_start3A] : memref<10240xf32, #tpu.memory_space<vmem>> -> memref<640xf32, #tpu.memory_space<vmem>>
        %dma_start3A_172 = tpu.memref_slice %arg13[%add3A_80] : memref<163840xf32, #tpu.memory_space<vmem_shared>> -> memref<640xf32, #tpu.memory_space<vmem_shared>>
        %dma_start3A_173 = arith.constant 8320 : i32
        %dma_start3A_174 = tpu.memref_slice %arg11[%dma_start3A_173] : memref<10240xf32, #tpu.memory_space<vmem>> -> memref<640xf32, #tpu.memory_space<vmem>>
        %dma_start3A_175 = tpu.memref_slice %arg13[%add3A_80] : memref<163840xf32, #tpu.memory_space<vmem_shared>> -> memref<640xf32, #tpu.memory_space<vmem_shared>>
        tpu.enqueue_dma source(%dma_start3A_175 : memref<640xf32, #tpu.memory_space<vmem_shared>>) target(%dma_start3A_174 : memref<640xf32, #tpu.memory_space<vmem>>) target_semaphore(%run_scoped3A : memref<!tpu.dma_semaphore, #tpu.memory_space<semaphore_mem>>)
        %dma_wait3A = arith.constant 8320 : i32
        %dma_wait3A_176 = tpu.memref_slice %arg11[%dma_wait3A] : memref<10240xf32, #tpu.memory_space<vmem>> -> memref<640xf32, #tpu.memory_space<vmem>>
        %dma_wait3A_177 = tpu.memref_slice %arg13[%add3A_80] : memref<163840xf32, #tpu.memory_space<vmem_shared>> -> memref<640xf32, #tpu.memory_space<vmem_shared>>
        %dma_wait3A_178 = arith.constant 8320 : i32
        %dma_wait3A_179 = tpu.memref_slice %arg11[%dma_wait3A_178] : memref<10240xf32, #tpu.memory_space<vmem>> -> memref<640xf32, #tpu.memory_space<vmem>>
        %dma_wait3A_180 = tpu.memref_slice %arg13[%add3A_80] : memref<163840xf32, #tpu.memory_space<vmem_shared>> -> memref<640xf32, #tpu.memory_space<vmem_shared>>
        tpu.wait_dma2 semaphore(%run_scoped3A : memref<!tpu.dma_semaphore, #tpu.memory_space<semaphore_mem>>) src(%dma_wait3A_180 : memref<640xf32, #tpu.memory_space<vmem_shared>>) dst(%dma_wait3A_179 : memref<640xf32, #tpu.memory_space<vmem>>)
        tpu.yield
      }) : () -> ()
      %mul3A_81 = arith.constant 640 : i32
      %mul3A_82 = arith.muli %arg1, %mul3A_81 : i32
      %add3A_83 = arith.constant 143360 : i32
      %add3A_84 = arith.addi %add3A_83, %mul3A_82 : i32
      "tpu.region"() ({
        %run_scoped3A = tpu.sem_alloc : memref<!tpu.dma_semaphore, #tpu.memory_space<semaphore_mem>>
        %dma_start3A = arith.constant 8960 : i32
        %dma_start3A_171 = tpu.memref_slice %arg11[%dma_start3A] : memref<10240xf32, #tpu.memory_space<vmem>> -> memref<640xf32, #tpu.memory_space<vmem>>
        %dma_start3A_172 = tpu.memref_slice %arg13[%add3A_84] : memref<163840xf32, #tpu.memory_space<vmem_shared>> -> memref<640xf32, #tpu.memory_space<vmem_shared>>
        %dma_start3A_173 = arith.constant 8960 : i32
        %dma_start3A_174 = tpu.memref_slice %arg11[%dma_start3A_173] : memref<10240xf32, #tpu.memory_space<vmem>> -> memref<640xf32, #tpu.memory_space<vmem>>
        %dma_start3A_175 = tpu.memref_slice %arg13[%add3A_84] : memref<163840xf32, #tpu.memory_space<vmem_shared>> -> memref<640xf32, #tpu.memory_space<vmem_shared>>
        tpu.enqueue_dma source(%dma_start3A_175 : memref<640xf32, #tpu.memory_space<vmem_shared>>) target(%dma_start3A_174 : memref<640xf32, #tpu.memory_space<vmem>>) target_semaphore(%run_scoped3A : memref<!tpu.dma_semaphore, #tpu.memory_space<semaphore_mem>>)
        %dma_wait3A = arith.constant 8960 : i32
        %dma_wait3A_176 = tpu.memref_slice %arg11[%dma_wait3A] : memref<10240xf32, #tpu.memory_space<vmem>> -> memref<640xf32, #tpu.memory_space<vmem>>
        %dma_wait3A_177 = tpu.memref_slice %arg13[%add3A_84] : memref<163840xf32, #tpu.memory_space<vmem_shared>> -> memref<640xf32, #tpu.memory_space<vmem_shared>>
        %dma_wait3A_178 = arith.constant 8960 : i32
        %dma_wait3A_179 = tpu.memref_slice %arg11[%dma_wait3A_178] : memref<10240xf32, #tpu.memory_space<vmem>> -> memref<640xf32, #tpu.memory_space<vmem>>
        %dma_wait3A_180 = tpu.memref_slice %arg13[%add3A_84] : memref<163840xf32, #tpu.memory_space<vmem_shared>> -> memref<640xf32, #tpu.memory_space<vmem_shared>>
        tpu.wait_dma2 semaphore(%run_scoped3A : memref<!tpu.dma_semaphore, #tpu.memory_space<semaphore_mem>>) src(%dma_wait3A_180 : memref<640xf32, #tpu.memory_space<vmem_shared>>) dst(%dma_wait3A_179 : memref<640xf32, #tpu.memory_space<vmem>>)
        tpu.yield
      }) : () -> ()
      %mul3A_85 = arith.constant 640 : i32
      %mul3A_86 = arith.muli %arg1, %mul3A_85 : i32
      %add3A_87 = arith.constant 153600 : i32
      %add3A_88 = arith.addi %add3A_87, %mul3A_86 : i32
      "tpu.region"() ({
        %run_scoped3A = tpu.sem_alloc : memref<!tpu.dma_semaphore, #tpu.memory_space<semaphore_mem>>
        %dma_start3A = arith.constant 9600 : i32
        %dma_start3A_171 = tpu.memref_slice %arg11[%dma_start3A] : memref<10240xf32, #tpu.memory_space<vmem>> -> memref<640xf32, #tpu.memory_space<vmem>>
        %dma_start3A_172 = tpu.memref_slice %arg13[%add3A_88] : memref<163840xf32, #tpu.memory_space<vmem_shared>> -> memref<640xf32, #tpu.memory_space<vmem_shared>>
        %dma_start3A_173 = arith.constant 9600 : i32
        %dma_start3A_174 = tpu.memref_slice %arg11[%dma_start3A_173] : memref<10240xf32, #tpu.memory_space<vmem>> -> memref<640xf32, #tpu.memory_space<vmem>>
        %dma_start3A_175 = tpu.memref_slice %arg13[%add3A_88] : memref<163840xf32, #tpu.memory_space<vmem_shared>> -> memref<640xf32, #tpu.memory_space<vmem_shared>>
        tpu.enqueue_dma source(%dma_start3A_175 : memref<640xf32, #tpu.memory_space<vmem_shared>>) target(%dma_start3A_174 : memref<640xf32, #tpu.memory_space<vmem>>) target_semaphore(%run_scoped3A : memref<!tpu.dma_semaphore, #tpu.memory_space<semaphore_mem>>)
        %dma_wait3A = arith.constant 9600 : i32
        %dma_wait3A_176 = tpu.memref_slice %arg11[%dma_wait3A] : memref<10240xf32, #tpu.memory_space<vmem>> -> memref<640xf32, #tpu.memory_space<vmem>>
        %dma_wait3A_177 = tpu.memref_slice %arg13[%add3A_88] : memref<163840xf32, #tpu.memory_space<vmem_shared>> -> memref<640xf32, #tpu.memory_space<vmem_shared>>
        %dma_wait3A_178 = arith.constant 9600 : i32
        %dma_wait3A_179 = tpu.memref_slice %arg11[%dma_wait3A_178] : memref<10240xf32, #tpu.memory_space<vmem>> -> memref<640xf32, #tpu.memory_space<vmem>>
        %dma_wait3A_180 = tpu.memref_slice %arg13[%add3A_88] : memref<163840xf32, #tpu.memory_space<vmem_shared>> -> memref<640xf32, #tpu.memory_space<vmem_shared>>
        tpu.wait_dma2 semaphore(%run_scoped3A : memref<!tpu.dma_semaphore, #tpu.memory_space<semaphore_mem>>) src(%dma_wait3A_180 : memref<640xf32, #tpu.memory_space<vmem_shared>>) dst(%dma_wait3A_179 : memref<640xf32, #tpu.memory_space<vmem>>)
        tpu.yield
      }) : () -> ()
      %scan3A_89 = arith.constant 0 : i32
      %scan3A_90 = arith.constant 0 : i32
      %scan3A_91 = arith.constant 40 : i32
      %scan3A_92 = arith.addi %scan3A_90, %scan3A_91 : i32
      %scan3A_93 = arith.constant 1 : i32
      %scan3A_94 = scf.for %scan3A_171 = %scan3A_90 to %scan3A_92 step %scan3A_93 iter_args(%scan3A_172 = %scan3A_89) -> (i32)  : i32 {
        %mul3A_173 = arith.constant 16 : i32
        %mul3A_174 = arith.muli %scan3A_171, %mul3A_173 : i32
        %get3A = arith.index_cast %mul3A_174 : i32 to index
        %get3A_175 = tpu.vector_load %arg11[%get3A] {strides = array<i32>} : memref<10240xf32, #tpu.memory_space<vmem>>, vector<16xf32>,
        %mul3A_176 = arith.constant 16 : i32
        %mul3A_177 = arith.muli %scan3A_171, %mul3A_176 : i32
        %add3A_178 = arith.constant 640 : i32
        %add3A_179 = arith.addi %add3A_178, %mul3A_177 : i32
        %get3A_180 = arith.index_cast %add3A_179 : i32 to index
        %get3A_181 = tpu.vector_load %arg11[%get3A_180] {strides = array<i32>} : memref<10240xf32, #tpu.memory_space<vmem>>, vector<16xf32>,
        %add3A_182 = arith.addf %get3A_175, %get3A_181 : vector<16xf32>
        %mul3A_183 = arith.constant 16 : i32
        %mul3A_184 = arith.muli %scan3A_171, %mul3A_183 : i32
        %add3A_185 = arith.constant 1280 : i32
        %add3A_186 = arith.addi %add3A_185, %mul3A_184 : i32
        %get3A_187 = arith.index_cast %add3A_186 : i32 to index
        %get3A_188 = tpu.vector_load %arg11[%get3A_187] {strides = array<i32>} : memref<10240xf32, #tpu.memory_space<vmem>>, vector<16xf32>,
        %add3A_189 = arith.addf %add3A_182, %get3A_188 : vector<16xf32>
        %mul3A_190 = arith.constant 16 : i32
        %mul3A_191 = arith.muli %scan3A_171, %mul3A_190 : i32
        %add3A_192 = arith.constant 1920 : i32
        %add3A_193 = arith.addi %add3A_192, %mul3A_191 : i32
        %get3A_194 = arith.index_cast %add3A_193 : i32 to index
        %get3A_195 = tpu.vector_load %arg11[%get3A_194] {strides = array<i32>} : memref<10240xf32, #tpu.memory_space<vmem>>, vector<16xf32>,
        %add3A_196 = arith.addf %add3A_189, %get3A_195 : vector<16xf32>
        %mul3A_197 = arith.constant 16 : i32
        %mul3A_198 = arith.muli %scan3A_171, %mul3A_197 : i32
        %add3A_199 = arith.constant 2560 : i32
        %add3A_200 = arith.addi %add3A_199, %mul3A_198 : i32
        %get3A_201 = arith.index_cast %add3A_200 : i32 to index
        %get3A_202 = tpu.vector_load %arg11[%get3A_201] {strides = array<i32>} : memref<10240xf32, #tpu.memory_space<vmem>>, vector<16xf32>,
        %add3A_203 = arith.addf %add3A_196, %get3A_202 : vector<16xf32>
        %mul3A_204 = arith.constant 16 : i32
        %mul3A_205 = arith.muli %scan3A_171, %mul3A_204 : i32
        %add3A_206 = arith.constant 3200 : i32
        %add3A_207 = arith.addi %add3A_206, %mul3A_205 : i32
        %get3A_208 = arith.index_cast %add3A_207 : i32 to index
        %get3A_209 = tpu.vector_load %arg11[%get3A_208] {strides = array<i32>} : memref<10240xf32, #tpu.memory_space<vmem>>, vector<16xf32>,
        %add3A_210 = arith.addf %add3A_203, %get3A_209 : vector<16xf32>
        %mul3A_211 = arith.constant 16 : i32
        %mul3A_212 = arith.muli %scan3A_171, %mul3A_211 : i32
        %add3A_213 = arith.constant 3840 : i32
        %add3A_214 = arith.addi %add3A_213, %mul3A_212 : i32
        %get3A_215 = arith.index_cast %add3A_214 : i32 to index
        %get3A_216 = tpu.vector_load %arg11[%get3A_215] {strides = array<i32>} : memref<10240xf32, #tpu.memory_space<vmem>>, vector<16xf32>,
        %add3A_217 = arith.addf %add3A_210, %get3A_216 : vector<16xf32>
        %mul3A_218 = arith.constant 16 : i32
        %mul3A_219 = arith.muli %scan3A_171, %mul3A_218 : i32
        %add3A_220 = arith.constant 4480 : i32
        %add3A_221 = arith.addi %add3A_220, %mul3A_219 : i32
        %get3A_222 = arith.index_cast %add3A_221 : i32 to index
        %get3A_223 = tpu.vector_load %arg11[%get3A_222] {strides = array<i32>} : memref<10240xf32, #tpu.memory_space<vmem>>, vector<16xf32>,
        %add3A_224 = arith.addf %add3A_217, %get3A_223 : vector<16xf32>
        %mul3A_225 = arith.constant 16 : i32
        %mul3A_226 = arith.muli %scan3A_171, %mul3A_225 : i32
        %add3A_227 = arith.constant 5120 : i32
        %add3A_228 = arith.addi %add3A_227, %mul3A_226 : i32
        %get3A_229 = arith.index_cast %add3A_228 : i32 to index
        %get3A_230 = tpu.vector_load %arg11[%get3A_229] {strides = array<i32>} : memref<10240xf32, #tpu.memory_space<vmem>>, vector<16xf32>,
        %add3A_231 = arith.addf %add3A_224, %get3A_230 : vector<16xf32>
        %mul3A_232 = arith.constant 16 : i32
        %mul3A_233 = arith.muli %scan3A_171, %mul3A_232 : i32
        %add3A_234 = arith.constant 5760 : i32
        %add3A_235 = arith.addi %add3A_234, %mul3A_233 : i32
        %get3A_236 = arith.index_cast %add3A_235 : i32 to index
        %get3A_237 = tpu.vector_load %arg11[%get3A_236] {strides = array<i32>} : memref<10240xf32, #tpu.memory_space<vmem>>, vector<16xf32>,
        %add3A_238 = arith.addf %add3A_231, %get3A_237 : vector<16xf32>
        %mul3A_239 = arith.constant 16 : i32
        %mul3A_240 = arith.muli %scan3A_171, %mul3A_239 : i32
        %add3A_241 = arith.constant 6400 : i32
        %add3A_242 = arith.addi %add3A_241, %mul3A_240 : i32
        %get3A_243 = arith.index_cast %add3A_242 : i32 to index
        %get3A_244 = tpu.vector_load %arg11[%get3A_243] {strides = array<i32>} : memref<10240xf32, #tpu.memory_space<vmem>>, vector<16xf32>,
        %add3A_245 = arith.addf %add3A_238, %get3A_244 : vector<16xf32>
        %mul3A_246 = arith.constant 16 : i32
        %mul3A_247 = arith.muli %scan3A_171, %mul3A_246 : i32
        %add3A_248 = arith.constant 7040 : i32
        %add3A_249 = arith.addi %add3A_248, %mul3A_247 : i32
        %get3A_250 = arith.index_cast %add3A_249 : i32 to index
        %get3A_251 = tpu.vector_load %arg11[%get3A_250] {strides = array<i32>} : memref<10240xf32, #tpu.memory_space<vmem>>, vector<16xf32>,
        %add3A_252 = arith.addf %add3A_245, %get3A_251 : vector<16xf32>
        %mul3A_253 = arith.constant 16 : i32
        %mul3A_254 = arith.muli %scan3A_171, %mul3A_253 : i32
        %add3A_255 = arith.constant 7680 : i32
        %add3A_256 = arith.addi %add3A_255, %mul3A_254 : i32
        %get3A_257 = arith.index_cast %add3A_256 : i32 to index
        %get3A_258 = tpu.vector_load %arg11[%get3A_257] {strides = array<i32>} : memref<10240xf32, #tpu.memory_space<vmem>>, vector<16xf32>,
        %add3A_259 = arith.addf %add3A_252, %get3A_258 : vector<16xf32>
        %mul3A_260 = arith.constant 16 : i32
        %mul3A_261 = arith.muli %scan3A_171, %mul3A_260 : i32
        %add3A_262 = arith.constant 8320 : i32
        %add3A_263 = arith.addi %add3A_262, %mul3A_261 : i32
        %get3A_264 = arith.index_cast %add3A_263 : i32 to index
        %get3A_265 = tpu.vector_load %arg11[%get3A_264] {strides = array<i32>} : memref<10240xf32, #tpu.memory_space<vmem>>, vector<16xf32>,
        %add3A_266 = arith.addf %add3A_259, %get3A_265 : vector<16xf32>
        %mul3A_267 = arith.constant 16 : i32
        %mul3A_268 = arith.muli %scan3A_171, %mul3A_267 : i32
        %add3A_269 = arith.constant 8960 : i32
        %add3A_270 = arith.addi %add3A_269, %mul3A_268 : i32
        %get3A_271 = arith.index_cast %add3A_270 : i32 to index
        %get3A_272 = tpu.vector_load %arg11[%get3A_271] {strides = array<i32>} : memref<10240xf32, #tpu.memory_space<vmem>>, vector<16xf32>,
        %add3A_273 = arith.addf %add3A_266, %get3A_272 : vector<16xf32>
        %mul3A_274 = arith.constant 16 : i32
        %mul3A_275 = arith.muli %scan3A_171, %mul3A_274 : i32
        %add3A_276 = arith.constant 9600 : i32
        %add3A_277 = arith.addi %add3A_276, %mul3A_275 : i32
        %get3A_278 = arith.index_cast %add3A_277 : i32 to index
        %get3A_279 = tpu.vector_load %arg11[%get3A_278] {strides = array<i32>} : memref<10240xf32, #tpu.memory_space<vmem>>, vector<16xf32>,
        %add3A_280 = arith.addf %add3A_273, %get3A_279 : vector<16xf32>
        %mul3A_281 = arith.constant 16 : i32
        %mul3A_282 = arith.muli %scan3A_171, %mul3A_281 : i32
        %swap3A = arith.index_cast %mul3A_282 : i32 to index
        %swap3A_283 = tpu.vector_load %arg12[%swap3A] {strides = array<i32>} : memref<640xf32, #tpu.memory_space<vmem>>, vector<16xf32>,
        tpu.vector_store %arg12[%swap3A], %add3A_280 {strides = array<i32>} : memref<640xf32, #tpu.memory_space<vmem>>, vector<16xf32>,
        %scan3A_284 = arith.constant 0 : i32
        scf.yield %scan3A_284 : i32
      }
      %scan3A_95 = arith.constant 40 : i32
      %mul3A_96 = arith.constant 640 : i32
      %mul3A_97 = arith.muli %arg1, %mul3A_96 : i32
      "tpu.region"() ({
        %run_scoped3A = tpu.sem_alloc : memref<!tpu.dma_semaphore, #tpu.memory_space<semaphore_mem>>
        %dma_start3A = tpu.memref_slice %arg4[%mul3A_97] : memref<10240xf32, #tpu.memory_space<hbm>> -> memref<640xf32, #tpu.memory_space<hbm>>
        %dma_start3A_171 = tpu.memref_slice %arg4[%mul3A_97] : memref<10240xf32, #tpu.memory_space<hbm>> -> memref<640xf32, #tpu.memory_space<hbm>>
        tpu.enqueue_dma source(%arg12 : memref<640xf32, #tpu.memory_space<vmem>>) target(%dma_start3A_171 : memref<640xf32, #tpu.memory_space<hbm>>) target_semaphore(%run_scoped3A : memref<!tpu.dma_semaphore, #tpu.memory_space<semaphore_mem>>)
        %dma_wait3A = tpu.memref_slice %arg4[%mul3A_97] : memref<10240xf32, #tpu.memory_space<hbm>> -> memref<640xf32, #tpu.memory_space<hbm>>
        %dma_wait3A_172 = tpu.memref_slice %arg4[%mul3A_97] : memref<10240xf32, #tpu.memory_space<hbm>> -> memref<640xf32, #tpu.memory_space<hbm>>
        tpu.wait_dma2 semaphore(%run_scoped3A : memref<!tpu.dma_semaphore, #tpu.memory_space<semaphore_mem>>) src(%arg12 : memref<640xf32, #tpu.memory_space<vmem>>) dst(%dma_wait3A_172 : memref<640xf32, #tpu.memory_space<hbm>>)
        tpu.yield
      }) : () -> ()
      %mul3A_98 = arith.constant 640 : i32
      %mul3A_99 = arith.muli %arg1, %mul3A_98 : i32
      %add3A_100 = arith.constant 0 : i32
      %add3A_101 = arith.addi %add3A_100, %mul3A_99 : i32
      "tpu.region"() ({
        %run_scoped3A = tpu.sem_alloc : memref<!tpu.dma_semaphore, #tpu.memory_space<semaphore_mem>>
        %dma_start3A = arith.constant 0 : i32
        %dma_start3A_171 = tpu.memref_slice %arg11[%dma_start3A] : memref<10240xf32, #tpu.memory_space<vmem>> -> memref<640xf32, #tpu.memory_space<vmem>>
        %dma_start3A_172 = tpu.memref_slice %arg14[%add3A_101] : memref<163840xf32, #tpu.memory_space<vmem_shared>> -> memref<640xf32, #tpu.memory_space<vmem_shared>>
        %dma_start3A_173 = arith.constant 0 : i32
        %dma_start3A_174 = tpu.memref_slice %arg11[%dma_start3A_173] : memref<10240xf32, #tpu.memory_space<vmem>> -> memref<640xf32, #tpu.memory_space<vmem>>
        %dma_start3A_175 = tpu.memref_slice %arg14[%add3A_101] : memref<163840xf32, #tpu.memory_space<vmem_shared>> -> memref<640xf32, #tpu.memory_space<vmem_shared>>
        tpu.enqueue_dma source(%dma_start3A_175 : memref<640xf32, #tpu.memory_space<vmem_shared>>) target(%dma_start3A_174 : memref<640xf32, #tpu.memory_space<vmem>>) target_semaphore(%run_scoped3A : memref<!tpu.dma_semaphore, #tpu.memory_space<semaphore_mem>>)
        %dma_wait3A = arith.constant 0 : i32
        %dma_wait3A_176 = tpu.memref_slice %arg11[%dma_wait3A] : memref<10240xf32, #tpu.memory_space<vmem>> -> memref<640xf32, #tpu.memory_space<vmem>>
        %dma_wait3A_177 = tpu.memref_slice %arg14[%add3A_101] : memref<163840xf32, #tpu.memory_space<vmem_shared>> -> memref<640xf32, #tpu.memory_space<vmem_shared>>
        %dma_wait3A_178 = arith.constant 0 : i32
        %dma_wait3A_179 = tpu.memref_slice %arg11[%dma_wait3A_178] : memref<10240xf32, #tpu.memory_space<vmem>> -> memref<640xf32, #tpu.memory_space<vmem>>
        %dma_wait3A_180 = tpu.memref_slice %arg14[%add3A_101] : memref<163840xf32, #tpu.memory_space<vmem_shared>> -> memref<640xf32, #tpu.memory_space<vmem_shared>>
        tpu.wait_dma2 semaphore(%run_scoped3A : memref<!tpu.dma_semaphore, #tpu.memory_space<semaphore_mem>>) src(%dma_wait3A_180 : memref<640xf32, #tpu.memory_space<vmem_shared>>) dst(%dma_wait3A_179 : memref<640xf32, #tpu.memory_space<vmem>>)
        tpu.yield
      }) : () -> ()
      %mul3A_102 = arith.constant 640 : i32
      %mul3A_103 = arith.muli %arg1, %mul3A_102 : i32
      %add3A_104 = arith.constant 10240 : i32
      %add3A_105 = arith.addi %add3A_104, %mul3A_103 : i32
      "tpu.region"() ({
        %run_scoped3A = tpu.sem_alloc : memref<!tpu.dma_semaphore, #tpu.memory_space<semaphore_mem>>
        %dma_start3A = arith.constant 640 : i32
        %dma_start3A_171 = tpu.memref_slice %arg11[%dma_start3A] : memref<10240xf32, #tpu.memory_space<vmem>> -> memref<640xf32, #tpu.memory_space<vmem>>
        %dma_start3A_172 = tpu.memref_slice %arg14[%add3A_105] : memref<163840xf32, #tpu.memory_space<vmem_shared>> -> memref<640xf32, #tpu.memory_space<vmem_shared>>
        %dma_start3A_173 = arith.constant 640 : i32
        %dma_start3A_174 = tpu.memref_slice %arg11[%dma_start3A_173] : memref<10240xf32, #tpu.memory_space<vmem>> -> memref<640xf32, #tpu.memory_space<vmem>>
        %dma_start3A_175 = tpu.memref_slice %arg14[%add3A_105] : memref<163840xf32, #tpu.memory_space<vmem_shared>> -> memref<640xf32, #tpu.memory_space<vmem_shared>>
        tpu.enqueue_dma source(%dma_start3A_175 : memref<640xf32, #tpu.memory_space<vmem_shared>>) target(%dma_start3A_174 : memref<640xf32, #tpu.memory_space<vmem>>) target_semaphore(%run_scoped3A : memref<!tpu.dma_semaphore, #tpu.memory_space<semaphore_mem>>)
        %dma_wait3A = arith.constant 640 : i32
        %dma_wait3A_176 = tpu.memref_slice %arg11[%dma_wait3A] : memref<10240xf32, #tpu.memory_space<vmem>> -> memref<640xf32, #tpu.memory_space<vmem>>
        %dma_wait3A_177 = tpu.memref_slice %arg14[%add3A_105] : memref<163840xf32, #tpu.memory_space<vmem_shared>> -> memref<640xf32, #tpu.memory_space<vmem_shared>>
        %dma_wait3A_178 = arith.constant 640 : i32
        %dma_wait3A_179 = tpu.memref_slice %arg11[%dma_wait3A_178] : memref<10240xf32, #tpu.memory_space<vmem>> -> memref<640xf32, #tpu.memory_space<vmem>>
        %dma_wait3A_180 = tpu.memref_slice %arg14[%add3A_105] : memref<163840xf32, #tpu.memory_space<vmem_shared>> -> memref<640xf32, #tpu.memory_space<vmem_shared>>
        tpu.wait_dma2 semaphore(%run_scoped3A : memref<!tpu.dma_semaphore, #tpu.memory_space<semaphore_mem>>) src(%dma_wait3A_180 : memref<640xf32, #tpu.memory_space<vmem_shared>>) dst(%dma_wait3A_179 : memref<640xf32, #tpu.memory_space<vmem>>)
        tpu.yield
      }) : () -> ()
      %mul3A_106 = arith.constant 640 : i32
      %mul3A_107 = arith.muli %arg1, %mul3A_106 : i32
      %add3A_108 = arith.constant 20480 : i32
      %add3A_109 = arith.addi %add3A_108, %mul3A_107 : i32
      "tpu.region"() ({
        %run_scoped3A = tpu.sem_alloc : memref<!tpu.dma_semaphore, #tpu.memory_space<semaphore_mem>>
        %dma_start3A = arith.constant 1280 : i32
        %dma_start3A_171 = tpu.memref_slice %arg11[%dma_start3A] : memref<10240xf32, #tpu.memory_space<vmem>> -> memref<640xf32, #tpu.memory_space<vmem>>
        %dma_start3A_172 = tpu.memref_slice %arg14[%add3A_109] : memref<163840xf32, #tpu.memory_space<vmem_shared>> -> memref<640xf32, #tpu.memory_space<vmem_shared>>
        %dma_start3A_173 = arith.constant 1280 : i32
        %dma_start3A_174 = tpu.memref_slice %arg11[%dma_start3A_173] : memref<10240xf32, #tpu.memory_space<vmem>> -> memref<640xf32, #tpu.memory_space<vmem>>
        %dma_start3A_175 = tpu.memref_slice %arg14[%add3A_109] : memref<163840xf32, #tpu.memory_space<vmem_shared>> -> memref<640xf32, #tpu.memory_space<vmem_shared>>
        tpu.enqueue_dma source(%dma_start3A_175 : memref<640xf32, #tpu.memory_space<vmem_shared>>) target(%dma_start3A_174 : memref<640xf32, #tpu.memory_space<vmem>>) target_semaphore(%run_scoped3A : memref<!tpu.dma_semaphore, #tpu.memory_space<semaphore_mem>>)
        %dma_wait3A = arith.constant 1280 : i32
        %dma_wait3A_176 = tpu.memref_slice %arg11[%dma_wait3A] : memref<10240xf32, #tpu.memory_space<vmem>> -> memref<640xf32, #tpu.memory_space<vmem>>
        %dma_wait3A_177 = tpu.memref_slice %arg14[%add3A_109] : memref<163840xf32, #tpu.memory_space<vmem_shared>> -> memref<640xf32, #tpu.memory_space<vmem_shared>>
        %dma_wait3A_178 = arith.constant 1280 : i32
        %dma_wait3A_179 = tpu.memref_slice %arg11[%dma_wait3A_178] : memref<10240xf32, #tpu.memory_space<vmem>> -> memref<640xf32, #tpu.memory_space<vmem>>
        %dma_wait3A_180 = tpu.memref_slice %arg14[%add3A_109] : memref<163840xf32, #tpu.memory_space<vmem_shared>> -> memref<640xf32, #tpu.memory_space<vmem_shared>>
        tpu.wait_dma2 semaphore(%run_scoped3A : memref<!tpu.dma_semaphore, #tpu.memory_space<semaphore_mem>>) src(%dma_wait3A_180 : memref<640xf32, #tpu.memory_space<vmem_shared>>) dst(%dma_wait3A_179 : memref<640xf32, #tpu.memory_space<vmem>>)
        tpu.yield
      }) : () -> ()
      %mul3A_110 = arith.constant 640 : i32
      %mul3A_111 = arith.muli %arg1, %mul3A_110 : i32
      %add3A_112 = arith.constant 30720 : i32
      %add3A_113 = arith.addi %add3A_112, %mul3A_111 : i32
      "tpu.region"() ({
        %run_scoped3A = tpu.sem_alloc : memref<!tpu.dma_semaphore, #tpu.memory_space<semaphore_mem>>
        %dma_start3A = arith.constant 1920 : i32
        %dma_start3A_171 = tpu.memref_slice %arg11[%dma_start3A] : memref<10240xf32, #tpu.memory_space<vmem>> -> memref<640xf32, #tpu.memory_space<vmem>>
        %dma_start3A_172 = tpu.memref_slice %arg14[%add3A_113] : memref<163840xf32, #tpu.memory_space<vmem_shared>> -> memref<640xf32, #tpu.memory_space<vmem_shared>>
        %dma_start3A_173 = arith.constant 1920 : i32
        %dma_start3A_174 = tpu.memref_slice %arg11[%dma_start3A_173] : memref<10240xf32, #tpu.memory_space<vmem>> -> memref<640xf32, #tpu.memory_space<vmem>>
        %dma_start3A_175 = tpu.memref_slice %arg14[%add3A_113] : memref<163840xf32, #tpu.memory_space<vmem_shared>> -> memref<640xf32, #tpu.memory_space<vmem_shared>>
        tpu.enqueue_dma source(%dma_start3A_175 : memref<640xf32, #tpu.memory_space<vmem_shared>>) target(%dma_start3A_174 : memref<640xf32, #tpu.memory_space<vmem>>) target_semaphore(%run_scoped3A : memref<!tpu.dma_semaphore, #tpu.memory_space<semaphore_mem>>)
        %dma_wait3A = arith.constant 1920 : i32
        %dma_wait3A_176 = tpu.memref_slice %arg11[%dma_wait3A] : memref<10240xf32, #tpu.memory_space<vmem>> -> memref<640xf32, #tpu.memory_space<vmem>>
        %dma_wait3A_177 = tpu.memref_slice %arg14[%add3A_113] : memref<163840xf32, #tpu.memory_space<vmem_shared>> -> memref<640xf32, #tpu.memory_space<vmem_shared>>
        %dma_wait3A_178 = arith.constant 1920 : i32
        %dma_wait3A_179 = tpu.memref_slice %arg11[%dma_wait3A_178] : memref<10240xf32, #tpu.memory_space<vmem>> -> memref<640xf32, #tpu.memory_space<vmem>>
        %dma_wait3A_180 = tpu.memref_slice %arg14[%add3A_113] : memref<163840xf32, #tpu.memory_space<vmem_shared>> -> memref<640xf32, #tpu.memory_space<vmem_shared>>
        tpu.wait_dma2 semaphore(%run_scoped3A : memref<!tpu.dma_semaphore, #tpu.memory_space<semaphore_mem>>) src(%dma_wait3A_180 : memref<640xf32, #tpu.memory_space<vmem_shared>>) dst(%dma_wait3A_179 : memref<640xf32, #tpu.memory_space<vmem>>)
        tpu.yield
      }) : () -> ()
      %mul3A_114 = arith.constant 640 : i32
      %mul3A_115 = arith.muli %arg1, %mul3A_114 : i32
      %add3A_116 = arith.constant 40960 : i32
      %add3A_117 = arith.addi %add3A_116, %mul3A_115 : i32
      "tpu.region"() ({
        %run_scoped3A = tpu.sem_alloc : memref<!tpu.dma_semaphore, #tpu.memory_space<semaphore_mem>>
        %dma_start3A = arith.constant 2560 : i32
        %dma_start3A_171 = tpu.memref_slice %arg11[%dma_start3A] : memref<10240xf32, #tpu.memory_space<vmem>> -> memref<640xf32, #tpu.memory_space<vmem>>
        %dma_start3A_172 = tpu.memref_slice %arg14[%add3A_117] : memref<163840xf32, #tpu.memory_space<vmem_shared>> -> memref<640xf32, #tpu.memory_space<vmem_shared>>
        %dma_start3A_173 = arith.constant 2560 : i32
        %dma_start3A_174 = tpu.memref_slice %arg11[%dma_start3A_173] : memref<10240xf32, #tpu.memory_space<vmem>> -> memref<640xf32, #tpu.memory_space<vmem>>
        %dma_start3A_175 = tpu.memref_slice %arg14[%add3A_117] : memref<163840xf32, #tpu.memory_space<vmem_shared>> -> memref<640xf32, #tpu.memory_space<vmem_shared>>
        tpu.enqueue_dma source(%dma_start3A_175 : memref<640xf32, #tpu.memory_space<vmem_shared>>) target(%dma_start3A_174 : memref<640xf32, #tpu.memory_space<vmem>>) target_semaphore(%run_scoped3A : memref<!tpu.dma_semaphore, #tpu.memory_space<semaphore_mem>>)
        %dma_wait3A = arith.constant 2560 : i32
        %dma_wait3A_176 = tpu.memref_slice %arg11[%dma_wait3A] : memref<10240xf32, #tpu.memory_space<vmem>> -> memref<640xf32, #tpu.memory_space<vmem>>
        %dma_wait3A_177 = tpu.memref_slice %arg14[%add3A_117] : memref<163840xf32, #tpu.memory_space<vmem_shared>> -> memref<640xf32, #tpu.memory_space<vmem_shared>>
        %dma_wait3A_178 = arith.constant 2560 : i32
        %dma_wait3A_179 = tpu.memref_slice %arg11[%dma_wait3A_178] : memref<10240xf32, #tpu.memory_space<vmem>> -> memref<640xf32, #tpu.memory_space<vmem>>
        %dma_wait3A_180 = tpu.memref_slice %arg14[%add3A_117] : memref<163840xf32, #tpu.memory_space<vmem_shared>> -> memref<640xf32, #tpu.memory_space<vmem_shared>>
        tpu.wait_dma2 semaphore(%run_scoped3A : memref<!tpu.dma_semaphore, #tpu.memory_space<semaphore_mem>>) src(%dma_wait3A_180 : memref<640xf32, #tpu.memory_space<vmem_shared>>) dst(%dma_wait3A_179 : memref<640xf32, #tpu.memory_space<vmem>>)
        tpu.yield
      }) : () -> ()
      %mul3A_118 = arith.constant 640 : i32
      %mul3A_119 = arith.muli %arg1, %mul3A_118 : i32
      %add3A_120 = arith.constant 51200 : i32
      %add3A_121 = arith.addi %add3A_120, %mul3A_119 : i32
      "tpu.region"() ({
        %run_scoped3A = tpu.sem_alloc : memref<!tpu.dma_semaphore, #tpu.memory_space<semaphore_mem>>
        %dma_start3A = arith.constant 3200 : i32
        %dma_start3A_171 = tpu.memref_slice %arg11[%dma_start3A] : memref<10240xf32, #tpu.memory_space<vmem>> -> memref<640xf32, #tpu.memory_space<vmem>>
        %dma_start3A_172 = tpu.memref_slice %arg14[%add3A_121] : memref<163840xf32, #tpu.memory_space<vmem_shared>> -> memref<640xf32, #tpu.memory_space<vmem_shared>>
        %dma_start3A_173 = arith.constant 3200 : i32
        %dma_start3A_174 = tpu.memref_slice %arg11[%dma_start3A_173] : memref<10240xf32, #tpu.memory_space<vmem>> -> memref<640xf32, #tpu.memory_space<vmem>>
        %dma_start3A_175 = tpu.memref_slice %arg14[%add3A_121] : memref<163840xf32, #tpu.memory_space<vmem_shared>> -> memref<640xf32, #tpu.memory_space<vmem_shared>>
        tpu.enqueue_dma source(%dma_start3A_175 : memref<640xf32, #tpu.memory_space<vmem_shared>>) target(%dma_start3A_174 : memref<640xf32, #tpu.memory_space<vmem>>) target_semaphore(%run_scoped3A : memref<!tpu.dma_semaphore, #tpu.memory_space<semaphore_mem>>)
        %dma_wait3A = arith.constant 3200 : i32
        %dma_wait3A_176 = tpu.memref_slice %arg11[%dma_wait3A] : memref<10240xf32, #tpu.memory_space<vmem>> -> memref<640xf32, #tpu.memory_space<vmem>>
        %dma_wait3A_177 = tpu.memref_slice %arg14[%add3A_121] : memref<163840xf32, #tpu.memory_space<vmem_shared>> -> memref<640xf32, #tpu.memory_space<vmem_shared>>
        %dma_wait3A_178 = arith.constant 3200 : i32
        %dma_wait3A_179 = tpu.memref_slice %arg11[%dma_wait3A_178] : memref<10240xf32, #tpu.memory_space<vmem>> -> memref<640xf32, #tpu.memory_space<vmem>>
        %dma_wait3A_180 = tpu.memref_slice %arg14[%add3A_121] : memref<163840xf32, #tpu.memory_space<vmem_shared>> -> memref<640xf32, #tpu.memory_space<vmem_shared>>
        tpu.wait_dma2 semaphore(%run_scoped3A : memref<!tpu.dma_semaphore, #tpu.memory_space<semaphore_mem>>) src(%dma_wait3A_180 : memref<640xf32, #tpu.memory_space<vmem_shared>>) dst(%dma_wait3A_179 : memref<640xf32, #tpu.memory_space<vmem>>)
        tpu.yield
      }) : () -> ()
      %mul3A_122 = arith.constant 640 : i32
      %mul3A_123 = arith.muli %arg1, %mul3A_122 : i32
      %add3A_124 = arith.constant 61440 : i32
      %add3A_125 = arith.addi %add3A_124, %mul3A_123 : i32
      "tpu.region"() ({
        %run_scoped3A = tpu.sem_alloc : memref<!tpu.dma_semaphore, #tpu.memory_space<semaphore_mem>>
        %dma_start3A = arith.constant 3840 : i32
        %dma_start3A_171 = tpu.memref_slice %arg11[%dma_start3A] : memref<10240xf32, #tpu.memory_space<vmem>> -> memref<640xf32, #tpu.memory_space<vmem>>
        %dma_start3A_172 = tpu.memref_slice %arg14[%add3A_125] : memref<163840xf32, #tpu.memory_space<vmem_shared>> -> memref<640xf32, #tpu.memory_space<vmem_shared>>
        %dma_start3A_173 = arith.constant 3840 : i32
        %dma_start3A_174 = tpu.memref_slice %arg11[%dma_start3A_173] : memref<10240xf32, #tpu.memory_space<vmem>> -> memref<640xf32, #tpu.memory_space<vmem>>
        %dma_start3A_175 = tpu.memref_slice %arg14[%add3A_125] : memref<163840xf32, #tpu.memory_space<vmem_shared>> -> memref<640xf32, #tpu.memory_space<vmem_shared>>
        tpu.enqueue_dma source(%dma_start3A_175 : memref<640xf32, #tpu.memory_space<vmem_shared>>) target(%dma_start3A_174 : memref<640xf32, #tpu.memory_space<vmem>>) target_semaphore(%run_scoped3A : memref<!tpu.dma_semaphore, #tpu.memory_space<semaphore_mem>>)
        %dma_wait3A = arith.constant 3840 : i32
        %dma_wait3A_176 = tpu.memref_slice %arg11[%dma_wait3A] : memref<10240xf32, #tpu.memory_space<vmem>> -> memref<640xf32, #tpu.memory_space<vmem>>
        %dma_wait3A_177 = tpu.memref_slice %arg14[%add3A_125] : memref<163840xf32, #tpu.memory_space<vmem_shared>> -> memref<640xf32, #tpu.memory_space<vmem_shared>>
        %dma_wait3A_178 = arith.constant 3840 : i32
        %dma_wait3A_179 = tpu.memref_slice %arg11[%dma_wait3A_178] : memref<10240xf32, #tpu.memory_space<vmem>> -> memref<640xf32, #tpu.memory_space<vmem>>
        %dma_wait3A_180 = tpu.memref_slice %arg14[%add3A_125] : memref<163840xf32, #tpu.memory_space<vmem_shared>> -> memref<640xf32, #tpu.memory_space<vmem_shared>>
        tpu.wait_dma2 semaphore(%run_scoped3A : memref<!tpu.dma_semaphore, #tpu.memory_space<semaphore_mem>>) src(%dma_wait3A_180 : memref<640xf32, #tpu.memory_space<vmem_shared>>) dst(%dma_wait3A_179 : memref<640xf32, #tpu.memory_space<vmem>>)
        tpu.yield
      }) : () -> ()
      %mul3A_126 = arith.constant 640 : i32
      %mul3A_127 = arith.muli %arg1, %mul3A_126 : i32
      %add3A_128 = arith.constant 71680 : i32
      %add3A_129 = arith.addi %add3A_128, %mul3A_127 : i32
      "tpu.region"() ({
        %run_scoped3A = tpu.sem_alloc : memref<!tpu.dma_semaphore, #tpu.memory_space<semaphore_mem>>
        %dma_start3A = arith.constant 4480 : i32
        %dma_start3A_171 = tpu.memref_slice %arg11[%dma_start3A] : memref<10240xf32, #tpu.memory_space<vmem>> -> memref<640xf32, #tpu.memory_space<vmem>>
        %dma_start3A_172 = tpu.memref_slice %arg14[%add3A_129] : memref<163840xf32, #tpu.memory_space<vmem_shared>> -> memref<640xf32, #tpu.memory_space<vmem_shared>>
        %dma_start3A_173 = arith.constant 4480 : i32
        %dma_start3A_174 = tpu.memref_slice %arg11[%dma_start3A_173] : memref<10240xf32, #tpu.memory_space<vmem>> -> memref<640xf32, #tpu.memory_space<vmem>>
        %dma_start3A_175 = tpu.memref_slice %arg14[%add3A_129] : memref<163840xf32, #tpu.memory_space<vmem_shared>> -> memref<640xf32, #tpu.memory_space<vmem_shared>>
        tpu.enqueue_dma source(%dma_start3A_175 : memref<640xf32, #tpu.memory_space<vmem_shared>>) target(%dma_start3A_174 : memref<640xf32, #tpu.memory_space<vmem>>) target_semaphore(%run_scoped3A : memref<!tpu.dma_semaphore, #tpu.memory_space<semaphore_mem>>)
        %dma_wait3A = arith.constant 4480 : i32
        %dma_wait3A_176 = tpu.memref_slice %arg11[%dma_wait3A] : memref<10240xf32, #tpu.memory_space<vmem>> -> memref<640xf32, #tpu.memory_space<vmem>>
        %dma_wait3A_177 = tpu.memref_slice %arg14[%add3A_129] : memref<163840xf32, #tpu.memory_space<vmem_shared>> -> memref<640xf32, #tpu.memory_space<vmem_shared>>
        %dma_wait3A_178 = arith.constant 4480 : i32
        %dma_wait3A_179 = tpu.memref_slice %arg11[%dma_wait3A_178] : memref<10240xf32, #tpu.memory_space<vmem>> -> memref<640xf32, #tpu.memory_space<vmem>>
        %dma_wait3A_180 = tpu.memref_slice %arg14[%add3A_129] : memref<163840xf32, #tpu.memory_space<vmem_shared>> -> memref<640xf32, #tpu.memory_space<vmem_shared>>
        tpu.wait_dma2 semaphore(%run_scoped3A : memref<!tpu.dma_semaphore, #tpu.memory_space<semaphore_mem>>) src(%dma_wait3A_180 : memref<640xf32, #tpu.memory_space<vmem_shared>>) dst(%dma_wait3A_179 : memref<640xf32, #tpu.memory_space<vmem>>)
        tpu.yield
      }) : () -> ()
      %mul3A_130 = arith.constant 640 : i32
      %mul3A_131 = arith.muli %arg1, %mul3A_130 : i32
      %add3A_132 = arith.constant 81920 : i32
      %add3A_133 = arith.addi %add3A_132, %mul3A_131 : i32
      "tpu.region"() ({
        %run_scoped3A = tpu.sem_alloc : memref<!tpu.dma_semaphore, #tpu.memory_space<semaphore_mem>>
        %dma_start3A = arith.constant 5120 : i32
        %dma_start3A_171 = tpu.memref_slice %arg11[%dma_start3A] : memref<10240xf32, #tpu.memory_space<vmem>> -> memref<640xf32, #tpu.memory_space<vmem>>
        %dma_start3A_172 = tpu.memref_slice %arg14[%add3A_133] : memref<163840xf32, #tpu.memory_space<vmem_shared>> -> memref<640xf32, #tpu.memory_space<vmem_shared>>
        %dma_start3A_173 = arith.constant 5120 : i32
        %dma_start3A_174 = tpu.memref_slice %arg11[%dma_start3A_173] : memref<10240xf32, #tpu.memory_space<vmem>> -> memref<640xf32, #tpu.memory_space<vmem>>
        %dma_start3A_175 = tpu.memref_slice %arg14[%add3A_133] : memref<163840xf32, #tpu.memory_space<vmem_shared>> -> memref<640xf32, #tpu.memory_space<vmem_shared>>
        tpu.enqueue_dma source(%dma_start3A_175 : memref<640xf32, #tpu.memory_space<vmem_shared>>) target(%dma_start3A_174 : memref<640xf32, #tpu.memory_space<vmem>>) target_semaphore(%run_scoped3A : memref<!tpu.dma_semaphore, #tpu.memory_space<semaphore_mem>>)
        %dma_wait3A = arith.constant 5120 : i32
        %dma_wait3A_176 = tpu.memref_slice %arg11[%dma_wait3A] : memref<10240xf32, #tpu.memory_space<vmem>> -> memref<640xf32, #tpu.memory_space<vmem>>
        %dma_wait3A_177 = tpu.memref_slice %arg14[%add3A_133] : memref<163840xf32, #tpu.memory_space<vmem_shared>> -> memref<640xf32, #tpu.memory_space<vmem_shared>>
        %dma_wait3A_178 = arith.constant 5120 : i32
        %dma_wait3A_179 = tpu.memref_slice %arg11[%dma_wait3A_178] : memref<10240xf32, #tpu.memory_space<vmem>> -> memref<640xf32, #tpu.memory_space<vmem>>
        %dma_wait3A_180 = tpu.memref_slice %arg14[%add3A_133] : memref<163840xf32, #tpu.memory_space<vmem_shared>> -> memref<640xf32, #tpu.memory_space<vmem_shared>>
        tpu.wait_dma2 semaphore(%run_scoped3A : memref<!tpu.dma_semaphore, #tpu.memory_space<semaphore_mem>>) src(%dma_wait3A_180 : memref<640xf32, #tpu.memory_space<vmem_shared>>) dst(%dma_wait3A_179 : memref<640xf32, #tpu.memory_space<vmem>>)
        tpu.yield
      }) : () -> ()
      %mul3A_134 = arith.constant 640 : i32
      %mul3A_135 = arith.muli %arg1, %mul3A_134 : i32
      %add3A_136 = arith.constant 92160 : i32
      %add3A_137 = arith.addi %add3A_136, %mul3A_135 : i32
      "tpu.region"() ({
        %run_scoped3A = tpu.sem_alloc : memref<!tpu.dma_semaphore, #tpu.memory_space<semaphore_mem>>
        %dma_start3A = arith.constant 5760 : i32
        %dma_start3A_171 = tpu.memref_slice %arg11[%dma_start3A] : memref<10240xf32, #tpu.memory_space<vmem>> -> memref<640xf32, #tpu.memory_space<vmem>>
        %dma_start3A_172 = tpu.memref_slice %arg14[%add3A_137] : memref<163840xf32, #tpu.memory_space<vmem_shared>> -> memref<640xf32, #tpu.memory_space<vmem_shared>>
        %dma_start3A_173 = arith.constant 5760 : i32
        %dma_start3A_174 = tpu.memref_slice %arg11[%dma_start3A_173] : memref<10240xf32, #tpu.memory_space<vmem>> -> memref<640xf32, #tpu.memory_space<vmem>>
        %dma_start3A_175 = tpu.memref_slice %arg14[%add3A_137] : memref<163840xf32, #tpu.memory_space<vmem_shared>> -> memref<640xf32, #tpu.memory_space<vmem_shared>>
        tpu.enqueue_dma source(%dma_start3A_175 : memref<640xf32, #tpu.memory_space<vmem_shared>>) target(%dma_start3A_174 : memref<640xf32, #tpu.memory_space<vmem>>) target_semaphore(%run_scoped3A : memref<!tpu.dma_semaphore, #tpu.memory_space<semaphore_mem>>)
        %dma_wait3A = arith.constant 5760 : i32
        %dma_wait3A_176 = tpu.memref_slice %arg11[%dma_wait3A] : memref<10240xf32, #tpu.memory_space<vmem>> -> memref<640xf32, #tpu.memory_space<vmem>>
        %dma_wait3A_177 = tpu.memref_slice %arg14[%add3A_137] : memref<163840xf32, #tpu.memory_space<vmem_shared>> -> memref<640xf32, #tpu.memory_space<vmem_shared>>
        %dma_wait3A_178 = arith.constant 5760 : i32
        %dma_wait3A_179 = tpu.memref_slice %arg11[%dma_wait3A_178] : memref<10240xf32, #tpu.memory_space<vmem>> -> memref<640xf32, #tpu.memory_space<vmem>>
        %dma_wait3A_180 = tpu.memref_slice %arg14[%add3A_137] : memref<163840xf32, #tpu.memory_space<vmem_shared>> -> memref<640xf32, #tpu.memory_space<vmem_shared>>
        tpu.wait_dma2 semaphore(%run_scoped3A : memref<!tpu.dma_semaphore, #tpu.memory_space<semaphore_mem>>) src(%dma_wait3A_180 : memref<640xf32, #tpu.memory_space<vmem_shared>>) dst(%dma_wait3A_179 : memref<640xf32, #tpu.memory_space<vmem>>)
        tpu.yield
      }) : () -> ()
      %mul3A_138 = arith.constant 640 : i32
      %mul3A_139 = arith.muli %arg1, %mul3A_138 : i32
      %add3A_140 = arith.constant 102400 : i32
      %add3A_141 = arith.addi %add3A_140, %mul3A_139 : i32
      "tpu.region"() ({
        %run_scoped3A = tpu.sem_alloc : memref<!tpu.dma_semaphore, #tpu.memory_space<semaphore_mem>>
        %dma_start3A = arith.constant 6400 : i32
        %dma_start3A_171 = tpu.memref_slice %arg11[%dma_start3A] : memref<10240xf32, #tpu.memory_space<vmem>> -> memref<640xf32, #tpu.memory_space<vmem>>
        %dma_start3A_172 = tpu.memref_slice %arg14[%add3A_141] : memref<163840xf32, #tpu.memory_space<vmem_shared>> -> memref<640xf32, #tpu.memory_space<vmem_shared>>
        %dma_start3A_173 = arith.constant 6400 : i32
        %dma_start3A_174 = tpu.memref_slice %arg11[%dma_start3A_173] : memref<10240xf32, #tpu.memory_space<vmem>> -> memref<640xf32, #tpu.memory_space<vmem>>
        %dma_start3A_175 = tpu.memref_slice %arg14[%add3A_141] : memref<163840xf32, #tpu.memory_space<vmem_shared>> -> memref<640xf32, #tpu.memory_space<vmem_shared>>
        tpu.enqueue_dma source(%dma_start3A_175 : memref<640xf32, #tpu.memory_space<vmem_shared>>) target(%dma_start3A_174 : memref<640xf32, #tpu.memory_space<vmem>>) target_semaphore(%run_scoped3A : memref<!tpu.dma_semaphore, #tpu.memory_space<semaphore_mem>>)
        %dma_wait3A = arith.constant 6400 : i32
        %dma_wait3A_176 = tpu.memref_slice %arg11[%dma_wait3A] : memref<10240xf32, #tpu.memory_space<vmem>> -> memref<640xf32, #tpu.memory_space<vmem>>
        %dma_wait3A_177 = tpu.memref_slice %arg14[%add3A_141] : memref<163840xf32, #tpu.memory_space<vmem_shared>> -> memref<640xf32, #tpu.memory_space<vmem_shared>>
        %dma_wait3A_178 = arith.constant 6400 : i32
        %dma_wait3A_179 = tpu.memref_slice %arg11[%dma_wait3A_178] : memref<10240xf32, #tpu.memory_space<vmem>> -> memref<640xf32, #tpu.memory_space<vmem>>
        %dma_wait3A_180 = tpu.memref_slice %arg14[%add3A_141] : memref<163840xf32, #tpu.memory_space<vmem_shared>> -> memref<640xf32, #tpu.memory_space<vmem_shared>>
        tpu.wait_dma2 semaphore(%run_scoped3A : memref<!tpu.dma_semaphore, #tpu.memory_space<semaphore_mem>>) src(%dma_wait3A_180 : memref<640xf32, #tpu.memory_space<vmem_shared>>) dst(%dma_wait3A_179 : memref<640xf32, #tpu.memory_space<vmem>>)
        tpu.yield
      }) : () -> ()
      %mul3A_142 = arith.constant 640 : i32
      %mul3A_143 = arith.muli %arg1, %mul3A_142 : i32
      %add3A_144 = arith.constant 112640 : i32
      %add3A_145 = arith.addi %add3A_144, %mul3A_143 : i32
      "tpu.region"() ({
        %run_scoped3A = tpu.sem_alloc : memref<!tpu.dma_semaphore, #tpu.memory_space<semaphore_mem>>
        %dma_start3A = arith.constant 7040 : i32
        %dma_start3A_171 = tpu.memref_slice %arg11[%dma_start3A] : memref<10240xf32, #tpu.memory_space<vmem>> -> memref<640xf32, #tpu.memory_space<vmem>>
        %dma_start3A_172 = tpu.memref_slice %arg14[%add3A_145] : memref<163840xf32, #tpu.memory_space<vmem_shared>> -> memref<640xf32, #tpu.memory_space<vmem_shared>>
        %dma_start3A_173 = arith.constant 7040 : i32
        %dma_start3A_174 = tpu.memref_slice %arg11[%dma_start3A_173] : memref<10240xf32, #tpu.memory_space<vmem>> -> memref<640xf32, #tpu.memory_space<vmem>>
        %dma_start3A_175 = tpu.memref_slice %arg14[%add3A_145] : memref<163840xf32, #tpu.memory_space<vmem_shared>> -> memref<640xf32, #tpu.memory_space<vmem_shared>>
        tpu.enqueue_dma source(%dma_start3A_175 : memref<640xf32, #tpu.memory_space<vmem_shared>>) target(%dma_start3A_174 : memref<640xf32, #tpu.memory_space<vmem>>) target_semaphore(%run_scoped3A : memref<!tpu.dma_semaphore, #tpu.memory_space<semaphore_mem>>)
        %dma_wait3A = arith.constant 7040 : i32
        %dma_wait3A_176 = tpu.memref_slice %arg11[%dma_wait3A] : memref<10240xf32, #tpu.memory_space<vmem>> -> memref<640xf32, #tpu.memory_space<vmem>>
        %dma_wait3A_177 = tpu.memref_slice %arg14[%add3A_145] : memref<163840xf32, #tpu.memory_space<vmem_shared>> -> memref<640xf32, #tpu.memory_space<vmem_shared>>
        %dma_wait3A_178 = arith.constant 7040 : i32
        %dma_wait3A_179 = tpu.memref_slice %arg11[%dma_wait3A_178] : memref<10240xf32, #tpu.memory_space<vmem>> -> memref<640xf32, #tpu.memory_space<vmem>>
        %dma_wait3A_180 = tpu.memref_slice %arg14[%add3A_145] : memref<163840xf32, #tpu.memory_space<vmem_shared>> -> memref<640xf32, #tpu.memory_space<vmem_shared>>
        tpu.wait_dma2 semaphore(%run_scoped3A : memref<!tpu.dma_semaphore, #tpu.memory_space<semaphore_mem>>) src(%dma_wait3A_180 : memref<640xf32, #tpu.memory_space<vmem_shared>>) dst(%dma_wait3A_179 : memref<640xf32, #tpu.memory_space<vmem>>)
        tpu.yield
      }) : () -> ()
      %mul3A_146 = arith.constant 640 : i32
      %mul3A_147 = arith.muli %arg1, %mul3A_146 : i32
      %add3A_148 = arith.constant 122880 : i32
      %add3A_149 = arith.addi %add3A_148, %mul3A_147 : i32
      "tpu.region"() ({
        %run_scoped3A = tpu.sem_alloc : memref<!tpu.dma_semaphore, #tpu.memory_space<semaphore_mem>>
        %dma_start3A = arith.constant 7680 : i32
        %dma_start3A_171 = tpu.memref_slice %arg11[%dma_start3A] : memref<10240xf32, #tpu.memory_space<vmem>> -> memref<640xf32, #tpu.memory_space<vmem>>
        %dma_start3A_172 = tpu.memref_slice %arg14[%add3A_149] : memref<163840xf32, #tpu.memory_space<vmem_shared>> -> memref<640xf32, #tpu.memory_space<vmem_shared>>
        %dma_start3A_173 = arith.constant 7680 : i32
        %dma_start3A_174 = tpu.memref_slice %arg11[%dma_start3A_173] : memref<10240xf32, #tpu.memory_space<vmem>> -> memref<640xf32, #tpu.memory_space<vmem>>
        %dma_start3A_175 = tpu.memref_slice %arg14[%add3A_149] : memref<163840xf32, #tpu.memory_space<vmem_shared>> -> memref<640xf32, #tpu.memory_space<vmem_shared>>
        tpu.enqueue_dma source(%dma_start3A_175 : memref<640xf32, #tpu.memory_space<vmem_shared>>) target(%dma_start3A_174 : memref<640xf32, #tpu.memory_space<vmem>>) target_semaphore(%run_scoped3A : memref<!tpu.dma_semaphore, #tpu.memory_space<semaphore_mem>>)
        %dma_wait3A = arith.constant 7680 : i32
        %dma_wait3A_176 = tpu.memref_slice %arg11[%dma_wait3A] : memref<10240xf32, #tpu.memory_space<vmem>> -> memref<640xf32, #tpu.memory_space<vmem>>
        %dma_wait3A_177 = tpu.memref_slice %arg14[%add3A_149] : memref<163840xf32, #tpu.memory_space<vmem_shared>> -> memref<640xf32, #tpu.memory_space<vmem_shared>>
        %dma_wait3A_178 = arith.constant 7680 : i32
        %dma_wait3A_179 = tpu.memref_slice %arg11[%dma_wait3A_178] : memref<10240xf32, #tpu.memory_space<vmem>> -> memref<640xf32, #tpu.memory_space<vmem>>
        %dma_wait3A_180 = tpu.memref_slice %arg14[%add3A_149] : memref<163840xf32, #tpu.memory_space<vmem_shared>> -> memref<640xf32, #tpu.memory_space<vmem_shared>>
        tpu.wait_dma2 semaphore(%run_scoped3A : memref<!tpu.dma_semaphore, #tpu.memory_space<semaphore_mem>>) src(%dma_wait3A_180 : memref<640xf32, #tpu.memory_space<vmem_shared>>) dst(%dma_wait3A_179 : memref<640xf32, #tpu.memory_space<vmem>>)
        tpu.yield
      }) : () -> ()
      %mul3A_150 = arith.constant 640 : i32
      %mul3A_151 = arith.muli %arg1, %mul3A_150 : i32
      %add3A_152 = arith.constant 133120 : i32
      %add3A_153 = arith.addi %add3A_152, %mul3A_151 : i32
      "tpu.region"() ({
        %run_scoped3A = tpu.sem_alloc : memref<!tpu.dma_semaphore, #tpu.memory_space<semaphore_mem>>
        %dma_start3A = arith.constant 8320 : i32
        %dma_start3A_171 = tpu.memref_slice %arg11[%dma_start3A] : memref<10240xf32, #tpu.memory_space<vmem>> -> memref<640xf32, #tpu.memory_space<vmem>>
        %dma_start3A_172 = tpu.memref_slice %arg14[%add3A_153] : memref<163840xf32, #tpu.memory_space<vmem_shared>> -> memref<640xf32, #tpu.memory_space<vmem_shared>>
        %dma_start3A_173 = arith.constant 8320 : i32
        %dma_start3A_174 = tpu.memref_slice %arg11[%dma_start3A_173] : memref<10240xf32, #tpu.memory_space<vmem>> -> memref<640xf32, #tpu.memory_space<vmem>>
        %dma_start3A_175 = tpu.memref_slice %arg14[%add3A_153] : memref<163840xf32, #tpu.memory_space<vmem_shared>> -> memref<640xf32, #tpu.memory_space<vmem_shared>>
        tpu.enqueue_dma source(%dma_start3A_175 : memref<640xf32, #tpu.memory_space<vmem_shared>>) target(%dma_start3A_174 : memref<640xf32, #tpu.memory_space<vmem>>) target_semaphore(%run_scoped3A : memref<!tpu.dma_semaphore, #tpu.memory_space<semaphore_mem>>)
        %dma_wait3A = arith.constant 8320 : i32
        %dma_wait3A_176 = tpu.memref_slice %arg11[%dma_wait3A] : memref<10240xf32, #tpu.memory_space<vmem>> -> memref<640xf32, #tpu.memory_space<vmem>>
        %dma_wait3A_177 = tpu.memref_slice %arg14[%add3A_153] : memref<163840xf32, #tpu.memory_space<vmem_shared>> -> memref<640xf32, #tpu.memory_space<vmem_shared>>
        %dma_wait3A_178 = arith.constant 8320 : i32
        %dma_wait3A_179 = tpu.memref_slice %arg11[%dma_wait3A_178] : memref<10240xf32, #tpu.memory_space<vmem>> -> memref<640xf32, #tpu.memory_space<vmem>>
        %dma_wait3A_180 = tpu.memref_slice %arg14[%add3A_153] : memref<163840xf32, #tpu.memory_space<vmem_shared>> -> memref<640xf32, #tpu.memory_space<vmem_shared>>
        tpu.wait_dma2 semaphore(%run_scoped3A : memref<!tpu.dma_semaphore, #tpu.memory_space<semaphore_mem>>) src(%dma_wait3A_180 : memref<640xf32, #tpu.memory_space<vmem_shared>>) dst(%dma_wait3A_179 : memref<640xf32, #tpu.memory_space<vmem>>)
        tpu.yield
      }) : () -> ()
      %mul3A_154 = arith.constant 640 : i32
      %mul3A_155 = arith.muli %arg1, %mul3A_154 : i32
      %add3A_156 = arith.constant 143360 : i32
      %add3A_157 = arith.addi %add3A_156, %mul3A_155 : i32
      "tpu.region"() ({
        %run_scoped3A = tpu.sem_alloc : memref<!tpu.dma_semaphore, #tpu.memory_space<semaphore_mem>>
        %dma_start3A = arith.constant 8960 : i32
        %dma_start3A_171 = tpu.memref_slice %arg11[%dma_start3A] : memref<10240xf32, #tpu.memory_space<vmem>> -> memref<640xf32, #tpu.memory_space<vmem>>
        %dma_start3A_172 = tpu.memref_slice %arg14[%add3A_157] : memref<163840xf32, #tpu.memory_space<vmem_shared>> -> memref<640xf32, #tpu.memory_space<vmem_shared>>
        %dma_start3A_173 = arith.constant 8960 : i32
        %dma_start3A_174 = tpu.memref_slice %arg11[%dma_start3A_173] : memref<10240xf32, #tpu.memory_space<vmem>> -> memref<640xf32, #tpu.memory_space<vmem>>
        %dma_start3A_175 = tpu.memref_slice %arg14[%add3A_157] : memref<163840xf32, #tpu.memory_space<vmem_shared>> -> memref<640xf32, #tpu.memory_space<vmem_shared>>
        tpu.enqueue_dma source(%dma_start3A_175 : memref<640xf32, #tpu.memory_space<vmem_shared>>) target(%dma_start3A_174 : memref<640xf32, #tpu.memory_space<vmem>>) target_semaphore(%run_scoped3A : memref<!tpu.dma_semaphore, #tpu.memory_space<semaphore_mem>>)
        %dma_wait3A = arith.constant 8960 : i32
        %dma_wait3A_176 = tpu.memref_slice %arg11[%dma_wait3A] : memref<10240xf32, #tpu.memory_space<vmem>> -> memref<640xf32, #tpu.memory_space<vmem>>
        %dma_wait3A_177 = tpu.memref_slice %arg14[%add3A_157] : memref<163840xf32, #tpu.memory_space<vmem_shared>> -> memref<640xf32, #tpu.memory_space<vmem_shared>>
        %dma_wait3A_178 = arith.constant 8960 : i32
        %dma_wait3A_179 = tpu.memref_slice %arg11[%dma_wait3A_178] : memref<10240xf32, #tpu.memory_space<vmem>> -> memref<640xf32, #tpu.memory_space<vmem>>
        %dma_wait3A_180 = tpu.memref_slice %arg14[%add3A_157] : memref<163840xf32, #tpu.memory_space<vmem_shared>> -> memref<640xf32, #tpu.memory_space<vmem_shared>>
        tpu.wait_dma2 semaphore(%run_scoped3A : memref<!tpu.dma_semaphore, #tpu.memory_space<semaphore_mem>>) src(%dma_wait3A_180 : memref<640xf32, #tpu.memory_space<vmem_shared>>) dst(%dma_wait3A_179 : memref<640xf32, #tpu.memory_space<vmem>>)
        tpu.yield
      }) : () -> ()
      %mul3A_158 = arith.constant 640 : i32
      %mul3A_159 = arith.muli %arg1, %mul3A_158 : i32
      %add3A_160 = arith.constant 153600 : i32
      %add3A_161 = arith.addi %add3A_160, %mul3A_159 : i32
      "tpu.region"() ({
        %run_scoped3A = tpu.sem_alloc : memref<!tpu.dma_semaphore, #tpu.memory_space<semaphore_mem>>
        %dma_start3A = arith.constant 9600 : i32
        %dma_start3A_171 = tpu.memref_slice %arg11[%dma_start3A] : memref<10240xf32, #tpu.memory_space<vmem>> -> memref<640xf32, #tpu.memory_space<vmem>>
        %dma_start3A_172 = tpu.memref_slice %arg14[%add3A_161] : memref<163840xf32, #tpu.memory_space<vmem_shared>> -> memref<640xf32, #tpu.memory_space<vmem_shared>>
        %dma_start3A_173 = arith.constant 9600 : i32
        %dma_start3A_174 = tpu.memref_slice %arg11[%dma_start3A_173] : memref<10240xf32, #tpu.memory_space<vmem>> -> memref<640xf32, #tpu.memory_space<vmem>>
        %dma_start3A_175 = tpu.memref_slice %arg14[%add3A_161] : memref<163840xf32, #tpu.memory_space<vmem_shared>> -> memref<640xf32, #tpu.memory_space<vmem_shared>>
        tpu.enqueue_dma source(%dma_start3A_175 : memref<640xf32, #tpu.memory_space<vmem_shared>>) target(%dma_start3A_174 : memref<640xf32, #tpu.memory_space<vmem>>) target_semaphore(%run_scoped3A : memref<!tpu.dma_semaphore, #tpu.memory_space<semaphore_mem>>)
        %dma_wait3A = arith.constant 9600 : i32
        %dma_wait3A_176 = tpu.memref_slice %arg11[%dma_wait3A] : memref<10240xf32, #tpu.memory_space<vmem>> -> memref<640xf32, #tpu.memory_space<vmem>>
        %dma_wait3A_177 = tpu.memref_slice %arg14[%add3A_161] : memref<163840xf32, #tpu.memory_space<vmem_shared>> -> memref<640xf32, #tpu.memory_space<vmem_shared>>
        %dma_wait3A_178 = arith.constant 9600 : i32
        %dma_wait3A_179 = tpu.memref_slice %arg11[%dma_wait3A_178] : memref<10240xf32, #tpu.memory_space<vmem>> -> memref<640xf32, #tpu.memory_space<vmem>>
        %dma_wait3A_180 = tpu.memref_slice %arg14[%add3A_161] : memref<163840xf32, #tpu.memory_space<vmem_shared>> -> memref<640xf32, #tpu.memory_space<vmem_shared>>
        tpu.wait_dma2 semaphore(%run_scoped3A : memref<!tpu.dma_semaphore, #tpu.memory_space<semaphore_mem>>) src(%dma_wait3A_180 : memref<640xf32, #tpu.memory_space<vmem_shared>>) dst(%dma_wait3A_179 : memref<640xf32, #tpu.memory_space<vmem>>)
        tpu.yield
      }) : () -> ()
      %scan3A_162 = arith.constant 0 : i32
      %scan3A_163 = arith.constant 0 : i32
      %scan3A_164 = arith.constant 40 : i32
      %scan3A_165 = arith.addi %scan3A_163, %scan3A_164 : i32
      %scan3A_166 = arith.constant 1 : i32
      %scan3A_167 = scf.for %scan3A_171 = %scan3A_163 to %scan3A_165 step %scan3A_166 iter_args(%scan3A_172 = %scan3A_162) -> (i32)  : i32 {
        %mul3A_173 = arith.constant 16 : i32
        %mul3A_174 = arith.muli %scan3A_171, %mul3A_173 : i32
        %get3A = arith.index_cast %mul3A_174 : i32 to index
        %get3A_175 = tpu.vector_load %arg11[%get3A] {strides = array<i32>} : memref<10240xf32, #tpu.memory_space<vmem>>, vector<16xf32>,
        %mul3A_176 = arith.constant 16 : i32
        %mul3A_177 = arith.muli %scan3A_171, %mul3A_176 : i32
        %add3A_178 = arith.constant 640 : i32
        %add3A_179 = arith.addi %add3A_178, %mul3A_177 : i32
        %get3A_180 = arith.index_cast %add3A_179 : i32 to index
        %get3A_181 = tpu.vector_load %arg11[%get3A_180] {strides = array<i32>} : memref<10240xf32, #tpu.memory_space<vmem>>, vector<16xf32>,
        %add3A_182 = arith.addf %get3A_175, %get3A_181 : vector<16xf32>
        %mul3A_183 = arith.constant 16 : i32
        %mul3A_184 = arith.muli %scan3A_171, %mul3A_183 : i32
        %add3A_185 = arith.constant 1280 : i32
        %add3A_186 = arith.addi %add3A_185, %mul3A_184 : i32
        %get3A_187 = arith.index_cast %add3A_186 : i32 to index
        %get3A_188 = tpu.vector_load %arg11[%get3A_187] {strides = array<i32>} : memref<10240xf32, #tpu.memory_space<vmem>>, vector<16xf32>,
        %add3A_189 = arith.addf %add3A_182, %get3A_188 : vector<16xf32>
        %mul3A_190 = arith.constant 16 : i32
        %mul3A_191 = arith.muli %scan3A_171, %mul3A_190 : i32
        %add3A_192 = arith.constant 1920 : i32
        %add3A_193 = arith.addi %add3A_192, %mul3A_191 : i32
        %get3A_194 = arith.index_cast %add3A_193 : i32 to index
        %get3A_195 = tpu.vector_load %arg11[%get3A_194] {strides = array<i32>} : memref<10240xf32, #tpu.memory_space<vmem>>, vector<16xf32>,
        %add3A_196 = arith.addf %add3A_189, %get3A_195 : vector<16xf32>
        %mul3A_197 = arith.constant 16 : i32
        %mul3A_198 = arith.muli %scan3A_171, %mul3A_197 : i32
        %add3A_199 = arith.constant 2560 : i32
        %add3A_200 = arith.addi %add3A_199, %mul3A_198 : i32
        %get3A_201 = arith.index_cast %add3A_200 : i32 to index
        %get3A_202 = tpu.vector_load %arg11[%get3A_201] {strides = array<i32>} : memref<10240xf32, #tpu.memory_space<vmem>>, vector<16xf32>,
        %add3A_203 = arith.addf %add3A_196, %get3A_202 : vector<16xf32>
        %mul3A_204 = arith.constant 16 : i32
        %mul3A_205 = arith.muli %scan3A_171, %mul3A_204 : i32
        %add3A_206 = arith.constant 3200 : i32
        %add3A_207 = arith.addi %add3A_206, %mul3A_205 : i32
        %get3A_208 = arith.index_cast %add3A_207 : i32 to index
        %get3A_209 = tpu.vector_load %arg11[%get3A_208] {strides = array<i32>} : memref<10240xf32, #tpu.memory_space<vmem>>, vector<16xf32>,
        %add3A_210 = arith.addf %add3A_203, %get3A_209 : vector<16xf32>
        %mul3A_211 = arith.constant 16 : i32
        %mul3A_212 = arith.muli %scan3A_171, %mul3A_211 : i32
        %add3A_213 = arith.constant 3840 : i32
        %add3A_214 = arith.addi %add3A_213, %mul3A_212 : i32
        %get3A_215 = arith.index_cast %add3A_214 : i32 to index
        %get3A_216 = tpu.vector_load %arg11[%get3A_215] {strides = array<i32>} : memref<10240xf32, #tpu.memory_space<vmem>>, vector<16xf32>,
        %add3A_217 = arith.addf %add3A_210, %get3A_216 : vector<16xf32>
        %mul3A_218 = arith.constant 16 : i32
        %mul3A_219 = arith.muli %scan3A_171, %mul3A_218 : i32
        %add3A_220 = arith.constant 4480 : i32
        %add3A_221 = arith.addi %add3A_220, %mul3A_219 : i32
        %get3A_222 = arith.index_cast %add3A_221 : i32 to index
        %get3A_223 = tpu.vector_load %arg11[%get3A_222] {strides = array<i32>} : memref<10240xf32, #tpu.memory_space<vmem>>, vector<16xf32>,
        %add3A_224 = arith.addf %add3A_217, %get3A_223 : vector<16xf32>
        %mul3A_225 = arith.constant 16 : i32
        %mul3A_226 = arith.muli %scan3A_171, %mul3A_225 : i32
        %add3A_227 = arith.constant 5120 : i32
        %add3A_228 = arith.addi %add3A_227, %mul3A_226 : i32
        %get3A_229 = arith.index_cast %add3A_228 : i32 to index
        %get3A_230 = tpu.vector_load %arg11[%get3A_229] {strides = array<i32>} : memref<10240xf32, #tpu.memory_space<vmem>>, vector<16xf32>,
        %add3A_231 = arith.addf %add3A_224, %get3A_230 : vector<16xf32>
        %mul3A_232 = arith.constant 16 : i32
        %mul3A_233 = arith.muli %scan3A_171, %mul3A_232 : i32
        %add3A_234 = arith.constant 5760 : i32
        %add3A_235 = arith.addi %add3A_234, %mul3A_233 : i32
        %get3A_236 = arith.index_cast %add3A_235 : i32 to index
        %get3A_237 = tpu.vector_load %arg11[%get3A_236] {strides = array<i32>} : memref<10240xf32, #tpu.memory_space<vmem>>, vector<16xf32>,
        %add3A_238 = arith.addf %add3A_231, %get3A_237 : vector<16xf32>
        %mul3A_239 = arith.constant 16 : i32
        %mul3A_240 = arith.muli %scan3A_171, %mul3A_239 : i32
        %add3A_241 = arith.constant 6400 : i32
        %add3A_242 = arith.addi %add3A_241, %mul3A_240 : i32
        %get3A_243 = arith.index_cast %add3A_242 : i32 to index
        %get3A_244 = tpu.vector_load %arg11[%get3A_243] {strides = array<i32>} : memref<10240xf32, #tpu.memory_space<vmem>>, vector<16xf32>,
        %add3A_245 = arith.addf %add3A_238, %get3A_244 : vector<16xf32>
        %mul3A_246 = arith.constant 16 : i32
        %mul3A_247 = arith.muli %scan3A_171, %mul3A_246 : i32
        %add3A_248 = arith.constant 7040 : i32
        %add3A_249 = arith.addi %add3A_248, %mul3A_247 : i32
        %get3A_250 = arith.index_cast %add3A_249 : i32 to index
        %get3A_251 = tpu.vector_load %arg11[%get3A_250] {strides = array<i32>} : memref<10240xf32, #tpu.memory_space<vmem>>, vector<16xf32>,
        %add3A_252 = arith.addf %add3A_245, %get3A_251 : vector<16xf32>
        %mul3A_253 = arith.constant 16 : i32
        %mul3A_254 = arith.muli %scan3A_171, %mul3A_253 : i32
        %add3A_255 = arith.constant 7680 : i32
        %add3A_256 = arith.addi %add3A_255, %mul3A_254 : i32
        %get3A_257 = arith.index_cast %add3A_256 : i32 to index
        %get3A_258 = tpu.vector_load %arg11[%get3A_257] {strides = array<i32>} : memref<10240xf32, #tpu.memory_space<vmem>>, vector<16xf32>,
        %add3A_259 = arith.addf %add3A_252, %get3A_258 : vector<16xf32>
        %mul3A_260 = arith.constant 16 : i32
        %mul3A_261 = arith.muli %scan3A_171, %mul3A_260 : i32
        %add3A_262 = arith.constant 8320 : i32
        %add3A_263 = arith.addi %add3A_262, %mul3A_261 : i32
        %get3A_264 = arith.index_cast %add3A_263 : i32 to index
        %get3A_265 = tpu.vector_load %arg11[%get3A_264] {strides = array<i32>} : memref<10240xf32, #tpu.memory_space<vmem>>, vector<16xf32>,
        %add3A_266 = arith.addf %add3A_259, %get3A_265 : vector<16xf32>
        %mul3A_267 = arith.constant 16 : i32
        %mul3A_268 = arith.muli %scan3A_171, %mul3A_267 : i32
        %add3A_269 = arith.constant 8960 : i32
        %add3A_270 = arith.addi %add3A_269, %mul3A_268 : i32
        %get3A_271 = arith.index_cast %add3A_270 : i32 to index
        %get3A_272 = tpu.vector_load %arg11[%get3A_271] {strides = array<i32>} : memref<10240xf32, #tpu.memory_space<vmem>>, vector<16xf32>,
        %add3A_273 = arith.addf %add3A_266, %get3A_272 : vector<16xf32>
        %mul3A_274 = arith.constant 16 : i32
        %mul3A_275 = arith.muli %scan3A_171, %mul3A_274 : i32
        %add3A_276 = arith.constant 9600 : i32
        %add3A_277 = arith.addi %add3A_276, %mul3A_275 : i32
        %get3A_278 = arith.index_cast %add3A_277 : i32 to index
        %get3A_279 = tpu.vector_load %arg11[%get3A_278] {strides = array<i32>} : memref<10240xf32, #tpu.memory_space<vmem>>, vector<16xf32>,
        %add3A_280 = arith.addf %add3A_273, %get3A_279 : vector<16xf32>
        %mul3A_281 = arith.constant 16 : i32
        %mul3A_282 = arith.muli %scan3A_171, %mul3A_281 : i32
        %swap3A = arith.index_cast %mul3A_282 : i32 to index
        %swap3A_283 = tpu.vector_load %arg12[%swap3A] {strides = array<i32>} : memref<640xf32, #tpu.memory_space<vmem>>, vector<16xf32>,
        tpu.vector_store %arg12[%swap3A], %add3A_280 {strides = array<i32>} : memref<640xf32, #tpu.memory_space<vmem>>, vector<16xf32>,
        %scan3A_284 = arith.constant 0 : i32
        scf.yield %scan3A_284 : i32
      }
      %scan3A_168 = arith.constant 40 : i32
      %mul3A_169 = arith.constant 640 : i32
      %mul3A_170 = arith.muli %arg1, %mul3A_169 : i32
      "tpu.region"() ({
        %run_scoped3A = tpu.sem_alloc : memref<!tpu.dma_semaphore, #tpu.memory_space<semaphore_mem>>
        %dma_start3A = tpu.memref_slice %arg6[%mul3A_170] : memref<10240xf32, #tpu.memory_space<hbm>> -> memref<640xf32, #tpu.memory_space<hbm>>
        %dma_start3A_171 = tpu.memref_slice %arg6[%mul3A_170] : memref<10240xf32, #tpu.memory_space<hbm>> -> memref<640xf32, #tpu.memory_space<hbm>>
        tpu.enqueue_dma source(%arg12 : memref<640xf32, #tpu.memory_space<vmem>>) target(%dma_start3A_171 : memref<640xf32, #tpu.memory_space<hbm>>) target_semaphore(%run_scoped3A : memref<!tpu.dma_semaphore, #tpu.memory_space<semaphore_mem>>)
        %dma_wait3A = tpu.memref_slice %arg6[%mul3A_170] : memref<10240xf32, #tpu.memory_space<hbm>> -> memref<640xf32, #tpu.memory_space<hbm>>
        %dma_wait3A_172 = tpu.memref_slice %arg6[%mul3A_170] : memref<10240xf32, #tpu.memory_space<hbm>> -> memref<640xf32, #tpu.memory_space<hbm>>
        tpu.wait_dma2 semaphore(%run_scoped3A : memref<!tpu.dma_semaphore, #tpu.memory_space<semaphore_mem>>) src(%arg12 : memref<640xf32, #tpu.memory_space<vmem>>) dst(%dma_wait3A_172 : memref<640xf32, #tpu.memory_space<hbm>>)
        tpu.yield
      }) : () -> ()
    } else {
    }
    %eq3A_21 = arith.constant 1 : i32
    %eq3A_22 = arith.cmpi eq, %arg0, %eq3A_21 : i32
    %convert_element_type3A_23 = arith.extui %eq3A_22 : i1 to i32
    %cond3A_24 = arith.constant 0 : i32
    %cond3A_25 = arith.cmpi ne, %convert_element_type3A_23, %cond3A_24 : i32
    scf.if %cond3A_25 {
      %mul3A_26 = arith.constant 640 : i32
      %mul3A_27 = arith.muli %arg1, %mul3A_26 : i32
      %add3A = arith.constant 0 : i32
      %add3A_28 = arith.addi %add3A, %mul3A_27 : i32
      "tpu.region"() ({
        %run_scoped3A = tpu.sem_alloc : memref<!tpu.dma_semaphore, #tpu.memory_space<semaphore_mem>>
        %dma_start3A = arith.constant 0 : i32
        %dma_start3A_171 = tpu.memref_slice %arg11[%dma_start3A] : memref<10240xf32, #tpu.memory_space<vmem>> -> memref<640xf32, #tpu.memory_space<vmem>>
        %dma_start3A_172 = tpu.memref_slice %arg13[%add3A_28] : memref<163840xf32, #tpu.memory_space<vmem_shared>> -> memref<640xf32, #tpu.memory_space<vmem_shared>>
        %dma_start3A_173 = arith.constant 0 : i32
        %dma_start3A_174 = tpu.memref_slice %arg11[%dma_start3A_173] : memref<10240xf32, #tpu.memory_space<vmem>> -> memref<640xf32, #tpu.memory_space<vmem>>
        %dma_start3A_175 = tpu.memref_slice %arg13[%add3A_28] : memref<163840xf32, #tpu.memory_space<vmem_shared>> -> memref<640xf32, #tpu.memory_space<vmem_shared>>
        tpu.enqueue_dma source(%dma_start3A_175 : memref<640xf32, #tpu.memory_space<vmem_shared>>) target(%dma_start3A_174 : memref<640xf32, #tpu.memory_space<vmem>>) target_semaphore(%run_scoped3A : memref<!tpu.dma_semaphore, #tpu.memory_space<semaphore_mem>>)
        %dma_wait3A = arith.constant 0 : i32
        %dma_wait3A_176 = tpu.memref_slice %arg11[%dma_wait3A] : memref<10240xf32, #tpu.memory_space<vmem>> -> memref<640xf32, #tpu.memory_space<vmem>>
        %dma_wait3A_177 = tpu.memref_slice %arg13[%add3A_28] : memref<163840xf32, #tpu.memory_space<vmem_shared>> -> memref<640xf32, #tpu.memory_space<vmem_shared>>
        %dma_wait3A_178 = arith.constant 0 : i32
        %dma_wait3A_179 = tpu.memref_slice %arg11[%dma_wait3A_178] : memref<10240xf32, #tpu.memory_space<vmem>> -> memref<640xf32, #tpu.memory_space<vmem>>
        %dma_wait3A_180 = tpu.memref_slice %arg13[%add3A_28] : memref<163840xf32, #tpu.memory_space<vmem_shared>> -> memref<640xf32, #tpu.memory_space<vmem_shared>>
        tpu.wait_dma2 semaphore(%run_scoped3A : memref<!tpu.dma_semaphore, #tpu.memory_space<semaphore_mem>>) src(%dma_wait3A_180 : memref<640xf32, #tpu.memory_space<vmem_shared>>) dst(%dma_wait3A_179 : memref<640xf32, #tpu.memory_space<vmem>>)
        tpu.yield
      }) : () -> ()
      %mul3A_29 = arith.constant 640 : i32
      %mul3A_30 = arith.muli %arg1, %mul3A_29 : i32
      %add3A_31 = arith.constant 10240 : i32
      %add3A_32 = arith.addi %add3A_31, %mul3A_30 : i32
      "tpu.region"() ({
        %run_scoped3A = tpu.sem_alloc : memref<!tpu.dma_semaphore, #tpu.memory_space<semaphore_mem>>
        %dma_start3A = arith.constant 640 : i32
        %dma_start3A_171 = tpu.memref_slice %arg11[%dma_start3A] : memref<10240xf32, #tpu.memory_space<vmem>> -> memref<640xf32, #tpu.memory_space<vmem>>
        %dma_start3A_172 = tpu.memref_slice %arg13[%add3A_32] : memref<163840xf32, #tpu.memory_space<vmem_shared>> -> memref<640xf32, #tpu.memory_space<vmem_shared>>
        %dma_start3A_173 = arith.constant 640 : i32
        %dma_start3A_174 = tpu.memref_slice %arg11[%dma_start3A_173] : memref<10240xf32, #tpu.memory_space<vmem>> -> memref<640xf32, #tpu.memory_space<vmem>>
        %dma_start3A_175 = tpu.memref_slice %arg13[%add3A_32] : memref<163840xf32, #tpu.memory_space<vmem_shared>> -> memref<640xf32, #tpu.memory_space<vmem_shared>>
        tpu.enqueue_dma source(%dma_start3A_175 : memref<640xf32, #tpu.memory_space<vmem_shared>>) target(%dma_start3A_174 : memref<640xf32, #tpu.memory_space<vmem>>) target_semaphore(%run_scoped3A : memref<!tpu.dma_semaphore, #tpu.memory_space<semaphore_mem>>)
        %dma_wait3A = arith.constant 640 : i32
        %dma_wait3A_176 = tpu.memref_slice %arg11[%dma_wait3A] : memref<10240xf32, #tpu.memory_space<vmem>> -> memref<640xf32, #tpu.memory_space<vmem>>
        %dma_wait3A_177 = tpu.memref_slice %arg13[%add3A_32] : memref<163840xf32, #tpu.memory_space<vmem_shared>> -> memref<640xf32, #tpu.memory_space<vmem_shared>>
        %dma_wait3A_178 = arith.constant 640 : i32
        %dma_wait3A_179 = tpu.memref_slice %arg11[%dma_wait3A_178] : memref<10240xf32, #tpu.memory_space<vmem>> -> memref<640xf32, #tpu.memory_space<vmem>>
        %dma_wait3A_180 = tpu.memref_slice %arg13[%add3A_32] : memref<163840xf32, #tpu.memory_space<vmem_shared>> -> memref<640xf32, #tpu.memory_space<vmem_shared>>
        tpu.wait_dma2 semaphore(%run_scoped3A : memref<!tpu.dma_semaphore, #tpu.memory_space<semaphore_mem>>) src(%dma_wait3A_180 : memref<640xf32, #tpu.memory_space<vmem_shared>>) dst(%dma_wait3A_179 : memref<640xf32, #tpu.memory_space<vmem>>)
        tpu.yield
      }) : () -> ()
      %mul3A_33 = arith.constant 640 : i32
      %mul3A_34 = arith.muli %arg1, %mul3A_33 : i32
      %add3A_35 = arith.constant 20480 : i32
      %add3A_36 = arith.addi %add3A_35, %mul3A_34 : i32
      "tpu.region"() ({
        %run_scoped3A = tpu.sem_alloc : memref<!tpu.dma_semaphore, #tpu.memory_space<semaphore_mem>>
        %dma_start3A = arith.constant 1280 : i32
        %dma_start3A_171 = tpu.memref_slice %arg11[%dma_start3A] : memref<10240xf32, #tpu.memory_space<vmem>> -> memref<640xf32, #tpu.memory_space<vmem>>
        %dma_start3A_172 = tpu.memref_slice %arg13[%add3A_36] : memref<163840xf32, #tpu.memory_space<vmem_shared>> -> memref<640xf32, #tpu.memory_space<vmem_shared>>
        %dma_start3A_173 = arith.constant 1280 : i32
        %dma_start3A_174 = tpu.memref_slice %arg11[%dma_start3A_173] : memref<10240xf32, #tpu.memory_space<vmem>> -> memref<640xf32, #tpu.memory_space<vmem>>
        %dma_start3A_175 = tpu.memref_slice %arg13[%add3A_36] : memref<163840xf32, #tpu.memory_space<vmem_shared>> -> memref<640xf32, #tpu.memory_space<vmem_shared>>
        tpu.enqueue_dma source(%dma_start3A_175 : memref<640xf32, #tpu.memory_space<vmem_shared>>) target(%dma_start3A_174 : memref<640xf32, #tpu.memory_space<vmem>>) target_semaphore(%run_scoped3A : memref<!tpu.dma_semaphore, #tpu.memory_space<semaphore_mem>>)
        %dma_wait3A = arith.constant 1280 : i32
        %dma_wait3A_176 = tpu.memref_slice %arg11[%dma_wait3A] : memref<10240xf32, #tpu.memory_space<vmem>> -> memref<640xf32, #tpu.memory_space<vmem>>
        %dma_wait3A_177 = tpu.memref_slice %arg13[%add3A_36] : memref<163840xf32, #tpu.memory_space<vmem_shared>> -> memref<640xf32, #tpu.memory_space<vmem_shared>>
        %dma_wait3A_178 = arith.constant 1280 : i32
        %dma_wait3A_179 = tpu.memref_slice %arg11[%dma_wait3A_178] : memref<10240xf32, #tpu.memory_space<vmem>> -> memref<640xf32, #tpu.memory_space<vmem>>
        %dma_wait3A_180 = tpu.memref_slice %arg13[%add3A_36] : memref<163840xf32, #tpu.memory_space<vmem_shared>> -> memref<640xf32, #tpu.memory_space<vmem_shared>>
        tpu.wait_dma2 semaphore(%run_scoped3A : memref<!tpu.dma_semaphore, #tpu.memory_space<semaphore_mem>>) src(%dma_wait3A_180 : memref<640xf32, #tpu.memory_space<vmem_shared>>) dst(%dma_wait3A_179 : memref<640xf32, #tpu.memory_space<vmem>>)
        tpu.yield
      }) : () -> ()
      %mul3A_37 = arith.constant 640 : i32
      %mul3A_38 = arith.muli %arg1, %mul3A_37 : i32
      %add3A_39 = arith.constant 30720 : i32
      %add3A_40 = arith.addi %add3A_39, %mul3A_38 : i32
      "tpu.region"() ({
        %run_scoped3A = tpu.sem_alloc : memref<!tpu.dma_semaphore, #tpu.memory_space<semaphore_mem>>
        %dma_start3A = arith.constant 1920 : i32
        %dma_start3A_171 = tpu.memref_slice %arg11[%dma_start3A] : memref<10240xf32, #tpu.memory_space<vmem>> -> memref<640xf32, #tpu.memory_space<vmem>>
        %dma_start3A_172 = tpu.memref_slice %arg13[%add3A_40] : memref<163840xf32, #tpu.memory_space<vmem_shared>> -> memref<640xf32, #tpu.memory_space<vmem_shared>>
        %dma_start3A_173 = arith.constant 1920 : i32
        %dma_start3A_174 = tpu.memref_slice %arg11[%dma_start3A_173] : memref<10240xf32, #tpu.memory_space<vmem>> -> memref<640xf32, #tpu.memory_space<vmem>>
        %dma_start3A_175 = tpu.memref_slice %arg13[%add3A_40] : memref<163840xf32, #tpu.memory_space<vmem_shared>> -> memref<640xf32, #tpu.memory_space<vmem_shared>>
        tpu.enqueue_dma source(%dma_start3A_175 : memref<640xf32, #tpu.memory_space<vmem_shared>>) target(%dma_start3A_174 : memref<640xf32, #tpu.memory_space<vmem>>) target_semaphore(%run_scoped3A : memref<!tpu.dma_semaphore, #tpu.memory_space<semaphore_mem>>)
        %dma_wait3A = arith.constant 1920 : i32
        %dma_wait3A_176 = tpu.memref_slice %arg11[%dma_wait3A] : memref<10240xf32, #tpu.memory_space<vmem>> -> memref<640xf32, #tpu.memory_space<vmem>>
        %dma_wait3A_177 = tpu.memref_slice %arg13[%add3A_40] : memref<163840xf32, #tpu.memory_space<vmem_shared>> -> memref<640xf32, #tpu.memory_space<vmem_shared>>
        %dma_wait3A_178 = arith.constant 1920 : i32
        %dma_wait3A_179 = tpu.memref_slice %arg11[%dma_wait3A_178] : memref<10240xf32, #tpu.memory_space<vmem>> -> memref<640xf32, #tpu.memory_space<vmem>>
        %dma_wait3A_180 = tpu.memref_slice %arg13[%add3A_40] : memref<163840xf32, #tpu.memory_space<vmem_shared>> -> memref<640xf32, #tpu.memory_space<vmem_shared>>
        tpu.wait_dma2 semaphore(%run_scoped3A : memref<!tpu.dma_semaphore, #tpu.memory_space<semaphore_mem>>) src(%dma_wait3A_180 : memref<640xf32, #tpu.memory_space<vmem_shared>>) dst(%dma_wait3A_179 : memref<640xf32, #tpu.memory_space<vmem>>)
        tpu.yield
      }) : () -> ()
      %mul3A_41 = arith.constant 640 : i32
      %mul3A_42 = arith.muli %arg1, %mul3A_41 : i32
      %add3A_43 = arith.constant 40960 : i32
      %add3A_44 = arith.addi %add3A_43, %mul3A_42 : i32
      "tpu.region"() ({
        %run_scoped3A = tpu.sem_alloc : memref<!tpu.dma_semaphore, #tpu.memory_space<semaphore_mem>>
        %dma_start3A = arith.constant 2560 : i32
        %dma_start3A_171 = tpu.memref_slice %arg11[%dma_start3A] : memref<10240xf32, #tpu.memory_space<vmem>> -> memref<640xf32, #tpu.memory_space<vmem>>
        %dma_start3A_172 = tpu.memref_slice %arg13[%add3A_44] : memref<163840xf32, #tpu.memory_space<vmem_shared>> -> memref<640xf32, #tpu.memory_space<vmem_shared>>
        %dma_start3A_173 = arith.constant 2560 : i32
        %dma_start3A_174 = tpu.memref_slice %arg11[%dma_start3A_173] : memref<10240xf32, #tpu.memory_space<vmem>> -> memref<640xf32, #tpu.memory_space<vmem>>
        %dma_start3A_175 = tpu.memref_slice %arg13[%add3A_44] : memref<163840xf32, #tpu.memory_space<vmem_shared>> -> memref<640xf32, #tpu.memory_space<vmem_shared>>
        tpu.enqueue_dma source(%dma_start3A_175 : memref<640xf32, #tpu.memory_space<vmem_shared>>) target(%dma_start3A_174 : memref<640xf32, #tpu.memory_space<vmem>>) target_semaphore(%run_scoped3A : memref<!tpu.dma_semaphore, #tpu.memory_space<semaphore_mem>>)
        %dma_wait3A = arith.constant 2560 : i32
        %dma_wait3A_176 = tpu.memref_slice %arg11[%dma_wait3A] : memref<10240xf32, #tpu.memory_space<vmem>> -> memref<640xf32, #tpu.memory_space<vmem>>
        %dma_wait3A_177 = tpu.memref_slice %arg13[%add3A_44] : memref<163840xf32, #tpu.memory_space<vmem_shared>> -> memref<640xf32, #tpu.memory_space<vmem_shared>>
        %dma_wait3A_178 = arith.constant 2560 : i32
        %dma_wait3A_179 = tpu.memref_slice %arg11[%dma_wait3A_178] : memref<10240xf32, #tpu.memory_space<vmem>> -> memref<640xf32, #tpu.memory_space<vmem>>
        %dma_wait3A_180 = tpu.memref_slice %arg13[%add3A_44] : memref<163840xf32, #tpu.memory_space<vmem_shared>> -> memref<640xf32, #tpu.memory_space<vmem_shared>>
        tpu.wait_dma2 semaphore(%run_scoped3A : memref<!tpu.dma_semaphore, #tpu.memory_space<semaphore_mem>>) src(%dma_wait3A_180 : memref<640xf32, #tpu.memory_space<vmem_shared>>) dst(%dma_wait3A_179 : memref<640xf32, #tpu.memory_space<vmem>>)
        tpu.yield
      }) : () -> ()
      %mul3A_45 = arith.constant 640 : i32
      %mul3A_46 = arith.muli %arg1, %mul3A_45 : i32
      %add3A_47 = arith.constant 51200 : i32
      %add3A_48 = arith.addi %add3A_47, %mul3A_46 : i32
      "tpu.region"() ({
        %run_scoped3A = tpu.sem_alloc : memref<!tpu.dma_semaphore, #tpu.memory_space<semaphore_mem>>
        %dma_start3A = arith.constant 3200 : i32
        %dma_start3A_171 = tpu.memref_slice %arg11[%dma_start3A] : memref<10240xf32, #tpu.memory_space<vmem>> -> memref<640xf32, #tpu.memory_space<vmem>>
        %dma_start3A_172 = tpu.memref_slice %arg13[%add3A_48] : memref<163840xf32, #tpu.memory_space<vmem_shared>> -> memref<640xf32, #tpu.memory_space<vmem_shared>>
        %dma_start3A_173 = arith.constant 3200 : i32
        %dma_start3A_174 = tpu.memref_slice %arg11[%dma_start3A_173] : memref<10240xf32, #tpu.memory_space<vmem>> -> memref<640xf32, #tpu.memory_space<vmem>>
        %dma_start3A_175 = tpu.memref_slice %arg13[%add3A_48] : memref<163840xf32, #tpu.memory_space<vmem_shared>> -> memref<640xf32, #tpu.memory_space<vmem_shared>>
        tpu.enqueue_dma source(%dma_start3A_175 : memref<640xf32, #tpu.memory_space<vmem_shared>>) target(%dma_start3A_174 : memref<640xf32, #tpu.memory_space<vmem>>) target_semaphore(%run_scoped3A : memref<!tpu.dma_semaphore, #tpu.memory_space<semaphore_mem>>)
        %dma_wait3A = arith.constant 3200 : i32
        %dma_wait3A_176 = tpu.memref_slice %arg11[%dma_wait3A] : memref<10240xf32, #tpu.memory_space<vmem>> -> memref<640xf32, #tpu.memory_space<vmem>>
        %dma_wait3A_177 = tpu.memref_slice %arg13[%add3A_48] : memref<163840xf32, #tpu.memory_space<vmem_shared>> -> memref<640xf32, #tpu.memory_space<vmem_shared>>
        %dma_wait3A_178 = arith.constant 3200 : i32
        %dma_wait3A_179 = tpu.memref_slice %arg11[%dma_wait3A_178] : memref<10240xf32, #tpu.memory_space<vmem>> -> memref<640xf32, #tpu.memory_space<vmem>>
        %dma_wait3A_180 = tpu.memref_slice %arg13[%add3A_48] : memref<163840xf32, #tpu.memory_space<vmem_shared>> -> memref<640xf32, #tpu.memory_space<vmem_shared>>
        tpu.wait_dma2 semaphore(%run_scoped3A : memref<!tpu.dma_semaphore, #tpu.memory_space<semaphore_mem>>) src(%dma_wait3A_180 : memref<640xf32, #tpu.memory_space<vmem_shared>>) dst(%dma_wait3A_179 : memref<640xf32, #tpu.memory_space<vmem>>)
        tpu.yield
      }) : () -> ()
      %mul3A_49 = arith.constant 640 : i32
      %mul3A_50 = arith.muli %arg1, %mul3A_49 : i32
      %add3A_51 = arith.constant 61440 : i32
      %add3A_52 = arith.addi %add3A_51, %mul3A_50 : i32
      "tpu.region"() ({
        %run_scoped3A = tpu.sem_alloc : memref<!tpu.dma_semaphore, #tpu.memory_space<semaphore_mem>>
        %dma_start3A = arith.constant 3840 : i32
        %dma_start3A_171 = tpu.memref_slice %arg11[%dma_start3A] : memref<10240xf32, #tpu.memory_space<vmem>> -> memref<640xf32, #tpu.memory_space<vmem>>
        %dma_start3A_172 = tpu.memref_slice %arg13[%add3A_52] : memref<163840xf32, #tpu.memory_space<vmem_shared>> -> memref<640xf32, #tpu.memory_space<vmem_shared>>
        %dma_start3A_173 = arith.constant 3840 : i32
        %dma_start3A_174 = tpu.memref_slice %arg11[%dma_start3A_173] : memref<10240xf32, #tpu.memory_space<vmem>> -> memref<640xf32, #tpu.memory_space<vmem>>
        %dma_start3A_175 = tpu.memref_slice %arg13[%add3A_52] : memref<163840xf32, #tpu.memory_space<vmem_shared>> -> memref<640xf32, #tpu.memory_space<vmem_shared>>
        tpu.enqueue_dma source(%dma_start3A_175 : memref<640xf32, #tpu.memory_space<vmem_shared>>) target(%dma_start3A_174 : memref<640xf32, #tpu.memory_space<vmem>>) target_semaphore(%run_scoped3A : memref<!tpu.dma_semaphore, #tpu.memory_space<semaphore_mem>>)
        %dma_wait3A = arith.constant 3840 : i32
        %dma_wait3A_176 = tpu.memref_slice %arg11[%dma_wait3A] : memref<10240xf32, #tpu.memory_space<vmem>> -> memref<640xf32, #tpu.memory_space<vmem>>
        %dma_wait3A_177 = tpu.memref_slice %arg13[%add3A_52] : memref<163840xf32, #tpu.memory_space<vmem_shared>> -> memref<640xf32, #tpu.memory_space<vmem_shared>>
        %dma_wait3A_178 = arith.constant 3840 : i32
        %dma_wait3A_179 = tpu.memref_slice %arg11[%dma_wait3A_178] : memref<10240xf32, #tpu.memory_space<vmem>> -> memref<640xf32, #tpu.memory_space<vmem>>
        %dma_wait3A_180 = tpu.memref_slice %arg13[%add3A_52] : memref<163840xf32, #tpu.memory_space<vmem_shared>> -> memref<640xf32, #tpu.memory_space<vmem_shared>>
        tpu.wait_dma2 semaphore(%run_scoped3A : memref<!tpu.dma_semaphore, #tpu.memory_space<semaphore_mem>>) src(%dma_wait3A_180 : memref<640xf32, #tpu.memory_space<vmem_shared>>) dst(%dma_wait3A_179 : memref<640xf32, #tpu.memory_space<vmem>>)
        tpu.yield
      }) : () -> ()
      %mul3A_53 = arith.constant 640 : i32
      %mul3A_54 = arith.muli %arg1, %mul3A_53 : i32
      %add3A_55 = arith.constant 71680 : i32
      %add3A_56 = arith.addi %add3A_55, %mul3A_54 : i32
      "tpu.region"() ({
        %run_scoped3A = tpu.sem_alloc : memref<!tpu.dma_semaphore, #tpu.memory_space<semaphore_mem>>
        %dma_start3A = arith.constant 4480 : i32
        %dma_start3A_171 = tpu.memref_slice %arg11[%dma_start3A] : memref<10240xf32, #tpu.memory_space<vmem>> -> memref<640xf32, #tpu.memory_space<vmem>>
        %dma_start3A_172 = tpu.memref_slice %arg13[%add3A_56] : memref<163840xf32, #tpu.memory_space<vmem_shared>> -> memref<640xf32, #tpu.memory_space<vmem_shared>>
        %dma_start3A_173 = arith.constant 4480 : i32
        %dma_start3A_174 = tpu.memref_slice %arg11[%dma_start3A_173] : memref<10240xf32, #tpu.memory_space<vmem>> -> memref<640xf32, #tpu.memory_space<vmem>>
        %dma_start3A_175 = tpu.memref_slice %arg13[%add3A_56] : memref<163840xf32, #tpu.memory_space<vmem_shared>> -> memref<640xf32, #tpu.memory_space<vmem_shared>>
        tpu.enqueue_dma source(%dma_start3A_175 : memref<640xf32, #tpu.memory_space<vmem_shared>>) target(%dma_start3A_174 : memref<640xf32, #tpu.memory_space<vmem>>) target_semaphore(%run_scoped3A : memref<!tpu.dma_semaphore, #tpu.memory_space<semaphore_mem>>)
        %dma_wait3A = arith.constant 4480 : i32
        %dma_wait3A_176 = tpu.memref_slice %arg11[%dma_wait3A] : memref<10240xf32, #tpu.memory_space<vmem>> -> memref<640xf32, #tpu.memory_space<vmem>>
        %dma_wait3A_177 = tpu.memref_slice %arg13[%add3A_56] : memref<163840xf32, #tpu.memory_space<vmem_shared>> -> memref<640xf32, #tpu.memory_space<vmem_shared>>
        %dma_wait3A_178 = arith.constant 4480 : i32
        %dma_wait3A_179 = tpu.memref_slice %arg11[%dma_wait3A_178] : memref<10240xf32, #tpu.memory_space<vmem>> -> memref<640xf32, #tpu.memory_space<vmem>>
        %dma_wait3A_180 = tpu.memref_slice %arg13[%add3A_56] : memref<163840xf32, #tpu.memory_space<vmem_shared>> -> memref<640xf32, #tpu.memory_space<vmem_shared>>
        tpu.wait_dma2 semaphore(%run_scoped3A : memref<!tpu.dma_semaphore, #tpu.memory_space<semaphore_mem>>) src(%dma_wait3A_180 : memref<640xf32, #tpu.memory_space<vmem_shared>>) dst(%dma_wait3A_179 : memref<640xf32, #tpu.memory_space<vmem>>)
        tpu.yield
      }) : () -> ()
      %mul3A_57 = arith.constant 640 : i32
      %mul3A_58 = arith.muli %arg1, %mul3A_57 : i32
      %add3A_59 = arith.constant 81920 : i32
      %add3A_60 = arith.addi %add3A_59, %mul3A_58 : i32
      "tpu.region"() ({
        %run_scoped3A = tpu.sem_alloc : memref<!tpu.dma_semaphore, #tpu.memory_space<semaphore_mem>>
        %dma_start3A = arith.constant 5120 : i32
        %dma_start3A_171 = tpu.memref_slice %arg11[%dma_start3A] : memref<10240xf32, #tpu.memory_space<vmem>> -> memref<640xf32, #tpu.memory_space<vmem>>
        %dma_start3A_172 = tpu.memref_slice %arg13[%add3A_60] : memref<163840xf32, #tpu.memory_space<vmem_shared>> -> memref<640xf32, #tpu.memory_space<vmem_shared>>
        %dma_start3A_173 = arith.constant 5120 : i32
        %dma_start3A_174 = tpu.memref_slice %arg11[%dma_start3A_173] : memref<10240xf32, #tpu.memory_space<vmem>> -> memref<640xf32, #tpu.memory_space<vmem>>
        %dma_start3A_175 = tpu.memref_slice %arg13[%add3A_60] : memref<163840xf32, #tpu.memory_space<vmem_shared>> -> memref<640xf32, #tpu.memory_space<vmem_shared>>
        tpu.enqueue_dma source(%dma_start3A_175 : memref<640xf32, #tpu.memory_space<vmem_shared>>) target(%dma_start3A_174 : memref<640xf32, #tpu.memory_space<vmem>>) target_semaphore(%run_scoped3A : memref<!tpu.dma_semaphore, #tpu.memory_space<semaphore_mem>>)
        %dma_wait3A = arith.constant 5120 : i32
        %dma_wait3A_176 = tpu.memref_slice %arg11[%dma_wait3A] : memref<10240xf32, #tpu.memory_space<vmem>> -> memref<640xf32, #tpu.memory_space<vmem>>
        %dma_wait3A_177 = tpu.memref_slice %arg13[%add3A_60] : memref<163840xf32, #tpu.memory_space<vmem_shared>> -> memref<640xf32, #tpu.memory_space<vmem_shared>>
        %dma_wait3A_178 = arith.constant 5120 : i32
        %dma_wait3A_179 = tpu.memref_slice %arg11[%dma_wait3A_178] : memref<10240xf32, #tpu.memory_space<vmem>> -> memref<640xf32, #tpu.memory_space<vmem>>
        %dma_wait3A_180 = tpu.memref_slice %arg13[%add3A_60] : memref<163840xf32, #tpu.memory_space<vmem_shared>> -> memref<640xf32, #tpu.memory_space<vmem_shared>>
        tpu.wait_dma2 semaphore(%run_scoped3A : memref<!tpu.dma_semaphore, #tpu.memory_space<semaphore_mem>>) src(%dma_wait3A_180 : memref<640xf32, #tpu.memory_space<vmem_shared>>) dst(%dma_wait3A_179 : memref<640xf32, #tpu.memory_space<vmem>>)
        tpu.yield
      }) : () -> ()
      %mul3A_61 = arith.constant 640 : i32
      %mul3A_62 = arith.muli %arg1, %mul3A_61 : i32
      %add3A_63 = arith.constant 92160 : i32
      %add3A_64 = arith.addi %add3A_63, %mul3A_62 : i32
      "tpu.region"() ({
        %run_scoped3A = tpu.sem_alloc : memref<!tpu.dma_semaphore, #tpu.memory_space<semaphore_mem>>
        %dma_start3A = arith.constant 5760 : i32
        %dma_start3A_171 = tpu.memref_slice %arg11[%dma_start3A] : memref<10240xf32, #tpu.memory_space<vmem>> -> memref<640xf32, #tpu.memory_space<vmem>>
        %dma_start3A_172 = tpu.memref_slice %arg13[%add3A_64] : memref<163840xf32, #tpu.memory_space<vmem_shared>> -> memref<640xf32, #tpu.memory_space<vmem_shared>>
        %dma_start3A_173 = arith.constant 5760 : i32
        %dma_start3A_174 = tpu.memref_slice %arg11[%dma_start3A_173] : memref<10240xf32, #tpu.memory_space<vmem>> -> memref<640xf32, #tpu.memory_space<vmem>>
        %dma_start3A_175 = tpu.memref_slice %arg13[%add3A_64] : memref<163840xf32, #tpu.memory_space<vmem_shared>> -> memref<640xf32, #tpu.memory_space<vmem_shared>>
        tpu.enqueue_dma source(%dma_start3A_175 : memref<640xf32, #tpu.memory_space<vmem_shared>>) target(%dma_start3A_174 : memref<640xf32, #tpu.memory_space<vmem>>) target_semaphore(%run_scoped3A : memref<!tpu.dma_semaphore, #tpu.memory_space<semaphore_mem>>)
        %dma_wait3A = arith.constant 5760 : i32
        %dma_wait3A_176 = tpu.memref_slice %arg11[%dma_wait3A] : memref<10240xf32, #tpu.memory_space<vmem>> -> memref<640xf32, #tpu.memory_space<vmem>>
        %dma_wait3A_177 = tpu.memref_slice %arg13[%add3A_64] : memref<163840xf32, #tpu.memory_space<vmem_shared>> -> memref<640xf32, #tpu.memory_space<vmem_shared>>
        %dma_wait3A_178 = arith.constant 5760 : i32
        %dma_wait3A_179 = tpu.memref_slice %arg11[%dma_wait3A_178] : memref<10240xf32, #tpu.memory_space<vmem>> -> memref<640xf32, #tpu.memory_space<vmem>>
        %dma_wait3A_180 = tpu.memref_slice %arg13[%add3A_64] : memref<163840xf32, #tpu.memory_space<vmem_shared>> -> memref<640xf32, #tpu.memory_space<vmem_shared>>
        tpu.wait_dma2 semaphore(%run_scoped3A : memref<!tpu.dma_semaphore, #tpu.memory_space<semaphore_mem>>) src(%dma_wait3A_180 : memref<640xf32, #tpu.memory_space<vmem_shared>>) dst(%dma_wait3A_179 : memref<640xf32, #tpu.memory_space<vmem>>)
        tpu.yield
      }) : () -> ()
      %mul3A_65 = arith.constant 640 : i32
      %mul3A_66 = arith.muli %arg1, %mul3A_65 : i32
      %add3A_67 = arith.constant 102400 : i32
      %add3A_68 = arith.addi %add3A_67, %mul3A_66 : i32
      "tpu.region"() ({
        %run_scoped3A = tpu.sem_alloc : memref<!tpu.dma_semaphore, #tpu.memory_space<semaphore_mem>>
        %dma_start3A = arith.constant 6400 : i32
        %dma_start3A_171 = tpu.memref_slice %arg11[%dma_start3A] : memref<10240xf32, #tpu.memory_space<vmem>> -> memref<640xf32, #tpu.memory_space<vmem>>
        %dma_start3A_172 = tpu.memref_slice %arg13[%add3A_68] : memref<163840xf32, #tpu.memory_space<vmem_shared>> -> memref<640xf32, #tpu.memory_space<vmem_shared>>
        %dma_start3A_173 = arith.constant 6400 : i32
        %dma_start3A_174 = tpu.memref_slice %arg11[%dma_start3A_173] : memref<10240xf32, #tpu.memory_space<vmem>> -> memref<640xf32, #tpu.memory_space<vmem>>
        %dma_start3A_175 = tpu.memref_slice %arg13[%add3A_68] : memref<163840xf32, #tpu.memory_space<vmem_shared>> -> memref<640xf32, #tpu.memory_space<vmem_shared>>
        tpu.enqueue_dma source(%dma_start3A_175 : memref<640xf32, #tpu.memory_space<vmem_shared>>) target(%dma_start3A_174 : memref<640xf32, #tpu.memory_space<vmem>>) target_semaphore(%run_scoped3A : memref<!tpu.dma_semaphore, #tpu.memory_space<semaphore_mem>>)
        %dma_wait3A = arith.constant 6400 : i32
        %dma_wait3A_176 = tpu.memref_slice %arg11[%dma_wait3A] : memref<10240xf32, #tpu.memory_space<vmem>> -> memref<640xf32, #tpu.memory_space<vmem>>
        %dma_wait3A_177 = tpu.memref_slice %arg13[%add3A_68] : memref<163840xf32, #tpu.memory_space<vmem_shared>> -> memref<640xf32, #tpu.memory_space<vmem_shared>>
        %dma_wait3A_178 = arith.constant 6400 : i32
        %dma_wait3A_179 = tpu.memref_slice %arg11[%dma_wait3A_178] : memref<10240xf32, #tpu.memory_space<vmem>> -> memref<640xf32, #tpu.memory_space<vmem>>
        %dma_wait3A_180 = tpu.memref_slice %arg13[%add3A_68] : memref<163840xf32, #tpu.memory_space<vmem_shared>> -> memref<640xf32, #tpu.memory_space<vmem_shared>>
        tpu.wait_dma2 semaphore(%run_scoped3A : memref<!tpu.dma_semaphore, #tpu.memory_space<semaphore_mem>>) src(%dma_wait3A_180 : memref<640xf32, #tpu.memory_space<vmem_shared>>) dst(%dma_wait3A_179 : memref<640xf32, #tpu.memory_space<vmem>>)
        tpu.yield
      }) : () -> ()
      %mul3A_69 = arith.constant 640 : i32
      %mul3A_70 = arith.muli %arg1, %mul3A_69 : i32
      %add3A_71 = arith.constant 112640 : i32
      %add3A_72 = arith.addi %add3A_71, %mul3A_70 : i32
      "tpu.region"() ({
        %run_scoped3A = tpu.sem_alloc : memref<!tpu.dma_semaphore, #tpu.memory_space<semaphore_mem>>
        %dma_start3A = arith.constant 7040 : i32
        %dma_start3A_171 = tpu.memref_slice %arg11[%dma_start3A] : memref<10240xf32, #tpu.memory_space<vmem>> -> memref<640xf32, #tpu.memory_space<vmem>>
        %dma_start3A_172 = tpu.memref_slice %arg13[%add3A_72] : memref<163840xf32, #tpu.memory_space<vmem_shared>> -> memref<640xf32, #tpu.memory_space<vmem_shared>>
        %dma_start3A_173 = arith.constant 7040 : i32
        %dma_start3A_174 = tpu.memref_slice %arg11[%dma_start3A_173] : memref<10240xf32, #tpu.memory_space<vmem>> -> memref<640xf32, #tpu.memory_space<vmem>>
        %dma_start3A_175 = tpu.memref_slice %arg13[%add3A_72] : memref<163840xf32, #tpu.memory_space<vmem_shared>> -> memref<640xf32, #tpu.memory_space<vmem_shared>>
        tpu.enqueue_dma source(%dma_start3A_175 : memref<640xf32, #tpu.memory_space<vmem_shared>>) target(%dma_start3A_174 : memref<640xf32, #tpu.memory_space<vmem>>) target_semaphore(%run_scoped3A : memref<!tpu.dma_semaphore, #tpu.memory_space<semaphore_mem>>)
        %dma_wait3A = arith.constant 7040 : i32
        %dma_wait3A_176 = tpu.memref_slice %arg11[%dma_wait3A] : memref<10240xf32, #tpu.memory_space<vmem>> -> memref<640xf32, #tpu.memory_space<vmem>>
        %dma_wait3A_177 = tpu.memref_slice %arg13[%add3A_72] : memref<163840xf32, #tpu.memory_space<vmem_shared>> -> memref<640xf32, #tpu.memory_space<vmem_shared>>
        %dma_wait3A_178 = arith.constant 7040 : i32
        %dma_wait3A_179 = tpu.memref_slice %arg11[%dma_wait3A_178] : memref<10240xf32, #tpu.memory_space<vmem>> -> memref<640xf32, #tpu.memory_space<vmem>>
        %dma_wait3A_180 = tpu.memref_slice %arg13[%add3A_72] : memref<163840xf32, #tpu.memory_space<vmem_shared>> -> memref<640xf32, #tpu.memory_space<vmem_shared>>
        tpu.wait_dma2 semaphore(%run_scoped3A : memref<!tpu.dma_semaphore, #tpu.memory_space<semaphore_mem>>) src(%dma_wait3A_180 : memref<640xf32, #tpu.memory_space<vmem_shared>>) dst(%dma_wait3A_179 : memref<640xf32, #tpu.memory_space<vmem>>)
        tpu.yield
      }) : () -> ()
      %mul3A_73 = arith.constant 640 : i32
      %mul3A_74 = arith.muli %arg1, %mul3A_73 : i32
      %add3A_75 = arith.constant 122880 : i32
      %add3A_76 = arith.addi %add3A_75, %mul3A_74 : i32
      "tpu.region"() ({
        %run_scoped3A = tpu.sem_alloc : memref<!tpu.dma_semaphore, #tpu.memory_space<semaphore_mem>>
        %dma_start3A = arith.constant 7680 : i32
        %dma_start3A_171 = tpu.memref_slice %arg11[%dma_start3A] : memref<10240xf32, #tpu.memory_space<vmem>> -> memref<640xf32, #tpu.memory_space<vmem>>
        %dma_start3A_172 = tpu.memref_slice %arg13[%add3A_76] : memref<163840xf32, #tpu.memory_space<vmem_shared>> -> memref<640xf32, #tpu.memory_space<vmem_shared>>
        %dma_start3A_173 = arith.constant 7680 : i32
        %dma_start3A_174 = tpu.memref_slice %arg11[%dma_start3A_173] : memref<10240xf32, #tpu.memory_space<vmem>> -> memref<640xf32, #tpu.memory_space<vmem>>
        %dma_start3A_175 = tpu.memref_slice %arg13[%add3A_76] : memref<163840xf32, #tpu.memory_space<vmem_shared>> -> memref<640xf32, #tpu.memory_space<vmem_shared>>
        tpu.enqueue_dma source(%dma_start3A_175 : memref<640xf32, #tpu.memory_space<vmem_shared>>) target(%dma_start3A_174 : memref<640xf32, #tpu.memory_space<vmem>>) target_semaphore(%run_scoped3A : memref<!tpu.dma_semaphore, #tpu.memory_space<semaphore_mem>>)
        %dma_wait3A = arith.constant 7680 : i32
        %dma_wait3A_176 = tpu.memref_slice %arg11[%dma_wait3A] : memref<10240xf32, #tpu.memory_space<vmem>> -> memref<640xf32, #tpu.memory_space<vmem>>
        %dma_wait3A_177 = tpu.memref_slice %arg13[%add3A_76] : memref<163840xf32, #tpu.memory_space<vmem_shared>> -> memref<640xf32, #tpu.memory_space<vmem_shared>>
        %dma_wait3A_178 = arith.constant 7680 : i32
        %dma_wait3A_179 = tpu.memref_slice %arg11[%dma_wait3A_178] : memref<10240xf32, #tpu.memory_space<vmem>> -> memref<640xf32, #tpu.memory_space<vmem>>
        %dma_wait3A_180 = tpu.memref_slice %arg13[%add3A_76] : memref<163840xf32, #tpu.memory_space<vmem_shared>> -> memref<640xf32, #tpu.memory_space<vmem_shared>>
        tpu.wait_dma2 semaphore(%run_scoped3A : memref<!tpu.dma_semaphore, #tpu.memory_space<semaphore_mem>>) src(%dma_wait3A_180 : memref<640xf32, #tpu.memory_space<vmem_shared>>) dst(%dma_wait3A_179 : memref<640xf32, #tpu.memory_space<vmem>>)
        tpu.yield
      }) : () -> ()
      %mul3A_77 = arith.constant 640 : i32
      %mul3A_78 = arith.muli %arg1, %mul3A_77 : i32
      %add3A_79 = arith.constant 133120 : i32
      %add3A_80 = arith.addi %add3A_79, %mul3A_78 : i32
      "tpu.region"() ({
        %run_scoped3A = tpu.sem_alloc : memref<!tpu.dma_semaphore, #tpu.memory_space<semaphore_mem>>
        %dma_start3A = arith.constant 8320 : i32
        %dma_start3A_171 = tpu.memref_slice %arg11[%dma_start3A] : memref<10240xf32, #tpu.memory_space<vmem>> -> memref<640xf32, #tpu.memory_space<vmem>>
        %dma_start3A_172 = tpu.memref_slice %arg13[%add3A_80] : memref<163840xf32, #tpu.memory_space<vmem_shared>> -> memref<640xf32, #tpu.memory_space<vmem_shared>>
        %dma_start3A_173 = arith.constant 8320 : i32
        %dma_start3A_174 = tpu.memref_slice %arg11[%dma_start3A_173] : memref<10240xf32, #tpu.memory_space<vmem>> -> memref<640xf32, #tpu.memory_space<vmem>>
        %dma_start3A_175 = tpu.memref_slice %arg13[%add3A_80] : memref<163840xf32, #tpu.memory_space<vmem_shared>> -> memref<640xf32, #tpu.memory_space<vmem_shared>>
        tpu.enqueue_dma source(%dma_start3A_175 : memref<640xf32, #tpu.memory_space<vmem_shared>>) target(%dma_start3A_174 : memref<640xf32, #tpu.memory_space<vmem>>) target_semaphore(%run_scoped3A : memref<!tpu.dma_semaphore, #tpu.memory_space<semaphore_mem>>)
        %dma_wait3A = arith.constant 8320 : i32
        %dma_wait3A_176 = tpu.memref_slice %arg11[%dma_wait3A] : memref<10240xf32, #tpu.memory_space<vmem>> -> memref<640xf32, #tpu.memory_space<vmem>>
        %dma_wait3A_177 = tpu.memref_slice %arg13[%add3A_80] : memref<163840xf32, #tpu.memory_space<vmem_shared>> -> memref<640xf32, #tpu.memory_space<vmem_shared>>
        %dma_wait3A_178 = arith.constant 8320 : i32
        %dma_wait3A_179 = tpu.memref_slice %arg11[%dma_wait3A_178] : memref<10240xf32, #tpu.memory_space<vmem>> -> memref<640xf32, #tpu.memory_space<vmem>>
        %dma_wait3A_180 = tpu.memref_slice %arg13[%add3A_80] : memref<163840xf32, #tpu.memory_space<vmem_shared>> -> memref<640xf32, #tpu.memory_space<vmem_shared>>
        tpu.wait_dma2 semaphore(%run_scoped3A : memref<!tpu.dma_semaphore, #tpu.memory_space<semaphore_mem>>) src(%dma_wait3A_180 : memref<640xf32, #tpu.memory_space<vmem_shared>>) dst(%dma_wait3A_179 : memref<640xf32, #tpu.memory_space<vmem>>)
        tpu.yield
      }) : () -> ()
      %mul3A_81 = arith.constant 640 : i32
      %mul3A_82 = arith.muli %arg1, %mul3A_81 : i32
      %add3A_83 = arith.constant 143360 : i32
      %add3A_84 = arith.addi %add3A_83, %mul3A_82 : i32
      "tpu.region"() ({
        %run_scoped3A = tpu.sem_alloc : memref<!tpu.dma_semaphore, #tpu.memory_space<semaphore_mem>>
        %dma_start3A = arith.constant 8960 : i32
        %dma_start3A_171 = tpu.memref_slice %arg11[%dma_start3A] : memref<10240xf32, #tpu.memory_space<vmem>> -> memref<640xf32, #tpu.memory_space<vmem>>
        %dma_start3A_172 = tpu.memref_slice %arg13[%add3A_84] : memref<163840xf32, #tpu.memory_space<vmem_shared>> -> memref<640xf32, #tpu.memory_space<vmem_shared>>
        %dma_start3A_173 = arith.constant 8960 : i32
        %dma_start3A_174 = tpu.memref_slice %arg11[%dma_start3A_173] : memref<10240xf32, #tpu.memory_space<vmem>> -> memref<640xf32, #tpu.memory_space<vmem>>
        %dma_start3A_175 = tpu.memref_slice %arg13[%add3A_84] : memref<163840xf32, #tpu.memory_space<vmem_shared>> -> memref<640xf32, #tpu.memory_space<vmem_shared>>
        tpu.enqueue_dma source(%dma_start3A_175 : memref<640xf32, #tpu.memory_space<vmem_shared>>) target(%dma_start3A_174 : memref<640xf32, #tpu.memory_space<vmem>>) target_semaphore(%run_scoped3A : memref<!tpu.dma_semaphore, #tpu.memory_space<semaphore_mem>>)
        %dma_wait3A = arith.constant 8960 : i32
        %dma_wait3A_176 = tpu.memref_slice %arg11[%dma_wait3A] : memref<10240xf32, #tpu.memory_space<vmem>> -> memref<640xf32, #tpu.memory_space<vmem>>
        %dma_wait3A_177 = tpu.memref_slice %arg13[%add3A_84] : memref<163840xf32, #tpu.memory_space<vmem_shared>> -> memref<640xf32, #tpu.memory_space<vmem_shared>>
        %dma_wait3A_178 = arith.constant 8960 : i32
        %dma_wait3A_179 = tpu.memref_slice %arg11[%dma_wait3A_178] : memref<10240xf32, #tpu.memory_space<vmem>> -> memref<640xf32, #tpu.memory_space<vmem>>
        %dma_wait3A_180 = tpu.memref_slice %arg13[%add3A_84] : memref<163840xf32, #tpu.memory_space<vmem_shared>> -> memref<640xf32, #tpu.memory_space<vmem_shared>>
        tpu.wait_dma2 semaphore(%run_scoped3A : memref<!tpu.dma_semaphore, #tpu.memory_space<semaphore_mem>>) src(%dma_wait3A_180 : memref<640xf32, #tpu.memory_space<vmem_shared>>) dst(%dma_wait3A_179 : memref<640xf32, #tpu.memory_space<vmem>>)
        tpu.yield
      }) : () -> ()
      %mul3A_85 = arith.constant 640 : i32
      %mul3A_86 = arith.muli %arg1, %mul3A_85 : i32
      %add3A_87 = arith.constant 153600 : i32
      %add3A_88 = arith.addi %add3A_87, %mul3A_86 : i32
      "tpu.region"() ({
        %run_scoped3A = tpu.sem_alloc : memref<!tpu.dma_semaphore, #tpu.memory_space<semaphore_mem>>
        %dma_start3A = arith.constant 9600 : i32
        %dma_start3A_171 = tpu.memref_slice %arg11[%dma_start3A] : memref<10240xf32, #tpu.memory_space<vmem>> -> memref<640xf32, #tpu.memory_space<vmem>>
        %dma_start3A_172 = tpu.memref_slice %arg13[%add3A_88] : memref<163840xf32, #tpu.memory_space<vmem_shared>> -> memref<640xf32, #tpu.memory_space<vmem_shared>>
        %dma_start3A_173 = arith.constant 9600 : i32
        %dma_start3A_174 = tpu.memref_slice %arg11[%dma_start3A_173] : memref<10240xf32, #tpu.memory_space<vmem>> -> memref<640xf32, #tpu.memory_space<vmem>>
        %dma_start3A_175 = tpu.memref_slice %arg13[%add3A_88] : memref<163840xf32, #tpu.memory_space<vmem_shared>> -> memref<640xf32, #tpu.memory_space<vmem_shared>>
        tpu.enqueue_dma source(%dma_start3A_175 : memref<640xf32, #tpu.memory_space<vmem_shared>>) target(%dma_start3A_174 : memref<640xf32, #tpu.memory_space<vmem>>) target_semaphore(%run_scoped3A : memref<!tpu.dma_semaphore, #tpu.memory_space<semaphore_mem>>)
        %dma_wait3A = arith.constant 9600 : i32
        %dma_wait3A_176 = tpu.memref_slice %arg11[%dma_wait3A] : memref<10240xf32, #tpu.memory_space<vmem>> -> memref<640xf32, #tpu.memory_space<vmem>>
        %dma_wait3A_177 = tpu.memref_slice %arg13[%add3A_88] : memref<163840xf32, #tpu.memory_space<vmem_shared>> -> memref<640xf32, #tpu.memory_space<vmem_shared>>
        %dma_wait3A_178 = arith.constant 9600 : i32
        %dma_wait3A_179 = tpu.memref_slice %arg11[%dma_wait3A_178] : memref<10240xf32, #tpu.memory_space<vmem>> -> memref<640xf32, #tpu.memory_space<vmem>>
        %dma_wait3A_180 = tpu.memref_slice %arg13[%add3A_88] : memref<163840xf32, #tpu.memory_space<vmem_shared>> -> memref<640xf32, #tpu.memory_space<vmem_shared>>
        tpu.wait_dma2 semaphore(%run_scoped3A : memref<!tpu.dma_semaphore, #tpu.memory_space<semaphore_mem>>) src(%dma_wait3A_180 : memref<640xf32, #tpu.memory_space<vmem_shared>>) dst(%dma_wait3A_179 : memref<640xf32, #tpu.memory_space<vmem>>)
        tpu.yield
      }) : () -> ()
      %scan3A_89 = arith.constant 0 : i32
      %scan3A_90 = arith.constant 0 : i32
      %scan3A_91 = arith.constant 40 : i32
      %scan3A_92 = arith.addi %scan3A_90, %scan3A_91 : i32
      %scan3A_93 = arith.constant 1 : i32
      %scan3A_94 = scf.for %scan3A_171 = %scan3A_90 to %scan3A_92 step %scan3A_93 iter_args(%scan3A_172 = %scan3A_89) -> (i32)  : i32 {
        %mul3A_173 = arith.constant 16 : i32
        %mul3A_174 = arith.muli %scan3A_171, %mul3A_173 : i32
        %get3A = arith.index_cast %mul3A_174 : i32 to index
        %get3A_175 = tpu.vector_load %arg11[%get3A] {strides = array<i32>} : memref<10240xf32, #tpu.memory_space<vmem>>, vector<16xf32>,
        %mul3A_176 = arith.constant 16 : i32
        %mul3A_177 = arith.muli %scan3A_171, %mul3A_176 : i32
        %add3A_178 = arith.constant 640 : i32
        %add3A_179 = arith.addi %add3A_178, %mul3A_177 : i32
        %get3A_180 = arith.index_cast %add3A_179 : i32 to index
        %get3A_181 = tpu.vector_load %arg11[%get3A_180] {strides = array<i32>} : memref<10240xf32, #tpu.memory_space<vmem>>, vector<16xf32>,
        %add3A_182 = arith.addf %get3A_175, %get3A_181 : vector<16xf32>
        %mul3A_183 = arith.constant 16 : i32
        %mul3A_184 = arith.muli %scan3A_171, %mul3A_183 : i32
        %add3A_185 = arith.constant 1280 : i32
        %add3A_186 = arith.addi %add3A_185, %mul3A_184 : i32
        %get3A_187 = arith.index_cast %add3A_186 : i32 to index
        %get3A_188 = tpu.vector_load %arg11[%get3A_187] {strides = array<i32>} : memref<10240xf32, #tpu.memory_space<vmem>>, vector<16xf32>,
        %add3A_189 = arith.addf %add3A_182, %get3A_188 : vector<16xf32>
        %mul3A_190 = arith.constant 16 : i32
        %mul3A_191 = arith.muli %scan3A_171, %mul3A_190 : i32
        %add3A_192 = arith.constant 1920 : i32
        %add3A_193 = arith.addi %add3A_192, %mul3A_191 : i32
        %get3A_194 = arith.index_cast %add3A_193 : i32 to index
        %get3A_195 = tpu.vector_load %arg11[%get3A_194] {strides = array<i32>} : memref<10240xf32, #tpu.memory_space<vmem>>, vector<16xf32>,
        %add3A_196 = arith.addf %add3A_189, %get3A_195 : vector<16xf32>
        %mul3A_197 = arith.constant 16 : i32
        %mul3A_198 = arith.muli %scan3A_171, %mul3A_197 : i32
        %add3A_199 = arith.constant 2560 : i32
        %add3A_200 = arith.addi %add3A_199, %mul3A_198 : i32
        %get3A_201 = arith.index_cast %add3A_200 : i32 to index
        %get3A_202 = tpu.vector_load %arg11[%get3A_201] {strides = array<i32>} : memref<10240xf32, #tpu.memory_space<vmem>>, vector<16xf32>,
        %add3A_203 = arith.addf %add3A_196, %get3A_202 : vector<16xf32>
        %mul3A_204 = arith.constant 16 : i32
        %mul3A_205 = arith.muli %scan3A_171, %mul3A_204 : i32
        %add3A_206 = arith.constant 3200 : i32
        %add3A_207 = arith.addi %add3A_206, %mul3A_205 : i32
        %get3A_208 = arith.index_cast %add3A_207 : i32 to index
        %get3A_209 = tpu.vector_load %arg11[%get3A_208] {strides = array<i32>} : memref<10240xf32, #tpu.memory_space<vmem>>, vector<16xf32>,
        %add3A_210 = arith.addf %add3A_203, %get3A_209 : vector<16xf32>
        %mul3A_211 = arith.constant 16 : i32
        %mul3A_212 = arith.muli %scan3A_171, %mul3A_211 : i32
        %add3A_213 = arith.constant 3840 : i32
        %add3A_214 = arith.addi %add3A_213, %mul3A_212 : i32
        %get3A_215 = arith.index_cast %add3A_214 : i32 to index
        %get3A_216 = tpu.vector_load %arg11[%get3A_215] {strides = array<i32>} : memref<10240xf32, #tpu.memory_space<vmem>>, vector<16xf32>,
        %add3A_217 = arith.addf %add3A_210, %get3A_216 : vector<16xf32>
        %mul3A_218 = arith.constant 16 : i32
        %mul3A_219 = arith.muli %scan3A_171, %mul3A_218 : i32
        %add3A_220 = arith.constant 4480 : i32
        %add3A_221 = arith.addi %add3A_220, %mul3A_219 : i32
        %get3A_222 = arith.index_cast %add3A_221 : i32 to index
        %get3A_223 = tpu.vector_load %arg11[%get3A_222] {strides = array<i32>} : memref<10240xf32, #tpu.memory_space<vmem>>, vector<16xf32>,
        %add3A_224 = arith.addf %add3A_217, %get3A_223 : vector<16xf32>
        %mul3A_225 = arith.constant 16 : i32
        %mul3A_226 = arith.muli %scan3A_171, %mul3A_225 : i32
        %add3A_227 = arith.constant 5120 : i32
        %add3A_228 = arith.addi %add3A_227, %mul3A_226 : i32
        %get3A_229 = arith.index_cast %add3A_228 : i32 to index
        %get3A_230 = tpu.vector_load %arg11[%get3A_229] {strides = array<i32>} : memref<10240xf32, #tpu.memory_space<vmem>>, vector<16xf32>,
        %add3A_231 = arith.addf %add3A_224, %get3A_230 : vector<16xf32>
        %mul3A_232 = arith.constant 16 : i32
        %mul3A_233 = arith.muli %scan3A_171, %mul3A_232 : i32
        %add3A_234 = arith.constant 5760 : i32
        %add3A_235 = arith.addi %add3A_234, %mul3A_233 : i32
        %get3A_236 = arith.index_cast %add3A_235 : i32 to index
        %get3A_237 = tpu.vector_load %arg11[%get3A_236] {strides = array<i32>} : memref<10240xf32, #tpu.memory_space<vmem>>, vector<16xf32>,
        %add3A_238 = arith.addf %add3A_231, %get3A_237 : vector<16xf32>
        %mul3A_239 = arith.constant 16 : i32
        %mul3A_240 = arith.muli %scan3A_171, %mul3A_239 : i32
        %add3A_241 = arith.constant 6400 : i32
        %add3A_242 = arith.addi %add3A_241, %mul3A_240 : i32
        %get3A_243 = arith.index_cast %add3A_242 : i32 to index
        %get3A_244 = tpu.vector_load %arg11[%get3A_243] {strides = array<i32>} : memref<10240xf32, #tpu.memory_space<vmem>>, vector<16xf32>,
        %add3A_245 = arith.addf %add3A_238, %get3A_244 : vector<16xf32>
        %mul3A_246 = arith.constant 16 : i32
        %mul3A_247 = arith.muli %scan3A_171, %mul3A_246 : i32
        %add3A_248 = arith.constant 7040 : i32
        %add3A_249 = arith.addi %add3A_248, %mul3A_247 : i32
        %get3A_250 = arith.index_cast %add3A_249 : i32 to index
        %get3A_251 = tpu.vector_load %arg11[%get3A_250] {strides = array<i32>} : memref<10240xf32, #tpu.memory_space<vmem>>, vector<16xf32>,
        %add3A_252 = arith.addf %add3A_245, %get3A_251 : vector<16xf32>
        %mul3A_253 = arith.constant 16 : i32
        %mul3A_254 = arith.muli %scan3A_171, %mul3A_253 : i32
        %add3A_255 = arith.constant 7680 : i32
        %add3A_256 = arith.addi %add3A_255, %mul3A_254 : i32
        %get3A_257 = arith.index_cast %add3A_256 : i32 to index
        %get3A_258 = tpu.vector_load %arg11[%get3A_257] {strides = array<i32>} : memref<10240xf32, #tpu.memory_space<vmem>>, vector<16xf32>,
        %add3A_259 = arith.addf %add3A_252, %get3A_258 : vector<16xf32>
        %mul3A_260 = arith.constant 16 : i32
        %mul3A_261 = arith.muli %scan3A_171, %mul3A_260 : i32
        %add3A_262 = arith.constant 8320 : i32
        %add3A_263 = arith.addi %add3A_262, %mul3A_261 : i32
        %get3A_264 = arith.index_cast %add3A_263 : i32 to index
        %get3A_265 = tpu.vector_load %arg11[%get3A_264] {strides = array<i32>} : memref<10240xf32, #tpu.memory_space<vmem>>, vector<16xf32>,
        %add3A_266 = arith.addf %add3A_259, %get3A_265 : vector<16xf32>
        %mul3A_267 = arith.constant 16 : i32
        %mul3A_268 = arith.muli %scan3A_171, %mul3A_267 : i32
        %add3A_269 = arith.constant 8960 : i32
        %add3A_270 = arith.addi %add3A_269, %mul3A_268 : i32
        %get3A_271 = arith.index_cast %add3A_270 : i32 to index
        %get3A_272 = tpu.vector_load %arg11[%get3A_271] {strides = array<i32>} : memref<10240xf32, #tpu.memory_space<vmem>>, vector<16xf32>,
        %add3A_273 = arith.addf %add3A_266, %get3A_272 : vector<16xf32>
        %mul3A_274 = arith.constant 16 : i32
        %mul3A_275 = arith.muli %scan3A_171, %mul3A_274 : i32
        %add3A_276 = arith.constant 9600 : i32
        %add3A_277 = arith.addi %add3A_276, %mul3A_275 : i32
        %get3A_278 = arith.index_cast %add3A_277 : i32 to index
        %get3A_279 = tpu.vector_load %arg11[%get3A_278] {strides = array<i32>} : memref<10240xf32, #tpu.memory_space<vmem>>, vector<16xf32>,
        %add3A_280 = arith.addf %add3A_273, %get3A_279 : vector<16xf32>
        %mul3A_281 = arith.constant 16 : i32
        %mul3A_282 = arith.muli %scan3A_171, %mul3A_281 : i32
        %swap3A = arith.index_cast %mul3A_282 : i32 to index
        %swap3A_283 = tpu.vector_load %arg12[%swap3A] {strides = array<i32>} : memref<640xf32, #tpu.memory_space<vmem>>, vector<16xf32>,
        tpu.vector_store %arg12[%swap3A], %add3A_280 {strides = array<i32>} : memref<640xf32, #tpu.memory_space<vmem>>, vector<16xf32>,
        %scan3A_284 = arith.constant 0 : i32
        scf.yield %scan3A_284 : i32
      }
      %scan3A_95 = arith.constant 40 : i32
      %mul3A_96 = arith.constant 640 : i32
      %mul3A_97 = arith.muli %arg1, %mul3A_96 : i32
      "tpu.region"() ({
        %run_scoped3A = tpu.sem_alloc : memref<!tpu.dma_semaphore, #tpu.memory_space<semaphore_mem>>
        %dma_start3A = tpu.memref_slice %arg5[%mul3A_97] : memref<10240xf32, #tpu.memory_space<hbm>> -> memref<640xf32, #tpu.memory_space<hbm>>
        %dma_start3A_171 = tpu.memref_slice %arg5[%mul3A_97] : memref<10240xf32, #tpu.memory_space<hbm>> -> memref<640xf32, #tpu.memory_space<hbm>>
        tpu.enqueue_dma source(%arg12 : memref<640xf32, #tpu.memory_space<vmem>>) target(%dma_start3A_171 : memref<640xf32, #tpu.memory_space<hbm>>) target_semaphore(%run_scoped3A : memref<!tpu.dma_semaphore, #tpu.memory_space<semaphore_mem>>)
        %dma_wait3A = tpu.memref_slice %arg5[%mul3A_97] : memref<10240xf32, #tpu.memory_space<hbm>> -> memref<640xf32, #tpu.memory_space<hbm>>
        %dma_wait3A_172 = tpu.memref_slice %arg5[%mul3A_97] : memref<10240xf32, #tpu.memory_space<hbm>> -> memref<640xf32, #tpu.memory_space<hbm>>
        tpu.wait_dma2 semaphore(%run_scoped3A : memref<!tpu.dma_semaphore, #tpu.memory_space<semaphore_mem>>) src(%arg12 : memref<640xf32, #tpu.memory_space<vmem>>) dst(%dma_wait3A_172 : memref<640xf32, #tpu.memory_space<hbm>>)
        tpu.yield
      }) : () -> ()
      %mul3A_98 = arith.constant 640 : i32
      %mul3A_99 = arith.muli %arg1, %mul3A_98 : i32
      %add3A_100 = arith.constant 0 : i32
      %add3A_101 = arith.addi %add3A_100, %mul3A_99 : i32
      "tpu.region"() ({
        %run_scoped3A = tpu.sem_alloc : memref<!tpu.dma_semaphore, #tpu.memory_space<semaphore_mem>>
        %dma_start3A = arith.constant 0 : i32
        %dma_start3A_171 = tpu.memref_slice %arg11[%dma_start3A] : memref<10240xf32, #tpu.memory_space<vmem>> -> memref<640xf32, #tpu.memory_space<vmem>>
        %dma_start3A_172 = tpu.memref_slice %arg14[%add3A_101] : memref<163840xf32, #tpu.memory_space<vmem_shared>> -> memref<640xf32, #tpu.memory_space<vmem_shared>>
        %dma_start3A_173 = arith.constant 0 : i32
        %dma_start3A_174 = tpu.memref_slice %arg11[%dma_start3A_173] : memref<10240xf32, #tpu.memory_space<vmem>> -> memref<640xf32, #tpu.memory_space<vmem>>
        %dma_start3A_175 = tpu.memref_slice %arg14[%add3A_101] : memref<163840xf32, #tpu.memory_space<vmem_shared>> -> memref<640xf32, #tpu.memory_space<vmem_shared>>
        tpu.enqueue_dma source(%dma_start3A_175 : memref<640xf32, #tpu.memory_space<vmem_shared>>) target(%dma_start3A_174 : memref<640xf32, #tpu.memory_space<vmem>>) target_semaphore(%run_scoped3A : memref<!tpu.dma_semaphore, #tpu.memory_space<semaphore_mem>>)
        %dma_wait3A = arith.constant 0 : i32
        %dma_wait3A_176 = tpu.memref_slice %arg11[%dma_wait3A] : memref<10240xf32, #tpu.memory_space<vmem>> -> memref<640xf32, #tpu.memory_space<vmem>>
        %dma_wait3A_177 = tpu.memref_slice %arg14[%add3A_101] : memref<163840xf32, #tpu.memory_space<vmem_shared>> -> memref<640xf32, #tpu.memory_space<vmem_shared>>
        %dma_wait3A_178 = arith.constant 0 : i32
        %dma_wait3A_179 = tpu.memref_slice %arg11[%dma_wait3A_178] : memref<10240xf32, #tpu.memory_space<vmem>> -> memref<640xf32, #tpu.memory_space<vmem>>
        %dma_wait3A_180 = tpu.memref_slice %arg14[%add3A_101] : memref<163840xf32, #tpu.memory_space<vmem_shared>> -> memref<640xf32, #tpu.memory_space<vmem_shared>>
        tpu.wait_dma2 semaphore(%run_scoped3A : memref<!tpu.dma_semaphore, #tpu.memory_space<semaphore_mem>>) src(%dma_wait3A_180 : memref<640xf32, #tpu.memory_space<vmem_shared>>) dst(%dma_wait3A_179 : memref<640xf32, #tpu.memory_space<vmem>>)
        tpu.yield
      }) : () -> ()
      %mul3A_102 = arith.constant 640 : i32
      %mul3A_103 = arith.muli %arg1, %mul3A_102 : i32
      %add3A_104 = arith.constant 10240 : i32
      %add3A_105 = arith.addi %add3A_104, %mul3A_103 : i32
      "tpu.region"() ({
        %run_scoped3A = tpu.sem_alloc : memref<!tpu.dma_semaphore, #tpu.memory_space<semaphore_mem>>
        %dma_start3A = arith.constant 640 : i32
        %dma_start3A_171 = tpu.memref_slice %arg11[%dma_start3A] : memref<10240xf32, #tpu.memory_space<vmem>> -> memref<640xf32, #tpu.memory_space<vmem>>
        %dma_start3A_172 = tpu.memref_slice %arg14[%add3A_105] : memref<163840xf32, #tpu.memory_space<vmem_shared>> -> memref<640xf32, #tpu.memory_space<vmem_shared>>
        %dma_start3A_173 = arith.constant 640 : i32
        %dma_start3A_174 = tpu.memref_slice %arg11[%dma_start3A_173] : memref<10240xf32, #tpu.memory_space<vmem>> -> memref<640xf32, #tpu.memory_space<vmem>>
        %dma_start3A_175 = tpu.memref_slice %arg14[%add3A_105] : memref<163840xf32, #tpu.memory_space<vmem_shared>> -> memref<640xf32, #tpu.memory_space<vmem_shared>>
        tpu.enqueue_dma source(%dma_start3A_175 : memref<640xf32, #tpu.memory_space<vmem_shared>>) target(%dma_start3A_174 : memref<640xf32, #tpu.memory_space<vmem>>) target_semaphore(%run_scoped3A : memref<!tpu.dma_semaphore, #tpu.memory_space<semaphore_mem>>)
        %dma_wait3A = arith.constant 640 : i32
        %dma_wait3A_176 = tpu.memref_slice %arg11[%dma_wait3A] : memref<10240xf32, #tpu.memory_space<vmem>> -> memref<640xf32, #tpu.memory_space<vmem>>
        %dma_wait3A_177 = tpu.memref_slice %arg14[%add3A_105] : memref<163840xf32, #tpu.memory_space<vmem_shared>> -> memref<640xf32, #tpu.memory_space<vmem_shared>>
        %dma_wait3A_178 = arith.constant 640 : i32
        %dma_wait3A_179 = tpu.memref_slice %arg11[%dma_wait3A_178] : memref<10240xf32, #tpu.memory_space<vmem>> -> memref<640xf32, #tpu.memory_space<vmem>>
        %dma_wait3A_180 = tpu.memref_slice %arg14[%add3A_105] : memref<163840xf32, #tpu.memory_space<vmem_shared>> -> memref<640xf32, #tpu.memory_space<vmem_shared>>
        tpu.wait_dma2 semaphore(%run_scoped3A : memref<!tpu.dma_semaphore, #tpu.memory_space<semaphore_mem>>) src(%dma_wait3A_180 : memref<640xf32, #tpu.memory_space<vmem_shared>>) dst(%dma_wait3A_179 : memref<640xf32, #tpu.memory_space<vmem>>)
        tpu.yield
      }) : () -> ()
      %mul3A_106 = arith.constant 640 : i32
      %mul3A_107 = arith.muli %arg1, %mul3A_106 : i32
      %add3A_108 = arith.constant 20480 : i32
      %add3A_109 = arith.addi %add3A_108, %mul3A_107 : i32
      "tpu.region"() ({
        %run_scoped3A = tpu.sem_alloc : memref<!tpu.dma_semaphore, #tpu.memory_space<semaphore_mem>>
        %dma_start3A = arith.constant 1280 : i32
        %dma_start3A_171 = tpu.memref_slice %arg11[%dma_start3A] : memref<10240xf32, #tpu.memory_space<vmem>> -> memref<640xf32, #tpu.memory_space<vmem>>
        %dma_start3A_172 = tpu.memref_slice %arg14[%add3A_109] : memref<163840xf32, #tpu.memory_space<vmem_shared>> -> memref<640xf32, #tpu.memory_space<vmem_shared>>
        %dma_start3A_173 = arith.constant 1280 : i32
        %dma_start3A_174 = tpu.memref_slice %arg11[%dma_start3A_173] : memref<10240xf32, #tpu.memory_space<vmem>> -> memref<640xf32, #tpu.memory_space<vmem>>
        %dma_start3A_175 = tpu.memref_slice %arg14[%add3A_109] : memref<163840xf32, #tpu.memory_space<vmem_shared>> -> memref<640xf32, #tpu.memory_space<vmem_shared>>
        tpu.enqueue_dma source(%dma_start3A_175 : memref<640xf32, #tpu.memory_space<vmem_shared>>) target(%dma_start3A_174 : memref<640xf32, #tpu.memory_space<vmem>>) target_semaphore(%run_scoped3A : memref<!tpu.dma_semaphore, #tpu.memory_space<semaphore_mem>>)
        %dma_wait3A = arith.constant 1280 : i32
        %dma_wait3A_176 = tpu.memref_slice %arg11[%dma_wait3A] : memref<10240xf32, #tpu.memory_space<vmem>> -> memref<640xf32, #tpu.memory_space<vmem>>
        %dma_wait3A_177 = tpu.memref_slice %arg14[%add3A_109] : memref<163840xf32, #tpu.memory_space<vmem_shared>> -> memref<640xf32, #tpu.memory_space<vmem_shared>>
        %dma_wait3A_178 = arith.constant 1280 : i32
        %dma_wait3A_179 = tpu.memref_slice %arg11[%dma_wait3A_178] : memref<10240xf32, #tpu.memory_space<vmem>> -> memref<640xf32, #tpu.memory_space<vmem>>
        %dma_wait3A_180 = tpu.memref_slice %arg14[%add3A_109] : memref<163840xf32, #tpu.memory_space<vmem_shared>> -> memref<640xf32, #tpu.memory_space<vmem_shared>>
        tpu.wait_dma2 semaphore(%run_scoped3A : memref<!tpu.dma_semaphore, #tpu.memory_space<semaphore_mem>>) src(%dma_wait3A_180 : memref<640xf32, #tpu.memory_space<vmem_shared>>) dst(%dma_wait3A_179 : memref<640xf32, #tpu.memory_space<vmem>>)
        tpu.yield
      }) : () -> ()
      %mul3A_110 = arith.constant 640 : i32
      %mul3A_111 = arith.muli %arg1, %mul3A_110 : i32
      %add3A_112 = arith.constant 30720 : i32
      %add3A_113 = arith.addi %add3A_112, %mul3A_111 : i32
      "tpu.region"() ({
        %run_scoped3A = tpu.sem_alloc : memref<!tpu.dma_semaphore, #tpu.memory_space<semaphore_mem>>
        %dma_start3A = arith.constant 1920 : i32
        %dma_start3A_171 = tpu.memref_slice %arg11[%dma_start3A] : memref<10240xf32, #tpu.memory_space<vmem>> -> memref<640xf32, #tpu.memory_space<vmem>>
        %dma_start3A_172 = tpu.memref_slice %arg14[%add3A_113] : memref<163840xf32, #tpu.memory_space<vmem_shared>> -> memref<640xf32, #tpu.memory_space<vmem_shared>>
        %dma_start3A_173 = arith.constant 1920 : i32
        %dma_start3A_174 = tpu.memref_slice %arg11[%dma_start3A_173] : memref<10240xf32, #tpu.memory_space<vmem>> -> memref<640xf32, #tpu.memory_space<vmem>>
        %dma_start3A_175 = tpu.memref_slice %arg14[%add3A_113] : memref<163840xf32, #tpu.memory_space<vmem_shared>> -> memref<640xf32, #tpu.memory_space<vmem_shared>>
        tpu.enqueue_dma source(%dma_start3A_175 : memref<640xf32, #tpu.memory_space<vmem_shared>>) target(%dma_start3A_174 : memref<640xf32, #tpu.memory_space<vmem>>) target_semaphore(%run_scoped3A : memref<!tpu.dma_semaphore, #tpu.memory_space<semaphore_mem>>)
        %dma_wait3A = arith.constant 1920 : i32
        %dma_wait3A_176 = tpu.memref_slice %arg11[%dma_wait3A] : memref<10240xf32, #tpu.memory_space<vmem>> -> memref<640xf32, #tpu.memory_space<vmem>>
        %dma_wait3A_177 = tpu.memref_slice %arg14[%add3A_113] : memref<163840xf32, #tpu.memory_space<vmem_shared>> -> memref<640xf32, #tpu.memory_space<vmem_shared>>
        %dma_wait3A_178 = arith.constant 1920 : i32
        %dma_wait3A_179 = tpu.memref_slice %arg11[%dma_wait3A_178] : memref<10240xf32, #tpu.memory_space<vmem>> -> memref<640xf32, #tpu.memory_space<vmem>>
        %dma_wait3A_180 = tpu.memref_slice %arg14[%add3A_113] : memref<163840xf32, #tpu.memory_space<vmem_shared>> -> memref<640xf32, #tpu.memory_space<vmem_shared>>
        tpu.wait_dma2 semaphore(%run_scoped3A : memref<!tpu.dma_semaphore, #tpu.memory_space<semaphore_mem>>) src(%dma_wait3A_180 : memref<640xf32, #tpu.memory_space<vmem_shared>>) dst(%dma_wait3A_179 : memref<640xf32, #tpu.memory_space<vmem>>)
        tpu.yield
      }) : () -> ()
      %mul3A_114 = arith.constant 640 : i32
      %mul3A_115 = arith.muli %arg1, %mul3A_114 : i32
      %add3A_116 = arith.constant 40960 : i32
      %add3A_117 = arith.addi %add3A_116, %mul3A_115 : i32
      "tpu.region"() ({
        %run_scoped3A = tpu.sem_alloc : memref<!tpu.dma_semaphore, #tpu.memory_space<semaphore_mem>>
        %dma_start3A = arith.constant 2560 : i32
        %dma_start3A_171 = tpu.memref_slice %arg11[%dma_start3A] : memref<10240xf32, #tpu.memory_space<vmem>> -> memref<640xf32, #tpu.memory_space<vmem>>
        %dma_start3A_172 = tpu.memref_slice %arg14[%add3A_117] : memref<163840xf32, #tpu.memory_space<vmem_shared>> -> memref<640xf32, #tpu.memory_space<vmem_shared>>
        %dma_start3A_173 = arith.constant 2560 : i32
        %dma_start3A_174 = tpu.memref_slice %arg11[%dma_start3A_173] : memref<10240xf32, #tpu.memory_space<vmem>> -> memref<640xf32, #tpu.memory_space<vmem>>
        %dma_start3A_175 = tpu.memref_slice %arg14[%add3A_117] : memref<163840xf32, #tpu.memory_space<vmem_shared>> -> memref<640xf32, #tpu.memory_space<vmem_shared>>
        tpu.enqueue_dma source(%dma_start3A_175 : memref<640xf32, #tpu.memory_space<vmem_shared>>) target(%dma_start3A_174 : memref<640xf32, #tpu.memory_space<vmem>>) target_semaphore(%run_scoped3A : memref<!tpu.dma_semaphore, #tpu.memory_space<semaphore_mem>>)
        %dma_wait3A = arith.constant 2560 : i32
        %dma_wait3A_176 = tpu.memref_slice %arg11[%dma_wait3A] : memref<10240xf32, #tpu.memory_space<vmem>> -> memref<640xf32, #tpu.memory_space<vmem>>
        %dma_wait3A_177 = tpu.memref_slice %arg14[%add3A_117] : memref<163840xf32, #tpu.memory_space<vmem_shared>> -> memref<640xf32, #tpu.memory_space<vmem_shared>>
        %dma_wait3A_178 = arith.constant 2560 : i32
        %dma_wait3A_179 = tpu.memref_slice %arg11[%dma_wait3A_178] : memref<10240xf32, #tpu.memory_space<vmem>> -> memref<640xf32, #tpu.memory_space<vmem>>
        %dma_wait3A_180 = tpu.memref_slice %arg14[%add3A_117] : memref<163840xf32, #tpu.memory_space<vmem_shared>> -> memref<640xf32, #tpu.memory_space<vmem_shared>>
        tpu.wait_dma2 semaphore(%run_scoped3A : memref<!tpu.dma_semaphore, #tpu.memory_space<semaphore_mem>>) src(%dma_wait3A_180 : memref<640xf32, #tpu.memory_space<vmem_shared>>) dst(%dma_wait3A_179 : memref<640xf32, #tpu.memory_space<vmem>>)
        tpu.yield
      }) : () -> ()
      %mul3A_118 = arith.constant 640 : i32
      %mul3A_119 = arith.muli %arg1, %mul3A_118 : i32
      %add3A_120 = arith.constant 51200 : i32
      %add3A_121 = arith.addi %add3A_120, %mul3A_119 : i32
      "tpu.region"() ({
        %run_scoped3A = tpu.sem_alloc : memref<!tpu.dma_semaphore, #tpu.memory_space<semaphore_mem>>
        %dma_start3A = arith.constant 3200 : i32
        %dma_start3A_171 = tpu.memref_slice %arg11[%dma_start3A] : memref<10240xf32, #tpu.memory_space<vmem>> -> memref<640xf32, #tpu.memory_space<vmem>>
        %dma_start3A_172 = tpu.memref_slice %arg14[%add3A_121] : memref<163840xf32, #tpu.memory_space<vmem_shared>> -> memref<640xf32, #tpu.memory_space<vmem_shared>>
        %dma_start3A_173 = arith.constant 3200 : i32
        %dma_start3A_174 = tpu.memref_slice %arg11[%dma_start3A_173] : memref<10240xf32, #tpu.memory_space<vmem>> -> memref<640xf32, #tpu.memory_space<vmem>>
        %dma_start3A_175 = tpu.memref_slice %arg14[%add3A_121] : memref<163840xf32, #tpu.memory_space<vmem_shared>> -> memref<640xf32, #tpu.memory_space<vmem_shared>>
        tpu.enqueue_dma source(%dma_start3A_175 : memref<640xf32, #tpu.memory_space<vmem_shared>>) target(%dma_start3A_174 : memref<640xf32, #tpu.memory_space<vmem>>) target_semaphore(%run_scoped3A : memref<!tpu.dma_semaphore, #tpu.memory_space<semaphore_mem>>)
        %dma_wait3A = arith.constant 3200 : i32
        %dma_wait3A_176 = tpu.memref_slice %arg11[%dma_wait3A] : memref<10240xf32, #tpu.memory_space<vmem>> -> memref<640xf32, #tpu.memory_space<vmem>>
        %dma_wait3A_177 = tpu.memref_slice %arg14[%add3A_121] : memref<163840xf32, #tpu.memory_space<vmem_shared>> -> memref<640xf32, #tpu.memory_space<vmem_shared>>
        %dma_wait3A_178 = arith.constant 3200 : i32
        %dma_wait3A_179 = tpu.memref_slice %arg11[%dma_wait3A_178] : memref<10240xf32, #tpu.memory_space<vmem>> -> memref<640xf32, #tpu.memory_space<vmem>>
        %dma_wait3A_180 = tpu.memref_slice %arg14[%add3A_121] : memref<163840xf32, #tpu.memory_space<vmem_shared>> -> memref<640xf32, #tpu.memory_space<vmem_shared>>
        tpu.wait_dma2 semaphore(%run_scoped3A : memref<!tpu.dma_semaphore, #tpu.memory_space<semaphore_mem>>) src(%dma_wait3A_180 : memref<640xf32, #tpu.memory_space<vmem_shared>>) dst(%dma_wait3A_179 : memref<640xf32, #tpu.memory_space<vmem>>)
        tpu.yield
      }) : () -> ()
      %mul3A_122 = arith.constant 640 : i32
      %mul3A_123 = arith.muli %arg1, %mul3A_122 : i32
      %add3A_124 = arith.constant 61440 : i32
      %add3A_125 = arith.addi %add3A_124, %mul3A_123 : i32
      "tpu.region"() ({
        %run_scoped3A = tpu.sem_alloc : memref<!tpu.dma_semaphore, #tpu.memory_space<semaphore_mem>>
        %dma_start3A = arith.constant 3840 : i32
        %dma_start3A_171 = tpu.memref_slice %arg11[%dma_start3A] : memref<10240xf32, #tpu.memory_space<vmem>> -> memref<640xf32, #tpu.memory_space<vmem>>
        %dma_start3A_172 = tpu.memref_slice %arg14[%add3A_125] : memref<163840xf32, #tpu.memory_space<vmem_shared>> -> memref<640xf32, #tpu.memory_space<vmem_shared>>
        %dma_start3A_173 = arith.constant 3840 : i32
        %dma_start3A_174 = tpu.memref_slice %arg11[%dma_start3A_173] : memref<10240xf32, #tpu.memory_space<vmem>> -> memref<640xf32, #tpu.memory_space<vmem>>
        %dma_start3A_175 = tpu.memref_slice %arg14[%add3A_125] : memref<163840xf32, #tpu.memory_space<vmem_shared>> -> memref<640xf32, #tpu.memory_space<vmem_shared>>
        tpu.enqueue_dma source(%dma_start3A_175 : memref<640xf32, #tpu.memory_space<vmem_shared>>) target(%dma_start3A_174 : memref<640xf32, #tpu.memory_space<vmem>>) target_semaphore(%run_scoped3A : memref<!tpu.dma_semaphore, #tpu.memory_space<semaphore_mem>>)
        %dma_wait3A = arith.constant 3840 : i32
        %dma_wait3A_176 = tpu.memref_slice %arg11[%dma_wait3A] : memref<10240xf32, #tpu.memory_space<vmem>> -> memref<640xf32, #tpu.memory_space<vmem>>
        %dma_wait3A_177 = tpu.memref_slice %arg14[%add3A_125] : memref<163840xf32, #tpu.memory_space<vmem_shared>> -> memref<640xf32, #tpu.memory_space<vmem_shared>>
        %dma_wait3A_178 = arith.constant 3840 : i32
        %dma_wait3A_179 = tpu.memref_slice %arg11[%dma_wait3A_178] : memref<10240xf32, #tpu.memory_space<vmem>> -> memref<640xf32, #tpu.memory_space<vmem>>
        %dma_wait3A_180 = tpu.memref_slice %arg14[%add3A_125] : memref<163840xf32, #tpu.memory_space<vmem_shared>> -> memref<640xf32, #tpu.memory_space<vmem_shared>>
        tpu.wait_dma2 semaphore(%run_scoped3A : memref<!tpu.dma_semaphore, #tpu.memory_space<semaphore_mem>>) src(%dma_wait3A_180 : memref<640xf32, #tpu.memory_space<vmem_shared>>) dst(%dma_wait3A_179 : memref<640xf32, #tpu.memory_space<vmem>>)
        tpu.yield
      }) : () -> ()
      %mul3A_126 = arith.constant 640 : i32
      %mul3A_127 = arith.muli %arg1, %mul3A_126 : i32
      %add3A_128 = arith.constant 71680 : i32
      %add3A_129 = arith.addi %add3A_128, %mul3A_127 : i32
      "tpu.region"() ({
        %run_scoped3A = tpu.sem_alloc : memref<!tpu.dma_semaphore, #tpu.memory_space<semaphore_mem>>
        %dma_start3A = arith.constant 4480 : i32
        %dma_start3A_171 = tpu.memref_slice %arg11[%dma_start3A] : memref<10240xf32, #tpu.memory_space<vmem>> -> memref<640xf32, #tpu.memory_space<vmem>>
        %dma_start3A_172 = tpu.memref_slice %arg14[%add3A_129] : memref<163840xf32, #tpu.memory_space<vmem_shared>> -> memref<640xf32, #tpu.memory_space<vmem_shared>>
        %dma_start3A_173 = arith.constant 4480 : i32
        %dma_start3A_174 = tpu.memref_slice %arg11[%dma_start3A_173] : memref<10240xf32, #tpu.memory_space<vmem>> -> memref<640xf32, #tpu.memory_space<vmem>>
        %dma_start3A_175 = tpu.memref_slice %arg14[%add3A_129] : memref<163840xf32, #tpu.memory_space<vmem_shared>> -> memref<640xf32, #tpu.memory_space<vmem_shared>>
        tpu.enqueue_dma source(%dma_start3A_175 : memref<640xf32, #tpu.memory_space<vmem_shared>>) target(%dma_start3A_174 : memref<640xf32, #tpu.memory_space<vmem>>) target_semaphore(%run_scoped3A : memref<!tpu.dma_semaphore, #tpu.memory_space<semaphore_mem>>)
        %dma_wait3A = arith.constant 4480 : i32
        %dma_wait3A_176 = tpu.memref_slice %arg11[%dma_wait3A] : memref<10240xf32, #tpu.memory_space<vmem>> -> memref<640xf32, #tpu.memory_space<vmem>>
        %dma_wait3A_177 = tpu.memref_slice %arg14[%add3A_129] : memref<163840xf32, #tpu.memory_space<vmem_shared>> -> memref<640xf32, #tpu.memory_space<vmem_shared>>
        %dma_wait3A_178 = arith.constant 4480 : i32
        %dma_wait3A_179 = tpu.memref_slice %arg11[%dma_wait3A_178] : memref<10240xf32, #tpu.memory_space<vmem>> -> memref<640xf32, #tpu.memory_space<vmem>>
        %dma_wait3A_180 = tpu.memref_slice %arg14[%add3A_129] : memref<163840xf32, #tpu.memory_space<vmem_shared>> -> memref<640xf32, #tpu.memory_space<vmem_shared>>
        tpu.wait_dma2 semaphore(%run_scoped3A : memref<!tpu.dma_semaphore, #tpu.memory_space<semaphore_mem>>) src(%dma_wait3A_180 : memref<640xf32, #tpu.memory_space<vmem_shared>>) dst(%dma_wait3A_179 : memref<640xf32, #tpu.memory_space<vmem>>)
        tpu.yield
      }) : () -> ()
      %mul3A_130 = arith.constant 640 : i32
      %mul3A_131 = arith.muli %arg1, %mul3A_130 : i32
      %add3A_132 = arith.constant 81920 : i32
      %add3A_133 = arith.addi %add3A_132, %mul3A_131 : i32
      "tpu.region"() ({
        %run_scoped3A = tpu.sem_alloc : memref<!tpu.dma_semaphore, #tpu.memory_space<semaphore_mem>>
        %dma_start3A = arith.constant 5120 : i32
        %dma_start3A_171 = tpu.memref_slice %arg11[%dma_start3A] : memref<10240xf32, #tpu.memory_space<vmem>> -> memref<640xf32, #tpu.memory_space<vmem>>
        %dma_start3A_172 = tpu.memref_slice %arg14[%add3A_133] : memref<163840xf32, #tpu.memory_space<vmem_shared>> -> memref<640xf32, #tpu.memory_space<vmem_shared>>
        %dma_start3A_173 = arith.constant 5120 : i32
        %dma_start3A_174 = tpu.memref_slice %arg11[%dma_start3A_173] : memref<10240xf32, #tpu.memory_space<vmem>> -> memref<640xf32, #tpu.memory_space<vmem>>
        %dma_start3A_175 = tpu.memref_slice %arg14[%add3A_133] : memref<163840xf32, #tpu.memory_space<vmem_shared>> -> memref<640xf32, #tpu.memory_space<vmem_shared>>
        tpu.enqueue_dma source(%dma_start3A_175 : memref<640xf32, #tpu.memory_space<vmem_shared>>) target(%dma_start3A_174 : memref<640xf32, #tpu.memory_space<vmem>>) target_semaphore(%run_scoped3A : memref<!tpu.dma_semaphore, #tpu.memory_space<semaphore_mem>>)
        %dma_wait3A = arith.constant 5120 : i32
        %dma_wait3A_176 = tpu.memref_slice %arg11[%dma_wait3A] : memref<10240xf32, #tpu.memory_space<vmem>> -> memref<640xf32, #tpu.memory_space<vmem>>
        %dma_wait3A_177 = tpu.memref_slice %arg14[%add3A_133] : memref<163840xf32, #tpu.memory_space<vmem_shared>> -> memref<640xf32, #tpu.memory_space<vmem_shared>>
        %dma_wait3A_178 = arith.constant 5120 : i32
        %dma_wait3A_179 = tpu.memref_slice %arg11[%dma_wait3A_178] : memref<10240xf32, #tpu.memory_space<vmem>> -> memref<640xf32, #tpu.memory_space<vmem>>
        %dma_wait3A_180 = tpu.memref_slice %arg14[%add3A_133] : memref<163840xf32, #tpu.memory_space<vmem_shared>> -> memref<640xf32, #tpu.memory_space<vmem_shared>>
        tpu.wait_dma2 semaphore(%run_scoped3A : memref<!tpu.dma_semaphore, #tpu.memory_space<semaphore_mem>>) src(%dma_wait3A_180 : memref<640xf32, #tpu.memory_space<vmem_shared>>) dst(%dma_wait3A_179 : memref<640xf32, #tpu.memory_space<vmem>>)
        tpu.yield
      }) : () -> ()
      %mul3A_134 = arith.constant 640 : i32
      %mul3A_135 = arith.muli %arg1, %mul3A_134 : i32
      %add3A_136 = arith.constant 92160 : i32
      %add3A_137 = arith.addi %add3A_136, %mul3A_135 : i32
      "tpu.region"() ({
        %run_scoped3A = tpu.sem_alloc : memref<!tpu.dma_semaphore, #tpu.memory_space<semaphore_mem>>
        %dma_start3A = arith.constant 5760 : i32
        %dma_start3A_171 = tpu.memref_slice %arg11[%dma_start3A] : memref<10240xf32, #tpu.memory_space<vmem>> -> memref<640xf32, #tpu.memory_space<vmem>>
        %dma_start3A_172 = tpu.memref_slice %arg14[%add3A_137] : memref<163840xf32, #tpu.memory_space<vmem_shared>> -> memref<640xf32, #tpu.memory_space<vmem_shared>>
        %dma_start3A_173 = arith.constant 5760 : i32
        %dma_start3A_174 = tpu.memref_slice %arg11[%dma_start3A_173] : memref<10240xf32, #tpu.memory_space<vmem>> -> memref<640xf32, #tpu.memory_space<vmem>>
        %dma_start3A_175 = tpu.memref_slice %arg14[%add3A_137] : memref<163840xf32, #tpu.memory_space<vmem_shared>> -> memref<640xf32, #tpu.memory_space<vmem_shared>>
        tpu.enqueue_dma source(%dma_start3A_175 : memref<640xf32, #tpu.memory_space<vmem_shared>>) target(%dma_start3A_174 : memref<640xf32, #tpu.memory_space<vmem>>) target_semaphore(%run_scoped3A : memref<!tpu.dma_semaphore, #tpu.memory_space<semaphore_mem>>)
        %dma_wait3A = arith.constant 5760 : i32
        %dma_wait3A_176 = tpu.memref_slice %arg11[%dma_wait3A] : memref<10240xf32, #tpu.memory_space<vmem>> -> memref<640xf32, #tpu.memory_space<vmem>>
        %dma_wait3A_177 = tpu.memref_slice %arg14[%add3A_137] : memref<163840xf32, #tpu.memory_space<vmem_shared>> -> memref<640xf32, #tpu.memory_space<vmem_shared>>
        %dma_wait3A_178 = arith.constant 5760 : i32
        %dma_wait3A_179 = tpu.memref_slice %arg11[%dma_wait3A_178] : memref<10240xf32, #tpu.memory_space<vmem>> -> memref<640xf32, #tpu.memory_space<vmem>>
        %dma_wait3A_180 = tpu.memref_slice %arg14[%add3A_137] : memref<163840xf32, #tpu.memory_space<vmem_shared>> -> memref<640xf32, #tpu.memory_space<vmem_shared>>
        tpu.wait_dma2 semaphore(%run_scoped3A : memref<!tpu.dma_semaphore, #tpu.memory_space<semaphore_mem>>) src(%dma_wait3A_180 : memref<640xf32, #tpu.memory_space<vmem_shared>>) dst(%dma_wait3A_179 : memref<640xf32, #tpu.memory_space<vmem>>)
        tpu.yield
      }) : () -> ()
      %mul3A_138 = arith.constant 640 : i32
      %mul3A_139 = arith.muli %arg1, %mul3A_138 : i32
      %add3A_140 = arith.constant 102400 : i32
      %add3A_141 = arith.addi %add3A_140, %mul3A_139 : i32
      "tpu.region"() ({
        %run_scoped3A = tpu.sem_alloc : memref<!tpu.dma_semaphore, #tpu.memory_space<semaphore_mem>>
        %dma_start3A = arith.constant 6400 : i32
        %dma_start3A_171 = tpu.memref_slice %arg11[%dma_start3A] : memref<10240xf32, #tpu.memory_space<vmem>> -> memref<640xf32, #tpu.memory_space<vmem>>
        %dma_start3A_172 = tpu.memref_slice %arg14[%add3A_141] : memref<163840xf32, #tpu.memory_space<vmem_shared>> -> memref<640xf32, #tpu.memory_space<vmem_shared>>
        %dma_start3A_173 = arith.constant 6400 : i32
        %dma_start3A_174 = tpu.memref_slice %arg11[%dma_start3A_173] : memref<10240xf32, #tpu.memory_space<vmem>> -> memref<640xf32, #tpu.memory_space<vmem>>
        %dma_start3A_175 = tpu.memref_slice %arg14[%add3A_141] : memref<163840xf32, #tpu.memory_space<vmem_shared>> -> memref<640xf32, #tpu.memory_space<vmem_shared>>
        tpu.enqueue_dma source(%dma_start3A_175 : memref<640xf32, #tpu.memory_space<vmem_shared>>) target(%dma_start3A_174 : memref<640xf32, #tpu.memory_space<vmem>>) target_semaphore(%run_scoped3A : memref<!tpu.dma_semaphore, #tpu.memory_space<semaphore_mem>>)
        %dma_wait3A = arith.constant 6400 : i32
        %dma_wait3A_176 = tpu.memref_slice %arg11[%dma_wait3A] : memref<10240xf32, #tpu.memory_space<vmem>> -> memref<640xf32, #tpu.memory_space<vmem>>
        %dma_wait3A_177 = tpu.memref_slice %arg14[%add3A_141] : memref<163840xf32, #tpu.memory_space<vmem_shared>> -> memref<640xf32, #tpu.memory_space<vmem_shared>>
        %dma_wait3A_178 = arith.constant 6400 : i32
        %dma_wait3A_179 = tpu.memref_slice %arg11[%dma_wait3A_178] : memref<10240xf32, #tpu.memory_space<vmem>> -> memref<640xf32, #tpu.memory_space<vmem>>
        %dma_wait3A_180 = tpu.memref_slice %arg14[%add3A_141] : memref<163840xf32, #tpu.memory_space<vmem_shared>> -> memref<640xf32, #tpu.memory_space<vmem_shared>>
        tpu.wait_dma2 semaphore(%run_scoped3A : memref<!tpu.dma_semaphore, #tpu.memory_space<semaphore_mem>>) src(%dma_wait3A_180 : memref<640xf32, #tpu.memory_space<vmem_shared>>) dst(%dma_wait3A_179 : memref<640xf32, #tpu.memory_space<vmem>>)
        tpu.yield
      }) : () -> ()
      %mul3A_142 = arith.constant 640 : i32
      %mul3A_143 = arith.muli %arg1, %mul3A_142 : i32
      %add3A_144 = arith.constant 112640 : i32
      %add3A_145 = arith.addi %add3A_144, %mul3A_143 : i32
      "tpu.region"() ({
        %run_scoped3A = tpu.sem_alloc : memref<!tpu.dma_semaphore, #tpu.memory_space<semaphore_mem>>
        %dma_start3A = arith.constant 7040 : i32
        %dma_start3A_171 = tpu.memref_slice %arg11[%dma_start3A] : memref<10240xf32, #tpu.memory_space<vmem>> -> memref<640xf32, #tpu.memory_space<vmem>>
        %dma_start3A_172 = tpu.memref_slice %arg14[%add3A_145] : memref<163840xf32, #tpu.memory_space<vmem_shared>> -> memref<640xf32, #tpu.memory_space<vmem_shared>>
        %dma_start3A_173 = arith.constant 7040 : i32
        %dma_start3A_174 = tpu.memref_slice %arg11[%dma_start3A_173] : memref<10240xf32, #tpu.memory_space<vmem>> -> memref<640xf32, #tpu.memory_space<vmem>>
        %dma_start3A_175 = tpu.memref_slice %arg14[%add3A_145] : memref<163840xf32, #tpu.memory_space<vmem_shared>> -> memref<640xf32, #tpu.memory_space<vmem_shared>>
        tpu.enqueue_dma source(%dma_start3A_175 : memref<640xf32, #tpu.memory_space<vmem_shared>>) target(%dma_start3A_174 : memref<640xf32, #tpu.memory_space<vmem>>) target_semaphore(%run_scoped3A : memref<!tpu.dma_semaphore, #tpu.memory_space<semaphore_mem>>)
        %dma_wait3A = arith.constant 7040 : i32
        %dma_wait3A_176 = tpu.memref_slice %arg11[%dma_wait3A] : memref<10240xf32, #tpu.memory_space<vmem>> -> memref<640xf32, #tpu.memory_space<vmem>>
        %dma_wait3A_177 = tpu.memref_slice %arg14[%add3A_145] : memref<163840xf32, #tpu.memory_space<vmem_shared>> -> memref<640xf32, #tpu.memory_space<vmem_shared>>
        %dma_wait3A_178 = arith.constant 7040 : i32
        %dma_wait3A_179 = tpu.memref_slice %arg11[%dma_wait3A_178] : memref<10240xf32, #tpu.memory_space<vmem>> -> memref<640xf32, #tpu.memory_space<vmem>>
        %dma_wait3A_180 = tpu.memref_slice %arg14[%add3A_145] : memref<163840xf32, #tpu.memory_space<vmem_shared>> -> memref<640xf32, #tpu.memory_space<vmem_shared>>
        tpu.wait_dma2 semaphore(%run_scoped3A : memref<!tpu.dma_semaphore, #tpu.memory_space<semaphore_mem>>) src(%dma_wait3A_180 : memref<640xf32, #tpu.memory_space<vmem_shared>>) dst(%dma_wait3A_179 : memref<640xf32, #tpu.memory_space<vmem>>)
        tpu.yield
      }) : () -> ()
      %mul3A_146 = arith.constant 640 : i32
      %mul3A_147 = arith.muli %arg1, %mul3A_146 : i32
      %add3A_148 = arith.constant 122880 : i32
      %add3A_149 = arith.addi %add3A_148, %mul3A_147 : i32
      "tpu.region"() ({
        %run_scoped3A = tpu.sem_alloc : memref<!tpu.dma_semaphore, #tpu.memory_space<semaphore_mem>>
        %dma_start3A = arith.constant 7680 : i32
        %dma_start3A_171 = tpu.memref_slice %arg11[%dma_start3A] : memref<10240xf32, #tpu.memory_space<vmem>> -> memref<640xf32, #tpu.memory_space<vmem>>
        %dma_start3A_172 = tpu.memref_slice %arg14[%add3A_149] : memref<163840xf32, #tpu.memory_space<vmem_shared>> -> memref<640xf32, #tpu.memory_space<vmem_shared>>
        %dma_start3A_173 = arith.constant 7680 : i32
        %dma_start3A_174 = tpu.memref_slice %arg11[%dma_start3A_173] : memref<10240xf32, #tpu.memory_space<vmem>> -> memref<640xf32, #tpu.memory_space<vmem>>
        %dma_start3A_175 = tpu.memref_slice %arg14[%add3A_149] : memref<163840xf32, #tpu.memory_space<vmem_shared>> -> memref<640xf32, #tpu.memory_space<vmem_shared>>
        tpu.enqueue_dma source(%dma_start3A_175 : memref<640xf32, #tpu.memory_space<vmem_shared>>) target(%dma_start3A_174 : memref<640xf32, #tpu.memory_space<vmem>>) target_semaphore(%run_scoped3A : memref<!tpu.dma_semaphore, #tpu.memory_space<semaphore_mem>>)
        %dma_wait3A = arith.constant 7680 : i32
        %dma_wait3A_176 = tpu.memref_slice %arg11[%dma_wait3A] : memref<10240xf32, #tpu.memory_space<vmem>> -> memref<640xf32, #tpu.memory_space<vmem>>
        %dma_wait3A_177 = tpu.memref_slice %arg14[%add3A_149] : memref<163840xf32, #tpu.memory_space<vmem_shared>> -> memref<640xf32, #tpu.memory_space<vmem_shared>>
        %dma_wait3A_178 = arith.constant 7680 : i32
        %dma_wait3A_179 = tpu.memref_slice %arg11[%dma_wait3A_178] : memref<10240xf32, #tpu.memory_space<vmem>> -> memref<640xf32, #tpu.memory_space<vmem>>
        %dma_wait3A_180 = tpu.memref_slice %arg14[%add3A_149] : memref<163840xf32, #tpu.memory_space<vmem_shared>> -> memref<640xf32, #tpu.memory_space<vmem_shared>>
        tpu.wait_dma2 semaphore(%run_scoped3A : memref<!tpu.dma_semaphore, #tpu.memory_space<semaphore_mem>>) src(%dma_wait3A_180 : memref<640xf32, #tpu.memory_space<vmem_shared>>) dst(%dma_wait3A_179 : memref<640xf32, #tpu.memory_space<vmem>>)
        tpu.yield
      }) : () -> ()
      %mul3A_150 = arith.constant 640 : i32
      %mul3A_151 = arith.muli %arg1, %mul3A_150 : i32
      %add3A_152 = arith.constant 133120 : i32
      %add3A_153 = arith.addi %add3A_152, %mul3A_151 : i32
      "tpu.region"() ({
        %run_scoped3A = tpu.sem_alloc : memref<!tpu.dma_semaphore, #tpu.memory_space<semaphore_mem>>
        %dma_start3A = arith.constant 8320 : i32
        %dma_start3A_171 = tpu.memref_slice %arg11[%dma_start3A] : memref<10240xf32, #tpu.memory_space<vmem>> -> memref<640xf32, #tpu.memory_space<vmem>>
        %dma_start3A_172 = tpu.memref_slice %arg14[%add3A_153] : memref<163840xf32, #tpu.memory_space<vmem_shared>> -> memref<640xf32, #tpu.memory_space<vmem_shared>>
        %dma_start3A_173 = arith.constant 8320 : i32
        %dma_start3A_174 = tpu.memref_slice %arg11[%dma_start3A_173] : memref<10240xf32, #tpu.memory_space<vmem>> -> memref<640xf32, #tpu.memory_space<vmem>>
        %dma_start3A_175 = tpu.memref_slice %arg14[%add3A_153] : memref<163840xf32, #tpu.memory_space<vmem_shared>> -> memref<640xf32, #tpu.memory_space<vmem_shared>>
        tpu.enqueue_dma source(%dma_start3A_175 : memref<640xf32, #tpu.memory_space<vmem_shared>>) target(%dma_start3A_174 : memref<640xf32, #tpu.memory_space<vmem>>) target_semaphore(%run_scoped3A : memref<!tpu.dma_semaphore, #tpu.memory_space<semaphore_mem>>)
        %dma_wait3A = arith.constant 8320 : i32
        %dma_wait3A_176 = tpu.memref_slice %arg11[%dma_wait3A] : memref<10240xf32, #tpu.memory_space<vmem>> -> memref<640xf32, #tpu.memory_space<vmem>>
        %dma_wait3A_177 = tpu.memref_slice %arg14[%add3A_153] : memref<163840xf32, #tpu.memory_space<vmem_shared>> -> memref<640xf32, #tpu.memory_space<vmem_shared>>
        %dma_wait3A_178 = arith.constant 8320 : i32
        %dma_wait3A_179 = tpu.memref_slice %arg11[%dma_wait3A_178] : memref<10240xf32, #tpu.memory_space<vmem>> -> memref<640xf32, #tpu.memory_space<vmem>>
        %dma_wait3A_180 = tpu.memref_slice %arg14[%add3A_153] : memref<163840xf32, #tpu.memory_space<vmem_shared>> -> memref<640xf32, #tpu.memory_space<vmem_shared>>
        tpu.wait_dma2 semaphore(%run_scoped3A : memref<!tpu.dma_semaphore, #tpu.memory_space<semaphore_mem>>) src(%dma_wait3A_180 : memref<640xf32, #tpu.memory_space<vmem_shared>>) dst(%dma_wait3A_179 : memref<640xf32, #tpu.memory_space<vmem>>)
        tpu.yield
      }) : () -> ()
      %mul3A_154 = arith.constant 640 : i32
      %mul3A_155 = arith.muli %arg1, %mul3A_154 : i32
      %add3A_156 = arith.constant 143360 : i32
      %add3A_157 = arith.addi %add3A_156, %mul3A_155 : i32
      "tpu.region"() ({
        %run_scoped3A = tpu.sem_alloc : memref<!tpu.dma_semaphore, #tpu.memory_space<semaphore_mem>>
        %dma_start3A = arith.constant 8960 : i32
        %dma_start3A_171 = tpu.memref_slice %arg11[%dma_start3A] : memref<10240xf32, #tpu.memory_space<vmem>> -> memref<640xf32, #tpu.memory_space<vmem>>
        %dma_start3A_172 = tpu.memref_slice %arg14[%add3A_157] : memref<163840xf32, #tpu.memory_space<vmem_shared>> -> memref<640xf32, #tpu.memory_space<vmem_shared>>
        %dma_start3A_173 = arith.constant 8960 : i32
        %dma_start3A_174 = tpu.memref_slice %arg11[%dma_start3A_173] : memref<10240xf32, #tpu.memory_space<vmem>> -> memref<640xf32, #tpu.memory_space<vmem>>
        %dma_start3A_175 = tpu.memref_slice %arg14[%add3A_157] : memref<163840xf32, #tpu.memory_space<vmem_shared>> -> memref<640xf32, #tpu.memory_space<vmem_shared>>
        tpu.enqueue_dma source(%dma_start3A_175 : memref<640xf32, #tpu.memory_space<vmem_shared>>) target(%dma_start3A_174 : memref<640xf32, #tpu.memory_space<vmem>>) target_semaphore(%run_scoped3A : memref<!tpu.dma_semaphore, #tpu.memory_space<semaphore_mem>>)
        %dma_wait3A = arith.constant 8960 : i32
        %dma_wait3A_176 = tpu.memref_slice %arg11[%dma_wait3A] : memref<10240xf32, #tpu.memory_space<vmem>> -> memref<640xf32, #tpu.memory_space<vmem>>
        %dma_wait3A_177 = tpu.memref_slice %arg14[%add3A_157] : memref<163840xf32, #tpu.memory_space<vmem_shared>> -> memref<640xf32, #tpu.memory_space<vmem_shared>>
        %dma_wait3A_178 = arith.constant 8960 : i32
        %dma_wait3A_179 = tpu.memref_slice %arg11[%dma_wait3A_178] : memref<10240xf32, #tpu.memory_space<vmem>> -> memref<640xf32, #tpu.memory_space<vmem>>
        %dma_wait3A_180 = tpu.memref_slice %arg14[%add3A_157] : memref<163840xf32, #tpu.memory_space<vmem_shared>> -> memref<640xf32, #tpu.memory_space<vmem_shared>>
        tpu.wait_dma2 semaphore(%run_scoped3A : memref<!tpu.dma_semaphore, #tpu.memory_space<semaphore_mem>>) src(%dma_wait3A_180 : memref<640xf32, #tpu.memory_space<vmem_shared>>) dst(%dma_wait3A_179 : memref<640xf32, #tpu.memory_space<vmem>>)
        tpu.yield
      }) : () -> ()
      %mul3A_158 = arith.constant 640 : i32
      %mul3A_159 = arith.muli %arg1, %mul3A_158 : i32
      %add3A_160 = arith.constant 153600 : i32
      %add3A_161 = arith.addi %add3A_160, %mul3A_159 : i32
      "tpu.region"() ({
        %run_scoped3A = tpu.sem_alloc : memref<!tpu.dma_semaphore, #tpu.memory_space<semaphore_mem>>
        %dma_start3A = arith.constant 9600 : i32
        %dma_start3A_171 = tpu.memref_slice %arg11[%dma_start3A] : memref<10240xf32, #tpu.memory_space<vmem>> -> memref<640xf32, #tpu.memory_space<vmem>>
        %dma_start3A_172 = tpu.memref_slice %arg14[%add3A_161] : memref<163840xf32, #tpu.memory_space<vmem_shared>> -> memref<640xf32, #tpu.memory_space<vmem_shared>>
        %dma_start3A_173 = arith.constant 9600 : i32
        %dma_start3A_174 = tpu.memref_slice %arg11[%dma_start3A_173] : memref<10240xf32, #tpu.memory_space<vmem>> -> memref<640xf32, #tpu.memory_space<vmem>>
        %dma_start3A_175 = tpu.memref_slice %arg14[%add3A_161] : memref<163840xf32, #tpu.memory_space<vmem_shared>> -> memref<640xf32, #tpu.memory_space<vmem_shared>>
        tpu.enqueue_dma source(%dma_start3A_175 : memref<640xf32, #tpu.memory_space<vmem_shared>>) target(%dma_start3A_174 : memref<640xf32, #tpu.memory_space<vmem>>) target_semaphore(%run_scoped3A : memref<!tpu.dma_semaphore, #tpu.memory_space<semaphore_mem>>)
        %dma_wait3A = arith.constant 9600 : i32
        %dma_wait3A_176 = tpu.memref_slice %arg11[%dma_wait3A] : memref<10240xf32, #tpu.memory_space<vmem>> -> memref<640xf32, #tpu.memory_space<vmem>>
        %dma_wait3A_177 = tpu.memref_slice %arg14[%add3A_161] : memref<163840xf32, #tpu.memory_space<vmem_shared>> -> memref<640xf32, #tpu.memory_space<vmem_shared>>
        %dma_wait3A_178 = arith.constant 9600 : i32
        %dma_wait3A_179 = tpu.memref_slice %arg11[%dma_wait3A_178] : memref<10240xf32, #tpu.memory_space<vmem>> -> memref<640xf32, #tpu.memory_space<vmem>>
        %dma_wait3A_180 = tpu.memref_slice %arg14[%add3A_161] : memref<163840xf32, #tpu.memory_space<vmem_shared>> -> memref<640xf32, #tpu.memory_space<vmem_shared>>
        tpu.wait_dma2 semaphore(%run_scoped3A : memref<!tpu.dma_semaphore, #tpu.memory_space<semaphore_mem>>) src(%dma_wait3A_180 : memref<640xf32, #tpu.memory_space<vmem_shared>>) dst(%dma_wait3A_179 : memref<640xf32, #tpu.memory_space<vmem>>)
        tpu.yield
      }) : () -> ()
      %scan3A_162 = arith.constant 0 : i32
      %scan3A_163 = arith.constant 0 : i32
      %scan3A_164 = arith.constant 40 : i32
      %scan3A_165 = arith.addi %scan3A_163, %scan3A_164 : i32
      %scan3A_166 = arith.constant 1 : i32
      %scan3A_167 = scf.for %scan3A_171 = %scan3A_163 to %scan3A_165 step %scan3A_166 iter_args(%scan3A_172 = %scan3A_162) -> (i32)  : i32 {
        %mul3A_173 = arith.constant 16 : i32
        %mul3A_174 = arith.muli %scan3A_171, %mul3A_173 : i32
        %get3A = arith.index_cast %mul3A_174 : i32 to index
        %get3A_175 = tpu.vector_load %arg11[%get3A] {strides = array<i32>} : memref<10240xf32, #tpu.memory_space<vmem>>, vector<16xf32>,
        %mul3A_176 = arith.constant 16 : i32
        %mul3A_177 = arith.muli %scan3A_171, %mul3A_176 : i32
        %add3A_178 = arith.constant 640 : i32
        %add3A_179 = arith.addi %add3A_178, %mul3A_177 : i32
        %get3A_180 = arith.index_cast %add3A_179 : i32 to index
        %get3A_181 = tpu.vector_load %arg11[%get3A_180] {strides = array<i32>} : memref<10240xf32, #tpu.memory_space<vmem>>, vector<16xf32>,
        %add3A_182 = arith.addf %get3A_175, %get3A_181 : vector<16xf32>
        %mul3A_183 = arith.constant 16 : i32
        %mul3A_184 = arith.muli %scan3A_171, %mul3A_183 : i32
        %add3A_185 = arith.constant 1280 : i32
        %add3A_186 = arith.addi %add3A_185, %mul3A_184 : i32
        %get3A_187 = arith.index_cast %add3A_186 : i32 to index
        %get3A_188 = tpu.vector_load %arg11[%get3A_187] {strides = array<i32>} : memref<10240xf32, #tpu.memory_space<vmem>>, vector<16xf32>,
        %add3A_189 = arith.addf %add3A_182, %get3A_188 : vector<16xf32>
        %mul3A_190 = arith.constant 16 : i32
        %mul3A_191 = arith.muli %scan3A_171, %mul3A_190 : i32
        %add3A_192 = arith.constant 1920 : i32
        %add3A_193 = arith.addi %add3A_192, %mul3A_191 : i32
        %get3A_194 = arith.index_cast %add3A_193 : i32 to index
        %get3A_195 = tpu.vector_load %arg11[%get3A_194] {strides = array<i32>} : memref<10240xf32, #tpu.memory_space<vmem>>, vector<16xf32>,
        %add3A_196 = arith.addf %add3A_189, %get3A_195 : vector<16xf32>
        %mul3A_197 = arith.constant 16 : i32
        %mul3A_198 = arith.muli %scan3A_171, %mul3A_197 : i32
        %add3A_199 = arith.constant 2560 : i32
        %add3A_200 = arith.addi %add3A_199, %mul3A_198 : i32
        %get3A_201 = arith.index_cast %add3A_200 : i32 to index
        %get3A_202 = tpu.vector_load %arg11[%get3A_201] {strides = array<i32>} : memref<10240xf32, #tpu.memory_space<vmem>>, vector<16xf32>,
        %add3A_203 = arith.addf %add3A_196, %get3A_202 : vector<16xf32>
        %mul3A_204 = arith.constant 16 : i32
        %mul3A_205 = arith.muli %scan3A_171, %mul3A_204 : i32
        %add3A_206 = arith.constant 3200 : i32
        %add3A_207 = arith.addi %add3A_206, %mul3A_205 : i32
        %get3A_208 = arith.index_cast %add3A_207 : i32 to index
        %get3A_209 = tpu.vector_load %arg11[%get3A_208] {strides = array<i32>} : memref<10240xf32, #tpu.memory_space<vmem>>, vector<16xf32>,
        %add3A_210 = arith.addf %add3A_203, %get3A_209 : vector<16xf32>
        %mul3A_211 = arith.constant 16 : i32
        %mul3A_212 = arith.muli %scan3A_171, %mul3A_211 : i32
        %add3A_213 = arith.constant 3840 : i32
        %add3A_214 = arith.addi %add3A_213, %mul3A_212 : i32
        %get3A_215 = arith.index_cast %add3A_214 : i32 to index
        %get3A_216 = tpu.vector_load %arg11[%get3A_215] {strides = array<i32>} : memref<10240xf32, #tpu.memory_space<vmem>>, vector<16xf32>,
        %add3A_217 = arith.addf %add3A_210, %get3A_216 : vector<16xf32>
        %mul3A_218 = arith.constant 16 : i32
        %mul3A_219 = arith.muli %scan3A_171, %mul3A_218 : i32
        %add3A_220 = arith.constant 4480 : i32
        %add3A_221 = arith.addi %add3A_220, %mul3A_219 : i32
        %get3A_222 = arith.index_cast %add3A_221 : i32 to index
        %get3A_223 = tpu.vector_load %arg11[%get3A_222] {strides = array<i32>} : memref<10240xf32, #tpu.memory_space<vmem>>, vector<16xf32>,
        %add3A_224 = arith.addf %add3A_217, %get3A_223 : vector<16xf32>
        %mul3A_225 = arith.constant 16 : i32
        %mul3A_226 = arith.muli %scan3A_171, %mul3A_225 : i32
        %add3A_227 = arith.constant 5120 : i32
        %add3A_228 = arith.addi %add3A_227, %mul3A_226 : i32
        %get3A_229 = arith.index_cast %add3A_228 : i32 to index
        %get3A_230 = tpu.vector_load %arg11[%get3A_229] {strides = array<i32>} : memref<10240xf32, #tpu.memory_space<vmem>>, vector<16xf32>,
        %add3A_231 = arith.addf %add3A_224, %get3A_230 : vector<16xf32>
        %mul3A_232 = arith.constant 16 : i32
        %mul3A_233 = arith.muli %scan3A_171, %mul3A_232 : i32
        %add3A_234 = arith.constant 5760 : i32
        %add3A_235 = arith.addi %add3A_234, %mul3A_233 : i32
        %get3A_236 = arith.index_cast %add3A_235 : i32 to index
        %get3A_237 = tpu.vector_load %arg11[%get3A_236] {strides = array<i32>} : memref<10240xf32, #tpu.memory_space<vmem>>, vector<16xf32>,
        %add3A_238 = arith.addf %add3A_231, %get3A_237 : vector<16xf32>
        %mul3A_239 = arith.constant 16 : i32
        %mul3A_240 = arith.muli %scan3A_171, %mul3A_239 : i32
        %add3A_241 = arith.constant 6400 : i32
        %add3A_242 = arith.addi %add3A_241, %mul3A_240 : i32
        %get3A_243 = arith.index_cast %add3A_242 : i32 to index
        %get3A_244 = tpu.vector_load %arg11[%get3A_243] {strides = array<i32>} : memref<10240xf32, #tpu.memory_space<vmem>>, vector<16xf32>,
        %add3A_245 = arith.addf %add3A_238, %get3A_244 : vector<16xf32>
        %mul3A_246 = arith.constant 16 : i32
        %mul3A_247 = arith.muli %scan3A_171, %mul3A_246 : i32
        %add3A_248 = arith.constant 7040 : i32
        %add3A_249 = arith.addi %add3A_248, %mul3A_247 : i32
        %get3A_250 = arith.index_cast %add3A_249 : i32 to index
        %get3A_251 = tpu.vector_load %arg11[%get3A_250] {strides = array<i32>} : memref<10240xf32, #tpu.memory_space<vmem>>, vector<16xf32>,
        %add3A_252 = arith.addf %add3A_245, %get3A_251 : vector<16xf32>
        %mul3A_253 = arith.constant 16 : i32
        %mul3A_254 = arith.muli %scan3A_171, %mul3A_253 : i32
        %add3A_255 = arith.constant 7680 : i32
        %add3A_256 = arith.addi %add3A_255, %mul3A_254 : i32
        %get3A_257 = arith.index_cast %add3A_256 : i32 to index
        %get3A_258 = tpu.vector_load %arg11[%get3A_257] {strides = array<i32>} : memref<10240xf32, #tpu.memory_space<vmem>>, vector<16xf32>,
        %add3A_259 = arith.addf %add3A_252, %get3A_258 : vector<16xf32>
        %mul3A_260 = arith.constant 16 : i32
        %mul3A_261 = arith.muli %scan3A_171, %mul3A_260 : i32
        %add3A_262 = arith.constant 8320 : i32
        %add3A_263 = arith.addi %add3A_262, %mul3A_261 : i32
        %get3A_264 = arith.index_cast %add3A_263 : i32 to index
        %get3A_265 = tpu.vector_load %arg11[%get3A_264] {strides = array<i32>} : memref<10240xf32, #tpu.memory_space<vmem>>, vector<16xf32>,
        %add3A_266 = arith.addf %add3A_259, %get3A_265 : vector<16xf32>
        %mul3A_267 = arith.constant 16 : i32
        %mul3A_268 = arith.muli %scan3A_171, %mul3A_267 : i32
        %add3A_269 = arith.constant 8960 : i32
        %add3A_270 = arith.addi %add3A_269, %mul3A_268 : i32
        %get3A_271 = arith.index_cast %add3A_270 : i32 to index
        %get3A_272 = tpu.vector_load %arg11[%get3A_271] {strides = array<i32>} : memref<10240xf32, #tpu.memory_space<vmem>>, vector<16xf32>,
        %add3A_273 = arith.addf %add3A_266, %get3A_272 : vector<16xf32>
        %mul3A_274 = arith.constant 16 : i32
        %mul3A_275 = arith.muli %scan3A_171, %mul3A_274 : i32
        %add3A_276 = arith.constant 9600 : i32
        %add3A_277 = arith.addi %add3A_276, %mul3A_275 : i32
        %get3A_278 = arith.index_cast %add3A_277 : i32 to index
        %get3A_279 = tpu.vector_load %arg11[%get3A_278] {strides = array<i32>} : memref<10240xf32, #tpu.memory_space<vmem>>, vector<16xf32>,
        %add3A_280 = arith.addf %add3A_273, %get3A_279 : vector<16xf32>
        %mul3A_281 = arith.constant 16 : i32
        %mul3A_282 = arith.muli %scan3A_171, %mul3A_281 : i32
        %swap3A = arith.index_cast %mul3A_282 : i32 to index
        %swap3A_283 = tpu.vector_load %arg12[%swap3A] {strides = array<i32>} : memref<640xf32, #tpu.memory_space<vmem>>, vector<16xf32>,
        tpu.vector_store %arg12[%swap3A], %add3A_280 {strides = array<i32>} : memref<640xf32, #tpu.memory_space<vmem>>, vector<16xf32>,
        %scan3A_284 = arith.constant 0 : i32
        scf.yield %scan3A_284 : i32
      }
      %scan3A_168 = arith.constant 40 : i32
      %mul3A_169 = arith.constant 640 : i32
      %mul3A_170 = arith.muli %arg1, %mul3A_169 : i32
      "tpu.region"() ({
        %run_scoped3A = tpu.sem_alloc : memref<!tpu.dma_semaphore, #tpu.memory_space<semaphore_mem>>
        %dma_start3A = tpu.memref_slice %arg7[%mul3A_170] : memref<10240xf32, #tpu.memory_space<hbm>> -> memref<640xf32, #tpu.memory_space<hbm>>
        %dma_start3A_171 = tpu.memref_slice %arg7[%mul3A_170] : memref<10240xf32, #tpu.memory_space<hbm>> -> memref<640xf32, #tpu.memory_space<hbm>>
        tpu.enqueue_dma source(%arg12 : memref<640xf32, #tpu.memory_space<vmem>>) target(%dma_start3A_171 : memref<640xf32, #tpu.memory_space<hbm>>) target_semaphore(%run_scoped3A : memref<!tpu.dma_semaphore, #tpu.memory_space<semaphore_mem>>)
        %dma_wait3A = tpu.memref_slice %arg7[%mul3A_170] : memref<10240xf32, #tpu.memory_space<hbm>> -> memref<640xf32, #tpu.memory_space<hbm>>
        %dma_wait3A_172 = tpu.memref_slice %arg7[%mul3A_170] : memref<10240xf32, #tpu.memory_space<hbm>> -> memref<640xf32, #tpu.memory_space<hbm>>
        tpu.wait_dma2 semaphore(%run_scoped3A : memref<!tpu.dma_semaphore, #tpu.memory_space<semaphore_mem>>) src(%arg12 : memref<640xf32, #tpu.memory_space<vmem>>) dst(%dma_wait3A_172 : memref<640xf32, #tpu.memory_space<hbm>>)
        tpu.yield
      }) : () -> ()
    } else {
    }
    return
  }
}

module attributes {stable_mosaic.version = 14 : i64} {
  func.func @_scale_kernel(%arg0: i32, %arg1: memref<1000x128xf32, #tpu.memory_space<vmem>>, %arg2: memref<1000x1xf32, #tpu.memory_space<vmem>>, %arg3: memref<1000x1xf32, #tpu.memory_space<vmem>>, %arg4: memref<1000x128xf32, #tpu.memory_space<vmem>>) attributes {dimension_semantics = [#tpu.dimension_semantics<arbitrary>], iteration_bounds = array<i64: 10>, scalar_prefetch = 0 : i64, scratch_operands = 0 : i64, tpu.core_type = #tpu.core_type<tc>, window_params = [{transform_indices = @transform_0, window_bounds = array<i64: 1000, 128>}, {transform_indices = @transform_1, window_bounds = array<i64: 1000, 1>}, {transform_indices = @transform_2, window_bounds = array<i64: 1000, 1>}, {transform_indices = @transform_3, window_bounds = array<i64: 1000, 128>}]} {
    %get3A = arith.constant 0 : index
    %get3A_0 = arith.constant 0 : index
    %get3A_1 = vector.load %arg2[%get3A, %get3A_0] : memref<1000x1xf32, #tpu.memory_space<vmem>>, vector<1000x1xf32>
    %get3A_2 = arith.constant 0 : index
    %get3A_3 = arith.constant 0 : index
    %get3A_4 = vector.load %arg3[%get3A_2, %get3A_3] : memref<1000x1xf32, #tpu.memory_space<vmem>>, vector<1000x1xf32>
    %add3A = arith.addf %get3A_1, %get3A_4 : vector<1000x1xf32>
    %max3A = arith.constant 1.000000e+00 : f32
    %max3A_5 = vector.broadcast %max3A : f32 to vector<1000x1xf32>
    %max3A_6 = arith.maximumf %add3A, %max3A_5 : vector<1000x1xf32>
    %rsqrt3A = math.rsqrt %max3A_6 : vector<1000x1xf32>
    %get3A_7 = arith.constant 0 : index
    %get3A_8 = arith.constant 0 : index
    %get3A_9 = vector.load %arg1[%get3A_7, %get3A_8] : memref<1000x128xf32, #tpu.memory_space<vmem>>, vector<1000x128xf32>
    %mul3A = vector.broadcast %rsqrt3A : vector<1000x1xf32> to vector<1000x128xf32>
    %mul3A_10 = arith.mulf %get3A_9, %mul3A : vector<1000x128xf32>
    %swap3A = arith.constant 0 : index
    %swap3A_11 = arith.constant 0 : index
    %swap3A_12 = vector.load %arg4[%swap3A, %swap3A_11] : memref<1000x128xf32, #tpu.memory_space<vmem>>, vector<1000x128xf32>
    tpu.vector_store %arg4[%swap3A, %swap3A_11], %mul3A_10 {strides = array<i32>} : memref<1000x128xf32, #tpu.memory_space<vmem>>, vector<1000x128xf32>,
    return
  }
  func.func @transform_0(%arg0: i32) -> (i32, i32) {
    %c0_i32 = arith.constant 0 : i32
    %c0_i32_0 = arith.constant 0 : i32
    return %arg0, %c0_i32 : i32, i32
  }
  func.func @transform_1(%arg0: i32) -> (i32, i32) {
    %c0_i32 = arith.constant 0 : i32
    %c0_i32_0 = arith.constant 0 : i32
    return %arg0, %c0_i32 : i32, i32
  }
  func.func @transform_2(%arg0: i32) -> (i32, i32) {
    %c0_i32 = arith.constant 0 : i32
    %c0_i32_0 = arith.constant 0 : i32
    return %arg0, %c0_i32 : i32, i32
  }
  func.func @transform_3(%arg0: i32) -> (i32, i32) {
    %c0_i32 = arith.constant 0 : i32
    %c0_i32_0 = arith.constant 0 : i32
    return %arg0, %c0_i32 : i32, i32
  }
}

module attributes {stable_mosaic.version = 14 : i64} {
  func.func @_dense_kernel(%arg0: i32, %arg1: memref<2x400x128xf32, #tpu.memory_space<vmem>>, %arg2: memref<400x1xf32, #tpu.memory_space<vmem>>, %arg3: memref<400x1xf32, #tpu.memory_space<vmem>>, %arg4: memref<128x128xf32, #tpu.memory_space<vmem>>, %arg5: memref<1x128xf32, #tpu.memory_space<vmem>>, %arg6: memref<384x128xf32, #tpu.memory_space<vmem>>, %arg7: memref<1x384xf32, #tpu.memory_space<vmem>>, %arg8: memref<1x384xf32, #tpu.memory_space<vmem>>, %arg9: memref<400x128xf32, #tpu.memory_space<vmem>>) attributes {dimension_semantics = [#tpu.dimension_semantics<arbitrary>], iteration_bounds = array<i64: 25>, scalar_prefetch = 0 : i64, scratch_operands = 0 : i64, tpu.core_type = #tpu.core_type<tc>, window_params = [{transform_indices = @transform_0, window_bounds = array<i64: 2, 400, 128>}, {transform_indices = @transform_1, window_bounds = array<i64: 400, 1>}, {transform_indices = @transform_2, window_bounds = array<i64: 400, 1>}, {pipeline_mode = #tpu.pipeline_mode<synchronous>, transform_indices = @transform_3, window_bounds = array<i64: 128, 128>}, {pipeline_mode = #tpu.pipeline_mode<synchronous>, transform_indices = @transform_4, window_bounds = array<i64: 1, 128>}, {pipeline_mode = #tpu.pipeline_mode<synchronous>, transform_indices = @transform_5, window_bounds = array<i64: 384, 128>}, {pipeline_mode = #tpu.pipeline_mode<synchronous>, transform_indices = @transform_6, window_bounds = array<i64: 1, 384>}, {pipeline_mode = #tpu.pipeline_mode<synchronous>, transform_indices = @transform_7, window_bounds = array<i64: 1, 384>}, {transform_indices = @transform_8, window_bounds = array<i64: 400, 128>}]} {
    %get3A = arith.constant 0 : index
    %get3A_0 = arith.constant 0 : index
    %get3A_1 = vector.load %arg2[%get3A, %get3A_0] : memref<400x1xf32, #tpu.memory_space<vmem>>, vector<400x1xf32>
    %get3A_2 = arith.constant 0 : index
    %get3A_3 = arith.constant 0 : index
    %get3A_4 = vector.load %arg3[%get3A_2, %get3A_3] : memref<400x1xf32, #tpu.memory_space<vmem>>, vector<400x1xf32>
    %add3A = arith.addf %get3A_1, %get3A_4 : vector<400x1xf32>
    %max3A = arith.constant 1.000000e+00 : f32
    %max3A_5 = vector.broadcast %max3A : f32 to vector<400x1xf32>
    %max3A_6 = arith.maximumf %add3A, %max3A_5 : vector<400x1xf32>
    %rsqrt3A = math.rsqrt %max3A_6 : vector<400x1xf32>
    %get3A_7 = arith.constant 0 : index
    %get3A_8 = arith.constant 0 : index
    %get3A_9 = arith.constant 0 : index
    %get3A_10 = vector.load %arg1[%get3A_7, %get3A_8, %get3A_9] : memref<2x400x128xf32, #tpu.memory_space<vmem>>, vector<1x400x128xf32>
    %get3A_11 = vector.shape_cast %get3A_10 : vector<1x400x128xf32> to vector<400x128xf32>
    %get3A_12 = arith.constant 1 : index
    %get3A_13 = arith.constant 0 : index
    %get3A_14 = arith.constant 0 : index
    %get3A_15 = vector.load %arg1[%get3A_12, %get3A_13, %get3A_14] : memref<2x400x128xf32, #tpu.memory_space<vmem>>, vector<1x400x128xf32>
    %get3A_16 = vector.shape_cast %get3A_15 : vector<1x400x128xf32> to vector<400x128xf32>
    %add3A_17 = arith.addf %get3A_11, %get3A_16 : vector<400x128xf32>
    %mul3A = vector.broadcast %rsqrt3A : vector<400x1xf32> to vector<400x128xf32>
    %mul3A_18 = arith.mulf %add3A_17, %mul3A : vector<400x128xf32>
    %get3A_19 = arith.constant 0 : index
    %get3A_20 = arith.constant 0 : index
    %get3A_21 = vector.load %arg4[%get3A_19, %get3A_20] : memref<128x128xf32, #tpu.memory_space<vmem>>, vector<128x128xf32>
    %dot_general3A = arith.constant dense<0.000000e+00> : vector<400x128xf32>
    %dot_general3A_22 = tpu.matmul %mul3A_18, %get3A_21, %dot_general3A {dimension_numbers = #tpu.dot_dimension_numbers<[1], [0], [0], [1], [0, 0, 1, 1], [], []>, transpose_lhs_hint = false} : vector<400x128xf32>, vector<128x128xf32>, vector<400x128xf32> -> vector<400x128xf32>
    %get3A_23 = arith.constant 0 : index
    %get3A_24 = arith.constant 0 : index
    %get3A_25 = vector.load %arg5[%get3A_23, %get3A_24] : memref<1x128xf32, #tpu.memory_space<vmem>>, vector<1x128xf32>
    %add3A_26 = vector.broadcast %get3A_25 : vector<1x128xf32> to vector<400x128xf32>
    %add3A_27 = arith.addf %dot_general3A_22, %add3A_26 : vector<400x128xf32>
    %get3A_28 = arith.constant 0 : index
    %get3A_29 = arith.constant 0 : index
    %get3A_30 = vector.load %arg6[%get3A_28, %get3A_29] : memref<384x128xf32, #tpu.memory_space<vmem>>, vector<384x128xf32>
    %dot_general3A_31 = arith.constant dense<0.000000e+00> : vector<400x384xf32>
    %dot_general3A_32 = tpu.matmul %add3A_27, %get3A_30, %dot_general3A_31 {dimension_numbers = #tpu.dot_dimension_numbers<[1], [1], [0], [0], [0, 0, 1, 0], [], []>, transpose_lhs_hint = false} : vector<400x128xf32>, vector<384x128xf32>, vector<400x384xf32> -> vector<400x384xf32>
    %get3A_33 = arith.constant 0 : index
    %get3A_34 = arith.constant 0 : index
    %get3A_35 = vector.load %arg7[%get3A_33, %get3A_34] : memref<1x384xf32, #tpu.memory_space<vmem>>, vector<1x384xf32>
    %add3A_36 = vector.broadcast %get3A_35 : vector<1x384xf32> to vector<400x384xf32>
    %add3A_37 = arith.addf %dot_general3A_32, %add3A_36 : vector<400x384xf32>
    %get3A_38 = arith.constant 0 : index
    %get3A_39 = arith.constant 0 : index
    %get3A_40 = vector.load %arg8[%get3A_38, %get3A_39] : memref<1x384xf32, #tpu.memory_space<vmem>>, vector<1x384xf32>
    %slice3A = vector.extract_strided_slice %add3A_37 {offsets = [0, 0], sizes = [400, 128], strides = [1, 1]} : vector<400x384xf32> to vector<400x128xf32>
    %slice3A_41 = vector.extract_strided_slice %get3A_40 {offsets = [0, 0], sizes = [1, 128], strides = [1, 1]} : vector<1x384xf32> to vector<1x128xf32>
    %add3A_42 = vector.broadcast %slice3A_41 : vector<1x128xf32> to vector<400x128xf32>
    %add3A_43 = arith.addf %slice3A, %add3A_42 : vector<400x128xf32>
    %logistic3A = arith.negf %add3A_43 : vector<400x128xf32>
    %logistic3A_44 = math.exp %logistic3A : vector<400x128xf32>
    %logistic3A_45 = arith.constant 1.000000e+00 : f32
    %logistic3A_46 = vector.broadcast %logistic3A_45 : f32 to vector<400x128xf32>
    %logistic3A_47 = arith.addf %logistic3A_46, %logistic3A_44 : vector<400x128xf32>
    %logistic3A_48 = arith.divf %logistic3A_46, %logistic3A_47 : vector<400x128xf32>
    %slice3A_49 = vector.extract_strided_slice %add3A_37 {offsets = [0, 128], sizes = [400, 128], strides = [1, 1]} : vector<400x384xf32> to vector<400x128xf32>
    %slice3A_50 = vector.extract_strided_slice %get3A_40 {offsets = [0, 128], sizes = [1, 128], strides = [1, 1]} : vector<1x384xf32> to vector<1x128xf32>
    %add3A_51 = vector.broadcast %slice3A_50 : vector<1x128xf32> to vector<400x128xf32>
    %add3A_52 = arith.addf %slice3A_49, %add3A_51 : vector<400x128xf32>
    %logistic3A_53 = arith.negf %add3A_52 : vector<400x128xf32>
    %logistic3A_54 = math.exp %logistic3A_53 : vector<400x128xf32>
    %logistic3A_55 = arith.constant 1.000000e+00 : f32
    %logistic3A_56 = vector.broadcast %logistic3A_55 : f32 to vector<400x128xf32>
    %logistic3A_57 = arith.addf %logistic3A_56, %logistic3A_54 : vector<400x128xf32>
    %logistic3A_58 = arith.divf %logistic3A_56, %logistic3A_57 : vector<400x128xf32>
    %slice3A_59 = vector.extract_strided_slice %add3A_37 {offsets = [0, 256], sizes = [400, 128], strides = [1, 1]} : vector<400x384xf32> to vector<400x128xf32>
    %slice3A_60 = vector.extract_strided_slice %get3A_40 {offsets = [0, 256], sizes = [1, 128], strides = [1, 1]} : vector<1x384xf32> to vector<1x128xf32>
    %mul3A_61 = vector.broadcast %slice3A_60 : vector<1x128xf32> to vector<400x128xf32>
    %mul3A_62 = arith.mulf %logistic3A_48, %mul3A_61 : vector<400x128xf32>
    %add3A_63 = arith.addf %slice3A_59, %mul3A_62 : vector<400x128xf32>
    %tanh3A = math.tanh %add3A_63 : vector<400x128xf32>
    %sub3A = arith.constant 1.000000e+00 : f32
    %sub3A_64 = vector.broadcast %sub3A : f32 to vector<400x128xf32>
    %sub3A_65 = arith.subf %sub3A_64, %logistic3A_58 : vector<400x128xf32>
    %mul3A_66 = arith.mulf %sub3A_65, %tanh3A : vector<400x128xf32>
    %max3A_67 = arith.constant 0.000000e+00 : f32
    %max3A_68 = vector.broadcast %max3A_67 : f32 to vector<400x128xf32>
    %max3A_69 = arith.maximumf %mul3A_66, %max3A_68 : vector<400x128xf32>
    %swap3A = arith.constant 0 : index
    %swap3A_70 = arith.constant 0 : index
    %swap3A_71 = vector.load %arg9[%swap3A, %swap3A_70] : memref<400x128xf32, #tpu.memory_space<vmem>>, vector<400x128xf32>
    tpu.vector_store %arg9[%swap3A, %swap3A_70], %max3A_69 {strides = array<i32>} : memref<400x128xf32, #tpu.memory_space<vmem>>, vector<400x128xf32>,
    return
  }
  func.func @transform_0(%arg0: i32) -> (i32, i32, i32) {
    %c0_i32 = arith.constant 0 : i32
    %c0_i32_0 = arith.constant 0 : i32
    %c0_i32_1 = arith.constant 0 : i32
    return %c0_i32, %arg0, %c0_i32_0 : i32, i32, i32
  }
  func.func @transform_1(%arg0: i32) -> (i32, i32) {
    %c0_i32 = arith.constant 0 : i32
    %c0_i32_0 = arith.constant 0 : i32
    return %arg0, %c0_i32 : i32, i32
  }
  func.func @transform_2(%arg0: i32) -> (i32, i32) {
    %c0_i32 = arith.constant 0 : i32
    %c0_i32_0 = arith.constant 0 : i32
    return %arg0, %c0_i32 : i32, i32
  }
  func.func @transform_3(%arg0: i32) -> (i32, i32) {
    %c0_i32 = arith.constant 0 : i32
    %c0_i32_0 = arith.constant 0 : i32
    %c0_i32_1 = arith.constant 0 : i32
    return %c0_i32, %c0_i32_0 : i32, i32
  }
  func.func @transform_4(%arg0: i32) -> (i32, i32) {
    %c0_i32 = arith.constant 0 : i32
    %c0_i32_0 = arith.constant 0 : i32
    %c0_i32_1 = arith.constant 0 : i32
    return %c0_i32, %c0_i32_0 : i32, i32
  }
  func.func @transform_5(%arg0: i32) -> (i32, i32) {
    %c0_i32 = arith.constant 0 : i32
    %c0_i32_0 = arith.constant 0 : i32
    %c0_i32_1 = arith.constant 0 : i32
    return %c0_i32, %c0_i32_0 : i32, i32
  }
  func.func @transform_6(%arg0: i32) -> (i32, i32) {
    %c0_i32 = arith.constant 0 : i32
    %c0_i32_0 = arith.constant 0 : i32
    %c0_i32_1 = arith.constant 0 : i32
    return %c0_i32, %c0_i32_0 : i32, i32
  }
  func.func @transform_7(%arg0: i32) -> (i32, i32) {
    %c0_i32 = arith.constant 0 : i32
    %c0_i32_0 = arith.constant 0 : i32
    %c0_i32_1 = arith.constant 0 : i32
    return %c0_i32, %c0_i32_0 : i32, i32
  }
  func.func @transform_8(%arg0: i32) -> (i32, i32) {
    %c0_i32 = arith.constant 0 : i32
    %c0_i32_0 = arith.constant 0 : i32
    return %arg0, %c0_i32 : i32, i32
  }
}

</mosaic_0001>

<sc_bundles>
// kernel: kernel.6.cloned.1.call-start
scs
__scs_entry_jumppad:
0x0: {  	(pc) =	sbr.rel $0x88, $3  }
0x1: {  	(tag) =	ssettag $0x0;
	lr =	simm.s32 $0x1  }
0x2: {  	[smem:$0x3F9A] =	sst lr;
	_ =	strace $0xD0000000  }
0x3: {  	_ = 	snop  }
0x4: {  	_ = 	snop  }
0x5: {  	_ = 	snop  }
0x6: {  	_ = 	snop  }
0x7: {  	_ = 	snop  }
__scs_overlays_trampoline_lowered:
0x8: {  	[smem:$0x3FA9] =	sst s0  }
0x9: {  	[smem:$0x3FAA] =	sst s1  }
0xa: {  	[smem:$0x3FAB] =	sst s2  }
0xb: {  	[smem:$0x3FAC] =	sst s3  }
0xc: {  	[smem:$0x3FAD] =	sst s4  }
0xd: {  	[smem:$0x3FAE] =	sst s5  }
0xe: {  	[smem:$0x3FAF] =	sst s6  }
0xf: {  	[smem:$0x3FB0] =	sst s7  }
0x10: {  	[smem:$0x3FB1] =	sst s8  }
0x11: {  	[smem:$0x3FB2] =	sst s9;
	s0 =	simm.s32 @!p0 $0x0  }
0x12: {  	s1 =	sld [smem:$0x3F98];
	s0 =	simm.s32 @p0 $0x1  }
0x13: {  	[smem:$0x3FB3] =	sst s0;
	s0 =	simm.s32 @!p1 $0x0  }
0x14: {  	s2 =	sld [smem:$0x3F97];
	s0 =	simm.s32 @p1 $0x1  }
0x15: {  	[smem:$0x3FB4] =	sst s0;
	s0 =	simm.s32 @!p2 $0x0  }
0x16: {  	s3 =	sld [smem:$0x3FDB];
	s0 =	simm.s32 @p2 $0x1  }
0x17: {  	s4 =	simm.s32 $0x1BF5;
	[smem:$0x3FB6] =	sst s0  }
0x18: {  	s0 =	sld [smem:$0x3F99];
	_ =	swait.ge [sflag:s4], $0x0  }
0x19: {  	s7 =	sld [smem:$0x3F9A]  }
0x1a: {  	s8 =	sadd.s32 $0xFFFFE003, lr  }
0x1b: {  	s9 =	sadd.s32 $0xFFFFFEF7, lr;
	s5 =	simm.s32 $0xFFFFFFFF;
	p2 =	slt.u32 s8, $0xFFFFF086  }
0x1c: {  	p1 =	slt.u32 s9, $0xF7A;
	s5 =	simm.s32 @!p2 $0x0  }
0x1d: {  	s5 =	simm.s32 @p1 $0x1;
	p0 =	seq.s32 s7, s2  }
0x1e: {  	s7 =	smul.u32 @!p0 $0xF7A, s2;
	p2 =	seq.s32 @!p0 s5, $0x0  }
0x1f: {  	s9 =	smul.u32 $0xF7A, s1;
	s8 =	simm.s32 @!p0 $0x1BF5;
	p2 =	por !p2, p0  }
0x20: {  	[sflag:s8] =	ssyncset.s32 @!p0 $0xFFFFF086;
	s6 =	sadd.s32 @!p0 s3, s7;
	s7 =	simm.s32 @!p0 $0x108  }
0x21: {  	s3 =	sadd.s32 s3, s9;
	s6 =	sadd.s32 @!p0 $0x88, s6;
	s7 =	simm.s32 @p2 $0x1082  }
0x22: {  	[simem:s7], [sflag:s8] =	dma.local @!p0 [hbm:s6], $0xF7A  }
0x23: {  	s9 =	sor.u32 $0xD0000000, s2;
	s6 =	simm.s32 $0x108;
	_ =	swait.ge @!p0 [sflag:s8], $0x0  }
0x24: {  	s3 =	sadd.s32 $0x88, s3;
	s6 =	simm.s32 @!p1 $0x1082;
	[sflag:s4] =	ssyncset.s32 $0xFFFFF086  }
0x25: {  	[simem:s6], [sflag:s4] =	dma.local [hbm:s3], $0xF7A  }
0x26: {  	[smem:$0x3F9A] =	sst s1;
	(tag) =	ssettag s2;
	_ =	strace s9  }
0x27: {  	s1 =	sld [smem:$0x3FAA]  }
0x28: {  	s2 =	sld [smem:$0x3FAB]  }
0x29: {  	s4 =	sld [smem:$0x3FAD]  }
0x2a: {  	p0 =	seq.s32 s5, $0x0;
	s5 =	sld [smem:$0x3FAE]  }
0x2b: {  	s6 =	sld [smem:$0x3FAF]  }
0x2c: {  	s7 =	sld [smem:$0x3FB0]  }
0x2d: {  	s3 =	simm.s32 $0x108;
	s8 =	sld [smem:$0x3FB1]  }
0x2e: {  	s3 =	simm.s32 @!p0 $0x1082;
	s9 =	sld [smem:$0x3FB2]  }
0x2f: {  	lr =	sadd.s32 s0, s3;
	s0 =	sld [smem:$0x3FA9]  }
0x30: {  	s3 =	sld [smem:$0x3FAC]  }
0x31: {  	[smem:$0x3FB5] =	sst s10  }
0x32: {  	s10 =	sld [smem:$0x3FB3];
	_ =	sdelay $0x3  }
0x33: {  	p0 =	seq.s32 s10, $0x1;
	s10 =	sld [smem:$0x3FB5];
	_ =	sdelay $0x3  }
0x34: {  	[smem:$0x3FB5] =	sst s10  }
0x35: {  	s10 =	sld [smem:$0x3FB4];
	_ =	sdelay $0x3  }
0x36: {  	p1 =	seq.s32 s10, $0x1;
	s10 =	sld [smem:$0x3FB5];
	_ =	sdelay $0x3  }
0x37: {  	[smem:$0x3FB5] =	sst s10  }
0x38: {  	s10 =	sld [smem:$0x3FB6]  }
0x39: {  	_ = 	snop;
	(pc) =	sbr.ind lr, $3  }
0x3a: {  	_ = 	snop  }
0x3b: {  	_ = 	snop  }
0x3c: {  	p2 =	seq.s32 s10, $0x1;
	s10 =	sld [smem:$0x3FB5]  }
0x3d: {  	_ =	shalt  }
0x3e: {  	_ =	shalt  }
0x3f: {  	_ =	shalt  }
0x40: {  	_ =	shalt  }
0x41: {  	_ =	shalt  }
0x42: {  	_ =	shalt  }
0x43: {  	_ =	shalt  }
0x44: {  	_ =	shalt  }
0x45: {  	_ =	shalt  }
0x46: {  	_ =	shalt  }
0x47: {  	_ =	shalt  }
0x48: {  	_ =	shalt  }
0x49: {  	_ =	shalt  }
0x4a: {  	_ =	shalt  }
0x4b: {  	_ =	shalt  }
0x4c: {  	_ =	shalt  }
0x4d: {  	_ =	shalt  }
0x4e: {  	_ =	shalt  }
0x4f: {  	_ =	shalt  }
0x50: {  	_ =	shalt  }
0x51: {  	_ =	shalt  }
0x52: {  	_ =	shalt  }
0x53: {  	_ =	shalt  }
0x54: {  	_ =	shalt  }
0x55: {  	_ =	shalt  }
0x56: {  	_ =	shalt  }
0x57: {  	_ =	shalt  }
0x58: {  	_ =	shalt  }
0x59: {  	_ =	shalt  }
0x5a: {  	_ =	shalt  }
0x5b: {  	_ =	shalt  }
0x5c: {  	_ =	shalt  }
0x5d: {  	_ =	shalt  }
0x5e: {  	_ =	shalt  }
0x5f: {  	_ =	shalt  }
0x60: {  	_ =	shalt  }
0x61: {  	_ =	shalt  }
0x62: {  	_ =	shalt  }
0x63: {  	_ =	shalt  }
0x64: {  	_ =	shalt  }
0x65: {  	_ =	shalt  }
0x66: {  	_ =	shalt  }
0x67: {  	_ =	shalt  }
0x68: {  	_ =	shalt  }
0x69: {  	_ =	shalt  }
0x6a: {  	_ =	shalt  }
0x6b: {  	_ =	shalt  }
0x6c: {  	_ =	shalt  }
0x6d: {  	_ =	shalt  }
0x6e: {  	_ =	shalt  }
0x6f: {  	_ =	shalt  }
0x70: {  	_ =	shalt  }
0x71: {  	_ =	shalt  }
0x72: {  	_ =	shalt  }
0x73: {  	_ =	shalt  }
0x74: {  	_ =	shalt  }
0x75: {  	_ =	shalt  }
0x76: {  	_ =	shalt  }
0x77: {  	_ =	shalt  }
0x78: {  	_ =	shalt  }
0x79: {  	_ =	shalt  }
0x7a: {  	_ =	shalt  }
0x7b: {  	_ =	shalt  }
0x7c: {  	_ =	shalt  }
0x7d: {  	_ =	shalt  }
0x7e: {  	_ =	shalt  }
0x7f: {  	_ =	shalt  }
0x80: {  	_ =	shalt  }
0x81: {  	_ =	shalt  }
0x82: {  	_ =	shalt  }
0x83: {  	_ =	shalt  }
0x84: {  	_ =	shalt  }
0x85: {  	_ =	shalt  }
0x86: {  	_ =	shalt  }
0x87: {  	_ =	shalt  }
.Lfunc_end0:
.L_simem_size_0:
called_computation_lowered:
.L_overlay_start_0:
0x88: {  	s2 =	sld [smem:$0x3FD9]  }
0x89: {  	s3 =	sld [smem:$0x3FFE];
	_ =	sdelay $0x1  }
0x8a: {  	s1 =	srdreg.scid  }
0x8b: {  	s0 =	sand.u32 $0x1, s1  }
0x8c: {  	s17 =	sshll.u32 s0, $0xA;
	s2 =	sadd.s32 s3, s2  }
0x8d: {  	s2 =	sadd.s32 s2, s17  }
0x8e: {  	[smem:$0x3FC1] =	sst s2  }
0x8f: {  	_ = 	snop  }
0x90: {  	s2 =	sld [smem:$0x3FD0];
	(tm) =	ssettm $0x1  }
0x91: {  	s18 =	sld [smem:$0x3FFB];
	_ =	sdelay $0x3  }
0x92: {  	_ =	strace s18  }
0x93: {  	s3 =	sld [smem:$0x3FFC];
	_ =	sdelay $0x3  }
0x94: {  	_ =	strace s3  }
0x95: {  	s3 =	sld [smem:$0x3FFD];
	_ =	sdelay $0x3  }
0x96: {  	_ =	strace s3  }
0x97: {  	_ =	strace $0x8FFFFFFF  }
0x98: {  	s19 =	sld [smem:$0x3FDB];
	_ =	sdelay $0x1  }
0x99: {  	s4 =	simm.s32 $_scs_section_size  }
0x9a: {  	s5 =	simm.s32 $_size__tile_overlayer_lowered;
	s6 =	simm.s32 $_tile_overlayer_lowered  }
0x9b: {  	s22 =	simm.s32 $0x1BFF;
	s21 =	sshll.u32 s6, $0x1;
	s3 =	sadd.s32 s4, s19  }
0x9c: {  	s7 =	simm.s32 $0x0;
	s20 =	sshll.u32 s5, $0x1;
	s5 =	sadd.s32 s21, s3  }
0x9d: {  	[timem:s7], [sflag:s22] =	dma.local [hbm:s5], s20  }
0x9e: {  	_ =	swait.ge [sflag:s22], s20  }
0x9f: {  	s4 =	ssub.s32 $0x0, s20;
	[sflag:s22] =	ssyncset.done $0x0  }
0xa0: {  	[sflag:s22] =	ssyncadd.s32 s4;
	_ =	sdelay $0x1  }
0xa1: {  	s23 =	simm.s32 $0x1B8B  }
0xa2: {  	_ =	swait.ge [sflag:s23], $0x1  }
0xa3: {  	[sflag:s23] =	ssyncset.done $0x0  }
0xa4: {  	s25 =	simm.s32 $0x1B8E;
	s24 =	sld [smem:$0x3FFE];
	[sflag:s23] =	ssyncadd.s32 $0xFFFFFFFF  }
0xa5: {  	s26 =	simm.s32 $execute0_lowered;
	[smem:$0x3FD2] =	sst s25  }
0xa6: {  	s5 =	sshll.u32 s26, $0x1;
	_ =	strace $0x80000046;
	[dreg:$0x1] =	wrdreg $0xFFFFFFFF  }
0xa7: {  	s28 =	simm.s32 $_size_execute0_lowered;
	s3 =	sadd.s32 s3, s5;
	[dreg:$0x0] =	wrdreg $0x0  }
0xa8: {  	s5 =	sshll.u32 s28, $0x1;
	[dreg:$0x2] =	wrdreg s3  }
0xa9: {  	[dreg:$0x3] =	wrdreg s5  }
0xaa: {  	[dreg:$0x4] =	wrdreg $0xC0  }
0xab: {  	_ =	task [dreg:s7], $0x5FFFF  }
0xac: {  	[dreg:$0x1] =	wrdreg $0xFFFFFFFF  }
0xad: {  	[dreg:$0x0] =	wrdreg $0x60  }
0xae: {  	[dreg:$0x2] =	wrdreg s24  }
0xaf: {  	[dreg:$0x3] =	wrdreg s2  }
0xb0: {  	[dreg:$0x4] =	wrdreg $0x82800  }
0xb1: {  	[dreg:$0x5] =	wrdreg $0xAA800  }
0xb2: {  	[dreg:$0x6] =	wrdreg $0x9  }
0xb3: {  	_ =	task.clear_ibuf [dreg:s7], $0x7FFFF;
	_ =	strace $0x90000046  }
0xb4: {  	s29 =	simm.s32 $0x9;
	_ =	strace $0x80000048  }
0xb5: {  	_ =	swait.ge [sflag:s29], $0x1  }
0xb6: {  	[sflag:s29] =	ssyncadd.s32 $0xFFFFFFFF  }
0xb7: {  	_ =	strace $0x90000048  }
0xb8: {  	_ =	sfence  }
0xb9: {  	s30 =	sld [smem:$0x0];
	_ =	sdelay $0x2  }
0xba: {  	s31 =	sshll.u32 s1, $0xD;
	s1 =	sshrl.u32 s1, $0x2  }
0xbb: {  	s3 =	sand.u32 $0x4000, s31;
	s1 =	sadd.s32 s1, s30  }
0xbc: {  	s0 =	sor.u32 s3, s0;
	s1 =	sshll.u32 s1, $0x11  }
0xbd: {  	s0 =	sor.u32 s1, s0  }
0xbe: {  	s0 =	sadd.s32 $0x8F2B, s0  }
0xbf: {  	[sflag:s0] =	ssyncadd.remote.s32 $0x1  }
0xc0: {  	_ =	sfence.sel $0xFFFF  }
0xc1: {  	[dreg:$0x0] =	wrdreg $0xFFFFFFFF;
	(pc) =	sbr.abs _section_cstart, $3  }
0xc2: {  	[dreg:$0x1] =	wrdreg $0xFFFFFFFF  }
0xc3: {  	_ =	task.clear_ibuf [dreg:s7], $0x2FFFF;
	_ =	strace $0x9FFFFFFF  }
0xc4: {  	(tm) =	ssettm $0x7FFFFFFF  }
0xc5: {  	_ =	shalt  }
tec
execute0_lowered:
.L_overlay_start_1:
0x0: {  	(tag) =	ssettag $0x1  }
0x1: {  	s0 =	rddreg [dreg:$0x0]  }
0x2: {  	s1 =	rddreg [dreg:$0x1]  }
0x3: {  	s4 =	rddreg [dreg:$0x2];
	s3 =	srdreg.scid  }
0x4: {  	s2 =	rddreg [dreg:$0x3];
	s9 =	stileid.u32;
	s7 =	simm.s32 $0x0  }
0x5: {  	s28 =	simm.s32 $0x7880;
	s29 =	simm.s32 $0x7B00;
	s6 =	smul.u32 $0x2710, s9  }
0x6: {  	s30 =	simm.s32 $0x7D80;
	s31 =	simm.s32 $0x0;
	s8 =	smul.u32 $0x2800, s9  }
0x7: {  	s5 =	sand.u32 $0x1, s3;
	[smem:$0x7FF] =	sst s7;
	s9 =	smul.u32 $0x280, s9  }
0x8: {  	s3 =	smul.u32 $0x27100, s5;
	s12 =	ssub.s32 $0x2, s5;
	_ =	strace $0x80000047  }
0x9: {  	p0 =	seq.s32 s5, $0x1;
	s10 =	sshrl.u32 s12, $0x1;
	s13 =	sadd.s32 s8, s4  }
0xa: {  	s14 =	sadd.s32 s8, s2;
	s15 =	sadd.s32 s9, s4;
	[dreg:$0x5] =	wrdreg s13  }
0xb: {  	s5 =	sadd.s32 $0x2800, s9;
	s7 =	sadd.s32 $0x7800, s9;
	[dreg:$0x6] =	wrdreg s14  }
0xc: {  	s8 =	sadd.s32 $0xA000, s9;
	[dreg:$0x7] =	wrdreg s15;
	s16 =	sadd.s32 s5, s4  }
0xd: {  	s25 =	sadd.s32 $0x20800, s9;
	s18 =	sadd.s32 s7, s4;
	[dreg:$0x8] =	wrdreg s16  }
0xe: {  	s11 =	ssub.s32 s12, s10;
	s13 =	sadd.s32 s8, s4;
	[dreg:$0xa] =	wrdreg s18  }
0xf: {  	s3 =	sadd.s32 s6, s3;
	s5 =	sadd.s32 s5, s2;
	[dreg:$0xb] =	wrdreg s13  }
0x10: {  	s6 =	sadd.s32 $0x5000, s9;
	s7 =	sadd.s32 s7, s2;
	[dreg:$0x17] =	wrdreg s5  }
0x11: {  	s10 =	sadd.s32 $0xC800, s9;
	s8 =	sadd.s32 s8, s2;
	[dreg:$0x19] =	wrdreg s7  }
0x12: {  	s12 =	sadd.s32 $0xF000, s9;
	s17 =	sadd.s32 s6, s4;
	[dreg:$0x1a] =	wrdreg s8  }
0x13: {  	s14 =	sor.u32 $0x14000, s9;
	s19 =	sadd.s32 s10, s4;
	[dreg:$0x9] =	wrdreg s17  }
0x14: {  	s15 =	sadd.s32 $0x16800, s9;
	s20 =	sadd.s32 s12, s4;
	[dreg:$0xc] =	wrdreg s19  }
0x15: {  	s13 =	sadd.s32 $0x11800, s9;
	s21 =	sadd.s32 s14, s4;
	[dreg:$0xd] =	wrdreg s20  }
0x16: {  	s22 =	sadd.s32 s15, s4;
	s18 =	sadd.s32 $0x1E000, s9;
	[dreg:$0xf] =	wrdreg s21  }
0x17: {  	s6 =	sadd.s32 s6, s2;
	s10 =	sadd.s32 s10, s2;
	[dreg:$0x10] =	wrdreg s22  }
0x18: {  	s12 =	sadd.s32 s12, s2;
	s14 =	sadd.s32 s14, s2;
	[dreg:$0x18] =	wrdreg s6  }
0x19: {  	s15 =	sadd.s32 s15, s2;
	s7 =	sadd.s32 s9, s2;
	[dreg:$0x1b] =	wrdreg s10  }
0x1a: {  	s8 =	sshrl.u32 s9, $0x3;
	s11 =	smax.u32 s11, $0x1;
	[dreg:$0x1c] =	wrdreg s12  }
0x1b: {  	s16 =	sadd.s32 s13, s4;
	s17 =	sadd.s32 $0x1B800, s9;
	[dreg:$0x1e] =	wrdreg s14  }
0x1c: {  	s24 =	sadd.s32 s18, s4;
	s20 =	sadd.s32 $0x23000, s9;
	[dreg:$0x1f] =	wrdreg s15  }
0x1d: {  	s21 =	sadd.s32 $0x25800, s9;
	s22 =	sadd.s32 s25, s4;
	[dreg:$0xe] =	wrdreg s16  }
0x1e: {  	s13 =	sadd.s32 s13, s2;
	s18 =	sadd.s32 s18, s2;
	[dreg:$0x13] =	wrdreg s24  }
0x1f: {  	s10 =	sadd.s32 $0x2000, s0;
	s12 =	simm.s32 $0x1;
	[dreg:$0x14] =	wrdreg s22  }
0x20: {  	s14 =	simm.s32 $0x3000;
	s15 =	simm.s32 $0x5A80;
	[dreg:$0x1d] =	wrdreg s13  }
0x21: {  	s16 =	sadd.s32 $0x19000, s9;
	s23 =	sadd.s32 s17, s4;
	[smem:$0x7F7] =	sst s18  }
0x22: {  	s26 =	sadd.s32 s20, s4;
	s17 =	sadd.s32 s17, s2;
	[dreg:$0x12] =	wrdreg s23  }
0x23: {  	s22 =	sadd.s32 s20, s2;
	s6 =	sadd.s32 s21, s2;
	[dreg:$0x15] =	wrdreg s26  }
0x24: {  	s9 =	sadd.s32 $0xBE00, s0;
	s24 =	sadd.s32 $0x16200, s0;
	[smem:$0x7F6] =	sst s17  }
0x25: {  	s13 =	simm.s32 $0x800;
	s18 =	simm.s32 $0x6200;
	[smem:$0x7F9] =	sst s22  }
0x26: {  	s20 =	simm.s32 $0x6700;
	s19 =	sadd.s32 s16, s4;
	[smem:$0x7FA] =	sst s24  }
0x27: {  	s4 =	sadd.s32 s21, s4;
	s16 =	sadd.s32 s16, s2;
	[dreg:$0x11] =	wrdreg s19  }
0x28: {  	s23 =	sadd.s32 s8, s0;
	s0 =	sadd.s32 $0x16800, s0;
	[dreg:$0x16] =	wrdreg s4  }
0x29: {  	s17 =	simm.s32 $0x5F80;
	s21 =	simm.s32 $0x6980;
	[smem:$0x7F5] =	sst s16  }
.Ltmp0:
0x2a: {  	s19 =	sadd.s32 s25, s2;
	[smem:$0x7FB] =	sst s0;
	(pc) =	sbr.rel .LBB2_1-.Ltmp0, $4  }
0x2b: {  	s22 =	simm.s32 $0x6C00;
	s25 =	sadd.s32 s1, s8;
	[smem:$0x7F8] =	sst s19  }
0x2c: {  	s24 =	simm.s32 $0x7100;
	s26 =	sadd.s32 $0x15C00, s23;
	[smem:$0x7FC] =	sst s25  }
0x2d: {  	s16 =	simm.s32 $0x5D00;
	s23 =	simm.s32 $0x6E80;
	[smem:$0x7FD] =	sst s26  }
0x2e: {  	v0 =	vimm.f32 $0.0e+00;
	v1 =	vimm.f32 $1.000000000e+00;
	s19 =	simm.s32 $0x6480;
	s25 =	simm.s32 $0x7380;
	s26 =	simm.s32 $0x7600  }
.LBB2_20:
0x2f: {  	s31 =	sadd.s32 $0x1, s31  }
0x30: {  	s0 =	sadd.s32 s0, s8;
	p1 =	sne.s32 s31, s11  }
.Ltmp1:
0x31: {  	s1 =	simm.s32 $0x0;
	s2 =	simm.s32 $0x8000;
	(pc) =	sbr.rel @!p1 .LBB2_21-.Ltmp1, $4  }
0x32: {  	[hbm4b:s0+s1] =	stream.linear.scatter [tilespmem:s2], [sflag:$0x1], $0x280, $0x38;
	[tilespmem:$0xD280] =	vst v63  }
0x33: {  	_ =	swait.ge [sflag:s12], $0x280  }
0x34: {  	[sflag:s12] =	ssyncset.done $0x0  }
0x35: {  	[sflag:s12] =	ssyncadd.s32 $0xFFFFFD80  }
.LBB2_1:
0x36: {  	s0 =	simm.s32 $0x40;
	s1 =	simm.s32 $0x0  }
.LBB2_2:
0x37: {  	p1 =	sne.s32 s0, $0x9FC0;
	[tilespmem:s1+$0x800] =	vst v0;
	s2 =	smov.u32 s0;
	s0 =	sadd.s32 $0x40, s0  }
.Ltmp2:
0x38: {  	[tilespmem:s1+$0x3000] =	vst v0;
	(pc) =	sbr.rel @p1 .LBB2_2-.Ltmp2, $2  }
0x39: {  	_ =	sdelay $0x2  }
0x3a: {  	s1 =	sshra.s32 s2, $0x2  }
0x3b: {  	[tilespmem:s1+$0x800] =	vst v0  }
0x3c: {  	s0 =	simm.s32 $0x0;
	[tilespmem:s1+$0x3000] =	vst v0;
	s1 =	simm.s32 $0x0  }
.LBB2_4:
0x3d: {  	s2 =	smul.u32 $0x7D0, s1;
	_ =	sdelay $0x1  }
0x3e: {  	s2 =	sadd.s32 s2, s3  }
0x3f: {  	s2 =	sshrl.u32 s2, $0x3  }
0x40: {  	s4 =	sadd.s32 s9, s2  }
0x41: {  	[tilespmem:s0], [sflag:$0x1] =	stream.linear.gather [hbm4b:s4+s0], $0x7D0, $0x38;
	[tilespmem:$0xD280] =	vst v63  }
0x42: {  	_ =	swait.ge [sflag:s12], $0x7D0  }
0x43: {  	[sflag:s12] =	ssyncset.done $0x0  }
0x44: {  	s5 =	simm.s32 $0x0;
	s4 =	simm.s32 $0x40;
	[sflag:s12] =	ssyncadd.s32 $0xFFFFF830  }
.LBB2_5:
0x45: {  	p1 =	sne.s32 s4, $0x1F00;
	v2 =	vld [tilespmem:s5+$0x0];
	_ =	sdelay $0x3  }
.Ltmp3:
0x46: {  	(pc) =	sbr.rel @p1 .LBB2_5-.Ltmp3, $2  }
0x47: {  	_ =	sdelay $0x2  }
0x48: {  	s5 =	sshra.s32 s4, $0x2;
	s4 =	sadd.s32 $0x40, s4;
	[tilespmem:v2+s13+$0x0] =	vst.idx.add.f32.msk $0xffff, v1  }
0x49: {  	v2 =	vld [tilespmem:s5+$0x0];
	_ =	sdelay $0x7  }
0x4a: {  	s2 =	sadd.s32 s10, s2;
	s4 =	simm.s32 $0x0;
	[tilespmem:v2+s13+$0x0] =	vst.idx.add.f32.msk $0xffff, v1  }
0x4b: {  	[tilespmem:s4], [sflag:$0x1] =	stream.linear.gather [hbm4b:s2+s4], $0x7D0, $0x38;
	[tilespmem:$0xD280] =	vst v63  }
0x4c: {  	_ =	swait.ge [sflag:s12], $0x7D0  }
0x4d: {  	[sflag:s12] =	ssyncset.done $0x0  }
0x4e: {  	s4 =	simm.s32 $0x0;
	s2 =	simm.s32 $0x40;
	[sflag:s12] =	ssyncadd.s32 $0xFFFFF830  }
.LBB2_7:
0x4f: {  	p1 =	sne.s32 s2, $0x1F00;
	v2 =	vld [tilespmem:s4+$0x0];
	_ =	sdelay $0x3  }
.Ltmp4:
0x50: {  	(pc) =	sbr.rel @p1 .LBB2_7-.Ltmp4, $2  }
0x51: {  	_ =	sdelay $0x2  }
0x52: {  	s4 =	sshra.s32 s2, $0x2;
	s2 =	sadd.s32 $0x40, s2;
	[tilespmem:v2+s14+$0x0] =	vst.idx.add.f32.msk $0xffff, v1  }
0x53: {  	v2 =	vld [tilespmem:s4+$0x0];
	_ =	sdelay $0x1  }
0x54: {  	s1 =	sadd.s32 $0x1, s1  }
0x55: {  	p1 =	sne.s32 s1, $0x5  }
.Ltmp5:
0x56: {  	_ = 	snop;
	(pc) =	sbr.rel @p1 .LBB2_4-.Ltmp5, $2  }
0x57: {  	_ =	sdelay $0x2  }
0x58: {  	[tilespmem:v2+s14+$0x0] =	vst.idx.add.f32.msk $0xffff, v1  }
0x59: {  	s0 =	rddreg [dreg:$0x5]  }
0x5a: {  	[spmem:s0] =	stream.linear.scatter [tilespmem:s13], [sflag:$0x1], $0x2800, $0x38;
	[tilespmem:$0xD280] =	vst v63  }
0x5b: {  	_ =	swait.ge [sflag:s12], $0x2800  }
0x5c: {  	[sflag:s12] =	ssyncset.done $0x0  }
0x5d: {  	s4 =	rddreg [dreg:$0x6];
	[sflag:s12] =	ssyncadd.s32 $0xFFFFD800  }
0x5e: {  	[spmem:s4] =	stream.linear.scatter [tilespmem:s14], [sflag:$0x1], $0x2800, $0x38;
	[tilespmem:$0xD280] =	vst v63  }
0x5f: {  	_ =	swait.ge [sflag:s12], $0x2800  }
0x60: {  	[sflag:s12] =	ssyncset.done $0x0  }
0x61: {  	[sflag:s12] =	ssyncadd.s32 $0xFFFFD800  }
0x62: {  	[bflag:$0x0] =	sbarrier.arrive $0xFFFF  }
0x63: {  	s1 =	simm.s32 $0x5800;
	s5 =	rddreg [dreg:$0x7]  }
0x64: {  	[tilespmem:s1], [sflag:$0x1] =	stream.linear.gather [spmem:s5], $0x280, $0x38;
	[tilespmem:$0xD280] =	vst v63  }
0x65: {  	_ =	swait.ge [sflag:s12], $0x280  }
0x66: {  	[sflag:s12] =	ssyncset.done $0x0  }
0x67: {  	s2 =	rddreg [dreg:$0x8];
	[sflag:s12] =	ssyncadd.s32 $0xFFFFFD80  }
0x68: {  	[tilespmem:s15], [sflag:$0x1] =	stream.linear.gather [spmem:s2], $0x280, $0x38;
	[tilespmem:$0xD280] =	vst v63  }
0x69: {  	_ =	swait.ge [sflag:s12], $0x280  }
0x6a: {  	[sflag:s12] =	ssyncset.done $0x0  }
0x6b: {  	s4 =	rddreg [dreg:$0x9];
	[sflag:s12] =	ssyncadd.s32 $0xFFFFFD80  }
0x6c: {  	[tilespmem:s16], [sflag:$0x1] =	stream.linear.gather [spmem:s4], $0x280, $0x38;
	[tilespmem:$0xD280] =	vst v63  }
0x6d: {  	_ =	swait.ge [sflag:s12], $0x280  }
0x6e: {  	[sflag:s12] =	ssyncset.done $0x0  }
0x6f: {  	s5 =	rddreg [dreg:$0xa];
	[sflag:s12] =	ssyncadd.s32 $0xFFFFFD80  }
0x70: {  	[tilespmem:s17], [sflag:$0x1] =	stream.linear.gather [spmem:s5], $0x280, $0x38;
	[tilespmem:$0xD280] =	vst v63  }
0x71: {  	_ =	swait.ge [sflag:s12], $0x280  }
0x72: {  	[sflag:s12] =	ssyncset.done $0x0  }
0x73: {  	s2 =	rddreg [dreg:$0xb];
	[sflag:s12] =	ssyncadd.s32 $0xFFFFFD80  }
0x74: {  	[tilespmem:s18], [sflag:$0x1] =	stream.linear.gather [spmem:s2], $0x280, $0x38;
	[tilespmem:$0xD280] =	vst v63  }
0x75: {  	_ =	swait.ge [sflag:s12], $0x280  }
0x76: {  	[sflag:s12] =	ssyncset.done $0x0  }
0x77: {  	s4 =	rddreg [dreg:$0xc];
	[sflag:s12] =	ssyncadd.s32 $0xFFFFFD80  }
0x78: {  	[tilespmem:s19], [sflag:$0x1] =	stream.linear.gather [spmem:s4], $0x280, $0x38;
	[tilespmem:$0xD280] =	vst v63  }
0x79: {  	_ =	swait.ge [sflag:s12], $0x280  }
0x7a: {  	[sflag:s12] =	ssyncset.done $0x0  }
0x7b: {  	s5 =	rddreg [dreg:$0xd];
	[sflag:s12] =	ssyncadd.s32 $0xFFFFFD80  }
0x7c: {  	[tilespmem:s20], [sflag:$0x1] =	stream.linear.gather [spmem:s5], $0x280, $0x38;
	[tilespmem:$0xD280] =	vst v63  }
0x7d: {  	_ =	swait.ge [sflag:s12], $0x280  }
0x7e: {  	[sflag:s12] =	ssyncset.done $0x0  }
0x7f: {  	s2 =	rddreg [dreg:$0xe];
	[sflag:s12] =	ssyncadd.s32 $0xFFFFFD80  }
0x80: {  	[tilespmem:s21], [sflag:$0x1] =	stream.linear.gather [spmem:s2], $0x280, $0x38;
	[tilespmem:$0xD280] =	vst v63  }
0x81: {  	_ =	swait.ge [sflag:s12], $0x280  }
0x82: {  	[sflag:s12] =	ssyncset.done $0x0  }
0x83: {  	s4 =	rddreg [dreg:$0xf];
	[sflag:s12] =	ssyncadd.s32 $0xFFFFFD80  }
0x84: {  	[tilespmem:s22], [sflag:$0x1] =	stream.linear.gather [spmem:s4], $0x280, $0x38;
	[tilespmem:$0xD280] =	vst v63  }
0x85: {  	_ =	swait.ge [sflag:s12], $0x280  }
0x86: {  	[sflag:s12] =	ssyncset.done $0x0  }
0x87: {  	s5 =	rddreg [dreg:$0x10];
	[sflag:s12] =	ssyncadd.s32 $0xFFFFFD80  }
0x88: {  	[tilespmem:s23], [sflag:$0x1] =	stream.linear.gather [spmem:s5], $0x280, $0x38;
	[tilespmem:$0xD280] =	vst v63  }
0x89: {  	_ =	swait.ge [sflag:s12], $0x280  }
0x8a: {  	[sflag:s12] =	ssyncset.done $0x0  }
0x8b: {  	s2 =	rddreg [dreg:$0x11];
	[sflag:s12] =	ssyncadd.s32 $0xFFFFFD80  }
0x8c: {  	[tilespmem:s24], [sflag:$0x1] =	stream.linear.gather [spmem:s2], $0x280, $0x38;
	[tilespmem:$0xD280] =	vst v63  }
0x8d: {  	_ =	swait.ge [sflag:s12], $0x280  }
0x8e: {  	[sflag:s12] =	ssyncset.done $0x0  }
0x8f: {  	s4 =	rddreg [dreg:$0x12];
	[sflag:s12] =	ssyncadd.s32 $0xFFFFFD80  }
0x90: {  	[tilespmem:s25], [sflag:$0x1] =	stream.linear.gather [spmem:s4], $0x280, $0x38;
	[tilespmem:$0xD280] =	vst v63  }
0x91: {  	_ =	swait.ge [sflag:s12], $0x280  }
0x92: {  	[sflag:s12] =	ssyncset.done $0x0  }
0x93: {  	s5 =	rddreg [dreg:$0x13];
	[sflag:s12] =	ssyncadd.s32 $0xFFFFFD80  }
0x94: {  	[tilespmem:s26], [sflag:$0x1] =	stream.linear.gather [spmem:s5], $0x280, $0x38;
	[tilespmem:$0xD280] =	vst v63  }
0x95: {  	_ =	swait.ge [sflag:s12], $0x280  }
0x96: {  	[sflag:s12] =	ssyncset.done $0x0  }
0x97: {  	s2 =	rddreg [dreg:$0x14];
	[sflag:s12] =	ssyncadd.s32 $0xFFFFFD80  }
0x98: {  	[tilespmem:s28], [sflag:$0x1] =	stream.linear.gather [spmem:s2], $0x280, $0x38;
	[tilespmem:$0xD280] =	vst v63  }
0x99: {  	_ =	swait.ge [sflag:s12], $0x280  }
0x9a: {  	[sflag:s12] =	ssyncset.done $0x0  }
0x9b: {  	s4 =	rddreg [dreg:$0x15];
	[sflag:s12] =	ssyncadd.s32 $0xFFFFFD80  }
0x9c: {  	[tilespmem:s29], [sflag:$0x1] =	stream.linear.gather [spmem:s4], $0x280, $0x38;
	[tilespmem:$0xD280] =	vst v63  }
0x9d: {  	_ =	swait.ge [sflag:s12], $0x280  }
0x9e: {  	[sflag:s12] =	ssyncset.done $0x0  }
.Ltmp6:
0x9f: {  	s5 =	rddreg [dreg:$0x16];
	[sflag:s12] =	ssyncadd.s32 $0xFFFFFD80;
	(pc) =	sbr.rel @!p0 .LBB2_10-.Ltmp6, $4  }
0xa0: {  	[tilespmem:s30], [sflag:$0x1] =	stream.linear.gather [spmem:s5], $0x280, $0x38;
	[tilespmem:$0xD280] =	vst v63  }
0xa1: {  	_ =	swait.ge [sflag:s12], $0x280  }
0xa2: {  	s2 =	simm.s32 $0x0;
	[sflag:s12] =	ssyncset.done $0x0  }
0xa3: {  	s0 =	simm.s32 $0x8000;
	s4 =	sand.u32 $0x3F0, s2;
	[sflag:s12] =	ssyncadd.s32 $0xFFFFFD80  }
0xa4: {  	v2 =	vld [tilespmem:s4+$0x5A80]  }
0xa5: {  	v3 =	vld [tilespmem:s1+$0x0];
	_ =	sdelay $0x1  }
0xa6: {  	v4 =	vld [tilespmem:s4+$0x5D00];
	_ =	sdelay $0x1  }
0xa7: {  	v5 =	vld [tilespmem:s4+$0x5F80]  }
0xa8: {  	v2 =	vadd.f32 v2, v3  }
0xa9: {  	v3 =	vld [tilespmem:s4+$0x6200]  }
0xaa: {  	v2 =	vadd.f32 v4, v2  }
0xab: {  	v56 =	vld [tilespmem:s4+$0x6480]  }
0xac: {  	v2 =	vadd.f32 v5, v2  }
0xad: {  	v57 =	vld [tilespmem:s4+$0x6700]  }
0xae: {  	v2 =	vadd.f32 v3, v2  }
0xaf: {  	v3 =	vld [tilespmem:s4+$0x6980]  }
0xb0: {  	v2 =	vadd.f32 v56, v2  }
0xb1: {  	v58 =	vld [tilespmem:s4+$0x6C00]  }
0xb2: {  	v2 =	vadd.f32 v57, v2  }
0xb3: {  	v59 =	vld [tilespmem:s4+$0x6E80]  }
0xb4: {  	v2 =	vadd.f32 v3, v2  }
0xb5: {  	v3 =	vld [tilespmem:s4+$0x7100]  }
0xb6: {  	v2 =	vadd.f32 v58, v2  }
0xb7: {  	v60 =	vld [tilespmem:s4+$0x7380]  }
0xb8: {  	v2 =	vadd.f32 v59, v2  }
0xb9: {  	v61 =	vld [tilespmem:s4+$0x7600]  }
0xba: {  	v2 =	vadd.f32 v3, v2  }
0xbb: {  	v3 =	vld [tilespmem:s4+$0x7880]  }
0xbc: {  	v2 =	vadd.f32 v60, v2  }
0xbd: {  	v62 =	vld [tilespmem:s4+$0x7B00]  }
0xbe: {  	v2 =	vadd.f32 v61, v2  }
0xbf: {  	v63 =	vld [tilespmem:s4+$0x7D80]  }
0xc0: {  	v2 =	vadd.f32 v3, v2;
	_ =	sdelay $0x1  }
0xc1: {  	v2 =	vadd.f32 v62, v2;
	_ =	sdelay $0x1  }
0xc2: {  	v2 =	vadd.f32 v63, v2  }
0xc3: {  	s5 =	sadd.s32 $0x10, s2  }
0xc4: {  	s2 =	sand.u32 $0x3F0, s5;
	[tilespmem:s0+$0x0] =	vst v2  }
0xc5: {  	s1 =	sadd.s32 $0x10, s1;
	s4 =	sadd.s32 $0x10, s5;
	v2 =	vld [tilespmem:s2+$0x5A80]  }
.LBB2_16:
0xc6: {  	p1 =	sne.s32 s4, $0x270;
	v3 =	vld [tilespmem:s1+$0x0];
	_ =	sdelay $0x1  }
0xc7: {  	v4 =	vld [tilespmem:s2+$0x5D00];
	_ =	sdelay $0x1  }
0xc8: {  	v5 =	vld [tilespmem:s2+$0x5F80]  }
0xc9: {  	v2 =	vadd.f32 v2, v3  }
0xca: {  	v3 =	vld [tilespmem:s2+$0x6200]  }
0xcb: {  	v2 =	vadd.f32 v4, v2  }
0xcc: {  	v4 =	vld [tilespmem:s2+$0x6480]  }
0xcd: {  	v2 =	vadd.f32 v5, v2  }
0xce: {  	v5 =	vld [tilespmem:s2+$0x6700]  }
0xcf: {  	v2 =	vadd.f32 v3, v2  }
0xd0: {  	v3 =	vld [tilespmem:s2+$0x6980]  }
0xd1: {  	v2 =	vadd.f32 v4, v2  }
0xd2: {  	v4 =	vld [tilespmem:s2+$0x6C00]  }
0xd3: {  	v2 =	vadd.f32 v5, v2  }
0xd4: {  	v5 =	vld [tilespmem:s2+$0x6E80]  }
0xd5: {  	v2 =	vadd.f32 v3, v2  }
0xd6: {  	v3 =	vld [tilespmem:s2+$0x7100]  }
0xd7: {  	v2 =	vadd.f32 v4, v2  }
0xd8: {  	v4 =	vld [tilespmem:s2+$0x7380]  }
0xd9: {  	v2 =	vadd.f32 v5, v2  }
0xda: {  	v5 =	vld [tilespmem:s2+$0x7600]  }
0xdb: {  	v2 =	vadd.f32 v3, v2  }
0xdc: {  	v3 =	vld [tilespmem:s2+$0x7880]  }
0xdd: {  	v2 =	vadd.f32 v4, v2  }
0xde: {  	v4 =	vld [tilespmem:s2+$0x7B00]  }
0xdf: {  	v2 =	vadd.f32 v5, v2  }
0xe0: {  	v5 =	vld [tilespmem:s2+$0x7D80]  }
0xe1: {  	v2 =	vadd.f32 v3, v2;
	_ =	sdelay $0x1  }
0xe2: {  	v2 =	vadd.f32 v4, v2  }
.Ltmp7:
0xe3: {  	(pc) =	sbr.rel @p1 .LBB2_16-.Ltmp7, $4  }
0xe4: {  	v2 =	vadd.f32 v5, v2  }
0xe5: {  	s0 =	sadd.s32 $0x10, s0  }
0xe6: {  	s2 =	sand.u32 $0x3F0, s4;
	[tilespmem:s0+$0x0] =	vst v2  }
0xe7: {  	s1 =	sadd.s32 $0x10, s1;
	s4 =	sadd.s32 $0x10, s4;
	v2 =	vld [tilespmem:s2+$0x5A80]  }
0xe8: {  	v3 =	vld [tilespmem:s1+$0x0];
	_ =	sdelay $0x1  }
0xe9: {  	v4 =	vld [tilespmem:s2+$0x5D00];
	_ =	sdelay $0x1  }
0xea: {  	v5 =	vld [tilespmem:s2+$0x5F80]  }
0xeb: {  	v2 =	vadd.f32 v2, v3  }
0xec: {  	v3 =	vld [tilespmem:s2+$0x6200]  }
0xed: {  	v2 =	vadd.f32 v4, v2  }
0xee: {  	v46 =	vld [tilespmem:s2+$0x6480]  }
0xef: {  	v2 =	vadd.f32 v5, v2  }
0xf0: {  	v47 =	vld [tilespmem:s2+$0x6700]  }
0xf1: {  	v2 =	vadd.f32 v3, v2  }
0xf2: {  	v3 =	vld [tilespmem:s2+$0x6980]  }
0xf3: {  	v2 =	vadd.f32 v46, v2  }
0xf4: {  	v48 =	vld [tilespmem:s2+$0x6C00]  }
0xf5: {  	v2 =	vadd.f32 v47, v2  }
0xf6: {  	v49 =	vld [tilespmem:s2+$0x6E80]  }
0xf7: {  	v2 =	vadd.f32 v3, v2  }
0xf8: {  	v3 =	vld [tilespmem:s2+$0x7100]  }
0xf9: {  	v2 =	vadd.f32 v48, v2  }
0xfa: {  	v50 =	vld [tilespmem:s2+$0x7380]  }
0xfb: {  	v2 =	vadd.f32 v49, v2  }
0xfc: {  	v51 =	vld [tilespmem:s2+$0x7600]  }
0xfd: {  	v2 =	vadd.f32 v3, v2  }
0xfe: {  	v3 =	vld [tilespmem:s2+$0x7880]  }
0xff: {  	v2 =	vadd.f32 v50, v2  }
0x100: {  	v52 =	vld [tilespmem:s2+$0x7B00]  }
0x101: {  	v2 =	vadd.f32 v51, v2  }
0x102: {  	v53 =	vld [tilespmem:s2+$0x7D80]  }
0x103: {  	v2 =	vadd.f32 v3, v2;
	_ =	sdelay $0x1  }
0x104: {  	v2 =	vadd.f32 v52, v2;
	_ =	sdelay $0x1  }
0x105: {  	s4 =	sld [smem:$0x7FD];
	v2 =	vadd.f32 v53, v2  }
0x106: {  	s0 =	sadd.s32 $0x10, s0  }
0x107: {  	s1 =	simm.s32 $0x0;
	[tilespmem:s0+$0x0] =	vst v2;
	s0 =	simm.s32 $0x8000  }
0x108: {  	[hbm4b:s4+s1] =	stream.linear.scatter [tilespmem:s0], [sflag:$0x1], $0x280, $0x38;
	[tilespmem:$0xD280] =	vst v63  }
0x109: {  	_ =	swait.ge [sflag:s12], $0x280  }
0x10a: {  	[sflag:s12] =	ssyncset.done $0x0  }
0x10b: {  	s2 =	simm.s32 $0x5800;
	[sflag:s12] =	ssyncadd.s32 $0xFFFFFD80  }
0x10c: {  	[tilespmem:s2], [sflag:$0x1] =	stream.linear.gather [spmem:s7], $0x280, $0x38;
	[tilespmem:$0xD280] =	vst v63  }
0x10d: {  	_ =	swait.ge [sflag:s12], $0x280  }
0x10e: {  	[sflag:s12] =	ssyncset.done $0x0  }
0x10f: {  	s4 =	rddreg [dreg:$0x17];
	[sflag:s12] =	ssyncadd.s32 $0xFFFFFD80  }
0x110: {  	[tilespmem:s15], [sflag:$0x1] =	stream.linear.gather [spmem:s4], $0x280, $0x38;
	[tilespmem:$0xD280] =	vst v63  }
0x111: {  	_ =	swait.ge [sflag:s12], $0x280  }
0x112: {  	[sflag:s12] =	ssyncset.done $0x0  }
0x113: {  	s5 =	rddreg [dreg:$0x18];
	[sflag:s12] =	ssyncadd.s32 $0xFFFFFD80  }
0x114: {  	[tilespmem:s16], [sflag:$0x1] =	stream.linear.gather [spmem:s5], $0x280, $0x38;
	[tilespmem:$0xD280] =	vst v63  }
0x115: {  	_ =	swait.ge [sflag:s12], $0x280  }
0x116: {  	[sflag:s12] =	ssyncset.done $0x0  }
0x117: {  	s5 =	rddreg [dreg:$0x19];
	[sflag:s12] =	ssyncadd.s32 $0xFFFFFD80  }
0x118: {  	[tilespmem:s17], [sflag:$0x1] =	stream.linear.gather [spmem:s5], $0x280, $0x38;
	[tilespmem:$0xD280] =	vst v63  }
0x119: {  	_ =	swait.ge [sflag:s12], $0x280  }
0x11a: {  	[sflag:s12] =	ssyncset.done $0x0  }
0x11b: {  	s5 =	rddreg [dreg:$0x1a];
	[sflag:s12] =	ssyncadd.s32 $0xFFFFFD80  }
0x11c: {  	[tilespmem:s18], [sflag:$0x1] =	stream.linear.gather [spmem:s5], $0x280, $0x38;
	[tilespmem:$0xD280] =	vst v63  }
0x11d: {  	_ =	swait.ge [sflag:s12], $0x280  }
0x11e: {  	[sflag:s12] =	ssyncset.done $0x0  }
0x11f: {  	s5 =	rddreg [dreg:$0x1b];
	[sflag:s12] =	ssyncadd.s32 $0xFFFFFD80  }
0x120: {  	[tilespmem:s19], [sflag:$0x1] =	stream.linear.gather [spmem:s5], $0x280, $0x38;
	[tilespmem:$0xD280] =	vst v63  }
0x121: {  	_ =	swait.ge [sflag:s12], $0x280  }
0x122: {  	[sflag:s12] =	ssyncset.done $0x0  }
0x123: {  	s5 =	rddreg [dreg:$0x1c];
	[sflag:s12] =	ssyncadd.s32 $0xFFFFFD80  }
0x124: {  	[tilespmem:s20], [sflag:$0x1] =	stream.linear.gather [spmem:s5], $0x280, $0x38;
	[tilespmem:$0xD280] =	vst v63  }
0x125: {  	_ =	swait.ge [sflag:s12], $0x280  }
0x126: {  	[sflag:s12] =	ssyncset.done $0x0  }
0x127: {  	s5 =	rddreg [dreg:$0x1d];
	[sflag:s12] =	ssyncadd.s32 $0xFFFFFD80  }
0x128: {  	[tilespmem:s21], [sflag:$0x1] =	stream.linear.gather [spmem:s5], $0x280, $0x38;
	[tilespmem:$0xD280] =	vst v63  }
0x129: {  	_ =	swait.ge [sflag:s12], $0x280  }
0x12a: {  	[sflag:s12] =	ssyncset.done $0x0  }
0x12b: {  	s5 =	rddreg [dreg:$0x1e];
	[sflag:s12] =	ssyncadd.s32 $0xFFFFFD80  }
0x12c: {  	[tilespmem:s22], [sflag:$0x1] =	stream.linear.gather [spmem:s5], $0x280, $0x38;
	[tilespmem:$0xD280] =	vst v63  }
0x12d: {  	_ =	swait.ge [sflag:s12], $0x280  }
0x12e: {  	[sflag:s12] =	ssyncset.done $0x0  }
0x12f: {  	s5 =	rddreg [dreg:$0x1f];
	[sflag:s12] =	ssyncadd.s32 $0xFFFFFD80  }
0x130: {  	[tilespmem:s23], [sflag:$0x1] =	stream.linear.gather [spmem:s5], $0x280, $0x38;
	[tilespmem:$0xD280] =	vst v63  }
0x131: {  	_ =	swait.ge [sflag:s12], $0x280  }
0x132: {  	s5 =	sld [smem:$0x7F5]  }
0x133: {  	[sflag:s12] =	ssyncset.done $0x0  }
0x134: {  	[sflag:s12] =	ssyncadd.s32 $0xFFFFFD80  }
0x135: {  	[tilespmem:s24], [sflag:$0x1] =	stream.linear.gather [spmem:s5], $0x280, $0x38;
	[tilespmem:$0xD280] =	vst v63  }
0x136: {  	_ =	swait.ge [sflag:s12], $0x280  }
0x137: {  	s5 =	sld [smem:$0x7F6]  }
0x138: {  	[sflag:s12] =	ssyncset.done $0x0  }
0x139: {  	[sflag:s12] =	ssyncadd.s32 $0xFFFFFD80  }
0x13a: {  	[tilespmem:s25], [sflag:$0x1] =	stream.linear.gather [spmem:s5], $0x280, $0x38;
	[tilespmem:$0xD280] =	vst v63  }
0x13b: {  	_ =	swait.ge [sflag:s12], $0x280  }
0x13c: {  	s5 =	sld [smem:$0x7F7]  }
0x13d: {  	[sflag:s12] =	ssyncset.done $0x0  }
0x13e: {  	[sflag:s12] =	ssyncadd.s32 $0xFFFFFD80  }
0x13f: {  	[tilespmem:s26], [sflag:$0x1] =	stream.linear.gather [spmem:s5], $0x280, $0x38;
	[tilespmem:$0xD280] =	vst v63  }
0x140: {  	_ =	swait.ge [sflag:s12], $0x280  }
0x141: {  	s5 =	sld [smem:$0x7F8]  }
0x142: {  	[sflag:s12] =	ssyncset.done $0x0  }
0x143: {  	[sflag:s12] =	ssyncadd.s32 $0xFFFFFD80  }
0x144: {  	[tilespmem:s28], [sflag:$0x1] =	stream.linear.gather [spmem:s5], $0x280, $0x38;
	[tilespmem:$0xD280] =	vst v63  }
0x145: {  	_ =	swait.ge [sflag:s12], $0x280  }
0x146: {  	s5 =	sld [smem:$0x7F9]  }
0x147: {  	[sflag:s12] =	ssyncset.done $0x0  }
0x148: {  	[sflag:s12] =	ssyncadd.s32 $0xFFFFFD80  }
0x149: {  	[tilespmem:s29], [sflag:$0x1] =	stream.linear.gather [spmem:s5], $0x280, $0x38;
	[tilespmem:$0xD280] =	vst v63  }
0x14a: {  	_ =	swait.ge [sflag:s12], $0x280  }
0x14b: {  	[sflag:s12] =	ssyncset.done $0x0  }
0x14c: {  	[sflag:s12] =	ssyncadd.s32 $0xFFFFFD80  }
0x14d: {  	[tilespmem:s30], [sflag:$0x1] =	stream.linear.gather [spmem:s6], $0x280, $0x38;
	[tilespmem:$0xD280] =	vst v63  }
0x14e: {  	_ =	swait.ge [sflag:s12], $0x280  }
0x14f: {  	[sflag:s12] =	ssyncset.done $0x0  }
0x150: {  	s1 =	sand.u32 $0x3F0, s1;
	[sflag:s12] =	ssyncadd.s32 $0xFFFFFD80  }
0x151: {  	v2 =	vld [tilespmem:s1+$0x5A80]  }
0x152: {  	v3 =	vld [tilespmem:s2+$0x0];
	_ =	sdelay $0x1  }
0x153: {  	v54 =	vld [tilespmem:s1+$0x5D00];
	_ =	sdelay $0x1  }
0x154: {  	v55 =	vld [tilespmem:s1+$0x5F80]  }
0x155: {  	v2 =	vadd.f32 v2, v3  }
0x156: {  	v3 =	vld [tilespmem:s1+$0x6200]  }
0x157: {  	v2 =	vadd.f32 v54, v2  }
0x158: {  	v56 =	vld [tilespmem:s1+$0x6480]  }
0x159: {  	v2 =	vadd.f32 v55, v2  }
0x15a: {  	v57 =	vld [tilespmem:s1+$0x6700]  }
0x15b: {  	v2 =	vadd.f32 v3, v2  }
0x15c: {  	v3 =	vld [tilespmem:s1+$0x6980]  }
0x15d: {  	v2 =	vadd.f32 v56, v2  }
0x15e: {  	v58 =	vld [tilespmem:s1+$0x6C00]  }
0x15f: {  	v2 =	vadd.f32 v57, v2  }
0x160: {  	v59 =	vld [tilespmem:s1+$0x6E80]  }
0x161: {  	v2 =	vadd.f32 v3, v2  }
0x162: {  	v3 =	vld [tilespmem:s1+$0x7100]  }
0x163: {  	v2 =	vadd.f32 v58, v2  }
0x164: {  	v60 =	vld [tilespmem:s1+$0x7380]  }
0x165: {  	v2 =	vadd.f32 v59, v2  }
0x166: {  	v61 =	vld [tilespmem:s1+$0x7600]  }
0x167: {  	v2 =	vadd.f32 v3, v2  }
0x168: {  	v3 =	vld [tilespmem:s1+$0x7880]  }
0x169: {  	v2 =	vadd.f32 v60, v2  }
0x16a: {  	v62 =	vld [tilespmem:s1+$0x7B00]  }
0x16b: {  	v2 =	vadd.f32 v61, v2  }
0x16c: {  	v63 =	vld [tilespmem:s1+$0x7D80]  }
0x16d: {  	v2 =	vadd.f32 v3, v2;
	_ =	sdelay $0x1  }
0x16e: {  	v2 =	vadd.f32 v62, v2;
	_ =	sdelay $0x1  }
0x16f: {  	v2 =	vadd.f32 v63, v2  }
0x170: {  	s5 =	simm.s32 $0x10  }
0x171: {  	s1 =	sand.u32 $0x3F0, s5;
	[tilespmem:s0+$0x0] =	vst v2  }
0x172: {  	s4 =	simm.s32 $0x20;
	s2 =	simm.s32 $0x5810;
	v2 =	vld [tilespmem:s1+$0x5A80]  }
.LBB2_18:
0x173: {  	p1 =	sne.s32 s4, $0x270;
	v3 =	vld [tilespmem:s2+$0x0];
	_ =	sdelay $0x1  }
0x174: {  	v4 =	vld [tilespmem:s1+$0x5D00];
	_ =	sdelay $0x1  }
0x175: {  	v5 =	vld [tilespmem:s1+$0x5F80]  }
0x176: {  	v2 =	vadd.f32 v2, v3  }
0x177: {  	v3 =	vld [tilespmem:s1+$0x6200]  }
0x178: {  	v2 =	vadd.f32 v4, v2  }
0x179: {  	v4 =	vld [tilespmem:s1+$0x6480]  }
0x17a: {  	v2 =	vadd.f32 v5, v2  }
0x17b: {  	v5 =	vld [tilespmem:s1+$0x6700]  }
0x17c: {  	v2 =	vadd.f32 v3, v2  }
0x17d: {  	v3 =	vld [tilespmem:s1+$0x6980]  }
0x17e: {  	v2 =	vadd.f32 v4, v2  }
0x17f: {  	v4 =	vld [tilespmem:s1+$0x6C00]  }
0x180: {  	v2 =	vadd.f32 v5, v2  }
0x181: {  	v5 =	vld [tilespmem:s1+$0x6E80]  }
0x182: {  	v2 =	vadd.f32 v3, v2  }
0x183: {  	v3 =	vld [tilespmem:s1+$0x7100]  }
0x184: {  	v2 =	vadd.f32 v4, v2  }
0x185: {  	v4 =	vld [tilespmem:s1+$0x7380]  }
0x186: {  	v2 =	vadd.f32 v5, v2  }
0x187: {  	v5 =	vld [tilespmem:s1+$0x7600]  }
0x188: {  	v2 =	vadd.f32 v3, v2  }
0x189: {  	v3 =	vld [tilespmem:s1+$0x7880]  }
0x18a: {  	v2 =	vadd.f32 v4, v2  }
0x18b: {  	v4 =	vld [tilespmem:s1+$0x7B00]  }
0x18c: {  	v2 =	vadd.f32 v5, v2  }
0x18d: {  	v5 =	vld [tilespmem:s1+$0x7D80]  }
0x18e: {  	v2 =	vadd.f32 v3, v2;
	_ =	sdelay $0x1  }
0x18f: {  	v2 =	vadd.f32 v4, v2  }
.Ltmp8:
0x190: {  	(pc) =	sbr.rel @p1 .LBB2_18-.Ltmp8, $4  }
0x191: {  	v2 =	vadd.f32 v5, v2  }
0x192: {  	s0 =	sadd.s32 $0x10, s0  }
0x193: {  	s1 =	sand.u32 $0x3F0, s4;
	[tilespmem:s0+$0x0] =	vst v2  }
0x194: {  	s2 =	sadd.s32 $0x10, s2;
	s4 =	sadd.s32 $0x10, s4;
	v2 =	vld [tilespmem:s1+$0x5A80]  }
0x195: {  	v3 =	vld [tilespmem:s2+$0x0];
	_ =	sdelay $0x1  }
0x196: {  	v4 =	vld [tilespmem:s1+$0x5D00];
	_ =	sdelay $0x1  }
0x197: {  	v5 =	vld [tilespmem:s1+$0x5F80]  }
0x198: {  	v2 =	vadd.f32 v2, v3  }
0x199: {  	v3 =	vld [tilespmem:s1+$0x6200]  }
0x19a: {  	v2 =	vadd.f32 v4, v2  }
0x19b: {  	v56 =	vld [tilespmem:s1+$0x6480]  }
0x19c: {  	v2 =	vadd.f32 v5, v2  }
0x19d: {  	v57 =	vld [tilespmem:s1+$0x6700]  }
0x19e: {  	v2 =	vadd.f32 v3, v2  }
0x19f: {  	v3 =	vld [tilespmem:s1+$0x6980]  }
0x1a0: {  	v2 =	vadd.f32 v56, v2  }
0x1a1: {  	v58 =	vld [tilespmem:s1+$0x6C00]  }
0x1a2: {  	v2 =	vadd.f32 v57, v2  }
0x1a3: {  	v59 =	vld [tilespmem:s1+$0x6E80]  }
0x1a4: {  	v2 =	vadd.f32 v3, v2  }
0x1a5: {  	v3 =	vld [tilespmem:s1+$0x7100]  }
0x1a6: {  	v2 =	vadd.f32 v58, v2  }
0x1a7: {  	v60 =	vld [tilespmem:s1+$0x7380]  }
0x1a8: {  	v2 =	vadd.f32 v59, v2  }
0x1a9: {  	v61 =	vld [tilespmem:s1+$0x7600]  }
0x1aa: {  	v2 =	vadd.f32 v3, v2  }
0x1ab: {  	v3 =	vld [tilespmem:s1+$0x7880]  }
0x1ac: {  	v2 =	vadd.f32 v60, v2  }
0x1ad: {  	v62 =	vld [tilespmem:s1+$0x7B00]  }
0x1ae: {  	v2 =	vadd.f32 v61, v2  }
0x1af: {  	v63 =	vld [tilespmem:s1+$0x7D80]  }
0x1b0: {  	v2 =	vadd.f32 v3, v2;
	_ =	sdelay $0x1  }
0x1b1: {  	v2 =	vadd.f32 v62, v2  }
.Ltmp9:
0x1b2: {  	_ = 	snop;
	(pc) =	sbr.rel .LBB2_20-.Ltmp9, $3  }
0x1b3: {  	v2 =	vadd.f32 v63, v2  }
0x1b4: {  	s0 =	sadd.s32 $0x10, s0  }
0x1b5: {  	[tilespmem:s0+$0x0] =	vst v2;
	s0 =	sld [smem:$0x7FB];
	_ =	sdelay $0x1  }
.LBB2_10:
0x1b6: {  	v2 =	vld [tilespmem:s4+$0x5A80]  }
0x1b7: {  	v3 =	vld [tilespmem:s1+$0x0];
	_ =	sdelay $0x1  }
0x1b8: {  	v4 =	vld [tilespmem:s4+$0x5D00];
	_ =	sdelay $0x1  }
0x1b9: {  	v5 =	vld [tilespmem:s4+$0x5F80]  }
0x1ba: {  	v2 =	vadd.f32 v2, v3  }
0x1bb: {  	v3 =	vld [tilespmem:s4+$0x6200]  }
0x1bc: {  	v2 =	vadd.f32 v4, v2  }
0x1bd: {  	v56 =	vld [tilespmem:s4+$0x6480]  }
0x1be: {  	v2 =	vadd.f32 v5, v2  }
0x1bf: {  	v57 =	vld [tilespmem:s4+$0x6700]  }
0x1c0: {  	v2 =	vadd.f32 v3, v2  }
0x1c1: {  	v3 =	vld [tilespmem:s4+$0x6980]  }
0x1c2: {  	v2 =	vadd.f32 v56, v2  }
0x1c3: {  	v58 =	vld [tilespmem:s4+$0x6C00]  }
0x1c4: {  	v2 =	vadd.f32 v57, v2  }
0x1c5: {  	v59 =	vld [tilespmem:s4+$0x6E80]  }
0x1c6: {  	v2 =	vadd.f32 v3, v2  }
0x1c7: {  	v3 =	vld [tilespmem:s4+$0x7100]  }
0x1c8: {  	v2 =	vadd.f32 v58, v2  }
0x1c9: {  	v60 =	vld [tilespmem:s4+$0x7380]  }
0x1ca: {  	v2 =	vadd.f32 v59, v2  }
0x1cb: {  	v61 =	vld [tilespmem:s4+$0x7600]  }
0x1cc: {  	v2 =	vadd.f32 v3, v2  }
0x1cd: {  	v3 =	vld [tilespmem:s4+$0x7880]  }
0x1ce: {  	v2 =	vadd.f32 v60, v2  }
0x1cf: {  	v62 =	vld [tilespmem:s4+$0x7B00]  }
0x1d0: {  	v2 =	vadd.f32 v61, v2  }
0x1d1: {  	v63 =	vld [tilespmem:s4+$0x7D80]  }
0x1d2: {  	v2 =	vadd.f32 v3, v2;
	_ =	sdelay $0x1  }
0x1d3: {  	v2 =	vadd.f32 v62, v2;
	_ =	sdelay $0x1  }
0x1d4: {  	v2 =	vadd.f32 v63, v2  }
0x1d5: {  	s5 =	sadd.s32 $0x10, s2  }
0x1d6: {  	s2 =	sand.u32 $0x3F0, s5;
	[tilespmem:s0+$0x0] =	vst v2  }
0x1d7: {  	s1 =	sadd.s32 $0x10, s1;
	s4 =	sadd.s32 $0x10, s5;
	v2 =	vld [tilespmem:s2+$0x5A80]  }
.LBB2_11:
0x1d8: {  	p1 =	sne.s32 s4, $0x270;
	v3 =	vld [tilespmem:s1+$0x0];
	_ =	sdelay $0x1  }
0x1d9: {  	v4 =	vld [tilespmem:s2+$0x5D00];
	_ =	sdelay $0x1  }
0x1da: {  	v5 =	vld [tilespmem:s2+$0x5F80]  }
0x1db: {  	v2 =	vadd.f32 v2, v3  }
0x1dc: {  	v3 =	vld [tilespmem:s2+$0x6200]  }
0x1dd: {  	v2 =	vadd.f32 v4, v2  }
0x1de: {  	v4 =	vld [tilespmem:s2+$0x6480]  }
0x1df: {  	v2 =	vadd.f32 v5, v2  }
0x1e0: {  	v5 =	vld [tilespmem:s2+$0x6700]  }
0x1e1: {  	v2 =	vadd.f32 v3, v2  }
0x1e2: {  	v3 =	vld [tilespmem:s2+$0x6980]  }
0x1e3: {  	v2 =	vadd.f32 v4, v2  }
0x1e4: {  	v4 =	vld [tilespmem:s2+$0x6C00]  }
0x1e5: {  	v2 =	vadd.f32 v5, v2  }
0x1e6: {  	v5 =	vld [tilespmem:s2+$0x6E80]  }
0x1e7: {  	v2 =	vadd.f32 v3, v2  }
0x1e8: {  	v3 =	vld [tilespmem:s2+$0x7100]  }
0x1e9: {  	v2 =	vadd.f32 v4, v2  }
0x1ea: {  	v4 =	vld [tilespmem:s2+$0x7380]  }
0x1eb: {  	v2 =	vadd.f32 v5, v2  }
0x1ec: {  	v5 =	vld [tilespmem:s2+$0x7600]  }
0x1ed: {  	v2 =	vadd.f32 v3, v2  }
0x1ee: {  	v3 =	vld [tilespmem:s2+$0x7880]  }
0x1ef: {  	v2 =	vadd.f32 v4, v2  }
0x1f0: {  	v4 =	vld [tilespmem:s2+$0x7B00]  }
0x1f1: {  	v2 =	vadd.f32 v5, v2  }
0x1f2: {  	v5 =	vld [tilespmem:s2+$0x7D80]  }
0x1f3: {  	v2 =	vadd.f32 v3, v2;
	_ =	sdelay $0x1  }
0x1f4: {  	v2 =	vadd.f32 v4, v2  }
.Ltmp10:
0x1f5: {  	(pc) =	sbr.rel @p1 .LBB2_11-.Ltmp10, $4  }
0x1f6: {  	v2 =	vadd.f32 v5, v2  }
0x1f7: {  	s0 =	sadd.s32 $0x10, s0  }
0x1f8: {  	s2 =	sand.u32 $0x3F0, s4;
	[tilespmem:s0+$0x0] =	vst v2  }
0x1f9: {  	s1 =	sadd.s32 $0x10, s1;
	s4 =	sadd.s32 $0x10, s4;
	v2 =	vld [tilespmem:s2+$0x5A80]  }
0x1fa: {  	v3 =	vld [tilespmem:s1+$0x0];
	_ =	sdelay $0x1  }
0x1fb: {  	v4 =	vld [tilespmem:s2+$0x5D00];
	_ =	sdelay $0x1  }
0x1fc: {  	v5 =	vld [tilespmem:s2+$0x5F80]  }
0x1fd: {  	v2 =	vadd.f32 v2, v3  }
0x1fe: {  	v3 =	vld [tilespmem:s2+$0x6200]  }
0x1ff: {  	v2 =	vadd.f32 v4, v2  }
0x200: {  	v46 =	vld [tilespmem:s2+$0x6480]  }
0x201: {  	v2 =	vadd.f32 v5, v2  }
0x202: {  	v47 =	vld [tilespmem:s2+$0x6700]  }
0x203: {  	v2 =	vadd.f32 v3, v2  }
0x204: {  	v3 =	vld [tilespmem:s2+$0x6980]  }
0x205: {  	v2 =	vadd.f32 v46, v2  }
0x206: {  	v48 =	vld [tilespmem:s2+$0x6C00]  }
0x207: {  	v2 =	vadd.f32 v47, v2  }
0x208: {  	v49 =	vld [tilespmem:s2+$0x6E80]  }
0x209: {  	v2 =	vadd.f32 v3, v2  }
0x20a: {  	v3 =	vld [tilespmem:s2+$0x7100]  }
0x20b: {  	v2 =	vadd.f32 v48, v2  }
0x20c: {  	v50 =	vld [tilespmem:s2+$0x7380]  }
0x20d: {  	v2 =	vadd.f32 v49, v2  }
0x20e: {  	v51 =	vld [tilespmem:s2+$0x7600]  }
0x20f: {  	v2 =	vadd.f32 v3, v2  }
0x210: {  	v3 =	vld [tilespmem:s2+$0x7880]  }
0x211: {  	v2 =	vadd.f32 v50, v2  }
0x212: {  	v52 =	vld [tilespmem:s2+$0x7B00]  }
0x213: {  	v2 =	vadd.f32 v51, v2  }
0x214: {  	v53 =	vld [tilespmem:s2+$0x7D80]  }
0x215: {  	v2 =	vadd.f32 v3, v2;
	_ =	sdelay $0x1  }
0x216: {  	v2 =	vadd.f32 v52, v2;
	_ =	sdelay $0x1  }
0x217: {  	s4 =	sld [smem:$0x7FC];
	v2 =	vadd.f32 v53, v2  }
0x218: {  	s0 =	sadd.s32 $0x10, s0  }
0x219: {  	s1 =	simm.s32 $0x0;
	[tilespmem:s0+$0x0] =	vst v2;
	s0 =	simm.s32 $0x8000  }
0x21a: {  	[hbm4b:s4+s1] =	stream.linear.scatter [tilespmem:s0], [sflag:$0x1], $0x280, $0x38;
	[tilespmem:$0xD280] =	vst v63  }
0x21b: {  	_ =	swait.ge [sflag:s12], $0x280  }
0x21c: {  	[sflag:s12] =	ssyncset.done $0x0  }
0x21d: {  	s2 =	simm.s32 $0x5800;
	[sflag:s12] =	ssyncadd.s32 $0xFFFFFD80  }
0x21e: {  	[tilespmem:s2], [sflag:$0x1] =	stream.linear.gather [spmem:s7], $0x280, $0x38;
	[tilespmem:$0xD280] =	vst v63  }
0x21f: {  	_ =	swait.ge [sflag:s12], $0x280  }
0x220: {  	[sflag:s12] =	ssyncset.done $0x0  }
0x221: {  	s4 =	rddreg [dreg:$0x17];
	[sflag:s12] =	ssyncadd.s32 $0xFFFFFD80  }
0x222: {  	[tilespmem:s15], [sflag:$0x1] =	stream.linear.gather [spmem:s4], $0x280, $0x38;
	[tilespmem:$0xD280] =	vst v63  }
0x223: {  	_ =	swait.ge [sflag:s12], $0x280  }
0x224: {  	[sflag:s12] =	ssyncset.done $0x0  }
0x225: {  	s5 =	rddreg [dreg:$0x18];
	[sflag:s12] =	ssyncadd.s32 $0xFFFFFD80  }
0x226: {  	[tilespmem:s16], [sflag:$0x1] =	stream.linear.gather [spmem:s5], $0x280, $0x38;
	[tilespmem:$0xD280] =	vst v63  }
0x227: {  	_ =	swait.ge [sflag:s12], $0x280  }
0x228: {  	[sflag:s12] =	ssyncset.done $0x0  }
0x229: {  	s5 =	rddreg [dreg:$0x19];
	[sflag:s12] =	ssyncadd.s32 $0xFFFFFD80  }
0x22a: {  	[tilespmem:s17], [sflag:$0x1] =	stream.linear.gather [spmem:s5], $0x280, $0x38;
	[tilespmem:$0xD280] =	vst v63  }
0x22b: {  	_ =	swait.ge [sflag:s12], $0x280  }
0x22c: {  	[sflag:s12] =	ssyncset.done $0x0  }
0x22d: {  	s5 =	rddreg [dreg:$0x1a];
	[sflag:s12] =	ssyncadd.s32 $0xFFFFFD80  }
0x22e: {  	[tilespmem:s18], [sflag:$0x1] =	stream.linear.gather [spmem:s5], $0x280, $0x38;
	[tilespmem:$0xD280] =	vst v63  }
0x22f: {  	_ =	swait.ge [sflag:s12], $0x280  }
0x230: {  	[sflag:s12] =	ssyncset.done $0x0  }
0x231: {  	s5 =	rddreg [dreg:$0x1b];
	[sflag:s12] =	ssyncadd.s32 $0xFFFFFD80  }
0x232: {  	[tilespmem:s19], [sflag:$0x1] =	stream.linear.gather [spmem:s5], $0x280, $0x38;
	[tilespmem:$0xD280] =	vst v63  }
0x233: {  	_ =	swait.ge [sflag:s12], $0x280  }
0x234: {  	[sflag:s12] =	ssyncset.done $0x0  }
0x235: {  	s5 =	rddreg [dreg:$0x1c];
	[sflag:s12] =	ssyncadd.s32 $0xFFFFFD80  }
0x236: {  	[tilespmem:s20], [sflag:$0x1] =	stream.linear.gather [spmem:s5], $0x280, $0x38;
	[tilespmem:$0xD280] =	vst v63  }
0x237: {  	_ =	swait.ge [sflag:s12], $0x280  }
0x238: {  	[sflag:s12] =	ssyncset.done $0x0  }
0x239: {  	s5 =	rddreg [dreg:$0x1d];
	[sflag:s12] =	ssyncadd.s32 $0xFFFFFD80  }
0x23a: {  	[tilespmem:s21], [sflag:$0x1] =	stream.linear.gather [spmem:s5], $0x280, $0x38;
	[tilespmem:$0xD280] =	vst v63  }
0x23b: {  	_ =	swait.ge [sflag:s12], $0x280  }
0x23c: {  	[sflag:s12] =	ssyncset.done $0x0  }
0x23d: {  	s5 =	rddreg [dreg:$0x1e];
	[sflag:s12] =	ssyncadd.s32 $0xFFFFFD80  }
0x23e: {  	[tilespmem:s22], [sflag:$0x1] =	stream.linear.gather [spmem:s5], $0x280, $0x38;
	[tilespmem:$0xD280] =	vst v63  }
0x23f: {  	_ =	swait.ge [sflag:s12], $0x280  }
0x240: {  	[sflag:s12] =	ssyncset.done $0x0  }
0x241: {  	s5 =	rddreg [dreg:$0x1f];
	[sflag:s12] =	ssyncadd.s32 $0xFFFFFD80  }
0x242: {  	[tilespmem:s23], [sflag:$0x1] =	stream.linear.gather [spmem:s5], $0x280, $0x38;
	[tilespmem:$0xD280] =	vst v63  }
0x243: {  	_ =	swait.ge [sflag:s12], $0x280  }
0x244: {  	s5 =	sld [smem:$0x7F5]  }
0x245: {  	[sflag:s12] =	ssyncset.done $0x0  }
0x246: {  	[sflag:s12] =	ssyncadd.s32 $0xFFFFFD80  }
0x247: {  	[tilespmem:s24], [sflag:$0x1] =	stream.linear.gather [spmem:s5], $0x280, $0x38;
	[tilespmem:$0xD280] =	vst v63  }
0x248: {  	_ =	swait.ge [sflag:s12], $0x280  }
0x249: {  	s5 =	sld [smem:$0x7F6]  }
0x24a: {  	[sflag:s12] =	ssyncset.done $0x0  }
0x24b: {  	[sflag:s12] =	ssyncadd.s32 $0xFFFFFD80  }
0x24c: {  	[tilespmem:s25], [sflag:$0x1] =	stream.linear.gather [spmem:s5], $0x280, $0x38;
	[tilespmem:$0xD280] =	vst v63  }
0x24d: {  	_ =	swait.ge [sflag:s12], $0x280  }
0x24e: {  	s5 =	sld [smem:$0x7F7]  }
0x24f: {  	[sflag:s12] =	ssyncset.done $0x0  }
0x250: {  	[sflag:s12] =	ssyncadd.s32 $0xFFFFFD80  }
0x251: {  	[tilespmem:s26], [sflag:$0x1] =	stream.linear.gather [spmem:s5], $0x280, $0x38;
	[tilespmem:$0xD280] =	vst v63  }
0x252: {  	_ =	swait.ge [sflag:s12], $0x280  }
0x253: {  	s5 =	sld [smem:$0x7F8]  }
0x254: {  	[sflag:s12] =	ssyncset.done $0x0  }
0x255: {  	[sflag:s12] =	ssyncadd.s32 $0xFFFFFD80  }
0x256: {  	[tilespmem:s28], [sflag:$0x1] =	stream.linear.gather [spmem:s5], $0x280, $0x38;
	[tilespmem:$0xD280] =	vst v63  }
0x257: {  	_ =	swait.ge [sflag:s12], $0x280  }
0x258: {  	s5 =	sld [smem:$0x7F9]  }
0x259: {  	[sflag:s12] =	ssyncset.done $0x0  }
0x25a: {  	[sflag:s12] =	ssyncadd.s32 $0xFFFFFD80  }
0x25b: {  	[tilespmem:s29], [sflag:$0x1] =	stream.linear.gather [spmem:s5], $0x280, $0x38;
	[tilespmem:$0xD280] =	vst v63  }
0x25c: {  	_ =	swait.ge [sflag:s12], $0x280  }
0x25d: {  	[sflag:s12] =	ssyncset.done $0x0  }
0x25e: {  	[sflag:s12] =	ssyncadd.s32 $0xFFFFFD80  }
0x25f: {  	[tilespmem:s30], [sflag:$0x1] =	stream.linear.gather [spmem:s6], $0x280, $0x38;
	[tilespmem:$0xD280] =	vst v63  }
0x260: {  	_ =	swait.ge [sflag:s12], $0x280  }
0x261: {  	[sflag:s12] =	ssyncset.done $0x0  }
0x262: {  	s1 =	sand.u32 $0x3F0, s1;
	[sflag:s12] =	ssyncadd.s32 $0xFFFFFD80  }
0x263: {  	v2 =	vld [tilespmem:s1+$0x5A80]  }
0x264: {  	v3 =	vld [tilespmem:s2+$0x0];
	_ =	sdelay $0x1  }
0x265: {  	v54 =	vld [tilespmem:s1+$0x5D00];
	_ =	sdelay $0x1  }
0x266: {  	v55 =	vld [tilespmem:s1+$0x5F80]  }
0x267: {  	v2 =	vadd.f32 v2, v3  }
0x268: {  	v3 =	vld [tilespmem:s1+$0x6200]  }
0x269: {  	v2 =	vadd.f32 v54, v2  }
0x26a: {  	v56 =	vld [tilespmem:s1+$0x6480]  }
0x26b: {  	v2 =	vadd.f32 v55, v2  }
0x26c: {  	v57 =	vld [tilespmem:s1+$0x6700]  }
0x26d: {  	v2 =	vadd.f32 v3, v2  }
0x26e: {  	v3 =	vld [tilespmem:s1+$0x6980]  }
0x26f: {  	v2 =	vadd.f32 v56, v2  }
0x270: {  	v58 =	vld [tilespmem:s1+$0x6C00]  }
0x271: {  	v2 =	vadd.f32 v57, v2  }
0x272: {  	v59 =	vld [tilespmem:s1+$0x6E80]  }
0x273: {  	v2 =	vadd.f32 v3, v2  }
0x274: {  	v3 =	vld [tilespmem:s1+$0x7100]  }
0x275: {  	v2 =	vadd.f32 v58, v2  }
0x276: {  	v60 =	vld [tilespmem:s1+$0x7380]  }
0x277: {  	v2 =	vadd.f32 v59, v2  }
0x278: {  	v61 =	vld [tilespmem:s1+$0x7600]  }
0x279: {  	v2 =	vadd.f32 v3, v2  }
0x27a: {  	v3 =	vld [tilespmem:s1+$0x7880]  }
0x27b: {  	v2 =	vadd.f32 v60, v2  }
0x27c: {  	v62 =	vld [tilespmem:s1+$0x7B00]  }
0x27d: {  	v2 =	vadd.f32 v61, v2  }
0x27e: {  	v63 =	vld [tilespmem:s1+$0x7D80]  }
0x27f: {  	v2 =	vadd.f32 v3, v2;
	_ =	sdelay $0x1  }
0x280: {  	v2 =	vadd.f32 v62, v2;
	_ =	sdelay $0x1  }
0x281: {  	v2 =	vadd.f32 v63, v2  }
0x282: {  	s5 =	simm.s32 $0x10  }
0x283: {  	s1 =	sand.u32 $0x3F0, s5;
	[tilespmem:s0+$0x0] =	vst v2  }
0x284: {  	s4 =	simm.s32 $0x20;
	s2 =	simm.s32 $0x5810;
	v2 =	vld [tilespmem:s1+$0x5A80]  }
.LBB2_13:
0x285: {  	p1 =	seq.s32 s4, $0x270;
	v3 =	vld [tilespmem:s2+$0x0];
	_ =	sdelay $0x1  }
0x286: {  	v4 =	vld [tilespmem:s1+$0x5D00];
	_ =	sdelay $0x1  }
0x287: {  	v5 =	vld [tilespmem:s1+$0x5F80]  }
0x288: {  	v2 =	vadd.f32 v2, v3  }
0x289: {  	v3 =	vld [tilespmem:s1+$0x6200]  }
0x28a: {  	v2 =	vadd.f32 v4, v2  }
0x28b: {  	v4 =	vld [tilespmem:s1+$0x6480]  }
0x28c: {  	v2 =	vadd.f32 v5, v2  }
0x28d: {  	v5 =	vld [tilespmem:s1+$0x6700]  }
0x28e: {  	v2 =	vadd.f32 v3, v2  }
0x28f: {  	v3 =	vld [tilespmem:s1+$0x6980]  }
0x290: {  	v2 =	vadd.f32 v4, v2  }
0x291: {  	v4 =	vld [tilespmem:s1+$0x6C00]  }
0x292: {  	v2 =	vadd.f32 v5, v2  }
0x293: {  	v5 =	vld [tilespmem:s1+$0x6E80]  }
0x294: {  	v2 =	vadd.f32 v3, v2  }
0x295: {  	v3 =	vld [tilespmem:s1+$0x7100]  }
0x296: {  	v2 =	vadd.f32 v4, v2  }
0x297: {  	v4 =	vld [tilespmem:s1+$0x7380]  }
0x298: {  	v2 =	vadd.f32 v5, v2  }
0x299: {  	v5 =	vld [tilespmem:s1+$0x7600]  }
0x29a: {  	v2 =	vadd.f32 v3, v2  }
0x29b: {  	v3 =	vld [tilespmem:s1+$0x7880]  }
0x29c: {  	v2 =	vadd.f32 v4, v2  }
0x29d: {  	v4 =	vld [tilespmem:s1+$0x7B00]  }
0x29e: {  	v2 =	vadd.f32 v5, v2  }
0x29f: {  	v5 =	vld [tilespmem:s1+$0x7D80]  }
0x2a0: {  	v2 =	vadd.f32 v3, v2;
	_ =	sdelay $0x1  }
0x2a1: {  	v2 =	vadd.f32 v4, v2  }
.Ltmp11:
0x2a2: {  	(pc) =	sbr.rel @!p1 .LBB2_13-.Ltmp11, $4  }
0x2a3: {  	v2 =	vadd.f32 v5, v2  }
0x2a4: {  	s0 =	sadd.s32 $0x10, s0  }
0x2a5: {  	s1 =	sand.u32 $0x3F0, s4;
	[tilespmem:s0+$0x0] =	vst v2  }
0x2a6: {  	s2 =	sadd.s32 $0x10, s2;
	s4 =	sadd.s32 $0x10, s4;
	v2 =	vld [tilespmem:s1+$0x5A80]  }
0x2a7: {  	v3 =	vld [tilespmem:s2+$0x0];
	_ =	sdelay $0x1  }
0x2a8: {  	v4 =	vld [tilespmem:s1+$0x5D00];
	_ =	sdelay $0x1  }
0x2a9: {  	v5 =	vld [tilespmem:s1+$0x5F80]  }
0x2aa: {  	v2 =	vadd.f32 v2, v3  }
0x2ab: {  	v3 =	vld [tilespmem:s1+$0x6200]  }
0x2ac: {  	v2 =	vadd.f32 v4, v2  }
0x2ad: {  	v56 =	vld [tilespmem:s1+$0x6480]  }
0x2ae: {  	v2 =	vadd.f32 v5, v2  }
0x2af: {  	v57 =	vld [tilespmem:s1+$0x6700]  }
0x2b0: {  	v2 =	vadd.f32 v3, v2  }
0x2b1: {  	v3 =	vld [tilespmem:s1+$0x6980]  }
0x2b2: {  	v2 =	vadd.f32 v56, v2  }
0x2b3: {  	v58 =	vld [tilespmem:s1+$0x6C00]  }
0x2b4: {  	v2 =	vadd.f32 v57, v2  }
0x2b5: {  	v59 =	vld [tilespmem:s1+$0x6E80]  }
0x2b6: {  	v2 =	vadd.f32 v3, v2  }
0x2b7: {  	v3 =	vld [tilespmem:s1+$0x7100]  }
0x2b8: {  	v2 =	vadd.f32 v58, v2  }
0x2b9: {  	v60 =	vld [tilespmem:s1+$0x7380]  }
0x2ba: {  	v2 =	vadd.f32 v59, v2  }
0x2bb: {  	v61 =	vld [tilespmem:s1+$0x7600]  }
0x2bc: {  	v2 =	vadd.f32 v3, v2  }
0x2bd: {  	v3 =	vld [tilespmem:s1+$0x7880]  }
0x2be: {  	v2 =	vadd.f32 v60, v2  }
0x2bf: {  	v62 =	vld [tilespmem:s1+$0x7B00]  }
0x2c0: {  	v2 =	vadd.f32 v61, v2  }
0x2c1: {  	v63 =	vld [tilespmem:s1+$0x7D80]  }
0x2c2: {  	v2 =	vadd.f32 v3, v2;
	_ =	sdelay $0x1  }
0x2c3: {  	v2 =	vadd.f32 v62, v2  }
.Ltmp12:
0x2c4: {  	_ = 	snop;
	(pc) =	sbr.rel .LBB2_20-.Ltmp12, $3  }
0x2c5: {  	v2 =	vadd.f32 v63, v2  }
0x2c6: {  	s0 =	sadd.s32 $0x10, s0  }
0x2c7: {  	[tilespmem:s0+$0x0] =	vst v2;
	s0 =	sld [smem:$0x7FA];
	_ =	sdelay $0x1  }
.LBB2_21:
0x2c8: {  	_ =	sfence.sel $0x180000  }
0x2c9: {  	[bflag:$0x0] =	sbarrier.arrive $0xFFFF  }
0x2ca: {  	_ =	strace $0x90000047  }
0x2cb: {  	s0 =	stileid.u32;
	[bflag:$0x2] =	sbarrier.arrive $0xFFFF  }
0x2cc: {  	p0 =	sne.s32 s0, $0x0;
	s0 =	rddreg [dreg:$0x4]  }
0x2cd: {  	s0 =	sadd.s32 @!p0 $0x100000, s0  }
0x2ce: {  	[sflag:s0] =	ssyncadd.tile.s32 @!p0 $0x1;
	_ =	shalt  }
.Lfunc_end2:
_tile_overlayer_lowered:
.L_overlay_start_2:
0x2cf: {  	(tag) =	ssettag $0x2  }
0x2d0: {  	s0 =	rddreg [dreg:$0x0];
	s2 =	stileid.u32  }
0x2d1: {  	s1 =	rddreg [dreg:$0x1];
	p0 =	sne.s32 s2, $0x0  }
0x2d2: {  	s3 =	rddreg [dreg:$0x2];
	[bflag:$0x3] =	sbarrier.arrive $0xFFFF;
	s2 =	simm.s32 @!p0 $0x1C01  }
0x2d3: {  	[timem:s3], [sflag:s2] =	dma.local @!p0 [hbm:s0], s1  }
0x2d4: {  	s0 =	simm.s32 @!p0 $0x1  }
0x2d5: {  	_ =	swait.ge @!p0 [sflag:s0], s1  }
0x2d6: {  	s1 =	ssub.s32 @!p0 $0x0, s1;
	[sflag:s0] =	ssyncset.done @!p0 $0x0  }
0x2d7: {  	[sflag:s0] =	ssyncadd.s32 @!p0 s1  }
0x2d8: {  	[bflag:$0x3] =	sbarrier.arrive $0xFFFF  }
0x2d9: {  	_ =	shalt  }

// kernel: kernel.9.cloned.1.call-start
scs
__scs_entry_jumppad:
0x0: {  	(pc) =	sbr.rel $0x88, $3  }
0x1: {  	(tag) =	ssettag $0x0;
	lr =	simm.s32 $0x1  }
0x2: {  	[smem:$0x3F9A] =	sst lr;
	_ =	strace $0xD0000000  }
0x3: {  	_ = 	snop  }
0x4: {  	_ = 	snop  }
0x5: {  	_ = 	snop  }
0x6: {  	_ = 	snop  }
0x7: {  	_ = 	snop  }
__scs_overlays_trampoline_lowered:
0x8: {  	[smem:$0x3FA9] =	sst s0  }
0x9: {  	[smem:$0x3FAA] =	sst s1  }
0xa: {  	[smem:$0x3FAB] =	sst s2  }
0xb: {  	[smem:$0x3FAC] =	sst s3  }
0xc: {  	[smem:$0x3FAD] =	sst s4  }
0xd: {  	[smem:$0x3FAE] =	sst s5  }
0xe: {  	[smem:$0x3FAF] =	sst s6  }
0xf: {  	[smem:$0x3FB0] =	sst s7  }
0x10: {  	[smem:$0x3FB1] =	sst s8  }
0x11: {  	[smem:$0x3FB2] =	sst s9;
	s0 =	simm.s32 @!p0 $0x0  }
0x12: {  	s1 =	sld [smem:$0x3F98];
	s0 =	simm.s32 @p0 $0x1  }
0x13: {  	[smem:$0x3FB3] =	sst s0;
	s0 =	simm.s32 @!p1 $0x0  }
0x14: {  	s2 =	sld [smem:$0x3F97];
	s0 =	simm.s32 @p1 $0x1  }
0x15: {  	[smem:$0x3FB4] =	sst s0;
	s0 =	simm.s32 @!p2 $0x0  }
0x16: {  	s3 =	sld [smem:$0x3FDB];
	s0 =	simm.s32 @p2 $0x1  }
0x17: {  	s4 =	simm.s32 $0x1BF5;
	[smem:$0x3FB6] =	sst s0  }
0x18: {  	s0 =	sld [smem:$0x3F99];
	_ =	swait.ge [sflag:s4], $0x0  }
0x19: {  	s7 =	sld [smem:$0x3F9A]  }
0x1a: {  	s8 =	sadd.s32 $0xFFFFE003, lr  }
0x1b: {  	s9 =	sadd.s32 $0xFFFFFEF7, lr;
	s5 =	simm.s32 $0xFFFFFFFF;
	p2 =	slt.u32 s8, $0xFFFFF086  }
0x1c: {  	p1 =	slt.u32 s9, $0xF7A;
	s5 =	simm.s32 @!p2 $0x0  }
0x1d: {  	s5 =	simm.s32 @p1 $0x1;
	p0 =	seq.s32 s7, s2  }
0x1e: {  	s7 =	smul.u32 @!p0 $0xF7A, s2;
	p2 =	seq.s32 @!p0 s5, $0x0  }
0x1f: {  	s9 =	smul.u32 $0xF7A, s1;
	s8 =	simm.s32 @!p0 $0x1BF5;
	p2 =	por !p2, p0  }
0x20: {  	[sflag:s8] =	ssyncset.s32 @!p0 $0xFFFFF086;
	s6 =	sadd.s32 @!p0 s3, s7;
	s7 =	simm.s32 @!p0 $0x108  }
0x21: {  	s3 =	sadd.s32 s3, s9;
	s6 =	sadd.s32 @!p0 $0x88, s6;
	s7 =	simm.s32 @p2 $0x1082  }
0x22: {  	[simem:s7], [sflag:s8] =	dma.local @!p0 [hbm:s6], $0xF7A  }
0x23: {  	s9 =	sor.u32 $0xD0000000, s2;
	s6 =	simm.s32 $0x108;
	_ =	swait.ge @!p0 [sflag:s8], $0x0  }
0x24: {  	s3 =	sadd.s32 $0x88, s3;
	s6 =	simm.s32 @!p1 $0x1082;
	[sflag:s4] =	ssyncset.s32 $0xFFFFF086  }
0x25: {  	[simem:s6], [sflag:s4] =	dma.local [hbm:s3], $0xF7A  }
0x26: {  	[smem:$0x3F9A] =	sst s1;
	(tag) =	ssettag s2;
	_ =	strace s9  }
0x27: {  	s1 =	sld [smem:$0x3FAA]  }
0x28: {  	s2 =	sld [smem:$0x3FAB]  }
0x29: {  	s4 =	sld [smem:$0x3FAD]  }
0x2a: {  	p0 =	seq.s32 s5, $0x0;
	s5 =	sld [smem:$0x3FAE]  }
0x2b: {  	s6 =	sld [smem:$0x3FAF]  }
0x2c: {  	s7 =	sld [smem:$0x3FB0]  }
0x2d: {  	s3 =	simm.s32 $0x108;
	s8 =	sld [smem:$0x3FB1]  }
0x2e: {  	s3 =	simm.s32 @!p0 $0x1082;
	s9 =	sld [smem:$0x3FB2]  }
0x2f: {  	lr =	sadd.s32 s0, s3;
	s0 =	sld [smem:$0x3FA9]  }
0x30: {  	s3 =	sld [smem:$0x3FAC]  }
0x31: {  	[smem:$0x3FB5] =	sst s10  }
0x32: {  	s10 =	sld [smem:$0x3FB3];
	_ =	sdelay $0x3  }
0x33: {  	p0 =	seq.s32 s10, $0x1;
	s10 =	sld [smem:$0x3FB5];
	_ =	sdelay $0x3  }
0x34: {  	[smem:$0x3FB5] =	sst s10  }
0x35: {  	s10 =	sld [smem:$0x3FB4];
	_ =	sdelay $0x3  }
0x36: {  	p1 =	seq.s32 s10, $0x1;
	s10 =	sld [smem:$0x3FB5];
	_ =	sdelay $0x3  }
0x37: {  	[smem:$0x3FB5] =	sst s10  }
0x38: {  	s10 =	sld [smem:$0x3FB6]  }
0x39: {  	_ = 	snop;
	(pc) =	sbr.ind lr, $3  }
0x3a: {  	_ = 	snop  }
0x3b: {  	_ = 	snop  }
0x3c: {  	p2 =	seq.s32 s10, $0x1;
	s10 =	sld [smem:$0x3FB5]  }
0x3d: {  	_ =	shalt  }
0x3e: {  	_ =	shalt  }
0x3f: {  	_ =	shalt  }
0x40: {  	_ =	shalt  }
0x41: {  	_ =	shalt  }
0x42: {  	_ =	shalt  }
0x43: {  	_ =	shalt  }
0x44: {  	_ =	shalt  }
0x45: {  	_ =	shalt  }
0x46: {  	_ =	shalt  }
0x47: {  	_ =	shalt  }
0x48: {  	_ =	shalt  }
0x49: {  	_ =	shalt  }
0x4a: {  	_ =	shalt  }
0x4b: {  	_ =	shalt  }
0x4c: {  	_ =	shalt  }
0x4d: {  	_ =	shalt  }
0x4e: {  	_ =	shalt  }
0x4f: {  	_ =	shalt  }
0x50: {  	_ =	shalt  }
0x51: {  	_ =	shalt  }
0x52: {  	_ =	shalt  }
0x53: {  	_ =	shalt  }
0x54: {  	_ =	shalt  }
0x55: {  	_ =	shalt  }
0x56: {  	_ =	shalt  }
0x57: {  	_ =	shalt  }
0x58: {  	_ =	shalt  }
0x59: {  	_ =	shalt  }
0x5a: {  	_ =	shalt  }
0x5b: {  	_ =	shalt  }
0x5c: {  	_ =	shalt  }
0x5d: {  	_ =	shalt  }
0x5e: {  	_ =	shalt  }
0x5f: {  	_ =	shalt  }
0x60: {  	_ =	shalt  }
0x61: {  	_ =	shalt  }
0x62: {  	_ =	shalt  }
0x63: {  	_ =	shalt  }
0x64: {  	_ =	shalt  }
0x65: {  	_ =	shalt  }
0x66: {  	_ =	shalt  }
0x67: {  	_ =	shalt  }
0x68: {  	_ =	shalt  }
0x69: {  	_ =	shalt  }
0x6a: {  	_ =	shalt  }
0x6b: {  	_ =	shalt  }
0x6c: {  	_ =	shalt  }
0x6d: {  	_ =	shalt  }
0x6e: {  	_ =	shalt  }
0x6f: {  	_ =	shalt  }
0x70: {  	_ =	shalt  }
0x71: {  	_ =	shalt  }
0x72: {  	_ =	shalt  }
0x73: {  	_ =	shalt  }
0x74: {  	_ =	shalt  }
0x75: {  	_ =	shalt  }
0x76: {  	_ =	shalt  }
0x77: {  	_ =	shalt  }
0x78: {  	_ =	shalt  }
0x79: {  	_ =	shalt  }
0x7a: {  	_ =	shalt  }
0x7b: {  	_ =	shalt  }
0x7c: {  	_ =	shalt  }
0x7d: {  	_ =	shalt  }
0x7e: {  	_ =	shalt  }
0x7f: {  	_ =	shalt  }
0x80: {  	_ =	shalt  }
0x81: {  	_ =	shalt  }
0x82: {  	_ =	shalt  }
0x83: {  	_ =	shalt  }
0x84: {  	_ =	shalt  }
0x85: {  	_ =	shalt  }
0x86: {  	_ =	shalt  }
0x87: {  	_ =	shalt  }
.Lfunc_end0:
.L_simem_size_0:
called_computation.1_lowered:
.L_overlay_start_0:
0x88: {  	s2 =	sld [smem:$0x3FD9]  }
0x89: {  	s3 =	sld [smem:$0x3FFE];
	_ =	sdelay $0x1  }
0x8a: {  	s1 =	srdreg.scid  }
0x8b: {  	s0 =	sand.u32 $0x1, s1  }
0x8c: {  	s17 =	sshll.u32 s0, $0xA;
	s2 =	sadd.s32 s3, s2  }
0x8d: {  	s2 =	sadd.s32 s2, s17  }
0x8e: {  	[smem:$0x3FC1] =	sst s2  }
0x8f: {  	_ = 	snop  }
0x90: {  	s2 =	sld [smem:$0x3FD0];
	(tm) =	ssettm $0x1  }
0x91: {  	s18 =	sld [smem:$0x3FFB];
	_ =	sdelay $0x3  }
0x92: {  	_ =	strace s18  }
0x93: {  	s3 =	sld [smem:$0x3FFC];
	_ =	sdelay $0x3  }
0x94: {  	_ =	strace s3  }
0x95: {  	s3 =	sld [smem:$0x3FFD];
	_ =	sdelay $0x3  }
0x96: {  	_ =	strace s3  }
0x97: {  	_ =	strace $0x8FFFFFFF  }
0x98: {  	s19 =	sld [smem:$0x3FDB];
	_ =	sdelay $0x1  }
0x99: {  	s4 =	simm.s32 $_scs_section_size  }
0x9a: {  	s5 =	simm.s32 $_size__tile_overlayer_lowered;
	s6 =	simm.s32 $_tile_overlayer_lowered  }
0x9b: {  	s22 =	simm.s32 $0x1BFF;
	s21 =	sshll.u32 s6, $0x1;
	s3 =	sadd.s32 s4, s19  }
0x9c: {  	s7 =	simm.s32 $0x0;
	s20 =	sshll.u32 s5, $0x1;
	s5 =	sadd.s32 s21, s3  }
0x9d: {  	[timem:s7], [sflag:s22] =	dma.local [hbm:s5], s20  }
0x9e: {  	_ =	swait.ge [sflag:s22], s20  }
0x9f: {  	s4 =	ssub.s32 $0x0, s20;
	[sflag:s22] =	ssyncset.done $0x0  }
0xa0: {  	[sflag:s22] =	ssyncadd.s32 s4;
	_ =	sdelay $0x1  }
0xa1: {  	s23 =	simm.s32 $0x1B8B  }
0xa2: {  	_ =	swait.ge [sflag:s23], $0x1  }
0xa3: {  	[sflag:s23] =	ssyncset.done $0x0  }
0xa4: {  	s25 =	simm.s32 $0x1B8E;
	s24 =	sld [smem:$0x3FFE];
	[sflag:s23] =	ssyncadd.s32 $0xFFFFFFFF  }
0xa5: {  	s26 =	simm.s32 $execute0_lowered;
	[smem:$0x3FD2] =	sst s25  }
0xa6: {  	s5 =	sshll.u32 s26, $0x1;
	_ =	strace $0x80000049;
	[dreg:$0x1] =	wrdreg $0xFFFFFFFF  }
0xa7: {  	s28 =	simm.s32 $_size_execute0_lowered;
	s3 =	sadd.s32 s3, s5;
	[dreg:$0x0] =	wrdreg $0x0  }
0xa8: {  	s5 =	sshll.u32 s28, $0x1;
	[dreg:$0x2] =	wrdreg s3  }
0xa9: {  	[dreg:$0x3] =	wrdreg s5  }
0xaa: {  	[dreg:$0x4] =	wrdreg $0xC0  }
0xab: {  	_ =	task [dreg:s7], $0x5FFFF  }
0xac: {  	[dreg:$0x1] =	wrdreg $0xFFFFFFFF  }
0xad: {  	[dreg:$0x0] =	wrdreg $0x60  }
0xae: {  	[dreg:$0x2] =	wrdreg s2  }
0xaf: {  	[dreg:$0x3] =	wrdreg s24  }
0xb0: {  	[dreg:$0x4] =	wrdreg $0x83000  }
0xb1: {  	[dreg:$0x5] =	wrdreg $0x9  }
0xb2: {  	_ =	task.clear_ibuf [dreg:s7], $0x6FFFF;
	_ =	strace $0x90000049  }
0xb3: {  	s29 =	simm.s32 $0x9;
	_ =	strace $0x8000004B  }
0xb4: {  	_ =	swait.ge [sflag:s29], $0x1  }
0xb5: {  	[sflag:s29] =	ssyncadd.s32 $0xFFFFFFFF  }
0xb6: {  	_ =	strace $0x9000004B  }
0xb7: {  	_ =	sfence  }
0xb8: {  	s30 =	sld [smem:$0x0];
	_ =	sdelay $0x2  }
0xb9: {  	s31 =	sshll.u32 s1, $0xD;
	s1 =	sshrl.u32 s1, $0x2  }
0xba: {  	s3 =	sand.u32 $0x4000, s31;
	s1 =	sadd.s32 s1, s30  }
0xbb: {  	s0 =	sor.u32 s3, s0;
	s1 =	sshll.u32 s1, $0x11  }
0xbc: {  	s0 =	sor.u32 s1, s0  }
0xbd: {  	s0 =	sadd.s32 $0x8F2B, s0  }
0xbe: {  	[sflag:s0] =	ssyncadd.remote.s32 $0x1  }
0xbf: {  	_ =	sfence.sel $0xFFFF  }
0xc0: {  	[dreg:$0x0] =	wrdreg $0xFFFFFFFF;
	(pc) =	sbr.abs _section_cstart, $3  }
0xc1: {  	[dreg:$0x1] =	wrdreg $0xFFFFFFFF  }
0xc2: {  	_ =	task.clear_ibuf [dreg:s7], $0x2FFFF;
	_ =	strace $0x9FFFFFFF  }
0xc3: {  	(tm) =	ssettm $0x7FFFFFFF  }
tec
execute0_lowered:
.L_overlay_start_1:
0x0: {  	(tag) =	ssettag $0x1  }
0x1: {  	s1 =	rddreg [dreg:$0x0]  }
0x2: {  	s0 =	rddreg [dreg:$0x1]  }
0x3: {  	s3 =	rddreg [dreg:$0x2];
	s4 =	simm.s32 $0x0  }
0x4: {  	s13 =	stileid.u32;
	s5 =	srdreg.scid;
	s28 =	simm.s32 $0x200  }
0x5: {  	s29 =	simm.s32 $0x280;
	[smem:$0x7FF] =	sst s4;
	s2 =	smul.u32 $0x14000, s13  }
0x6: {  	s6 =	sadd.s32 $0xBE00, s0;
	s7 =	sand.u32 $0x1, s5;
	s5 =	smul.u32 $0x2800, s13  }
0x7: {  	s8 =	smul.u32 $0x50000, s13;
	s9 =	sadd.s32 $0x2000, s0;
	s10 =	sshll.u32 s13, $0x1  }
0x8: {  	_ =	strace $0x8000004A;
	p0 =	seq.s32 s7, $0x1;
	s15 =	sor.u32 s7, s10  }
0x9: {  	s12 =	ssub.s32 $0x2, s7;
	s2 =	sshrl.u32 s2, $0x3;
	s11 =	sshll.u32 s15, $0x5  }
0xa: {  	s14 =	sshrl.u32 s12, $0x1;
	s2 =	sadd.s32 $0x28000, s2;
	s10 =	sadd.s32 s6, s11  }
0xb: {  	s5 =	smov.u32 @p0 s2;
	s2 =	ssub.s32 s12, s14;
	s21 =	sadd.s32 $0x800, s10  }
0xc: {  	s12 =	sor.u32 $0x400, s11;
	s23 =	sadd.s32 $0xC00, s10;
	[dreg:$0xa] =	wrdreg s21  }
0xd: {  	s11 =	sadd.s32 s9, s11;
	s14 =	sadd.s32 s6, s12;
	[dreg:$0xd] =	wrdreg s23  }
0xe: {  	s30 =	simm.s32 $0x1;
	s20 =	sadd.s32 $0x10, s11;
	[dreg:$0x8] =	wrdreg s14  }
0xf: {  	s8 =	sshrl.u32 s8, $0x2;
	s12 =	sadd.s32 s9, s12;
	[dreg:$0x9] =	wrdreg s20  }
0x10: {  	s0 =	sadd.s32 s5, s0;
	s22 =	sadd.s32 $0x410, s11;
	[dreg:$0xb] =	wrdreg s12  }
0x11: {  	s5 =	sadd.s32 s8, s3;
	s2 =	smax.u32 s2, $0x1;
	[dreg:$0xc] =	wrdreg s22  }
0x12: {  	s31 =	simm.s32 $0x80;
	s16 =	sadd.s32 $0x4000, s5;
	[dreg:$0xe] =	wrdreg s2  }
0x13: {  	s25 =	sshll.u32 s7, $0x5;
	s17 =	sadd.s32 $0x8000, s5;
	[dreg:$0x4] =	wrdreg s16  }
0x14: {  	s7 =	simm.s32 $0x5;
	s18 =	sadd.s32 $0xC000, s5;
	[dreg:$0x5] =	wrdreg s17  }
0x15: {  	s8 =	simm.s32 $0x0;
	s19 =	sadd.s32 $0x10000, s5;
	[dreg:$0x6] =	wrdreg s18  }
0x16: {  	s0 =	sadd.s32 $0x16E00, s0;
	s20 =	sshll.u32 s13, $0x6;
	[dreg:$0x7] =	wrdreg s19  }
0x17: {  	s12 =	sor.u32 $0x60, s15;
	s2 =	simm.s32 $0x3;
	[dreg:$0xf] =	wrdreg s0  }
0x18: {  	s24 =	sadd.s32 s20, s6;
	s26 =	sadd.s32 s20, s9;
	s0 =	simm.s32 $0x4300  }
0x19: {  	s6 =	simm.s32 $0x2;
	s21 =	sadd.s32 s25, s24;
	s22 =	sadd.s32 s25, s26  }
0x1a: {  	v0 =	vimm.f32 $0.0e+00;
	s24 =	simm.s32 $0x300;
	s25 =	simm.s32 $0x4;
	s26 =	simm.s32 $0x100  }
.LBB2_1:
0x1b: {  	s9 =	simm.s32 $0x0;
	s13 =	simm.s32 $0x200  }
.LBB2_2:
0x1c: {  	p0 =	sne.s32 s13, $0xFE00;
	[tilespmem:s9+$0x370] =	vst v0  }
0x1d: {  	[tilespmem:s9+$0x300] =	vst v0  }
0x1e: {  	[tilespmem:s9+$0x310] =	vst v0  }
.Ltmp0:
0x1f: {  	[tilespmem:s9+$0x320] =	vst v0;
	(pc) =	sbr.rel @p0 .LBB2_2-.Ltmp0, $4  }
0x20: {  	[tilespmem:s9+$0x330] =	vst v0  }
0x21: {  	[tilespmem:s9+$0x340] =	vst v0  }
0x22: {  	[tilespmem:s9+$0x350] =	vst v0  }
0x23: {  	[tilespmem:s9+$0x360] =	vst v0;
	s9 =	sshra.s32 s13, $0x2;
	s13 =	sadd.s32 $0x200, s13  }
0x24: {  	[tilespmem:s9+$0x370] =	vst v0  }
0x25: {  	[tilespmem:s9+$0x300] =	vst v0  }
0x26: {  	[tilespmem:s9+$0x310] =	vst v0  }
0x27: {  	[tilespmem:s9+$0x320] =	vst v0  }
0x28: {  	[tilespmem:s9+$0x330] =	vst v0  }
0x29: {  	[tilespmem:s9+$0x340] =	vst v0  }
0x2a: {  	[tilespmem:s9+$0x350] =	vst v0  }
0x2b: {  	[tilespmem:s9+$0x360] =	vst v0  }
0x2c: {  	[spmem:s5] =	stream.linear.scatter [tilespmem:s24], [sflag:$0x4], $0x4000, $0x38;
	[tilespmem:$0x1C300] =	vst v63  }
0x2d: {  	_ =	swait.ge [sflag:s25], $0x4000  }
0x2e: {  	[sflag:s25] =	ssyncset.done $0x0  }
0x2f: {  	s15 =	rddreg [dreg:$0x4];
	[sflag:s25] =	ssyncadd.s32 $0xFFFFC000  }
0x30: {  	[spmem:s15] =	stream.linear.scatter [tilespmem:s24], [sflag:$0x4], $0x4000, $0x38;
	[tilespmem:$0x1C300] =	vst v63  }
0x31: {  	_ =	swait.ge [sflag:s25], $0x4000  }
0x32: {  	[sflag:s25] =	ssyncset.done $0x0  }
0x33: {  	s16 =	rddreg [dreg:$0x5];
	[sflag:s25] =	ssyncadd.s32 $0xFFFFC000  }
0x34: {  	[spmem:s16] =	stream.linear.scatter [tilespmem:s24], [sflag:$0x4], $0x4000, $0x38;
	[tilespmem:$0x1C300] =	vst v63  }
0x35: {  	_ =	swait.ge [sflag:s25], $0x4000  }
0x36: {  	[sflag:s25] =	ssyncset.done $0x0  }
0x37: {  	s17 =	rddreg [dreg:$0x6];
	[sflag:s25] =	ssyncadd.s32 $0xFFFFC000  }
0x38: {  	[spmem:s17] =	stream.linear.scatter [tilespmem:s24], [sflag:$0x4], $0x4000, $0x38;
	[tilespmem:$0x1C300] =	vst v63  }
0x39: {  	_ =	swait.ge [sflag:s25], $0x4000  }
0x3a: {  	[sflag:s25] =	ssyncset.done $0x0  }
0x3b: {  	s18 =	rddreg [dreg:$0x7];
	[sflag:s25] =	ssyncadd.s32 $0xFFFFC000  }
0x3c: {  	[spmem:s18] =	stream.linear.scatter [tilespmem:s24], [sflag:$0x4], $0x4000, $0x38;
	[tilespmem:$0x1C300] =	vst v63  }
0x3d: {  	_ =	swait.ge [sflag:s25], $0x4000  }
0x3e: {  	[sflag:s25] =	ssyncset.done $0x0  }
0x3f: {  	[sflag:s25] =	ssyncadd.s32 $0xFFFFC000  }
0x40: {  	s19 =	simm.s32 $0x0;
	[bflag:$0x0] =	sbarrier.arrive $0xFFFF  }
0x41: {  	[tilespmem:s19], [sflag:$0x4] =	stream.linear.gather [hbm4b:s10+s19], $0x100, $0x38;
	[tilespmem:$0x1C300] =	vst v63  }
0x42: {  	_ =	swait.ge [sflag:s25], $0x100  }
0x43: {  	[sflag:s25] =	ssyncset.done $0x0  }
0x44: {  	s13 =	rddreg [dreg:$0x8];
	[sflag:s25] =	ssyncadd.s32 $0xFFFFFF00  }
0x45: {  	[tilespmem:s26], [sflag:$0x3] =	stream.linear.gather [hbm4b:s13+s19], $0x100, $0x38;
	[tilespmem:$0x1C300] =	vst v63  }
0x46: {  	_ = 	snop  }
0x47: {  	[tilespmem:s24], [sflag:$0x1] =	stream.indirect.gather [hbm4b:s1+s26], $0x80, s19, s26, $0xb8;
	[tilespmem:$0x1C300] =	vst v63  }
0x48: {  	_ = 	snop  }
0x49: {  	[tilespmem:s28], [sflag:$0x4] =	stream.linear.gather [hbm4b:s11+s19], $0x80, $0x38;
	[tilespmem:$0x1C300] =	vst v63  }
0x4a: {  	_ =	swait.ge [sflag:s25], $0x80  }
0x4b: {  	[sflag:s25] =	ssyncset.done $0x0  }
0x4c: {  	s23 =	rddreg [dreg:$0x9];
	[sflag:s25] =	ssyncadd.s32 $0xFFFFFF80  }
0x4d: {  	[tilespmem:s29], [sflag:$0x4] =	stream.linear.gather [hbm4b:s23+s19], $0x80, $0x38;
	[tilespmem:$0x1C300] =	vst v63  }
0x4e: {  	_ =	swait.ge [sflag:s25], $0x80  }
0x4f: {  	[sflag:s25] =	ssyncset.done $0x0  }
0x50: {  	[sflag:s25] =	ssyncadd.s32 $0xFFFFFF80  }
0x51: {  	_ =	swait.ge [sflag:s30], $0x8000  }
0x52: {  	[sflag:s30] =	ssyncset.done $0x0  }
0x53: {  	s14 =	rddreg [dreg:$0xa];
	[sflag:s30] =	ssyncadd.s32 $0xFFFF8000  }
0x54: {  	[tilespmem:s19], [sflag:$0x2] =	stream.linear.gather [hbm4b:s14+s19], $0x100, $0x38;
	[tilespmem:$0x1C300] =	vst v63  }
0x55: {  	_ = 	snop  }
0x56: {  	[spmem:s3] =	stream.indirect.scatter.add.f32 [tilespmem:s24], [sflag:$0x4], $0x80, s28, s31, $0xb8;
	[tilespmem:$0x1C300] =	vst v63  }
0x57: {  	_ =	swait.ge [sflag:s25], $0x4000  }
0x58: {  	[sflag:s25] =	ssyncset.done $0x0  }
0x59: {  	[sflag:s25] =	ssyncadd.s32 $0xFFFFC000  }
0x5a: {  	[spmem:s3] =	stream.indirect.scatter.add.f32 [tilespmem:s0], [sflag:$0x4], $0x80, s29, s31, $0xb8;
	[tilespmem:$0x1C300] =	vst v63  }
0x5b: {  	_ =	swait.ge [sflag:s25], $0x4000  }
0x5c: {  	[sflag:s25] =	ssyncset.done $0x0  }
0x5d: {  	[sflag:s25] =	ssyncadd.s32 $0xFFFFC000  }
0x5e: {  	_ =	swait.ge [sflag:s2], $0x100  }
0x5f: {  	[sflag:s2] =	ssyncset.done $0x0  }
0x60: {  	[sflag:s2] =	ssyncadd.s32 $0xFFFFFF00  }
0x61: {  	[tilespmem:s24], [sflag:$0x1] =	stream.indirect.gather [hbm4b:s1+s26], $0x80, s26, s26, $0xb8;
	[tilespmem:$0x1C300] =	vst v63  }
0x62: {  	s15 =	rddreg [dreg:$0xb]  }
0x63: {  	[tilespmem:s28], [sflag:$0x4] =	stream.linear.gather [hbm4b:s15+s19], $0x80, $0x38;
	[tilespmem:$0x1C300] =	vst v63  }
0x64: {  	_ =	swait.ge [sflag:s25], $0x80  }
0x65: {  	[sflag:s25] =	ssyncset.done $0x0  }
0x66: {  	s16 =	rddreg [dreg:$0xc];
	[sflag:s25] =	ssyncadd.s32 $0xFFFFFF80  }
0x67: {  	[tilespmem:s29], [sflag:$0x4] =	stream.linear.gather [hbm4b:s16+s19], $0x80, $0x38;
	[tilespmem:$0x1C300] =	vst v63  }
0x68: {  	_ =	swait.ge [sflag:s25], $0x80  }
0x69: {  	[sflag:s25] =	ssyncset.done $0x0  }
0x6a: {  	[sflag:s25] =	ssyncadd.s32 $0xFFFFFF80  }
0x6b: {  	_ =	swait.ge [sflag:s30], $0x8000  }
0x6c: {  	[sflag:s30] =	ssyncset.done $0x0  }
0x6d: {  	s17 =	rddreg [dreg:$0xd];
	[sflag:s30] =	ssyncadd.s32 $0xFFFF8000  }
0x6e: {  	[tilespmem:s26], [sflag:$0x3] =	stream.linear.gather [hbm4b:s17+s19], $0x100, $0x38;
	[tilespmem:$0x1C300] =	vst v63  }
0x6f: {  	_ = 	snop  }
0x70: {  	[spmem:s3] =	stream.indirect.scatter.add.f32 [tilespmem:s24], [sflag:$0x4], $0x80, s28, s31, $0xb8;
	[tilespmem:$0x1C300] =	vst v63  }
0x71: {  	_ =	swait.ge [sflag:s25], $0x4000  }
0x72: {  	[sflag:s25] =	ssyncset.done $0x0  }
0x73: {  	[sflag:s25] =	ssyncadd.s32 $0xFFFFC000  }
0x74: {  	[spmem:s3] =	stream.indirect.scatter.add.f32 [tilespmem:s0], [sflag:$0x4], $0x80, s29, s31, $0xb8;
	[tilespmem:$0x1C300] =	vst v63  }
0x75: {  	_ =	swait.ge [sflag:s25], $0x4000  }
0x76: {  	[sflag:s25] =	ssyncset.done $0x0  }
0x77: {  	[sflag:s25] =	ssyncadd.s32 $0xFFFFC000  }
0x78: {  	_ =	swait.ge [sflag:s6], $0x100  }
0x79: {  	[sflag:s6] =	ssyncset.done $0x0  }
0x7a: {  	s18 =	sadd.s32 $0x0, s22;
	[sflag:s6] =	ssyncadd.s32 $0xFFFFFF00  }
0x7b: {  	[tilespmem:s24], [sflag:$0x1] =	stream.indirect.gather [hbm4b:s1+s26], $0x80, s4, s26, $0xb8;
	[tilespmem:$0x1C300] =	vst v63  }
0x7c: {  	s19 =	sadd.s32 $0x800, s18  }
0x7d: {  	[tilespmem:s28], [sflag:$0x5] =	stream.linear.gather [hbm4b:s19+s4], $0x80, $0x38;
	[tilespmem:$0x1C300] =	vst v63  }
0x7e: {  	_ =	swait.ge [sflag:s7], $0x80  }
0x7f: {  	[sflag:s7] =	ssyncset.done $0x0  }
0x80: {  	s9 =	sadd.s32 $0x810, s18;
	[sflag:s7] =	ssyncadd.s32 $0xFFFFFF80  }
0x81: {  	[tilespmem:s29], [sflag:$0x5] =	stream.linear.gather [hbm4b:s9+s4], $0x80, $0x38;
	[tilespmem:$0x1C300] =	vst v63  }
0x82: {  	_ =	swait.ge [sflag:s7], $0x80  }
0x83: {  	[sflag:s7] =	ssyncset.done $0x0  }
0x84: {  	s23 =	sadd.s32 $0xFFFFFFE0, s12;
	[sflag:s7] =	ssyncadd.s32 $0xFFFFFF80  }
0x85: {  	p0 =	sgt.u32 s23, $0x4A1;
	_ =	swait.ge [sflag:s30], $0x8000  }
0x86: {  	s9 =	sadd.s32 @!p0 $0x0, s21;
	[sflag:s30] =	ssyncset.done $0x0  }
0x87: {  	s13 =	simm.s32 @!p0 $0x0;
	s9 =	sadd.s32 @!p0 $0x1000, s9;
	[sflag:s30] =	ssyncadd.s32 $0xFFFF8000  }
0x88: {  	[tilespmem:s13], [sflag:$0x2] =	stream.linear.gather @!p0 [hbm4b:s9+s13], $0x100, $0x38;
	[tilespmem:$0x1C300] =	vst v63  }
0x89: {  	_ = 	snop  }
0x8a: {  	[spmem:s3] =	stream.indirect.scatter.add.f32 [tilespmem:s24], [sflag:$0x5], $0x80, s28, s31, $0xb8;
	[tilespmem:$0x1C300] =	vst v63  }
0x8b: {  	_ =	swait.ge [sflag:s7], $0x4000  }
0x8c: {  	[sflag:s7] =	ssyncset.done $0x0  }
0x8d: {  	[sflag:s7] =	ssyncadd.s32 $0xFFFFC000  }
0x8e: {  	[spmem:s3] =	stream.indirect.scatter.add.f32 [tilespmem:s0], [sflag:$0x5], $0x80, s29, s31, $0xb8;
	[tilespmem:$0x1C300] =	vst v63  }
0x8f: {  	_ =	swait.ge [sflag:s7], $0x4000  }
0x90: {  	p1 =	sgt.u32 s12, $0x4E1;
	[sflag:s7] =	ssyncset.done $0x0  }
0x91: {  	s9 =	simm.s32 @!p1 $0x3;
	[sflag:s7] =	ssyncadd.s32 $0xFFFFC000  }
0x92: {  	_ =	swait.ge @!p1 [sflag:s9], $0x100  }
0x93: {  	s14 =	simm.s32 @!p1 $0x300;
	s15 =	simm.s32 @!p1 $0x200;
	[sflag:s9] =	ssyncset.done @!p1 $0x0  }
0x94: {  	s13 =	sadd.s32 @!p1 $0x0, s22;
	[sflag:s9] =	ssyncadd.s32 @!p1 $0xFFFFFF00;
	s9 =	simm.s32 @!p1 $0x100  }
0x95: {  	[tilespmem:s14], [sflag:$0x1] =	stream.indirect.gather @!p1 [hbm4b:s1+s9], $0x80, s9, s9, $0xb8;
	[tilespmem:$0x1C300] =	vst v63  }
0x96: {  	s16 =	simm.s32 @!p1 $0x5;
	s23 =	sadd.s32 @!p1 $0xC00, s13;
	s9 =	simm.s32 @!p1 $0x0  }
0x97: {  	[tilespmem:s15], [sflag:$0x5] =	stream.linear.gather @!p1 [hbm4b:s23+s9], $0x80, $0x38;
	[tilespmem:$0x1C300] =	vst v63  }
0x98: {  	_ =	swait.ge @!p1 [sflag:s16], $0x80  }
0x99: {  	[sflag:s16] =	ssyncset.done @!p1 $0x0  }
0x9a: {  	s13 =	sadd.s32 @!p1 $0xC10, s13;
	s23 =	simm.s32 @!p1 $0x280;
	[sflag:s16] =	ssyncadd.s32 @!p1 $0xFFFFFF80  }
0x9b: {  	[tilespmem:s23], [sflag:$0x5] =	stream.linear.gather @!p1 [hbm4b:s13+s9], $0x80, $0x38;
	[tilespmem:$0x1C300] =	vst v63  }
0x9c: {  	_ =	swait.ge @!p1 [sflag:s16], $0x80  }
0x9d: {  	[sflag:s16] =	ssyncset.done @!p1 $0x0  }
0x9e: {  	p0 =	sgt.u32 @!p1 s12, $0x4A1;
	s9 =	simm.s32 @!p1 $0x1;
	[sflag:s16] =	ssyncadd.s32 @!p1 $0xFFFFFF80  }
0x9f: {  	p0 =	por p0, p1;
	_ =	swait.ge @!p1 [sflag:s9], $0x8000  }
0xa0: {  	s17 =	simm.s32 @!p0 $0x100;
	s13 =	sadd.s32 @!p0 $0x0, s21;
	[sflag:s9] =	ssyncset.done @!p1 $0x0  }
0xa1: {  	s13 =	sadd.s32 @!p0 $0x1400, s13;
	[sflag:s9] =	ssyncadd.s32 @!p1 $0xFFFF8000;
	s9 =	simm.s32 @!p0 $0x0  }
0xa2: {  	[tilespmem:s17], [sflag:$0x3] =	stream.linear.gather @!p0 [hbm4b:s13+s9], $0x100, $0x38;
	[tilespmem:$0x1C300] =	vst v63  }
0xa3: {  	s9 =	simm.s32 @!p1 $0x80  }
0xa4: {  	[spmem:s3] =	stream.indirect.scatter.add.f32 @!p1 [tilespmem:s14], [sflag:$0x5], $0x80, s15, s9, $0xb8;
	[tilespmem:$0x1C300] =	vst v63  }
0xa5: {  	_ =	swait.ge @!p1 [sflag:s16], $0x4000  }
0xa6: {  	[sflag:s16] =	ssyncset.done @!p1 $0x0  }
0xa7: {  	s13 =	simm.s32 @!p1 $0x4300;
	[sflag:s16] =	ssyncadd.s32 @!p1 $0xFFFFC000  }
0xa8: {  	[spmem:s3] =	stream.indirect.scatter.add.f32 @!p1 [tilespmem:s13], [sflag:$0x4], $0x80, s23, s9, $0xb8;
	[tilespmem:$0x1C300] =	vst v63  }
0xa9: {  	s13 =	simm.s32 @!p1 $0x4  }
0xaa: {  	_ =	swait.ge @!p1 [sflag:s13], $0x4000  }
0xab: {  	s9 =	simm.s32 $0x800;
	s23 =	smov.u32 s12;
	[sflag:s13] =	ssyncset.done @!p1 $0x0  }
.LBB2_4:
0xac: {  	[sflag:s13] =	ssyncadd.s32 @!p1 $0xFFFFC000  }
0xad: {  	s23 =	sadd.s32 $0x40, s23;
	s13 =	smov.u32 s9;
	s9 =	sadd.s32 $0x800, s9  }
0xae: {  	_ =	swait.ge [sflag:s6], $0x100;
	p0 =	sne.s32 s9, $0x9800  }
0xaf: {  	[sflag:s6] =	ssyncset.done $0x0  }
0xb0: {  	s14 =	sadd.s32 s13, s22;
	[sflag:s6] =	ssyncadd.s32 $0xFFFFFF00  }
0xb1: {  	[tilespmem:s24], [sflag:$0x1] =	stream.indirect.gather [hbm4b:s1+s26], $0x80, s4, s26, $0xb8;
	[tilespmem:$0x1C300] =	vst v63  }
0xb2: {  	s15 =	sadd.s32 $0x800, s14  }
0xb3: {  	[tilespmem:s28], [sflag:$0x5] =	stream.linear.gather [hbm4b:s15+s4], $0x80, $0x38;
	[tilespmem:$0x1C300] =	vst v63  }
0xb4: {  	_ =	swait.ge [sflag:s7], $0x80  }
0xb5: {  	[sflag:s7] =	ssyncset.done $0x0  }
0xb6: {  	s14 =	sadd.s32 $0x810, s14;
	[sflag:s7] =	ssyncadd.s32 $0xFFFFFF80  }
0xb7: {  	[tilespmem:s29], [sflag:$0x5] =	stream.linear.gather [hbm4b:s14+s4], $0x80, $0x38;
	[tilespmem:$0x1C300] =	vst v63  }
0xb8: {  	_ =	swait.ge [sflag:s7], $0x80  }
0xb9: {  	[sflag:s7] =	ssyncset.done $0x0  }
0xba: {  	s14 =	sadd.s32 $0xFFFFFFE0, s23;
	[sflag:s7] =	ssyncadd.s32 $0xFFFFFF80  }
0xbb: {  	p1 =	sgt.u32 s14, $0x4A1;
	_ =	swait.ge [sflag:s30], $0x8000  }
0xbc: {  	s14 =	sadd.s32 @!p1 s13, s21;
	[sflag:s30] =	ssyncset.done $0x0  }
0xbd: {  	s15 =	simm.s32 @!p1 $0x0;
	s14 =	sadd.s32 @!p1 $0x1000, s14;
	[sflag:s30] =	ssyncadd.s32 $0xFFFF8000  }
0xbe: {  	[tilespmem:s15], [sflag:$0x2] =	stream.linear.gather @!p1 [hbm4b:s14+s15], $0x100, $0x38;
	[tilespmem:$0x1C300] =	vst v63  }
0xbf: {  	_ = 	snop  }
0xc0: {  	[spmem:s3] =	stream.indirect.scatter.add.f32 [tilespmem:s24], [sflag:$0x5], $0x80, s28, s31, $0xb8;
	[tilespmem:$0x1C300] =	vst v63  }
0xc1: {  	_ =	swait.ge [sflag:s7], $0x4000  }
0xc2: {  	[sflag:s7] =	ssyncset.done $0x0  }
0xc3: {  	[sflag:s7] =	ssyncadd.s32 $0xFFFFC000  }
0xc4: {  	[spmem:s3] =	stream.indirect.scatter.add.f32 [tilespmem:s0], [sflag:$0x5], $0x80, s29, s31, $0xb8;
	[tilespmem:$0x1C300] =	vst v63  }
0xc5: {  	_ =	swait.ge [sflag:s7], $0x4000  }
0xc6: {  	p1 =	sgt.u32 s23, $0x4E1;
	[sflag:s7] =	ssyncset.done $0x0  }
0xc7: {  	s14 =	simm.s32 @!p1 $0x3;
	s15 =	sadd.s32 @!p1 s13, s22;
	[sflag:s7] =	ssyncadd.s32 $0xFFFFC000  }
0xc8: {  	s16 =	sadd.s32 @!p1 $0xC00, s15;
	s15 =	sadd.s32 @!p1 $0xC10, s15;
	_ =	swait.ge @!p1 [sflag:s14], $0x100  }
0xc9: {  	p2 =	sgt.u32 @!p1 s23, $0x4A1;
	[sflag:s14] =	ssyncset.done @!p1 $0x0  }
0xca: {  	s17 =	simm.s32 @!p1 $0x300;
	[sflag:s14] =	ssyncadd.s32 @!p1 $0xFFFFFF00;
	s14 =	simm.s32 @!p1 $0x100  }
0xcb: {  	[tilespmem:s17], [sflag:$0x1] =	stream.indirect.gather @!p1 [hbm4b:s1+s14], $0x80, s14, s14, $0xb8;
	[tilespmem:$0x1C300] =	vst v63  }
0xcc: {  	s18 =	simm.s32 @!p1 $0x200;
	s19 =	simm.s32 @!p1 $0x5;
	s14 =	simm.s32 @!p1 $0x0  }
0xcd: {  	[tilespmem:s18], [sflag:$0x5] =	stream.linear.gather @!p1 [hbm4b:s16+s14], $0x80, $0x38;
	[tilespmem:$0x1C300] =	vst v63  }
0xce: {  	p2 =	por p2, p1;
	_ =	swait.ge @!p1 [sflag:s19], $0x80  }
0xcf: {  	s13 =	sadd.s32 @!p2 s13, s21;
	[sflag:s19] =	ssyncset.done @!p1 $0x0  }
0xd0: {  	s13 =	sadd.s32 @!p2 $0x1400, s13;
	s16 =	simm.s32 @!p1 $0x280;
	[sflag:s19] =	ssyncadd.s32 @!p1 $0xFFFFFF80  }
0xd1: {  	[tilespmem:s16], [sflag:$0x5] =	stream.linear.gather @!p1 [hbm4b:s15+s14], $0x80, $0x38;
	[tilespmem:$0x1C300] =	vst v63  }
0xd2: {  	_ =	swait.ge @!p1 [sflag:s19], $0x80  }
0xd3: {  	[sflag:s19] =	ssyncset.done @!p1 $0x0  }
0xd4: {  	s14 =	simm.s32 @!p1 $0x1;
	[sflag:s19] =	ssyncadd.s32 @!p1 $0xFFFFFF80  }
0xd5: {  	_ =	swait.ge @!p1 [sflag:s14], $0x8000  }
0xd6: {  	[sflag:s14] =	ssyncset.done @!p1 $0x0  }
0xd7: {  	s15 =	simm.s32 @!p2 $0x100;
	[sflag:s14] =	ssyncadd.s32 @!p1 $0xFFFF8000;
	s14 =	simm.s32 @!p2 $0x0  }
0xd8: {  	[tilespmem:s15], [sflag:$0x3] =	stream.linear.gather @!p2 [hbm4b:s13+s14], $0x100, $0x38;
	[tilespmem:$0x1C300] =	vst v63  }
0xd9: {  	s14 =	simm.s32 @!p1 $0x80  }
0xda: {  	[spmem:s3] =	stream.indirect.scatter.add.f32 @!p1 [tilespmem:s17], [sflag:$0x5], $0x80, s18, s14, $0xb8;
	[tilespmem:$0x1C300] =	vst v63  }
0xdb: {  	_ =	swait.ge @!p1 [sflag:s19], $0x4000  }
.Ltmp1:
0xdc: {  	[sflag:s19] =	ssyncset.done @!p1 $0x0;
	(pc) =	sbr.rel @p0 .LBB2_4-.Ltmp1, $4  }
0xdd: {  	s15 =	simm.s32 @!p1 $0x4300;
	s13 =	simm.s32 @!p1 $0x4;
	[sflag:s19] =	ssyncadd.s32 @!p1 $0xFFFFC000  }
0xde: {  	[spmem:s3] =	stream.indirect.scatter.add.f32 @!p1 [tilespmem:s15], [sflag:$0x4], $0x80, s16, s14, $0xb8;
	[tilespmem:$0x1C300] =	vst v63  }
0xdf: {  	_ =	swait.ge @!p1 [sflag:s13], $0x4000  }
0xe0: {  	[sflag:s13] =	ssyncset.done @!p1 $0x0  }
0xe1: {  	[sflag:s13] =	ssyncadd.s32 @!p1 $0xFFFFC000  }
0xe2: {  	[bflag:$0x0] =	sbarrier.arrive $0xFFFF  }
0xe3: {  	s9 =	sor.u32 $0x1C04, s20;
	s19 =	sshrl.u32 s5, $0x3;
	s14 =	rddreg [dreg:$0xf]  }
0xe4: {  	[hbm:s14], [sflag:s9] =	dma.local [spmem:s19], $0x2800  }
0xe5: {  	_ =	swait.ge [sflag:s25], $0x2800  }
0xe6: {  	s8 =	sadd.s32 $0x1, s8;
	s23 =	rddreg [dreg:$0xe]  }
0xe7: {  	p0 =	sne.s32 s8, s23  }
.Ltmp2:
0xe8: {  	_ = 	snop;
	(pc) =	sbr.rel @p0 .LBB2_1-.Ltmp2, $3  }
0xe9: {  	_ =	sdelay $0x1  }
0xea: {  	[sflag:s25] =	ssyncset.done $0x0  }
0xeb: {  	[sflag:s25] =	ssyncadd.s32 $0xFFFFD800  }
0xec: {  	_ =	sfence.sel $0x180000  }
0xed: {  	[bflag:$0x0] =	sbarrier.arrive $0xFFFF  }
0xee: {  	_ =	strace $0x9000004A  }
0xef: {  	s0 =	stileid.u32;
	[bflag:$0x2] =	sbarrier.arrive $0xFFFF  }
0xf0: {  	p0 =	sne.s32 s0, $0x0;
	s0 =	rddreg [dreg:$0x3]  }
0xf1: {  	s0 =	sadd.s32 @!p0 $0x100000, s0  }
0xf2: {  	[sflag:s0] =	ssyncadd.tile.s32 @!p0 $0x1;
	_ =	shalt  }
.Lfunc_end2:
_tile_overlayer_lowered:
.L_overlay_start_2:
0xf3: {  	(tag) =	ssettag $0x2  }
0xf4: {  	s0 =	rddreg [dreg:$0x0];
	s2 =	stileid.u32  }
0xf5: {  	s1 =	rddreg [dreg:$0x1];
	p0 =	sne.s32 s2, $0x0  }
0xf6: {  	s3 =	rddreg [dreg:$0x2];
	[bflag:$0x3] =	sbarrier.arrive $0xFFFF;
	s2 =	simm.s32 @!p0 $0x1C04  }
0xf7: {  	[timem:s3], [sflag:s2] =	dma.local @!p0 [hbm:s0], s1  }
0xf8: {  	s0 =	simm.s32 @!p0 $0x4  }
0xf9: {  	_ =	swait.ge @!p0 [sflag:s0], s1  }
0xfa: {  	s1 =	ssub.s32 @!p0 $0x0, s1;
	[sflag:s0] =	ssyncset.done @!p0 $0x0  }
0xfb: {  	[sflag:s0] =	ssyncadd.s32 @!p0 s1  }
0xfc: {  	[bflag:$0x3] =	sbarrier.arrive $0xFFFF  }
0xfd: {  	_ =	shalt  }

</sc_bundles>
